<compile_context>
chip_gen: v7x
topology: tpu7x:2x2x1
jax: 0.10.2.dev20260603
libtpu: 0.0.44.dev20260713+nightly
codegen_flags: <defaults>
</compile_context>

<pallas_src>
import functools

import jax
import jax.numpy as jnp
from jax import lax
from jax.experimental import pallas as pl
from jax.experimental.pallas import tpu as pltpu
from jax.experimental.pallas import tpu_sc as plsc

N_NODES = 10000
D = 128
E_EDGES = 320000

NPAD = 10240
EPAD = 327680
GROUPS = EPAD // (32 * 128)
ROWS_PER_TILE = NPAD // 16
HIST_W = 16

_mesh = plsc.VectorSubcoreMesh(core_axis_name="c", subcore_axis_name="s")


def _zero_vmem(ref, nrows, ncols):
  def body(i, _):
    r = i // (ncols // 16)
    l = (i % (ncols // 16)) * 16
    ref[r, pl.ds(l, 16)] = jnp.zeros((16,), jnp.float32)
    return 0
  lax.fori_loop(0, nrows * (ncols // 16), body, 0)


@functools.partial(
    pl.kernel,
    out_type=jax.ShapeDtypeStruct((2 * NPAD, HIST_W), jnp.float32),
    mesh=_mesh,
    scratch_types=[
        pltpu.VMEM((GROUPS, 128), jnp.int32),
        pltpu.VMEM((128, HIST_W), jnp.float32),
        pltpu.VMEM((128, HIST_W), jnp.float32),
        pltpu.VMEM_SHARED((NPAD, HIST_W), jnp.float32),
    ],
)
def _sc_degree(dst_hbm, out_hbm, idx_d, ones_v, stage_v, acc):
  c = lax.axis_index("c")
  s = lax.axis_index("s")
  wid = s * 2 + c

  def fill(i, _):
    ones_v[i, pl.ds(0, 16)] = jnp.ones((16,), jnp.float32)
    stage_v[i, pl.ds(0, 16)] = jnp.zeros((16,), jnp.float32)
    return 0
  lax.fori_loop(0, 128, fill, 0)

  base = s * ROWS_PER_TILE
  for k in range(ROWS_PER_TILE // 128):
    pltpu.sync_copy(stage_v, acc.at[pl.ds(base + k * 128, 128)])
  plsc.subcore_barrier()

  pltpu.sync_copy(dst_hbm.at[pl.ds(wid * GROUPS, GROUPS)], idx_d)

  def group(j, _):
    pltpu.sync_copy(ones_v, acc.at[idx_d.at[j]], add=True)
    return 0
  lax.fori_loop(0, GROUPS, group, 0)
  plsc.subcore_barrier()

  out_base = c * NPAD + base
  for k in range(ROWS_PER_TILE // 128):
    pltpu.sync_copy(acc.at[pl.ds(base + k * 128, 128)], stage_v)
    pltpu.sync_copy(stage_v, out_hbm.at[pl.ds(out_base + k * 128, 128)])


_NBUF = 2
_IDXC = 40


@functools.partial(
    pl.kernel,
    out_type=jax.ShapeDtypeStruct((2 * NPAD, D), jnp.float32),
    mesh=_mesh,
    scratch_types=[
        pltpu.VMEM((_IDXC, 128), jnp.int32),
        pltpu.VMEM((_IDXC, 128), jnp.int32),
        pltpu.VMEM((128, D), jnp.float32),
        pltpu.VMEM((128, D), jnp.float32),
        pltpu.VMEM_SHARED((NPAD, D), jnp.float32),
        pltpu.SemaphoreType.DMA,
        pltpu.SemaphoreType.DMA,
    ],
)
def _sc_aggregate(y_hbm, src_hbm, dst_hbm, out_hbm, idx_s, idx_d,
                  rv0, rv1, acc, sem0, sem1):
  c = lax.axis_index("c")
  s = lax.axis_index("s")
  wid = s * 2 + c
  bufs = (rv0, rv1)
  sems = (sem0, sem1)

  _zero_vmem(rv0, 128, D)
  base = s * ROWS_PER_TILE
  for k in range(ROWS_PER_TILE // 128):
    pltpu.sync_copy(rv0, acc.at[pl.ds(base + k * 128, 128)])
  plsc.subcore_barrier()

  for ck in range(GROUPS // _IDXC):
    g0 = wid * GROUPS + ck * _IDXC
    pltpu.sync_copy(src_hbm.at[pl.ds(g0, _IDXC)], idx_s)
    pltpu.sync_copy(dst_hbm.at[pl.ds(g0, _IDXC)], idx_d)

    for b in range(_NBUF):
      pltpu.async_copy(y_hbm.at[idx_s.at[b]], bufs[b], sems[b])

    def inner(t, _):
      for b in range(_NBUF):
        j = t * _NBUF + b
        pltpu.make_async_copy(
            y_hbm.at[idx_s.at[j]], bufs[b], sems[b]).wait()
        pltpu.sync_copy(bufs[b], acc.at[idx_d.at[j]], add=True)
        pltpu.async_copy(y_hbm.at[idx_s.at[j + _NBUF]], bufs[b], sems[b])
      return 0
    lax.fori_loop(0, _IDXC // _NBUF - 1, inner, 0)

    for b in range(_NBUF):
      j = _IDXC - _NBUF + b
      pltpu.make_async_copy(
          y_hbm.at[idx_s.at[j]], bufs[b], sems[b]).wait()
      pltpu.sync_copy(bufs[b], acc.at[idx_d.at[j]], add=True)
  plsc.subcore_barrier()

  out_base = c * NPAD + base
  for k in range(ROWS_PER_TILE // 128):
    pltpu.sync_copy(acc.at[pl.ds(base + k * 128, 128)], rv0)
    pltpu.sync_copy(rv0, out_hbm.at[pl.ds(out_base + k * 128, 128)])


_RB = 1024


def _tc_pre(z, W1, h0, h1):
  grid = (NPAD // _RB,)

  def body(z_ref, w_ref, h0_ref, h1_ref, dinv_ref, y_ref):
    g = pl.program_id(0)
    deg = h0_ref[:, 0:1] + h1_ref[:, 0:1] + 1.0
    dinv = lax.rsqrt(deg)
    rows = g * _RB + lax.broadcasted_iota(jnp.int32, (_RB, 1), 0)
    dinv = jnp.where(rows < N_NODES, dinv, 0.0)
    dinv_b = jnp.broadcast_to(dinv, (_RB, D))
    dinv_ref[...] = dinv_b
    y_ref[...] = dinv_b * jnp.dot(z_ref[...], w_ref[...],
                                  preferred_element_type=jnp.float32)

  return pl.pallas_call(
      body,
      grid=grid,
      in_specs=[
          pl.BlockSpec((_RB, D), lambda g: (g, 0)),
          pl.BlockSpec((D, D), lambda g: (0, 0)),
          pl.BlockSpec((_RB, HIST_W), lambda g: (g, 0)),
          pl.BlockSpec((_RB, HIST_W), lambda g: (g, 0)),
      ],
      out_specs=[
          pl.BlockSpec((_RB, D), lambda g: (g, 0)),
          pl.BlockSpec((_RB, D), lambda g: (g, 0)),
      ],
      out_shape=[
          jax.ShapeDtypeStruct((NPAD, D), jnp.float32),
          jax.ShapeDtypeStruct((NPAD, D), jnp.float32),
      ],
  )(z, W1, h0, h1)


def _tc_mid(a0, a1, y, dinv, b, W):
  grid = (NPAD // _RB,)

  def body(a0_ref, a1_ref, y_ref, dinv_ref, b_ref, w_ref, out_ref):
    dv = dinv_ref[...]
    h = dv * (a0_ref[...] + a1_ref[...] + y_ref[...]) + b_ref[...]
    h = jnp.maximum(h, 0.0)
    out_ref[...] = dv * jnp.dot(h, w_ref[...], preferred_element_type=jnp.float32)

  return pl.pallas_call(
      body,
      grid=grid,
      in_specs=[
          pl.BlockSpec((_RB, D), lambda g: (g, 0)),
          pl.BlockSpec((_RB, D), lambda g: (g, 0)),
          pl.BlockSpec((_RB, D), lambda g: (g, 0)),
          pl.BlockSpec((_RB, D), lambda g: (g, 0)),
          pl.BlockSpec((1, D), lambda g: (0, 0)),
          pl.BlockSpec((D, D), lambda g: (0, 0)),
      ],
      out_specs=pl.BlockSpec((_RB, D), lambda g: (g, 0)),
      out_shape=jax.ShapeDtypeStruct((NPAD, D), jnp.float32),
  )(a0, a1, y, dinv, b, W)


def _tc_post(a0, a1, y, dinv, b):
  grid = (NPAD // _RB,)

  def body(a0_ref, a1_ref, y_ref, dinv_ref, b_ref, out_ref):
    out_ref[...] = (dinv_ref[...] * (a0_ref[...] + a1_ref[...] + y_ref[...])
                    + b_ref[...])

  return pl.pallas_call(
      body,
      grid=grid,
      in_specs=[
          pl.BlockSpec((_RB, D), lambda g: (g, 0)),
          pl.BlockSpec((_RB, D), lambda g: (g, 0)),
          pl.BlockSpec((_RB, D), lambda g: (g, 0)),
          pl.BlockSpec((_RB, D), lambda g: (g, 0)),
          pl.BlockSpec((1, D), lambda g: (0, 0)),
      ],
      out_specs=pl.BlockSpec((_RB, D), lambda g: (g, 0)),
      out_shape=jax.ShapeDtypeStruct((NPAD, D), jnp.float32),
  )(a0, a1, y, dinv, b)


@jax.jit
def kernel(z, edge_index, W1, b1, W2, b2, W3, b3):
  src = edge_index[0]
  dst = edge_index[1]
  pad = EPAD - E_EDGES
  src2d = jnp.concatenate(
      [src, jnp.full((pad,), N_NODES, jnp.int32)]).reshape(EPAD // 128, 128)
  dst2d = jnp.concatenate(
      [dst, jnp.full((pad,), N_NODES, jnp.int32)]).reshape(EPAD // 128, 128)
  z_pad = jnp.pad(z, ((0, NPAD - N_NODES), (0, 0)))
  b1r = b1.reshape(1, D)
  b2r = b2.reshape(1, D)
  b3r = b3.reshape(1, D)

  hist = _sc_degree(dst2d)
  h0 = hist[:NPAD]
  h1 = hist[NPAD:]
  dinv, y = _tc_pre(z_pad, W1, h0, h1)

  agg = _sc_aggregate(y, src2d, dst2d)
  y = _tc_mid(agg[:NPAD], agg[NPAD:], y, dinv, b1r, W2)

  agg = _sc_aggregate(y, src2d, dst2d)
  y = _tc_mid(agg[:NPAD], agg[NPAD:], y, dinv, b2r, W3)

  agg = _sc_aggregate(y, src2d, dst2d)
  out = _tc_post(agg[:NPAD], agg[NPAD:], y, dinv, b3r)
  return out[:N_NODES]

# --- scband reference (transcript-rebuilt; emitter-appended) ---
"""Pipeline reference for scband-gnndecoder-11871289606582 (READ-ONLY COPY).

The authoritative reference and input builder live on the scoring server;
editing this copy changes nothing except your own understanding.
"""

import jax, jax.numpy as jnp
import numpy as np

N = 10000
E = 320000
D = 128


def setup_inputs(seed: int = 0) -> dict:
    key = jax.random.key(seed)
    ks = jax.random.split(key, 9)
    z = jax.random.normal(ks[0], (N, D), dtype=jnp.float32)
    edge_index = jax.random.randint(ks[1], (2, E), 0, N, dtype=jnp.int32)
    scale = 0.05
    W1 = jax.random.normal(ks[2], (D, D), dtype=jnp.float32) * scale
    b1 = jnp.zeros((D,), dtype=jnp.float32)
    W2 = jax.random.normal(ks[3], (D, D), dtype=jnp.float32) * scale
    b2 = jnp.zeros((D,), dtype=jnp.float32)
    W3 = jax.random.normal(ks[4], (D, D), dtype=jnp.float32) * scale
    b3 = jnp.zeros((D,), dtype=jnp.float32)
    return {"z": z, "edge_index": edge_index, "W1": W1, "b1": b1, "W2": W2, "b2": b2, "W3": W3, "b3": b3}


def _gcn_conv(x, W, b, src, dst, n_nodes):
    # PyG GCNConv: x' = D^{-1/2} (A + I) D^{-1/2} (x W) + b
    x = x @ W
    loop = jnp.arange(n_nodes, dtype=src.dtype)
    s = jnp.concatenate([src, loop])
    d = jnp.concatenate([dst, loop])
    ones = jnp.ones(s.shape[0], dtype=x.dtype)
    deg = jax.ops.segment_sum(ones, d, num_segments=n_nodes)
    dinv = jnp.where(deg > 0, jax.lax.rsqrt(deg), 0.0)
    norm = dinv[s] * dinv[d]
    msg = x[s] * norm[:, None]
    out = jax.ops.segment_sum(msg, d, num_segments=n_nodes)
    return out + b


def reference(z, edge_index, W1, b1, W2, b2, W3, b3):
    src = edge_index[0]
    dst = edge_index[1]
    h = _gcn_conv(z, W1, b1, src, dst, N)
    h = jax.nn.relu(h)
    h = _gcn_conv(h, W2, b2, src, dst, N)
    h = jax.nn.relu(h)
    out = _gcn_conv(h, W3, b3, src, dst, N)
    return out

if __name__ == "__main__":
    import jax
    _d = setup_inputs()
    print(jax.jit(kernel)(*tuple(_d.values())))

</pallas_src>

<mosaic_0001>
#map = affine_map<(d0, d1) -> (0, 0)>
module attributes {stable_mosaic.version = 14 : i64} {
  func.func @_sc_degree(%arg0: i32, %arg1: i32, %arg2: memref<2560x128xi32, #tpu.memory_space<hbm>>, %arg3: memref<20480x16xf32, #tpu.memory_space<hbm>>, %arg4: memref<80x128xi32, #tpu.memory_space<vmem>>, %arg5: memref<128x16xf32, #tpu.memory_space<vmem>>, %arg6: memref<128x16xf32, #tpu.memory_space<vmem>>, %arg7: memref<10240x16xf32, #tpu.memory_space<vmem_shared>>) attributes {dimension_semantics = [#tpu.dimension_semantics<core_parallel>, #tpu.dimension_semantics<subcore_parallel>], iteration_bounds = array<i64: 2, 16>, scalar_prefetch = 0 : i64, scratch_operands = 4 : i64, tpu.core_type = #tpu.core_type<sc_vector_subcore>, window_params = [{transform_indices = #map}, {transform_indices = #map}]} {
    %mul3A = arith.constant 2 : i32
    %mul3A_0 = arith.muli %arg1, %mul3A : i32
    %add3A = arith.addi %mul3A_0, %arg0 : i32
    %scan3A = arith.constant 0 : i32
    %scan3A_1 = arith.constant 0 : i32
    %scan3A_2 = arith.constant 128 : i32
    %scan3A_3 = arith.addi %scan3A_1, %scan3A_2 : i32
    %scan3A_4 = arith.constant 1 : i32
    %scan3A_5 = scf.for %scan3A_52 = %scan3A_1 to %scan3A_3 step %scan3A_4 iter_args(%scan3A_53 = %scan3A) -> (i32)  : i32 {
      %broadcast_in_dim3A = arith.constant 1.000000e+00 : f32
      %broadcast_in_dim3A_54 = vector.broadcast %broadcast_in_dim3A : f32 to vector<16xf32>
      %swap3A = arith.index_cast %scan3A_52 : i32 to index
      %swap3A_55 = arith.constant 0 : index
      %swap3A_56 = tpu.vector_load %arg5[%swap3A, %swap3A_55] {strides = array<i32>} : memref<128x16xf32, #tpu.memory_space<vmem>>, vector<1x16xf32>,
      %swap3A_57 = vector.shape_cast %swap3A_56 : vector<1x16xf32> to vector<16xf32>
      %swap3A_58 = vector.shape_cast %broadcast_in_dim3A_54 : vector<16xf32> to vector<1x16xf32>
      tpu.vector_store %arg5[%swap3A, %swap3A_55], %swap3A_58 {strides = array<i32>} : memref<128x16xf32, #tpu.memory_space<vmem>>, vector<1x16xf32>,
      %broadcast_in_dim3A_59 = arith.constant 0.000000e+00 : f32
      %broadcast_in_dim3A_60 = vector.broadcast %broadcast_in_dim3A_59 : f32 to vector<16xf32>
      %swap3A_61 = arith.index_cast %scan3A_52 : i32 to index
      %swap3A_62 = arith.constant 0 : index
      %swap3A_63 = tpu.vector_load %arg6[%swap3A_61, %swap3A_62] {strides = array<i32>} : memref<128x16xf32, #tpu.memory_space<vmem>>, vector<1x16xf32>,
      %swap3A_64 = vector.shape_cast %swap3A_63 : vector<1x16xf32> to vector<16xf32>
      %swap3A_65 = vector.shape_cast %broadcast_in_dim3A_60 : vector<16xf32> to vector<1x16xf32>
      tpu.vector_store %arg6[%swap3A_61, %swap3A_62], %swap3A_65 {strides = array<i32>} : memref<128x16xf32, #tpu.memory_space<vmem>>, vector<1x16xf32>,
      %scan3A_66 = arith.constant 0 : i32
      scf.yield %scan3A_66 : i32
    }
    %scan3A_6 = arith.constant 128 : i32
    %mul3A_7 = arith.constant 640 : i32
    %mul3A_8 = arith.muli %arg1, %mul3A_7 : i32
    %add3A_9 = arith.constant 0 : i32
    %add3A_10 = arith.addi %mul3A_8, %add3A_9 : i32
    "tpu.region"() ({
      %run_scoped3A = tpu.sem_alloc : memref<!tpu.dma_semaphore, #tpu.memory_space<semaphore_mem>>
      %dma_start3A = arith.constant 0 : i32
      %dma_start3A_52 = tpu.memref_slice %arg7[%add3A_10, %dma_start3A] : memref<10240x16xf32, #tpu.memory_space<vmem_shared>> -> memref<128x16xf32, #tpu.memory_space<vmem_shared>>
      %dma_start3A_53 = arith.constant 0 : i32
      %dma_start3A_54 = tpu.memref_slice %arg7[%add3A_10, %dma_start3A_53] : memref<10240x16xf32, #tpu.memory_space<vmem_shared>> -> memref<128x16xf32, #tpu.memory_space<vmem_shared>>
      tpu.enqueue_dma source(%arg6 : memref<128x16xf32, #tpu.memory_space<vmem>>) target(%dma_start3A_54 : memref<128x16xf32, #tpu.memory_space<vmem_shared>>) target_semaphore(%run_scoped3A : memref<!tpu.dma_semaphore, #tpu.memory_space<semaphore_mem>>)
      %dma_wait3A = arith.constant 0 : i32
      %dma_wait3A_55 = tpu.memref_slice %arg7[%add3A_10, %dma_wait3A] : memref<10240x16xf32, #tpu.memory_space<vmem_shared>> -> memref<128x16xf32, #tpu.memory_space<vmem_shared>>
      %dma_wait3A_56 = arith.constant 0 : i32
      %dma_wait3A_57 = tpu.memref_slice %arg7[%add3A_10, %dma_wait3A_56] : memref<10240x16xf32, #tpu.memory_space<vmem_shared>> -> memref<128x16xf32, #tpu.memory_space<vmem_shared>>
      tpu.wait_dma2 semaphore(%run_scoped3A : memref<!tpu.dma_semaphore, #tpu.memory_space<semaphore_mem>>) src(%arg6 : memref<128x16xf32, #tpu.memory_space<vmem>>) dst(%dma_wait3A_57 : memref<128x16xf32, #tpu.memory_space<vmem_shared>>)
      tpu.yield
    }) : () -> ()
    %add3A_11 = arith.constant 128 : i32
    %add3A_12 = arith.addi %mul3A_8, %add3A_11 : i32
    "tpu.region"() ({
      %run_scoped3A = tpu.sem_alloc : memref<!tpu.dma_semaphore, #tpu.memory_space<semaphore_mem>>
      %dma_start3A = arith.constant 0 : i32
      %dma_start3A_52 = tpu.memref_slice %arg7[%add3A_12, %dma_start3A] : memref<10240x16xf32, #tpu.memory_space<vmem_shared>> -> memref<128x16xf32, #tpu.memory_space<vmem_shared>>
      %dma_start3A_53 = arith.constant 0 : i32
      %dma_start3A_54 = tpu.memref_slice %arg7[%add3A_12, %dma_start3A_53] : memref<10240x16xf32, #tpu.memory_space<vmem_shared>> -> memref<128x16xf32, #tpu.memory_space<vmem_shared>>
      tpu.enqueue_dma source(%arg6 : memref<128x16xf32, #tpu.memory_space<vmem>>) target(%dma_start3A_54 : memref<128x16xf32, #tpu.memory_space<vmem_shared>>) target_semaphore(%run_scoped3A : memref<!tpu.dma_semaphore, #tpu.memory_space<semaphore_mem>>)
      %dma_wait3A = arith.constant 0 : i32
      %dma_wait3A_55 = tpu.memref_slice %arg7[%add3A_12, %dma_wait3A] : memref<10240x16xf32, #tpu.memory_space<vmem_shared>> -> memref<128x16xf32, #tpu.memory_space<vmem_shared>>
      %dma_wait3A_56 = arith.constant 0 : i32
      %dma_wait3A_57 = tpu.memref_slice %arg7[%add3A_12, %dma_wait3A_56] : memref<10240x16xf32, #tpu.memory_space<vmem_shared>> -> memref<128x16xf32, #tpu.memory_space<vmem_shared>>
      tpu.wait_dma2 semaphore(%run_scoped3A : memref<!tpu.dma_semaphore, #tpu.memory_space<semaphore_mem>>) src(%arg6 : memref<128x16xf32, #tpu.memory_space<vmem>>) dst(%dma_wait3A_57 : memref<128x16xf32, #tpu.memory_space<vmem_shared>>)
      tpu.yield
    }) : () -> ()
    %add3A_13 = arith.constant 256 : i32
    %add3A_14 = arith.addi %mul3A_8, %add3A_13 : i32
    "tpu.region"() ({
      %run_scoped3A = tpu.sem_alloc : memref<!tpu.dma_semaphore, #tpu.memory_space<semaphore_mem>>
      %dma_start3A = arith.constant 0 : i32
      %dma_start3A_52 = tpu.memref_slice %arg7[%add3A_14, %dma_start3A] : memref<10240x16xf32, #tpu.memory_space<vmem_shared>> -> memref<128x16xf32, #tpu.memory_space<vmem_shared>>
      %dma_start3A_53 = arith.constant 0 : i32
      %dma_start3A_54 = tpu.memref_slice %arg7[%add3A_14, %dma_start3A_53] : memref<10240x16xf32, #tpu.memory_space<vmem_shared>> -> memref<128x16xf32, #tpu.memory_space<vmem_shared>>
      tpu.enqueue_dma source(%arg6 : memref<128x16xf32, #tpu.memory_space<vmem>>) target(%dma_start3A_54 : memref<128x16xf32, #tpu.memory_space<vmem_shared>>) target_semaphore(%run_scoped3A : memref<!tpu.dma_semaphore, #tpu.memory_space<semaphore_mem>>)
      %dma_wait3A = arith.constant 0 : i32
      %dma_wait3A_55 = tpu.memref_slice %arg7[%add3A_14, %dma_wait3A] : memref<10240x16xf32, #tpu.memory_space<vmem_shared>> -> memref<128x16xf32, #tpu.memory_space<vmem_shared>>
      %dma_wait3A_56 = arith.constant 0 : i32
      %dma_wait3A_57 = tpu.memref_slice %arg7[%add3A_14, %dma_wait3A_56] : memref<10240x16xf32, #tpu.memory_space<vmem_shared>> -> memref<128x16xf32, #tpu.memory_space<vmem_shared>>
      tpu.wait_dma2 semaphore(%run_scoped3A : memref<!tpu.dma_semaphore, #tpu.memory_space<semaphore_mem>>) src(%arg6 : memref<128x16xf32, #tpu.memory_space<vmem>>) dst(%dma_wait3A_57 : memref<128x16xf32, #tpu.memory_space<vmem_shared>>)
      tpu.yield
    }) : () -> ()
    %add3A_15 = arith.constant 384 : i32
    %add3A_16 = arith.addi %mul3A_8, %add3A_15 : i32
    "tpu.region"() ({
      %run_scoped3A = tpu.sem_alloc : memref<!tpu.dma_semaphore, #tpu.memory_space<semaphore_mem>>
      %dma_start3A = arith.constant 0 : i32
      %dma_start3A_52 = tpu.memref_slice %arg7[%add3A_16, %dma_start3A] : memref<10240x16xf32, #tpu.memory_space<vmem_shared>> -> memref<128x16xf32, #tpu.memory_space<vmem_shared>>
      %dma_start3A_53 = arith.constant 0 : i32
      %dma_start3A_54 = tpu.memref_slice %arg7[%add3A_16, %dma_start3A_53] : memref<10240x16xf32, #tpu.memory_space<vmem_shared>> -> memref<128x16xf32, #tpu.memory_space<vmem_shared>>
      tpu.enqueue_dma source(%arg6 : memref<128x16xf32, #tpu.memory_space<vmem>>) target(%dma_start3A_54 : memref<128x16xf32, #tpu.memory_space<vmem_shared>>) target_semaphore(%run_scoped3A : memref<!tpu.dma_semaphore, #tpu.memory_space<semaphore_mem>>)
      %dma_wait3A = arith.constant 0 : i32
      %dma_wait3A_55 = tpu.memref_slice %arg7[%add3A_16, %dma_wait3A] : memref<10240x16xf32, #tpu.memory_space<vmem_shared>> -> memref<128x16xf32, #tpu.memory_space<vmem_shared>>
      %dma_wait3A_56 = arith.constant 0 : i32
      %dma_wait3A_57 = tpu.memref_slice %arg7[%add3A_16, %dma_wait3A_56] : memref<10240x16xf32, #tpu.memory_space<vmem_shared>> -> memref<128x16xf32, #tpu.memory_space<vmem_shared>>
      tpu.wait_dma2 semaphore(%run_scoped3A : memref<!tpu.dma_semaphore, #tpu.memory_space<semaphore_mem>>) src(%arg6 : memref<128x16xf32, #tpu.memory_space<vmem>>) dst(%dma_wait3A_57 : memref<128x16xf32, #tpu.memory_space<vmem_shared>>)
      tpu.yield
    }) : () -> ()
    %add3A_17 = arith.constant 512 : i32
    %add3A_18 = arith.addi %mul3A_8, %add3A_17 : i32
    "tpu.region"() ({
      %run_scoped3A = tpu.sem_alloc : memref<!tpu.dma_semaphore, #tpu.memory_space<semaphore_mem>>
      %dma_start3A = arith.constant 0 : i32
      %dma_start3A_52 = tpu.memref_slice %arg7[%add3A_18, %dma_start3A] : memref<10240x16xf32, #tpu.memory_space<vmem_shared>> -> memref<128x16xf32, #tpu.memory_space<vmem_shared>>
      %dma_start3A_53 = arith.constant 0 : i32
      %dma_start3A_54 = tpu.memref_slice %arg7[%add3A_18, %dma_start3A_53] : memref<10240x16xf32, #tpu.memory_space<vmem_shared>> -> memref<128x16xf32, #tpu.memory_space<vmem_shared>>
      tpu.enqueue_dma source(%arg6 : memref<128x16xf32, #tpu.memory_space<vmem>>) target(%dma_start3A_54 : memref<128x16xf32, #tpu.memory_space<vmem_shared>>) target_semaphore(%run_scoped3A : memref<!tpu.dma_semaphore, #tpu.memory_space<semaphore_mem>>)
      %dma_wait3A = arith.constant 0 : i32
      %dma_wait3A_55 = tpu.memref_slice %arg7[%add3A_18, %dma_wait3A] : memref<10240x16xf32, #tpu.memory_space<vmem_shared>> -> memref<128x16xf32, #tpu.memory_space<vmem_shared>>
      %dma_wait3A_56 = arith.constant 0 : i32
      %dma_wait3A_57 = tpu.memref_slice %arg7[%add3A_18, %dma_wait3A_56] : memref<10240x16xf32, #tpu.memory_space<vmem_shared>> -> memref<128x16xf32, #tpu.memory_space<vmem_shared>>
      tpu.wait_dma2 semaphore(%run_scoped3A : memref<!tpu.dma_semaphore, #tpu.memory_space<semaphore_mem>>) src(%arg6 : memref<128x16xf32, #tpu.memory_space<vmem>>) dst(%dma_wait3A_57 : memref<128x16xf32, #tpu.memory_space<vmem_shared>>)
      tpu.yield
    }) : () -> ()
    %barrier3A = arith.constant 0 : index
    tpu.barrier barrier_id(%barrier3A)
    %mul3A_19 = arith.constant 80 : i32
    %mul3A_20 = arith.muli %add3A, %mul3A_19 : i32
    "tpu.region"() ({
      %run_scoped3A = tpu.sem_alloc : memref<!tpu.dma_semaphore, #tpu.memory_space<semaphore_mem>>
      %dma_start3A = arith.constant 0 : i32
      %dma_start3A_52 = tpu.memref_slice %arg2[%mul3A_20, %dma_start3A] : memref<2560x128xi32, #tpu.memory_space<hbm>> -> memref<80x128xi32, #tpu.memory_space<hbm>>
      %dma_start3A_53 = arith.constant 0 : i32
      %dma_start3A_54 = tpu.memref_slice %arg2[%mul3A_20, %dma_start3A_53] : memref<2560x128xi32, #tpu.memory_space<hbm>> -> memref<80x128xi32, #tpu.memory_space<hbm>>
      tpu.enqueue_dma source(%dma_start3A_54 : memref<80x128xi32, #tpu.memory_space<hbm>>) target(%arg4 : memref<80x128xi32, #tpu.memory_space<vmem>>) target_semaphore(%run_scoped3A : memref<!tpu.dma_semaphore, #tpu.memory_space<semaphore_mem>>)
      %dma_wait3A = arith.constant 0 : i32
      %dma_wait3A_55 = tpu.memref_slice %arg2[%mul3A_20, %dma_wait3A] : memref<2560x128xi32, #tpu.memory_space<hbm>> -> memref<80x128xi32, #tpu.memory_space<hbm>>
      %dma_wait3A_56 = arith.constant 0 : i32
      %dma_wait3A_57 = tpu.memref_slice %arg2[%mul3A_20, %dma_wait3A_56] : memref<2560x128xi32, #tpu.memory_space<hbm>> -> memref<80x128xi32, #tpu.memory_space<hbm>>
      tpu.wait_dma2 semaphore(%run_scoped3A : memref<!tpu.dma_semaphore, #tpu.memory_space<semaphore_mem>>) src(%dma_wait3A_57 : memref<80x128xi32, #tpu.memory_space<hbm>>) dst(%arg4 : memref<80x128xi32, #tpu.memory_space<vmem>>)
      tpu.yield
    }) : () -> ()
    %scan3A_21 = arith.constant 0 : i32
    %scan3A_22 = arith.constant 0 : i32
    %scan3A_23 = arith.constant 80 : i32
    %scan3A_24 = arith.addi %scan3A_22, %scan3A_23 : i32
    %scan3A_25 = arith.constant 1 : i32
    %scan3A_26 = scf.for %scan3A_52 = %scan3A_22 to %scan3A_24 step %scan3A_25 iter_args(%scan3A_53 = %scan3A_21) -> (i32)  : i32 {
      "tpu.region"() ({
        %run_scoped3A = tpu.sem_alloc : memref<!tpu.dma_semaphore, #tpu.memory_space<semaphore_mem>>
        %dma_start3A = arith.constant 0 : i32
        %dma_start3A_55 = tpu.memref_slice %arg4[%scan3A_52, %dma_start3A] : memref<80x128xi32, #tpu.memory_space<vmem>> -> memref<1x128xi32, #tpu.memory_space<vmem>>
        %dma_start3A_56 = tpu.memref_squeeze %dma_start3A_55 : memref<1x128xi32, #tpu.memory_space<vmem>> -> memref<128xi32, #tpu.memory_space<vmem>>
        %dma_start3A_57 = arith.constant 0 : i32
        %dma_start3A_58 = arith.constant 0 : i32
        %dma_start3A_59 = tpu.memref_slice %arg7[%dma_start3A_57, %dma_start3A_58] : memref<10240x16xf32, #tpu.memory_space<vmem_shared>> -> memref<10240x16xf32, #tpu.memory_space<vmem_shared>>
        tpu.enqueue_indirect_dma source(%arg5 : memref<128x16xf32, #tpu.memory_space<vmem>>) target(%dma_start3A_59 : memref<10240x16xf32, #tpu.memory_space<vmem_shared>>) offsets(%dma_start3A_56 : memref<128xi32, #tpu.memory_space<vmem>>) semaphore(%run_scoped3A : memref<!tpu.dma_semaphore, #tpu.memory_space<semaphore_mem>>) {add = true}
        %dma_wait3A = arith.constant 0 : i32
        %dma_wait3A_60 = tpu.memref_slice %arg4[%scan3A_52, %dma_wait3A] : memref<80x128xi32, #tpu.memory_space<vmem>> -> memref<1x128xi32, #tpu.memory_space<vmem>>
        %dma_wait3A_61 = tpu.memref_squeeze %dma_wait3A_60 : memref<1x128xi32, #tpu.memory_space<vmem>> -> memref<128xi32, #tpu.memory_space<vmem>>
        %dma_wait3A_62 = arith.constant 0 : i32
        %dma_wait3A_63 = arith.constant 0 : i32
        %dma_wait3A_64 = tpu.memref_slice %arg7[%dma_wait3A_62, %dma_wait3A_63] : memref<10240x16xf32, #tpu.memory_space<vmem_shared>> -> memref<10240x16xf32, #tpu.memory_space<vmem_shared>>
        tpu.wait_indirect_dma semaphore(%run_scoped3A : memref<!tpu.dma_semaphore, #tpu.memory_space<semaphore_mem>>) src(%arg5 : memref<128x16xf32, #tpu.memory_space<vmem>>) dst(%dma_wait3A_64 : memref<10240x16xf32, #tpu.memory_space<vmem_shared>>)
        tpu.yield
      }) : () -> ()
      %scan3A_54 = arith.constant 0 : i32
      scf.yield %scan3A_54 : i32
    }
    %scan3A_27 = arith.constant 80 : i32
    %barrier3A_28 = arith.constant 0 : index
    tpu.barrier barrier_id(%barrier3A_28)
    %mul3A_29 = arith.constant 10240 : i32
    %mul3A_30 = arith.muli %arg0, %mul3A_29 : i32
    %add3A_31 = arith.addi %mul3A_30, %mul3A_8 : i32
    %add3A_32 = arith.constant 0 : i32
    %add3A_33 = arith.addi %mul3A_8, %add3A_32 : i32
    "tpu.region"() ({
      %run_scoped3A = tpu.sem_alloc : memref<!tpu.dma_semaphore, #tpu.memory_space<semaphore_mem>>
      %dma_start3A = arith.constant 0 : i32
      %dma_start3A_52 = tpu.memref_slice %arg7[%add3A_33, %dma_start3A] : memref<10240x16xf32, #tpu.memory_space<vmem_shared>> -> memref<128x16xf32, #tpu.memory_space<vmem_shared>>
      %dma_start3A_53 = arith.constant 0 : i32
      %dma_start3A_54 = tpu.memref_slice %arg7[%add3A_33, %dma_start3A_53] : memref<10240x16xf32, #tpu.memory_space<vmem_shared>> -> memref<128x16xf32, #tpu.memory_space<vmem_shared>>
      tpu.enqueue_dma source(%dma_start3A_54 : memref<128x16xf32, #tpu.memory_space<vmem_shared>>) target(%arg6 : memref<128x16xf32, #tpu.memory_space<vmem>>) target_semaphore(%run_scoped3A : memref<!tpu.dma_semaphore, #tpu.memory_space<semaphore_mem>>)
      %dma_wait3A = arith.constant 0 : i32
      %dma_wait3A_55 = tpu.memref_slice %arg7[%add3A_33, %dma_wait3A] : memref<10240x16xf32, #tpu.memory_space<vmem_shared>> -> memref<128x16xf32, #tpu.memory_space<vmem_shared>>
      %dma_wait3A_56 = arith.constant 0 : i32
      %dma_wait3A_57 = tpu.memref_slice %arg7[%add3A_33, %dma_wait3A_56] : memref<10240x16xf32, #tpu.memory_space<vmem_shared>> -> memref<128x16xf32, #tpu.memory_space<vmem_shared>>
      tpu.wait_dma2 semaphore(%run_scoped3A : memref<!tpu.dma_semaphore, #tpu.memory_space<semaphore_mem>>) src(%dma_wait3A_57 : memref<128x16xf32, #tpu.memory_space<vmem_shared>>) dst(%arg6 : memref<128x16xf32, #tpu.memory_space<vmem>>)
      tpu.yield
    }) : () -> ()
    %add3A_34 = arith.constant 0 : i32
    %add3A_35 = arith.addi %add3A_31, %add3A_34 : i32
    "tpu.region"() ({
      %run_scoped3A = tpu.sem_alloc : memref<!tpu.dma_semaphore, #tpu.memory_space<semaphore_mem>>
      %dma_start3A = arith.constant 0 : i32
      %dma_start3A_52 = tpu.memref_slice %arg3[%add3A_35, %dma_start3A] : memref<20480x16xf32, #tpu.memory_space<hbm>> -> memref<128x16xf32, #tpu.memory_space<hbm>>
      %dma_start3A_53 = arith.constant 0 : i32
      %dma_start3A_54 = tpu.memref_slice %arg3[%add3A_35, %dma_start3A_53] : memref<20480x16xf32, #tpu.memory_space<hbm>> -> memref<128x16xf32, #tpu.memory_space<hbm>>
      tpu.enqueue_dma source(%arg6 : memref<128x16xf32, #tpu.memory_space<vmem>>) target(%dma_start3A_54 : memref<128x16xf32, #tpu.memory_space<hbm>>) target_semaphore(%run_scoped3A : memref<!tpu.dma_semaphore, #tpu.memory_space<semaphore_mem>>)
      %dma_wait3A = arith.constant 0 : i32
      %dma_wait3A_55 = tpu.memref_slice %arg3[%add3A_35, %dma_wait3A] : memref<20480x16xf32, #tpu.memory_space<hbm>> -> memref<128x16xf32, #tpu.memory_space<hbm>>
      %dma_wait3A_56 = arith.constant 0 : i32
      %dma_wait3A_57 = tpu.memref_slice %arg3[%add3A_35, %dma_wait3A_56] : memref<20480x16xf32, #tpu.memory_space<hbm>> -> memref<128x16xf32, #tpu.memory_space<hbm>>
      tpu.wait_dma2 semaphore(%run_scoped3A : memref<!tpu.dma_semaphore, #tpu.memory_space<semaphore_mem>>) src(%arg6 : memref<128x16xf32, #tpu.memory_space<vmem>>) dst(%dma_wait3A_57 : memref<128x16xf32, #tpu.memory_space<hbm>>)
      tpu.yield
    }) : () -> ()
    %add3A_36 = arith.constant 128 : i32
    %add3A_37 = arith.addi %mul3A_8, %add3A_36 : i32
    "tpu.region"() ({
      %run_scoped3A = tpu.sem_alloc : memref<!tpu.dma_semaphore, #tpu.memory_space<semaphore_mem>>
      %dma_start3A = arith.constant 0 : i32
      %dma_start3A_52 = tpu.memref_slice %arg7[%add3A_37, %dma_start3A] : memref<10240x16xf32, #tpu.memory_space<vmem_shared>> -> memref<128x16xf32, #tpu.memory_space<vmem_shared>>
      %dma_start3A_53 = arith.constant 0 : i32
      %dma_start3A_54 = tpu.memref_slice %arg7[%add3A_37, %dma_start3A_53] : memref<10240x16xf32, #tpu.memory_space<vmem_shared>> -> memref<128x16xf32, #tpu.memory_space<vmem_shared>>
      tpu.enqueue_dma source(%dma_start3A_54 : memref<128x16xf32, #tpu.memory_space<vmem_shared>>) target(%arg6 : memref<128x16xf32, #tpu.memory_space<vmem>>) target_semaphore(%run_scoped3A : memref<!tpu.dma_semaphore, #tpu.memory_space<semaphore_mem>>)
      %dma_wait3A = arith.constant 0 : i32
      %dma_wait3A_55 = tpu.memref_slice %arg7[%add3A_37, %dma_wait3A] : memref<10240x16xf32, #tpu.memory_space<vmem_shared>> -> memref<128x16xf32, #tpu.memory_space<vmem_shared>>
      %dma_wait3A_56 = arith.constant 0 : i32
      %dma_wait3A_57 = tpu.memref_slice %arg7[%add3A_37, %dma_wait3A_56] : memref<10240x16xf32, #tpu.memory_space<vmem_shared>> -> memref<128x16xf32, #tpu.memory_space<vmem_shared>>
      tpu.wait_dma2 semaphore(%run_scoped3A : memref<!tpu.dma_semaphore, #tpu.memory_space<semaphore_mem>>) src(%dma_wait3A_57 : memref<128x16xf32, #tpu.memory_space<vmem_shared>>) dst(%arg6 : memref<128x16xf32, #tpu.memory_space<vmem>>)
      tpu.yield
    }) : () -> ()
    %add3A_38 = arith.constant 128 : i32
    %add3A_39 = arith.addi %add3A_31, %add3A_38 : i32
    "tpu.region"() ({
      %run_scoped3A = tpu.sem_alloc : memref<!tpu.dma_semaphore, #tpu.memory_space<semaphore_mem>>
      %dma_start3A = arith.constant 0 : i32
      %dma_start3A_52 = tpu.memref_slice %arg3[%add3A_39, %dma_start3A] : memref<20480x16xf32, #tpu.memory_space<hbm>> -> memref<128x16xf32, #tpu.memory_space<hbm>>
      %dma_start3A_53 = arith.constant 0 : i32
      %dma_start3A_54 = tpu.memref_slice %arg3[%add3A_39, %dma_start3A_53] : memref<20480x16xf32, #tpu.memory_space<hbm>> -> memref<128x16xf32, #tpu.memory_space<hbm>>
      tpu.enqueue_dma source(%arg6 : memref<128x16xf32, #tpu.memory_space<vmem>>) target(%dma_start3A_54 : memref<128x16xf32, #tpu.memory_space<hbm>>) target_semaphore(%run_scoped3A : memref<!tpu.dma_semaphore, #tpu.memory_space<semaphore_mem>>)
      %dma_wait3A = arith.constant 0 : i32
      %dma_wait3A_55 = tpu.memref_slice %arg3[%add3A_39, %dma_wait3A] : memref<20480x16xf32, #tpu.memory_space<hbm>> -> memref<128x16xf32, #tpu.memory_space<hbm>>
      %dma_wait3A_56 = arith.constant 0 : i32
      %dma_wait3A_57 = tpu.memref_slice %arg3[%add3A_39, %dma_wait3A_56] : memref<20480x16xf32, #tpu.memory_space<hbm>> -> memref<128x16xf32, #tpu.memory_space<hbm>>
      tpu.wait_dma2 semaphore(%run_scoped3A : memref<!tpu.dma_semaphore, #tpu.memory_space<semaphore_mem>>) src(%arg6 : memref<128x16xf32, #tpu.memory_space<vmem>>) dst(%dma_wait3A_57 : memref<128x16xf32, #tpu.memory_space<hbm>>)
      tpu.yield
    }) : () -> ()
    %add3A_40 = arith.constant 256 : i32
    %add3A_41 = arith.addi %mul3A_8, %add3A_40 : i32
    "tpu.region"() ({
      %run_scoped3A = tpu.sem_alloc : memref<!tpu.dma_semaphore, #tpu.memory_space<semaphore_mem>>
      %dma_start3A = arith.constant 0 : i32
      %dma_start3A_52 = tpu.memref_slice %arg7[%add3A_41, %dma_start3A] : memref<10240x16xf32, #tpu.memory_space<vmem_shared>> -> memref<128x16xf32, #tpu.memory_space<vmem_shared>>
      %dma_start3A_53 = arith.constant 0 : i32
      %dma_start3A_54 = tpu.memref_slice %arg7[%add3A_41, %dma_start3A_53] : memref<10240x16xf32, #tpu.memory_space<vmem_shared>> -> memref<128x16xf32, #tpu.memory_space<vmem_shared>>
      tpu.enqueue_dma source(%dma_start3A_54 : memref<128x16xf32, #tpu.memory_space<vmem_shared>>) target(%arg6 : memref<128x16xf32, #tpu.memory_space<vmem>>) target_semaphore(%run_scoped3A : memref<!tpu.dma_semaphore, #tpu.memory_space<semaphore_mem>>)
      %dma_wait3A = arith.constant 0 : i32
      %dma_wait3A_55 = tpu.memref_slice %arg7[%add3A_41, %dma_wait3A] : memref<10240x16xf32, #tpu.memory_space<vmem_shared>> -> memref<128x16xf32, #tpu.memory_space<vmem_shared>>
      %dma_wait3A_56 = arith.constant 0 : i32
      %dma_wait3A_57 = tpu.memref_slice %arg7[%add3A_41, %dma_wait3A_56] : memref<10240x16xf32, #tpu.memory_space<vmem_shared>> -> memref<128x16xf32, #tpu.memory_space<vmem_shared>>
      tpu.wait_dma2 semaphore(%run_scoped3A : memref<!tpu.dma_semaphore, #tpu.memory_space<semaphore_mem>>) src(%dma_wait3A_57 : memref<128x16xf32, #tpu.memory_space<vmem_shared>>) dst(%arg6 : memref<128x16xf32, #tpu.memory_space<vmem>>)
      tpu.yield
    }) : () -> ()
    %add3A_42 = arith.constant 256 : i32
    %add3A_43 = arith.addi %add3A_31, %add3A_42 : i32
    "tpu.region"() ({
      %run_scoped3A = tpu.sem_alloc : memref<!tpu.dma_semaphore, #tpu.memory_space<semaphore_mem>>
      %dma_start3A = arith.constant 0 : i32
      %dma_start3A_52 = tpu.memref_slice %arg3[%add3A_43, %dma_start3A] : memref<20480x16xf32, #tpu.memory_space<hbm>> -> memref<128x16xf32, #tpu.memory_space<hbm>>
      %dma_start3A_53 = arith.constant 0 : i32
      %dma_start3A_54 = tpu.memref_slice %arg3[%add3A_43, %dma_start3A_53] : memref<20480x16xf32, #tpu.memory_space<hbm>> -> memref<128x16xf32, #tpu.memory_space<hbm>>
      tpu.enqueue_dma source(%arg6 : memref<128x16xf32, #tpu.memory_space<vmem>>) target(%dma_start3A_54 : memref<128x16xf32, #tpu.memory_space<hbm>>) target_semaphore(%run_scoped3A : memref<!tpu.dma_semaphore, #tpu.memory_space<semaphore_mem>>)
      %dma_wait3A = arith.constant 0 : i32
      %dma_wait3A_55 = tpu.memref_slice %arg3[%add3A_43, %dma_wait3A] : memref<20480x16xf32, #tpu.memory_space<hbm>> -> memref<128x16xf32, #tpu.memory_space<hbm>>
      %dma_wait3A_56 = arith.constant 0 : i32
      %dma_wait3A_57 = tpu.memref_slice %arg3[%add3A_43, %dma_wait3A_56] : memref<20480x16xf32, #tpu.memory_space<hbm>> -> memref<128x16xf32, #tpu.memory_space<hbm>>
      tpu.wait_dma2 semaphore(%run_scoped3A : memref<!tpu.dma_semaphore, #tpu.memory_space<semaphore_mem>>) src(%arg6 : memref<128x16xf32, #tpu.memory_space<vmem>>) dst(%dma_wait3A_57 : memref<128x16xf32, #tpu.memory_space<hbm>>)
      tpu.yield
    }) : () -> ()
    %add3A_44 = arith.constant 384 : i32
    %add3A_45 = arith.addi %mul3A_8, %add3A_44 : i32
    "tpu.region"() ({
      %run_scoped3A = tpu.sem_alloc : memref<!tpu.dma_semaphore, #tpu.memory_space<semaphore_mem>>
      %dma_start3A = arith.constant 0 : i32
      %dma_start3A_52 = tpu.memref_slice %arg7[%add3A_45, %dma_start3A] : memref<10240x16xf32, #tpu.memory_space<vmem_shared>> -> memref<128x16xf32, #tpu.memory_space<vmem_shared>>
      %dma_start3A_53 = arith.constant 0 : i32
      %dma_start3A_54 = tpu.memref_slice %arg7[%add3A_45, %dma_start3A_53] : memref<10240x16xf32, #tpu.memory_space<vmem_shared>> -> memref<128x16xf32, #tpu.memory_space<vmem_shared>>
      tpu.enqueue_dma source(%dma_start3A_54 : memref<128x16xf32, #tpu.memory_space<vmem_shared>>) target(%arg6 : memref<128x16xf32, #tpu.memory_space<vmem>>) target_semaphore(%run_scoped3A : memref<!tpu.dma_semaphore, #tpu.memory_space<semaphore_mem>>)
      %dma_wait3A = arith.constant 0 : i32
      %dma_wait3A_55 = tpu.memref_slice %arg7[%add3A_45, %dma_wait3A] : memref<10240x16xf32, #tpu.memory_space<vmem_shared>> -> memref<128x16xf32, #tpu.memory_space<vmem_shared>>
      %dma_wait3A_56 = arith.constant 0 : i32
      %dma_wait3A_57 = tpu.memref_slice %arg7[%add3A_45, %dma_wait3A_56] : memref<10240x16xf32, #tpu.memory_space<vmem_shared>> -> memref<128x16xf32, #tpu.memory_space<vmem_shared>>
      tpu.wait_dma2 semaphore(%run_scoped3A : memref<!tpu.dma_semaphore, #tpu.memory_space<semaphore_mem>>) src(%dma_wait3A_57 : memref<128x16xf32, #tpu.memory_space<vmem_shared>>) dst(%arg6 : memref<128x16xf32, #tpu.memory_space<vmem>>)
      tpu.yield
    }) : () -> ()
    %add3A_46 = arith.constant 384 : i32
    %add3A_47 = arith.addi %add3A_31, %add3A_46 : i32
    "tpu.region"() ({
      %run_scoped3A = tpu.sem_alloc : memref<!tpu.dma_semaphore, #tpu.memory_space<semaphore_mem>>
      %dma_start3A = arith.constant 0 : i32
      %dma_start3A_52 = tpu.memref_slice %arg3[%add3A_47, %dma_start3A] : memref<20480x16xf32, #tpu.memory_space<hbm>> -> memref<128x16xf32, #tpu.memory_space<hbm>>
      %dma_start3A_53 = arith.constant 0 : i32
      %dma_start3A_54 = tpu.memref_slice %arg3[%add3A_47, %dma_start3A_53] : memref<20480x16xf32, #tpu.memory_space<hbm>> -> memref<128x16xf32, #tpu.memory_space<hbm>>
      tpu.enqueue_dma source(%arg6 : memref<128x16xf32, #tpu.memory_space<vmem>>) target(%dma_start3A_54 : memref<128x16xf32, #tpu.memory_space<hbm>>) target_semaphore(%run_scoped3A : memref<!tpu.dma_semaphore, #tpu.memory_space<semaphore_mem>>)
      %dma_wait3A = arith.constant 0 : i32
      %dma_wait3A_55 = tpu.memref_slice %arg3[%add3A_47, %dma_wait3A] : memref<20480x16xf32, #tpu.memory_space<hbm>> -> memref<128x16xf32, #tpu.memory_space<hbm>>
      %dma_wait3A_56 = arith.constant 0 : i32
      %dma_wait3A_57 = tpu.memref_slice %arg3[%add3A_47, %dma_wait3A_56] : memref<20480x16xf32, #tpu.memory_space<hbm>> -> memref<128x16xf32, #tpu.memory_space<hbm>>
      tpu.wait_dma2 semaphore(%run_scoped3A : memref<!tpu.dma_semaphore, #tpu.memory_space<semaphore_mem>>) src(%arg6 : memref<128x16xf32, #tpu.memory_space<vmem>>) dst(%dma_wait3A_57 : memref<128x16xf32, #tpu.memory_space<hbm>>)
      tpu.yield
    }) : () -> ()
    %add3A_48 = arith.constant 512 : i32
    %add3A_49 = arith.addi %mul3A_8, %add3A_48 : i32
    "tpu.region"() ({
      %run_scoped3A = tpu.sem_alloc : memref<!tpu.dma_semaphore, #tpu.memory_space<semaphore_mem>>
      %dma_start3A = arith.constant 0 : i32
      %dma_start3A_52 = tpu.memref_slice %arg7[%add3A_49, %dma_start3A] : memref<10240x16xf32, #tpu.memory_space<vmem_shared>> -> memref<128x16xf32, #tpu.memory_space<vmem_shared>>
      %dma_start3A_53 = arith.constant 0 : i32
      %dma_start3A_54 = tpu.memref_slice %arg7[%add3A_49, %dma_start3A_53] : memref<10240x16xf32, #tpu.memory_space<vmem_shared>> -> memref<128x16xf32, #tpu.memory_space<vmem_shared>>
      tpu.enqueue_dma source(%dma_start3A_54 : memref<128x16xf32, #tpu.memory_space<vmem_shared>>) target(%arg6 : memref<128x16xf32, #tpu.memory_space<vmem>>) target_semaphore(%run_scoped3A : memref<!tpu.dma_semaphore, #tpu.memory_space<semaphore_mem>>)
      %dma_wait3A = arith.constant 0 : i32
      %dma_wait3A_55 = tpu.memref_slice %arg7[%add3A_49, %dma_wait3A] : memref<10240x16xf32, #tpu.memory_space<vmem_shared>> -> memref<128x16xf32, #tpu.memory_space<vmem_shared>>
      %dma_wait3A_56 = arith.constant 0 : i32
      %dma_wait3A_57 = tpu.memref_slice %arg7[%add3A_49, %dma_wait3A_56] : memref<10240x16xf32, #tpu.memory_space<vmem_shared>> -> memref<128x16xf32, #tpu.memory_space<vmem_shared>>
      tpu.wait_dma2 semaphore(%run_scoped3A : memref<!tpu.dma_semaphore, #tpu.memory_space<semaphore_mem>>) src(%dma_wait3A_57 : memref<128x16xf32, #tpu.memory_space<vmem_shared>>) dst(%arg6 : memref<128x16xf32, #tpu.memory_space<vmem>>)
      tpu.yield
    }) : () -> ()
    %add3A_50 = arith.constant 512 : i32
    %add3A_51 = arith.addi %add3A_31, %add3A_50 : i32
    "tpu.region"() ({
      %run_scoped3A = tpu.sem_alloc : memref<!tpu.dma_semaphore, #tpu.memory_space<semaphore_mem>>
      %dma_start3A = arith.constant 0 : i32
      %dma_start3A_52 = tpu.memref_slice %arg3[%add3A_51, %dma_start3A] : memref<20480x16xf32, #tpu.memory_space<hbm>> -> memref<128x16xf32, #tpu.memory_space<hbm>>
      %dma_start3A_53 = arith.constant 0 : i32
      %dma_start3A_54 = tpu.memref_slice %arg3[%add3A_51, %dma_start3A_53] : memref<20480x16xf32, #tpu.memory_space<hbm>> -> memref<128x16xf32, #tpu.memory_space<hbm>>
      tpu.enqueue_dma source(%arg6 : memref<128x16xf32, #tpu.memory_space<vmem>>) target(%dma_start3A_54 : memref<128x16xf32, #tpu.memory_space<hbm>>) target_semaphore(%run_scoped3A : memref<!tpu.dma_semaphore, #tpu.memory_space<semaphore_mem>>)
      %dma_wait3A = arith.constant 0 : i32
      %dma_wait3A_55 = tpu.memref_slice %arg3[%add3A_51, %dma_wait3A] : memref<20480x16xf32, #tpu.memory_space<hbm>> -> memref<128x16xf32, #tpu.memory_space<hbm>>
      %dma_wait3A_56 = arith.constant 0 : i32
      %dma_wait3A_57 = tpu.memref_slice %arg3[%add3A_51, %dma_wait3A_56] : memref<20480x16xf32, #tpu.memory_space<hbm>> -> memref<128x16xf32, #tpu.memory_space<hbm>>
      tpu.wait_dma2 semaphore(%run_scoped3A : memref<!tpu.dma_semaphore, #tpu.memory_space<semaphore_mem>>) src(%arg6 : memref<128x16xf32, #tpu.memory_space<vmem>>) dst(%dma_wait3A_57 : memref<128x16xf32, #tpu.memory_space<hbm>>)
      tpu.yield
    }) : () -> ()
    return
  }
}

#map = affine_map<(d0, d1) -> (0, 0)>
module attributes {stable_mosaic.version = 14 : i64} {
  func.func @_sc_aggregate(%arg0: i32, %arg1: i32, %arg2: memref<10240x128xf32, #tpu.memory_space<hbm>>, %arg3: memref<2560x128xi32, #tpu.memory_space<hbm>>, %arg4: memref<2560x128xi32, #tpu.memory_space<hbm>>, %arg5: memref<20480x128xf32, #tpu.memory_space<hbm>>, %arg6: memref<40x128xi32, #tpu.memory_space<vmem>>, %arg7: memref<40x128xi32, #tpu.memory_space<vmem>>, %arg8: memref<128x128xf32, #tpu.memory_space<vmem>>, %arg9: memref<128x128xf32, #tpu.memory_space<vmem>>, %arg10: memref<10240x128xf32, #tpu.memory_space<vmem_shared>>, %arg11: memref<!tpu.dma_semaphore, #tpu.memory_space<semaphore_mem>>, %arg12: memref<!tpu.dma_semaphore, #tpu.memory_space<semaphore_mem>>) attributes {dimension_semantics = [#tpu.dimension_semantics<core_parallel>, #tpu.dimension_semantics<subcore_parallel>], iteration_bounds = array<i64: 2, 16>, scalar_prefetch = 0 : i64, scratch_operands = 7 : i64, tpu.core_type = #tpu.core_type<sc_vector_subcore>, window_params = [{transform_indices = #map}, {transform_indices = #map}, {transform_indices = #map}, {transform_indices = #map}]} {
    %mul3A = arith.constant 2 : i32
    %mul3A_0 = arith.muli %arg1, %mul3A : i32
    %add3A = arith.addi %mul3A_0, %arg0 : i32
    %scan3A = arith.constant 0 : i32
    %scan3A_1 = arith.constant 0 : i32
    %scan3A_2 = arith.constant 1024 : i32
    %scan3A_3 = arith.addi %scan3A_1, %scan3A_2 : i32
    %scan3A_4 = arith.constant 1 : i32
    %scan3A_5 = scf.for %scan3A_122 = %scan3A_1 to %scan3A_3 step %scan3A_4 iter_args(%scan3A_123 = %scan3A) -> (i32)  : i32 {
      %jit3A = arith.constant 8 : i32
      %div3A = arith.divsi %scan3A_122, %jit3A : i32
      %sign3A = arith.constant 0 : i32
      %sign3A_124 = arith.cmpi sgt, %scan3A_122, %sign3A : i32
      %sign3A_125 = arith.extui %sign3A_124 : i1 to i32
      %sign3A_126 = arith.constant 0 : i32
      %sign3A_127 = arith.cmpi slt, %scan3A_122, %sign3A_126 : i32
      %sign3A_128 = arith.extui %sign3A_127 : i1 to i32
      %sign3A_129 = arith.subi %sign3A_125, %sign3A_128 : i32
      %sign3A_130 = arith.constant 0 : i32
      %sign3A_131 = arith.cmpi sgt, %jit3A, %sign3A_130 : i32
      %sign3A_132 = arith.extui %sign3A_131 : i1 to i32
      %sign3A_133 = arith.constant 0 : i32
      %sign3A_134 = arith.cmpi slt, %jit3A, %sign3A_133 : i32
      %sign3A_135 = arith.extui %sign3A_134 : i1 to i32
      %sign3A_136 = arith.subi %sign3A_132, %sign3A_135 : i32
      %ne3A = arith.cmpi ne, %sign3A_129, %sign3A_136 : i32
      %rem3A = arith.remsi %scan3A_122, %jit3A : i32
      %ne3A_137 = arith.constant 0 : i32
      %ne3A_138 = arith.cmpi ne, %rem3A, %ne3A_137 : i32
      %and3A = arith.andi %ne3A, %ne3A_138 : i1
      %sub3A = arith.constant 1 : i32
      %sub3A_139 = arith.subi %div3A, %sub3A : i32
      %select_n3A = arith.select %and3A, %sub3A_139, %div3A : i32
      %jit3A_140 = arith.constant 8 : i32
      %eq3A = arith.constant 0 : i32
      %eq3A_141 = arith.cmpi eq, %jit3A_140, %eq3A : i32
      %jit3A_142 = arith.constant 1 : i32
      %select_n3A_143 = arith.select %eq3A_141, %jit3A_142, %jit3A_140 : i32
      %rem3A_144 = arith.remsi %scan3A_122, %select_n3A_143 : i32
      %ne3A_145 = arith.constant 0 : i32
      %ne3A_146 = arith.cmpi ne, %rem3A_144, %ne3A_145 : i32
      %lt3A = arith.constant 0 : i32
      %lt3A_147 = arith.cmpi slt, %rem3A_144, %lt3A : i32
      %lt3A_148 = arith.constant 0 : i32
      %lt3A_149 = arith.cmpi slt, %select_n3A_143, %lt3A_148 : i32
      %ne3A_150 = arith.xori %lt3A_147, %lt3A_149 : i1
      %and3A_151 = arith.andi %ne3A_150, %ne3A_146 : i1
      %add3A_152 = arith.addi %rem3A_144, %select_n3A_143 : i32
      %select_n3A_153 = arith.select %and3A_151, %add3A_152, %rem3A_144 : i32
      %mul3A_154 = arith.constant 16 : i32
      %mul3A_155 = arith.muli %select_n3A_153, %mul3A_154 : i32
      %broadcast_in_dim3A = arith.constant 0.000000e+00 : f32
      %broadcast_in_dim3A_156 = vector.broadcast %broadcast_in_dim3A : f32 to vector<16xf32>
      %swap3A = arith.index_cast %select_n3A : i32 to index
      %swap3A_157 = arith.index_cast %mul3A_155 : i32 to index
      %swap3A_158 = tpu.vector_load %arg8[%swap3A, %swap3A_157] {strides = array<i32>} : memref<128x128xf32, #tpu.memory_space<vmem>>, vector<1x16xf32>,
      %swap3A_159 = vector.shape_cast %swap3A_158 : vector<1x16xf32> to vector<16xf32>
      %swap3A_160 = vector.shape_cast %broadcast_in_dim3A_156 : vector<16xf32> to vector<1x16xf32>
      tpu.vector_store %arg8[%swap3A, %swap3A_157], %swap3A_160 {strides = array<i32>} : memref<128x128xf32, #tpu.memory_space<vmem>>, vector<1x16xf32>,
      %scan3A_161 = arith.constant 0 : i32
      scf.yield %scan3A_161 : i32
    }
    %scan3A_6 = arith.constant 1024 : i32
    %mul3A_7 = arith.constant 640 : i32
    %mul3A_8 = arith.muli %arg1, %mul3A_7 : i32
    %add3A_9 = arith.constant 0 : i32
    %add3A_10 = arith.addi %mul3A_8, %add3A_9 : i32
    "tpu.region"() ({
      %run_scoped3A_122 = tpu.sem_alloc : memref<!tpu.dma_semaphore, #tpu.memory_space<semaphore_mem>>
      %dma_start3A_123 = arith.constant 0 : i32
      %dma_start3A_124 = tpu.memref_slice %arg10[%add3A_10, %dma_start3A_123] : memref<10240x128xf32, #tpu.memory_space<vmem_shared>> -> memref<128x128xf32, #tpu.memory_space<vmem_shared>>
      %dma_start3A_125 = arith.constant 0 : i32
      %dma_start3A_126 = tpu.memref_slice %arg10[%add3A_10, %dma_start3A_125] : memref<10240x128xf32, #tpu.memory_space<vmem_shared>> -> memref<128x128xf32, #tpu.memory_space<vmem_shared>>
      tpu.enqueue_dma source(%arg8 : memref<128x128xf32, #tpu.memory_space<vmem>>) target(%dma_start3A_126 : memref<128x128xf32, #tpu.memory_space<vmem_shared>>) target_semaphore(%run_scoped3A_122 : memref<!tpu.dma_semaphore, #tpu.memory_space<semaphore_mem>>)
      %dma_wait3A_127 = arith.constant 0 : i32
      %dma_wait3A_128 = tpu.memref_slice %arg10[%add3A_10, %dma_wait3A_127] : memref<10240x128xf32, #tpu.memory_space<vmem_shared>> -> memref<128x128xf32, #tpu.memory_space<vmem_shared>>
      %dma_wait3A_129 = arith.constant 0 : i32
      %dma_wait3A_130 = tpu.memref_slice %arg10[%add3A_10, %dma_wait3A_129] : memref<10240x128xf32, #tpu.memory_space<vmem_shared>> -> memref<128x128xf32, #tpu.memory_space<vmem_shared>>
      tpu.wait_dma2 semaphore(%run_scoped3A_122 : memref<!tpu.dma_semaphore, #tpu.memory_space<semaphore_mem>>) src(%arg8 : memref<128x128xf32, #tpu.memory_space<vmem>>) dst(%dma_wait3A_130 : memref<128x128xf32, #tpu.memory_space<vmem_shared>>)
      tpu.yield
    }) : () -> ()
    %add3A_11 = arith.constant 128 : i32
    %add3A_12 = arith.addi %mul3A_8, %add3A_11 : i32
    "tpu.region"() ({
      %run_scoped3A_122 = tpu.sem_alloc : memref<!tpu.dma_semaphore, #tpu.memory_space<semaphore_mem>>
      %dma_start3A_123 = arith.constant 0 : i32
      %dma_start3A_124 = tpu.memref_slice %arg10[%add3A_12, %dma_start3A_123] : memref<10240x128xf32, #tpu.memory_space<vmem_shared>> -> memref<128x128xf32, #tpu.memory_space<vmem_shared>>
      %dma_start3A_125 = arith.constant 0 : i32
      %dma_start3A_126 = tpu.memref_slice %arg10[%add3A_12, %dma_start3A_125] : memref<10240x128xf32, #tpu.memory_space<vmem_shared>> -> memref<128x128xf32, #tpu.memory_space<vmem_shared>>
      tpu.enqueue_dma source(%arg8 : memref<128x128xf32, #tpu.memory_space<vmem>>) target(%dma_start3A_126 : memref<128x128xf32, #tpu.memory_space<vmem_shared>>) target_semaphore(%run_scoped3A_122 : memref<!tpu.dma_semaphore, #tpu.memory_space<semaphore_mem>>)
      %dma_wait3A_127 = arith.constant 0 : i32
      %dma_wait3A_128 = tpu.memref_slice %arg10[%add3A_12, %dma_wait3A_127] : memref<10240x128xf32, #tpu.memory_space<vmem_shared>> -> memref<128x128xf32, #tpu.memory_space<vmem_shared>>
      %dma_wait3A_129 = arith.constant 0 : i32
      %dma_wait3A_130 = tpu.memref_slice %arg10[%add3A_12, %dma_wait3A_129] : memref<10240x128xf32, #tpu.memory_space<vmem_shared>> -> memref<128x128xf32, #tpu.memory_space<vmem_shared>>
      tpu.wait_dma2 semaphore(%run_scoped3A_122 : memref<!tpu.dma_semaphore, #tpu.memory_space<semaphore_mem>>) src(%arg8 : memref<128x128xf32, #tpu.memory_space<vmem>>) dst(%dma_wait3A_130 : memref<128x128xf32, #tpu.memory_space<vmem_shared>>)
      tpu.yield
    }) : () -> ()
    %add3A_13 = arith.constant 256 : i32
    %add3A_14 = arith.addi %mul3A_8, %add3A_13 : i32
    "tpu.region"() ({
      %run_scoped3A_122 = tpu.sem_alloc : memref<!tpu.dma_semaphore, #tpu.memory_space<semaphore_mem>>
      %dma_start3A_123 = arith.constant 0 : i32
      %dma_start3A_124 = tpu.memref_slice %arg10[%add3A_14, %dma_start3A_123] : memref<10240x128xf32, #tpu.memory_space<vmem_shared>> -> memref<128x128xf32, #tpu.memory_space<vmem_shared>>
      %dma_start3A_125 = arith.constant 0 : i32
      %dma_start3A_126 = tpu.memref_slice %arg10[%add3A_14, %dma_start3A_125] : memref<10240x128xf32, #tpu.memory_space<vmem_shared>> -> memref<128x128xf32, #tpu.memory_space<vmem_shared>>
      tpu.enqueue_dma source(%arg8 : memref<128x128xf32, #tpu.memory_space<vmem>>) target(%dma_start3A_126 : memref<128x128xf32, #tpu.memory_space<vmem_shared>>) target_semaphore(%run_scoped3A_122 : memref<!tpu.dma_semaphore, #tpu.memory_space<semaphore_mem>>)
      %dma_wait3A_127 = arith.constant 0 : i32
      %dma_wait3A_128 = tpu.memref_slice %arg10[%add3A_14, %dma_wait3A_127] : memref<10240x128xf32, #tpu.memory_space<vmem_shared>> -> memref<128x128xf32, #tpu.memory_space<vmem_shared>>
      %dma_wait3A_129 = arith.constant 0 : i32
      %dma_wait3A_130 = tpu.memref_slice %arg10[%add3A_14, %dma_wait3A_129] : memref<10240x128xf32, #tpu.memory_space<vmem_shared>> -> memref<128x128xf32, #tpu.memory_space<vmem_shared>>
      tpu.wait_dma2 semaphore(%run_scoped3A_122 : memref<!tpu.dma_semaphore, #tpu.memory_space<semaphore_mem>>) src(%arg8 : memref<128x128xf32, #tpu.memory_space<vmem>>) dst(%dma_wait3A_130 : memref<128x128xf32, #tpu.memory_space<vmem_shared>>)
      tpu.yield
    }) : () -> ()
    %add3A_15 = arith.constant 384 : i32
    %add3A_16 = arith.addi %mul3A_8, %add3A_15 : i32
    "tpu.region"() ({
      %run_scoped3A_122 = tpu.sem_alloc : memref<!tpu.dma_semaphore, #tpu.memory_space<semaphore_mem>>
      %dma_start3A_123 = arith.constant 0 : i32
      %dma_start3A_124 = tpu.memref_slice %arg10[%add3A_16, %dma_start3A_123] : memref<10240x128xf32, #tpu.memory_space<vmem_shared>> -> memref<128x128xf32, #tpu.memory_space<vmem_shared>>
      %dma_start3A_125 = arith.constant 0 : i32
      %dma_start3A_126 = tpu.memref_slice %arg10[%add3A_16, %dma_start3A_125] : memref<10240x128xf32, #tpu.memory_space<vmem_shared>> -> memref<128x128xf32, #tpu.memory_space<vmem_shared>>
      tpu.enqueue_dma source(%arg8 : memref<128x128xf32, #tpu.memory_space<vmem>>) target(%dma_start3A_126 : memref<128x128xf32, #tpu.memory_space<vmem_shared>>) target_semaphore(%run_scoped3A_122 : memref<!tpu.dma_semaphore, #tpu.memory_space<semaphore_mem>>)
      %dma_wait3A_127 = arith.constant 0 : i32
      %dma_wait3A_128 = tpu.memref_slice %arg10[%add3A_16, %dma_wait3A_127] : memref<10240x128xf32, #tpu.memory_space<vmem_shared>> -> memref<128x128xf32, #tpu.memory_space<vmem_shared>>
      %dma_wait3A_129 = arith.constant 0 : i32
      %dma_wait3A_130 = tpu.memref_slice %arg10[%add3A_16, %dma_wait3A_129] : memref<10240x128xf32, #tpu.memory_space<vmem_shared>> -> memref<128x128xf32, #tpu.memory_space<vmem_shared>>
      tpu.wait_dma2 semaphore(%run_scoped3A_122 : memref<!tpu.dma_semaphore, #tpu.memory_space<semaphore_mem>>) src(%arg8 : memref<128x128xf32, #tpu.memory_space<vmem>>) dst(%dma_wait3A_130 : memref<128x128xf32, #tpu.memory_space<vmem_shared>>)
      tpu.yield
    }) : () -> ()
    %add3A_17 = arith.constant 512 : i32
    %add3A_18 = arith.addi %mul3A_8, %add3A_17 : i32
    "tpu.region"() ({
      %run_scoped3A_122 = tpu.sem_alloc : memref<!tpu.dma_semaphore, #tpu.memory_space<semaphore_mem>>
      %dma_start3A_123 = arith.constant 0 : i32
      %dma_start3A_124 = tpu.memref_slice %arg10[%add3A_18, %dma_start3A_123] : memref<10240x128xf32, #tpu.memory_space<vmem_shared>> -> memref<128x128xf32, #tpu.memory_space<vmem_shared>>
      %dma_start3A_125 = arith.constant 0 : i32
      %dma_start3A_126 = tpu.memref_slice %arg10[%add3A_18, %dma_start3A_125] : memref<10240x128xf32, #tpu.memory_space<vmem_shared>> -> memref<128x128xf32, #tpu.memory_space<vmem_shared>>
      tpu.enqueue_dma source(%arg8 : memref<128x128xf32, #tpu.memory_space<vmem>>) target(%dma_start3A_126 : memref<128x128xf32, #tpu.memory_space<vmem_shared>>) target_semaphore(%run_scoped3A_122 : memref<!tpu.dma_semaphore, #tpu.memory_space<semaphore_mem>>)
      %dma_wait3A_127 = arith.constant 0 : i32
      %dma_wait3A_128 = tpu.memref_slice %arg10[%add3A_18, %dma_wait3A_127] : memref<10240x128xf32, #tpu.memory_space<vmem_shared>> -> memref<128x128xf32, #tpu.memory_space<vmem_shared>>
      %dma_wait3A_129 = arith.constant 0 : i32
      %dma_wait3A_130 = tpu.memref_slice %arg10[%add3A_18, %dma_wait3A_129] : memref<10240x128xf32, #tpu.memory_space<vmem_shared>> -> memref<128x128xf32, #tpu.memory_space<vmem_shared>>
      tpu.wait_dma2 semaphore(%run_scoped3A_122 : memref<!tpu.dma_semaphore, #tpu.memory_space<semaphore_mem>>) src(%arg8 : memref<128x128xf32, #tpu.memory_space<vmem>>) dst(%dma_wait3A_130 : memref<128x128xf32, #tpu.memory_space<vmem_shared>>)
      tpu.yield
    }) : () -> ()
    %barrier3A = arith.constant 0 : index
    tpu.barrier barrier_id(%barrier3A)
    %mul3A_19 = arith.constant 80 : i32
    %mul3A_20 = arith.muli %add3A, %mul3A_19 : i32
    %add3A_21 = arith.constant 0 : i32
    %add3A_22 = arith.addi %mul3A_20, %add3A_21 : i32
    "tpu.region"() ({
      %run_scoped3A_122 = tpu.sem_alloc : memref<!tpu.dma_semaphore, #tpu.memory_space<semaphore_mem>>
      %dma_start3A_123 = arith.constant 0 : i32
      %dma_start3A_124 = tpu.memref_slice %arg3[%add3A_22, %dma_start3A_123] : memref<2560x128xi32, #tpu.memory_space<hbm>> -> memref<40x128xi32, #tpu.memory_space<hbm>>
      %dma_start3A_125 = arith.constant 0 : i32
      %dma_start3A_126 = tpu.memref_slice %arg3[%add3A_22, %dma_start3A_125] : memref<2560x128xi32, #tpu.memory_space<hbm>> -> memref<40x128xi32, #tpu.memory_space<hbm>>
      tpu.enqueue_dma source(%dma_start3A_126 : memref<40x128xi32, #tpu.memory_space<hbm>>) target(%arg6 : memref<40x128xi32, #tpu.memory_space<vmem>>) target_semaphore(%run_scoped3A_122 : memref<!tpu.dma_semaphore, #tpu.memory_space<semaphore_mem>>)
      %dma_wait3A_127 = arith.constant 0 : i32
      %dma_wait3A_128 = tpu.memref_slice %arg3[%add3A_22, %dma_wait3A_127] : memref<2560x128xi32, #tpu.memory_space<hbm>> -> memref<40x128xi32, #tpu.memory_space<hbm>>
      %dma_wait3A_129 = arith.constant 0 : i32
      %dma_wait3A_130 = tpu.memref_slice %arg3[%add3A_22, %dma_wait3A_129] : memref<2560x128xi32, #tpu.memory_space<hbm>> -> memref<40x128xi32, #tpu.memory_space<hbm>>
      tpu.wait_dma2 semaphore(%run_scoped3A_122 : memref<!tpu.dma_semaphore, #tpu.memory_space<semaphore_mem>>) src(%dma_wait3A_130 : memref<40x128xi32, #tpu.memory_space<hbm>>) dst(%arg6 : memref<40x128xi32, #tpu.memory_space<vmem>>)
      tpu.yield
    }) : () -> ()
    "tpu.region"() ({
      %run_scoped3A_122 = tpu.sem_alloc : memref<!tpu.dma_semaphore, #tpu.memory_space<semaphore_mem>>
      %dma_start3A_123 = arith.constant 0 : i32
      %dma_start3A_124 = tpu.memref_slice %arg4[%add3A_22, %dma_start3A_123] : memref<2560x128xi32, #tpu.memory_space<hbm>> -> memref<40x128xi32, #tpu.memory_space<hbm>>
      %dma_start3A_125 = arith.constant 0 : i32
      %dma_start3A_126 = tpu.memref_slice %arg4[%add3A_22, %dma_start3A_125] : memref<2560x128xi32, #tpu.memory_space<hbm>> -> memref<40x128xi32, #tpu.memory_space<hbm>>
      tpu.enqueue_dma source(%dma_start3A_126 : memref<40x128xi32, #tpu.memory_space<hbm>>) target(%arg7 : memref<40x128xi32, #tpu.memory_space<vmem>>) target_semaphore(%run_scoped3A_122 : memref<!tpu.dma_semaphore, #tpu.memory_space<semaphore_mem>>)
      %dma_wait3A_127 = arith.constant 0 : i32
      %dma_wait3A_128 = tpu.memref_slice %arg4[%add3A_22, %dma_wait3A_127] : memref<2560x128xi32, #tpu.memory_space<hbm>> -> memref<40x128xi32, #tpu.memory_space<hbm>>
      %dma_wait3A_129 = arith.constant 0 : i32
      %dma_wait3A_130 = tpu.memref_slice %arg4[%add3A_22, %dma_wait3A_129] : memref<2560x128xi32, #tpu.memory_space<hbm>> -> memref<40x128xi32, #tpu.memory_space<hbm>>
      tpu.wait_dma2 semaphore(%run_scoped3A_122 : memref<!tpu.dma_semaphore, #tpu.memory_space<semaphore_mem>>) src(%dma_wait3A_130 : memref<40x128xi32, #tpu.memory_space<hbm>>) dst(%arg7 : memref<40x128xi32, #tpu.memory_space<vmem>>)
      tpu.yield
    }) : () -> ()
    %dma_start3A = arith.constant 0 : i32
    %dma_start3A_23 = arith.constant 0 : i32
    %dma_start3A_24 = tpu.memref_slice %arg6[%dma_start3A, %dma_start3A_23] : memref<40x128xi32, #tpu.memory_space<vmem>> -> memref<1x128xi32, #tpu.memory_space<vmem>>
    %dma_start3A_25 = tpu.memref_squeeze %dma_start3A_24 : memref<1x128xi32, #tpu.memory_space<vmem>> -> memref<128xi32, #tpu.memory_space<vmem>>
    %dma_start3A_26 = arith.constant 0 : i32
    %dma_start3A_27 = arith.constant 0 : i32
    %dma_start3A_28 = tpu.memref_slice %arg2[%dma_start3A_26, %dma_start3A_27] : memref<10240x128xf32, #tpu.memory_space<hbm>> -> memref<10240x128xf32, #tpu.memory_space<hbm>>
    tpu.enqueue_indirect_dma source(%dma_start3A_28 : memref<10240x128xf32, #tpu.memory_space<hbm>>) target(%arg8 : memref<128x128xf32, #tpu.memory_space<vmem>>) offsets(%dma_start3A_25 : memref<128xi32, #tpu.memory_space<vmem>>) semaphore(%arg11 : memref<!tpu.dma_semaphore, #tpu.memory_space<semaphore_mem>>)
    %dma_start3A_29 = arith.constant 1 : i32
    %dma_start3A_30 = arith.constant 0 : i32
    %dma_start3A_31 = tpu.memref_slice %arg6[%dma_start3A_29, %dma_start3A_30] : memref<40x128xi32, #tpu.memory_space<vmem>> -> memref<1x128xi32, #tpu.memory_space<vmem>>
    %dma_start3A_32 = tpu.memref_squeeze %dma_start3A_31 : memref<1x128xi32, #tpu.memory_space<vmem>> -> memref<128xi32, #tpu.memory_space<vmem>>
    %dma_start3A_33 = arith.constant 0 : i32
    %dma_start3A_34 = arith.constant 0 : i32
    %dma_start3A_35 = tpu.memref_slice %arg2[%dma_start3A_33, %dma_start3A_34] : memref<10240x128xf32, #tpu.memory_space<hbm>> -> memref<10240x128xf32, #tpu.memory_space<hbm>>
    tpu.enqueue_indirect_dma source(%dma_start3A_35 : memref<10240x128xf32, #tpu.memory_space<hbm>>) target(%arg9 : memref<128x128xf32, #tpu.memory_space<vmem>>) offsets(%dma_start3A_32 : memref<128xi32, #tpu.memory_space<vmem>>) semaphore(%arg12 : memref<!tpu.dma_semaphore, #tpu.memory_space<semaphore_mem>>)
    %scan3A_36 = arith.constant 0 : i32
    %scan3A_37 = arith.constant 0 : i32
    %scan3A_38 = arith.constant 19 : i32
    %scan3A_39 = arith.addi %scan3A_37, %scan3A_38 : i32
    %scan3A_40 = arith.constant 1 : i32
    %scan3A_41 = scf.for %scan3A_122 = %scan3A_37 to %scan3A_39 step %scan3A_40 iter_args(%scan3A_123 = %scan3A_36) -> (i32)  : i32 {
      %mul3A_124 = arith.constant 2 : i32
      %mul3A_125 = arith.muli %scan3A_122, %mul3A_124 : i32
      %add3A_126 = arith.constant 0 : i32
      %add3A_127 = arith.addi %mul3A_125, %add3A_126 : i32
      %dma_wait3A_128 = arith.constant 0 : i32
      %dma_wait3A_129 = tpu.memref_slice %arg6[%add3A_127, %dma_wait3A_128] : memref<40x128xi32, #tpu.memory_space<vmem>> -> memref<1x128xi32, #tpu.memory_space<vmem>>
      %dma_wait3A_130 = tpu.memref_squeeze %dma_wait3A_129 : memref<1x128xi32, #tpu.memory_space<vmem>> -> memref<128xi32, #tpu.memory_space<vmem>>
      %dma_wait3A_131 = arith.constant 0 : i32
      %dma_wait3A_132 = arith.constant 0 : i32
      %dma_wait3A_133 = tpu.memref_slice %arg2[%dma_wait3A_131, %dma_wait3A_132] : memref<10240x128xf32, #tpu.memory_space<hbm>> -> memref<10240x128xf32, #tpu.memory_space<hbm>>
      tpu.wait_indirect_dma semaphore(%arg11 : memref<!tpu.dma_semaphore, #tpu.memory_space<semaphore_mem>>) src(%dma_wait3A_133 : memref<10240x128xf32, #tpu.memory_space<hbm>>) dst(%arg8 : memref<128x128xf32, #tpu.memory_space<vmem>>)
      "tpu.region"() ({
        %run_scoped3A_161 = tpu.sem_alloc : memref<!tpu.dma_semaphore, #tpu.memory_space<semaphore_mem>>
        %dma_start3A_162 = arith.constant 0 : i32
        %dma_start3A_163 = tpu.memref_slice %arg7[%add3A_127, %dma_start3A_162] : memref<40x128xi32, #tpu.memory_space<vmem>> -> memref<1x128xi32, #tpu.memory_space<vmem>>
        %dma_start3A_164 = tpu.memref_squeeze %dma_start3A_163 : memref<1x128xi32, #tpu.memory_space<vmem>> -> memref<128xi32, #tpu.memory_space<vmem>>
        %dma_start3A_165 = arith.constant 0 : i32
        %dma_start3A_166 = arith.constant 0 : i32
        %dma_start3A_167 = tpu.memref_slice %arg10[%dma_start3A_165, %dma_start3A_166] : memref<10240x128xf32, #tpu.memory_space<vmem_shared>> -> memref<10240x128xf32, #tpu.memory_space<vmem_shared>>
        tpu.enqueue_indirect_dma source(%arg8 : memref<128x128xf32, #tpu.memory_space<vmem>>) target(%dma_start3A_167 : memref<10240x128xf32, #tpu.memory_space<vmem_shared>>) offsets(%dma_start3A_164 : memref<128xi32, #tpu.memory_space<vmem>>) semaphore(%run_scoped3A_161 : memref<!tpu.dma_semaphore, #tpu.memory_space<semaphore_mem>>) {add = true}
        %dma_wait3A_168 = arith.constant 0 : i32
        %dma_wait3A_169 = tpu.memref_slice %arg7[%add3A_127, %dma_wait3A_168] : memref<40x128xi32, #tpu.memory_space<vmem>> -> memref<1x128xi32, #tpu.memory_space<vmem>>
        %dma_wait3A_170 = tpu.memref_squeeze %dma_wait3A_169 : memref<1x128xi32, #tpu.memory_space<vmem>> -> memref<128xi32, #tpu.memory_space<vmem>>
        %dma_wait3A_171 = arith.constant 0 : i32
        %dma_wait3A_172 = arith.constant 0 : i32
        %dma_wait3A_173 = tpu.memref_slice %arg10[%dma_wait3A_171, %dma_wait3A_172] : memref<10240x128xf32, #tpu.memory_space<vmem_shared>> -> memref<10240x128xf32, #tpu.memory_space<vmem_shared>>
        tpu.wait_indirect_dma semaphore(%run_scoped3A_161 : memref<!tpu.dma_semaphore, #tpu.memory_space<semaphore_mem>>) src(%arg8 : memref<128x128xf32, #tpu.memory_space<vmem>>) dst(%dma_wait3A_173 : memref<10240x128xf32, #tpu.memory_space<vmem_shared>>)
        tpu.yield
      }) : () -> ()
      %add3A_134 = arith.constant 2 : i32
      %add3A_135 = arith.addi %add3A_127, %add3A_134 : i32
      %dma_start3A_136 = arith.constant 0 : i32
      %dma_start3A_137 = tpu.memref_slice %arg6[%add3A_135, %dma_start3A_136] : memref<40x128xi32, #tpu.memory_space<vmem>> -> memref<1x128xi32, #tpu.memory_space<vmem>>
      %dma_start3A_138 = tpu.memref_squeeze %dma_start3A_137 : memref<1x128xi32, #tpu.memory_space<vmem>> -> memref<128xi32, #tpu.memory_space<vmem>>
      %dma_start3A_139 = arith.constant 0 : i32
      %dma_start3A_140 = arith.constant 0 : i32
      %dma_start3A_141 = tpu.memref_slice %arg2[%dma_start3A_139, %dma_start3A_140] : memref<10240x128xf32, #tpu.memory_space<hbm>> -> memref<10240x128xf32, #tpu.memory_space<hbm>>
      tpu.enqueue_indirect_dma source(%dma_start3A_141 : memref<10240x128xf32, #tpu.memory_space<hbm>>) target(%arg8 : memref<128x128xf32, #tpu.memory_space<vmem>>) offsets(%dma_start3A_138 : memref<128xi32, #tpu.memory_space<vmem>>) semaphore(%arg11 : memref<!tpu.dma_semaphore, #tpu.memory_space<semaphore_mem>>)
      %mul3A_142 = arith.constant 2 : i32
      %mul3A_143 = arith.muli %scan3A_122, %mul3A_142 : i32
      %add3A_144 = arith.constant 1 : i32
      %add3A_145 = arith.addi %mul3A_143, %add3A_144 : i32
      %dma_wait3A_146 = arith.constant 0 : i32
      %dma_wait3A_147 = tpu.memref_slice %arg6[%add3A_145, %dma_wait3A_146] : memref<40x128xi32, #tpu.memory_space<vmem>> -> memref<1x128xi32, #tpu.memory_space<vmem>>
      %dma_wait3A_148 = tpu.memref_squeeze %dma_wait3A_147 : memref<1x128xi32, #tpu.memory_space<vmem>> -> memref<128xi32, #tpu.memory_space<vmem>>
      %dma_wait3A_149 = arith.constant 0 : i32
      %dma_wait3A_150 = arith.constant 0 : i32
      %dma_wait3A_151 = tpu.memref_slice %arg2[%dma_wait3A_149, %dma_wait3A_150] : memref<10240x128xf32, #tpu.memory_space<hbm>> -> memref<10240x128xf32, #tpu.memory_space<hbm>>
      tpu.wait_indirect_dma semaphore(%arg12 : memref<!tpu.dma_semaphore, #tpu.memory_space<semaphore_mem>>) src(%dma_wait3A_151 : memref<10240x128xf32, #tpu.memory_space<hbm>>) dst(%arg9 : memref<128x128xf32, #tpu.memory_space<vmem>>)
      "tpu.region"() ({
        %run_scoped3A_161 = tpu.sem_alloc : memref<!tpu.dma_semaphore, #tpu.memory_space<semaphore_mem>>
        %dma_start3A_162 = arith.constant 0 : i32
        %dma_start3A_163 = tpu.memref_slice %arg7[%add3A_145, %dma_start3A_162] : memref<40x128xi32, #tpu.memory_space<vmem>> -> memref<1x128xi32, #tpu.memory_space<vmem>>
        %dma_start3A_164 = tpu.memref_squeeze %dma_start3A_163 : memref<1x128xi32, #tpu.memory_space<vmem>> -> memref<128xi32, #tpu.memory_space<vmem>>
        %dma_start3A_165 = arith.constant 0 : i32
        %dma_start3A_166 = arith.constant 0 : i32
        %dma_start3A_167 = tpu.memref_slice %arg10[%dma_start3A_165, %dma_start3A_166] : memref<10240x128xf32, #tpu.memory_space<vmem_shared>> -> memref<10240x128xf32, #tpu.memory_space<vmem_shared>>
        tpu.enqueue_indirect_dma source(%arg9 : memref<128x128xf32, #tpu.memory_space<vmem>>) target(%dma_start3A_167 : memref<10240x128xf32, #tpu.memory_space<vmem_shared>>) offsets(%dma_start3A_164 : memref<128xi32, #tpu.memory_space<vmem>>) semaphore(%run_scoped3A_161 : memref<!tpu.dma_semaphore, #tpu.memory_space<semaphore_mem>>) {add = true}
        %dma_wait3A_168 = arith.constant 0 : i32
        %dma_wait3A_169 = tpu.memref_slice %arg7[%add3A_145, %dma_wait3A_168] : memref<40x128xi32, #tpu.memory_space<vmem>> -> memref<1x128xi32, #tpu.memory_space<vmem>>
        %dma_wait3A_170 = tpu.memref_squeeze %dma_wait3A_169 : memref<1x128xi32, #tpu.memory_space<vmem>> -> memref<128xi32, #tpu.memory_space<vmem>>
        %dma_wait3A_171 = arith.constant 0 : i32
        %dma_wait3A_172 = arith.constant 0 : i32
        %dma_wait3A_173 = tpu.memref_slice %arg10[%dma_wait3A_171, %dma_wait3A_172] : memref<10240x128xf32, #tpu.memory_space<vmem_shared>> -> memref<10240x128xf32, #tpu.memory_space<vmem_shared>>
        tpu.wait_indirect_dma semaphore(%run_scoped3A_161 : memref<!tpu.dma_semaphore, #tpu.memory_space<semaphore_mem>>) src(%arg9 : memref<128x128xf32, #tpu.memory_space<vmem>>) dst(%dma_wait3A_173 : memref<10240x128xf32, #tpu.memory_space<vmem_shared>>)
        tpu.yield
      }) : () -> ()
      %add3A_152 = arith.constant 2 : i32
      %add3A_153 = arith.addi %add3A_145, %add3A_152 : i32
      %dma_start3A_154 = arith.constant 0 : i32
      %dma_start3A_155 = tpu.memref_slice %arg6[%add3A_153, %dma_start3A_154] : memref<40x128xi32, #tpu.memory_space<vmem>> -> memref<1x128xi32, #tpu.memory_space<vmem>>
      %dma_start3A_156 = tpu.memref_squeeze %dma_start3A_155 : memref<1x128xi32, #tpu.memory_space<vmem>> -> memref<128xi32, #tpu.memory_space<vmem>>
      %dma_start3A_157 = arith.constant 0 : i32
      %dma_start3A_158 = arith.constant 0 : i32
      %dma_start3A_159 = tpu.memref_slice %arg2[%dma_start3A_157, %dma_start3A_158] : memref<10240x128xf32, #tpu.memory_space<hbm>> -> memref<10240x128xf32, #tpu.memory_space<hbm>>
      tpu.enqueue_indirect_dma source(%dma_start3A_159 : memref<10240x128xf32, #tpu.memory_space<hbm>>) target(%arg9 : memref<128x128xf32, #tpu.memory_space<vmem>>) offsets(%dma_start3A_156 : memref<128xi32, #tpu.memory_space<vmem>>) semaphore(%arg12 : memref<!tpu.dma_semaphore, #tpu.memory_space<semaphore_mem>>)
      %scan3A_160 = arith.constant 0 : i32
      scf.yield %scan3A_160 : i32
    }
    %scan3A_42 = arith.constant 19 : i32
    %dma_wait3A = arith.constant 38 : i32
    %dma_wait3A_43 = arith.constant 0 : i32
    %dma_wait3A_44 = tpu.memref_slice %arg6[%dma_wait3A, %dma_wait3A_43] : memref<40x128xi32, #tpu.memory_space<vmem>> -> memref<1x128xi32, #tpu.memory_space<vmem>>
    %dma_wait3A_45 = tpu.memref_squeeze %dma_wait3A_44 : memref<1x128xi32, #tpu.memory_space<vmem>> -> memref<128xi32, #tpu.memory_space<vmem>>
    %dma_wait3A_46 = arith.constant 0 : i32
    %dma_wait3A_47 = arith.constant 0 : i32
    %dma_wait3A_48 = tpu.memref_slice %arg2[%dma_wait3A_46, %dma_wait3A_47] : memref<10240x128xf32, #tpu.memory_space<hbm>> -> memref<10240x128xf32, #tpu.memory_space<hbm>>
    tpu.wait_indirect_dma semaphore(%arg11 : memref<!tpu.dma_semaphore, #tpu.memory_space<semaphore_mem>>) src(%dma_wait3A_48 : memref<10240x128xf32, #tpu.memory_space<hbm>>) dst(%arg8 : memref<128x128xf32, #tpu.memory_space<vmem>>)
    %run_scoped3A = arith.constant 38 : i32
    "tpu.region"() ({
      %run_scoped3A_122 = tpu.sem_alloc : memref<!tpu.dma_semaphore, #tpu.memory_space<semaphore_mem>>
      %dma_start3A_123 = arith.constant 0 : i32
      %dma_start3A_124 = tpu.memref_slice %arg7[%run_scoped3A, %dma_start3A_123] : memref<40x128xi32, #tpu.memory_space<vmem>> -> memref<1x128xi32, #tpu.memory_space<vmem>>
      %dma_start3A_125 = tpu.memref_squeeze %dma_start3A_124 : memref<1x128xi32, #tpu.memory_space<vmem>> -> memref<128xi32, #tpu.memory_space<vmem>>
      %dma_start3A_126 = arith.constant 0 : i32
      %dma_start3A_127 = arith.constant 0 : i32
      %dma_start3A_128 = tpu.memref_slice %arg10[%dma_start3A_126, %dma_start3A_127] : memref<10240x128xf32, #tpu.memory_space<vmem_shared>> -> memref<10240x128xf32, #tpu.memory_space<vmem_shared>>
      tpu.enqueue_indirect_dma source(%arg8 : memref<128x128xf32, #tpu.memory_space<vmem>>) target(%dma_start3A_128 : memref<10240x128xf32, #tpu.memory_space<vmem_shared>>) offsets(%dma_start3A_125 : memref<128xi32, #tpu.memory_space<vmem>>) semaphore(%run_scoped3A_122 : memref<!tpu.dma_semaphore, #tpu.memory_space<semaphore_mem>>) {add = true}
      %dma_wait3A_129 = arith.constant 0 : i32
      %dma_wait3A_130 = tpu.memref_slice %arg7[%run_scoped3A, %dma_wait3A_129] : memref<40x128xi32, #tpu.memory_space<vmem>> -> memref<1x128xi32, #tpu.memory_space<vmem>>
      %dma_wait3A_131 = tpu.memref_squeeze %dma_wait3A_130 : memref<1x128xi32, #tpu.memory_space<vmem>> -> memref<128xi32, #tpu.memory_space<vmem>>
      %dma_wait3A_132 = arith.constant 0 : i32
      %dma_wait3A_133 = arith.constant 0 : i32
      %dma_wait3A_134 = tpu.memref_slice %arg10[%dma_wait3A_132, %dma_wait3A_133] : memref<10240x128xf32, #tpu.memory_space<vmem_shared>> -> memref<10240x128xf32, #tpu.memory_space<vmem_shared>>
      tpu.wait_indirect_dma semaphore(%run_scoped3A_122 : memref<!tpu.dma_semaphore, #tpu.memory_space<semaphore_mem>>) src(%arg8 : memref<128x128xf32, #tpu.memory_space<vmem>>) dst(%dma_wait3A_134 : memref<10240x128xf32, #tpu.memory_space<vmem_shared>>)
      tpu.yield
    }) : () -> ()
    %dma_wait3A_49 = arith.constant 39 : i32
    %dma_wait3A_50 = arith.constant 0 : i32
    %dma_wait3A_51 = tpu.memref_slice %arg6[%dma_wait3A_49, %dma_wait3A_50] : memref<40x128xi32, #tpu.memory_space<vmem>> -> memref<1x128xi32, #tpu.memory_space<vmem>>
    %dma_wait3A_52 = tpu.memref_squeeze %dma_wait3A_51 : memref<1x128xi32, #tpu.memory_space<vmem>> -> memref<128xi32, #tpu.memory_space<vmem>>
    %dma_wait3A_53 = arith.constant 0 : i32
    %dma_wait3A_54 = arith.constant 0 : i32
    %dma_wait3A_55 = tpu.memref_slice %arg2[%dma_wait3A_53, %dma_wait3A_54] : memref<10240x128xf32, #tpu.memory_space<hbm>> -> memref<10240x128xf32, #tpu.memory_space<hbm>>
    tpu.wait_indirect_dma semaphore(%arg12 : memref<!tpu.dma_semaphore, #tpu.memory_space<semaphore_mem>>) src(%dma_wait3A_55 : memref<10240x128xf32, #tpu.memory_space<hbm>>) dst(%arg9 : memref<128x128xf32, #tpu.memory_space<vmem>>)
    %run_scoped3A_56 = arith.constant 39 : i32
    "tpu.region"() ({
      %run_scoped3A_122 = tpu.sem_alloc : memref<!tpu.dma_semaphore, #tpu.memory_space<semaphore_mem>>
      %dma_start3A_123 = arith.constant 0 : i32
      %dma_start3A_124 = tpu.memref_slice %arg7[%run_scoped3A_56, %dma_start3A_123] : memref<40x128xi32, #tpu.memory_space<vmem>> -> memref<1x128xi32, #tpu.memory_space<vmem>>
      %dma_start3A_125 = tpu.memref_squeeze %dma_start3A_124 : memref<1x128xi32, #tpu.memory_space<vmem>> -> memref<128xi32, #tpu.memory_space<vmem>>
      %dma_start3A_126 = arith.constant 0 : i32
      %dma_start3A_127 = arith.constant 0 : i32
      %dma_start3A_128 = tpu.memref_slice %arg10[%dma_start3A_126, %dma_start3A_127] : memref<10240x128xf32, #tpu.memory_space<vmem_shared>> -> memref<10240x128xf32, #tpu.memory_space<vmem_shared>>
      tpu.enqueue_indirect_dma source(%arg9 : memref<128x128xf32, #tpu.memory_space<vmem>>) target(%dma_start3A_128 : memref<10240x128xf32, #tpu.memory_space<vmem_shared>>) offsets(%dma_start3A_125 : memref<128xi32, #tpu.memory_space<vmem>>) semaphore(%run_scoped3A_122 : memref<!tpu.dma_semaphore, #tpu.memory_space<semaphore_mem>>) {add = true}
      %dma_wait3A_129 = arith.constant 0 : i32
      %dma_wait3A_130 = tpu.memref_slice %arg7[%run_scoped3A_56, %dma_wait3A_129] : memref<40x128xi32, #tpu.memory_space<vmem>> -> memref<1x128xi32, #tpu.memory_space<vmem>>
      %dma_wait3A_131 = tpu.memref_squeeze %dma_wait3A_130 : memref<1x128xi32, #tpu.memory_space<vmem>> -> memref<128xi32, #tpu.memory_space<vmem>>
      %dma_wait3A_132 = arith.constant 0 : i32
      %dma_wait3A_133 = arith.constant 0 : i32
      %dma_wait3A_134 = tpu.memref_slice %arg10[%dma_wait3A_132, %dma_wait3A_133] : memref<10240x128xf32, #tpu.memory_space<vmem_shared>> -> memref<10240x128xf32, #tpu.memory_space<vmem_shared>>
      tpu.wait_indirect_dma semaphore(%run_scoped3A_122 : memref<!tpu.dma_semaphore, #tpu.memory_space<semaphore_mem>>) src(%arg9 : memref<128x128xf32, #tpu.memory_space<vmem>>) dst(%dma_wait3A_134 : memref<10240x128xf32, #tpu.memory_space<vmem_shared>>)
      tpu.yield
    }) : () -> ()
    %mul3A_57 = arith.constant 80 : i32
    %mul3A_58 = arith.muli %add3A, %mul3A_57 : i32
    %add3A_59 = arith.constant 40 : i32
    %add3A_60 = arith.addi %mul3A_58, %add3A_59 : i32
    "tpu.region"() ({
      %run_scoped3A_122 = tpu.sem_alloc : memref<!tpu.dma_semaphore, #tpu.memory_space<semaphore_mem>>
      %dma_start3A_123 = arith.constant 0 : i32
      %dma_start3A_124 = tpu.memref_slice %arg3[%add3A_60, %dma_start3A_123] : memref<2560x128xi32, #tpu.memory_space<hbm>> -> memref<40x128xi32, #tpu.memory_space<hbm>>
      %dma_start3A_125 = arith.constant 0 : i32
      %dma_start3A_126 = tpu.memref_slice %arg3[%add3A_60, %dma_start3A_125] : memref<2560x128xi32, #tpu.memory_space<hbm>> -> memref<40x128xi32, #tpu.memory_space<hbm>>
      tpu.enqueue_dma source(%dma_start3A_126 : memref<40x128xi32, #tpu.memory_space<hbm>>) target(%arg6 : memref<40x128xi32, #tpu.memory_space<vmem>>) target_semaphore(%run_scoped3A_122 : memref<!tpu.dma_semaphore, #tpu.memory_space<semaphore_mem>>)
      %dma_wait3A_127 = arith.constant 0 : i32
      %dma_wait3A_128 = tpu.memref_slice %arg3[%add3A_60, %dma_wait3A_127] : memref<2560x128xi32, #tpu.memory_space<hbm>> -> memref<40x128xi32, #tpu.memory_space<hbm>>
      %dma_wait3A_129 = arith.constant 0 : i32
      %dma_wait3A_130 = tpu.memref_slice %arg3[%add3A_60, %dma_wait3A_129] : memref<2560x128xi32, #tpu.memory_space<hbm>> -> memref<40x128xi32, #tpu.memory_space<hbm>>
      tpu.wait_dma2 semaphore(%run_scoped3A_122 : memref<!tpu.dma_semaphore, #tpu.memory_space<semaphore_mem>>) src(%dma_wait3A_130 : memref<40x128xi32, #tpu.memory_space<hbm>>) dst(%arg6 : memref<40x128xi32, #tpu.memory_space<vmem>>)
      tpu.yield
    }) : () -> ()
    "tpu.region"() ({
      %run_scoped3A_122 = tpu.sem_alloc : memref<!tpu.dma_semaphore, #tpu.memory_space<semaphore_mem>>
      %dma_start3A_123 = arith.constant 0 : i32
      %dma_start3A_124 = tpu.memref_slice %arg4[%add3A_60, %dma_start3A_123] : memref<2560x128xi32, #tpu.memory_space<hbm>> -> memref<40x128xi32, #tpu.memory_space<hbm>>
      %dma_start3A_125 = arith.constant 0 : i32
      %dma_start3A_126 = tpu.memref_slice %arg4[%add3A_60, %dma_start3A_125] : memref<2560x128xi32, #tpu.memory_space<hbm>> -> memref<40x128xi32, #tpu.memory_space<hbm>>
      tpu.enqueue_dma source(%dma_start3A_126 : memref<40x128xi32, #tpu.memory_space<hbm>>) target(%arg7 : memref<40x128xi32, #tpu.memory_space<vmem>>) target_semaphore(%run_scoped3A_122 : memref<!tpu.dma_semaphore, #tpu.memory_space<semaphore_mem>>)
      %dma_wait3A_127 = arith.constant 0 : i32
      %dma_wait3A_128 = tpu.memref_slice %arg4[%add3A_60, %dma_wait3A_127] : memref<2560x128xi32, #tpu.memory_space<hbm>> -> memref<40x128xi32, #tpu.memory_space<hbm>>
      %dma_wait3A_129 = arith.constant 0 : i32
      %dma_wait3A_130 = tpu.memref_slice %arg4[%add3A_60, %dma_wait3A_129] : memref<2560x128xi32, #tpu.memory_space<hbm>> -> memref<40x128xi32, #tpu.memory_space<hbm>>
      tpu.wait_dma2 semaphore(%run_scoped3A_122 : memref<!tpu.dma_semaphore, #tpu.memory_space<semaphore_mem>>) src(%dma_wait3A_130 : memref<40x128xi32, #tpu.memory_space<hbm>>) dst(%arg7 : memref<40x128xi32, #tpu.memory_space<vmem>>)
      tpu.yield
    }) : () -> ()
    %dma_start3A_61 = arith.constant 0 : i32
    %dma_start3A_62 = arith.constant 0 : i32
    %dma_start3A_63 = tpu.memref_slice %arg6[%dma_start3A_61, %dma_start3A_62] : memref<40x128xi32, #tpu.memory_space<vmem>> -> memref<1x128xi32, #tpu.memory_space<vmem>>
    %dma_start3A_64 = tpu.memref_squeeze %dma_start3A_63 : memref<1x128xi32, #tpu.memory_space<vmem>> -> memref<128xi32, #tpu.memory_space<vmem>>
    %dma_start3A_65 = arith.constant 0 : i32
    %dma_start3A_66 = arith.constant 0 : i32
    %dma_start3A_67 = tpu.memref_slice %arg2[%dma_start3A_65, %dma_start3A_66] : memref<10240x128xf32, #tpu.memory_space<hbm>> -> memref<10240x128xf32, #tpu.memory_space<hbm>>
    tpu.enqueue_indirect_dma source(%dma_start3A_67 : memref<10240x128xf32, #tpu.memory_space<hbm>>) target(%arg8 : memref<128x128xf32, #tpu.memory_space<vmem>>) offsets(%dma_start3A_64 : memref<128xi32, #tpu.memory_space<vmem>>) semaphore(%arg11 : memref<!tpu.dma_semaphore, #tpu.memory_space<semaphore_mem>>)
    %dma_start3A_68 = arith.constant 1 : i32
    %dma_start3A_69 = arith.constant 0 : i32
    %dma_start3A_70 = tpu.memref_slice %arg6[%dma_start3A_68, %dma_start3A_69] : memref<40x128xi32, #tpu.memory_space<vmem>> -> memref<1x128xi32, #tpu.memory_space<vmem>>
    %dma_start3A_71 = tpu.memref_squeeze %dma_start3A_70 : memref<1x128xi32, #tpu.memory_space<vmem>> -> memref<128xi32, #tpu.memory_space<vmem>>
    %dma_start3A_72 = arith.constant 0 : i32
    %dma_start3A_73 = arith.constant 0 : i32
    %dma_start3A_74 = tpu.memref_slice %arg2[%dma_start3A_72, %dma_start3A_73] : memref<10240x128xf32, #tpu.memory_space<hbm>> -> memref<10240x128xf32, #tpu.memory_space<hbm>>
    tpu.enqueue_indirect_dma source(%dma_start3A_74 : memref<10240x128xf32, #tpu.memory_space<hbm>>) target(%arg9 : memref<128x128xf32, #tpu.memory_space<vmem>>) offsets(%dma_start3A_71 : memref<128xi32, #tpu.memory_space<vmem>>) semaphore(%arg12 : memref<!tpu.dma_semaphore, #tpu.memory_space<semaphore_mem>>)
    %scan3A_75 = arith.constant 0 : i32
    %scan3A_76 = arith.constant 0 : i32
    %scan3A_77 = arith.constant 19 : i32
    %scan3A_78 = arith.addi %scan3A_76, %scan3A_77 : i32
    %scan3A_79 = arith.constant 1 : i32
    %scan3A_80 = scf.for %scan3A_122 = %scan3A_76 to %scan3A_78 step %scan3A_79 iter_args(%scan3A_123 = %scan3A_75) -> (i32)  : i32 {
      %mul3A_124 = arith.constant 2 : i32
      %mul3A_125 = arith.muli %scan3A_122, %mul3A_124 : i32
      %add3A_126 = arith.constant 0 : i32
      %add3A_127 = arith.addi %mul3A_125, %add3A_126 : i32
      %dma_wait3A_128 = arith.constant 0 : i32
      %dma_wait3A_129 = tpu.memref_slice %arg6[%add3A_127, %dma_wait3A_128] : memref<40x128xi32, #tpu.memory_space<vmem>> -> memref<1x128xi32, #tpu.memory_space<vmem>>
      %dma_wait3A_130 = tpu.memref_squeeze %dma_wait3A_129 : memref<1x128xi32, #tpu.memory_space<vmem>> -> memref<128xi32, #tpu.memory_space<vmem>>
      %dma_wait3A_131 = arith.constant 0 : i32
      %dma_wait3A_132 = arith.constant 0 : i32
      %dma_wait3A_133 = tpu.memref_slice %arg2[%dma_wait3A_131, %dma_wait3A_132] : memref<10240x128xf32, #tpu.memory_space<hbm>> -> memref<10240x128xf32, #tpu.memory_space<hbm>>
      tpu.wait_indirect_dma semaphore(%arg11 : memref<!tpu.dma_semaphore, #tpu.memory_space<semaphore_mem>>) src(%dma_wait3A_133 : memref<10240x128xf32, #tpu.memory_space<hbm>>) dst(%arg8 : memref<128x128xf32, #tpu.memory_space<vmem>>)
      "tpu.region"() ({
        %run_scoped3A_161 = tpu.sem_alloc : memref<!tpu.dma_semaphore, #tpu.memory_space<semaphore_mem>>
        %dma_start3A_162 = arith.constant 0 : i32
        %dma_start3A_163 = tpu.memref_slice %arg7[%add3A_127, %dma_start3A_162] : memref<40x128xi32, #tpu.memory_space<vmem>> -> memref<1x128xi32, #tpu.memory_space<vmem>>
        %dma_start3A_164 = tpu.memref_squeeze %dma_start3A_163 : memref<1x128xi32, #tpu.memory_space<vmem>> -> memref<128xi32, #tpu.memory_space<vmem>>
        %dma_start3A_165 = arith.constant 0 : i32
        %dma_start3A_166 = arith.constant 0 : i32
        %dma_start3A_167 = tpu.memref_slice %arg10[%dma_start3A_165, %dma_start3A_166] : memref<10240x128xf32, #tpu.memory_space<vmem_shared>> -> memref<10240x128xf32, #tpu.memory_space<vmem_shared>>
        tpu.enqueue_indirect_dma source(%arg8 : memref<128x128xf32, #tpu.memory_space<vmem>>) target(%dma_start3A_167 : memref<10240x128xf32, #tpu.memory_space<vmem_shared>>) offsets(%dma_start3A_164 : memref<128xi32, #tpu.memory_space<vmem>>) semaphore(%run_scoped3A_161 : memref<!tpu.dma_semaphore, #tpu.memory_space<semaphore_mem>>) {add = true}
        %dma_wait3A_168 = arith.constant 0 : i32
        %dma_wait3A_169 = tpu.memref_slice %arg7[%add3A_127, %dma_wait3A_168] : memref<40x128xi32, #tpu.memory_space<vmem>> -> memref<1x128xi32, #tpu.memory_space<vmem>>
        %dma_wait3A_170 = tpu.memref_squeeze %dma_wait3A_169 : memref<1x128xi32, #tpu.memory_space<vmem>> -> memref<128xi32, #tpu.memory_space<vmem>>
        %dma_wait3A_171 = arith.constant 0 : i32
        %dma_wait3A_172 = arith.constant 0 : i32
        %dma_wait3A_173 = tpu.memref_slice %arg10[%dma_wait3A_171, %dma_wait3A_172] : memref<10240x128xf32, #tpu.memory_space<vmem_shared>> -> memref<10240x128xf32, #tpu.memory_space<vmem_shared>>
        tpu.wait_indirect_dma semaphore(%run_scoped3A_161 : memref<!tpu.dma_semaphore, #tpu.memory_space<semaphore_mem>>) src(%arg8 : memref<128x128xf32, #tpu.memory_space<vmem>>) dst(%dma_wait3A_173 : memref<10240x128xf32, #tpu.memory_space<vmem_shared>>)
        tpu.yield
      }) : () -> ()
      %add3A_134 = arith.constant 2 : i32
      %add3A_135 = arith.addi %add3A_127, %add3A_134 : i32
      %dma_start3A_136 = arith.constant 0 : i32
      %dma_start3A_137 = tpu.memref_slice %arg6[%add3A_135, %dma_start3A_136] : memref<40x128xi32, #tpu.memory_space<vmem>> -> memref<1x128xi32, #tpu.memory_space<vmem>>
      %dma_start3A_138 = tpu.memref_squeeze %dma_start3A_137 : memref<1x128xi32, #tpu.memory_space<vmem>> -> memref<128xi32, #tpu.memory_space<vmem>>
      %dma_start3A_139 = arith.constant 0 : i32
      %dma_start3A_140 = arith.constant 0 : i32
      %dma_start3A_141 = tpu.memref_slice %arg2[%dma_start3A_139, %dma_start3A_140] : memref<10240x128xf32, #tpu.memory_space<hbm>> -> memref<10240x128xf32, #tpu.memory_space<hbm>>
      tpu.enqueue_indirect_dma source(%dma_start3A_141 : memref<10240x128xf32, #tpu.memory_space<hbm>>) target(%arg8 : memref<128x128xf32, #tpu.memory_space<vmem>>) offsets(%dma_start3A_138 : memref<128xi32, #tpu.memory_space<vmem>>) semaphore(%arg11 : memref<!tpu.dma_semaphore, #tpu.memory_space<semaphore_mem>>)
      %mul3A_142 = arith.constant 2 : i32
      %mul3A_143 = arith.muli %scan3A_122, %mul3A_142 : i32
      %add3A_144 = arith.constant 1 : i32
      %add3A_145 = arith.addi %mul3A_143, %add3A_144 : i32
      %dma_wait3A_146 = arith.constant 0 : i32
      %dma_wait3A_147 = tpu.memref_slice %arg6[%add3A_145, %dma_wait3A_146] : memref<40x128xi32, #tpu.memory_space<vmem>> -> memref<1x128xi32, #tpu.memory_space<vmem>>
      %dma_wait3A_148 = tpu.memref_squeeze %dma_wait3A_147 : memref<1x128xi32, #tpu.memory_space<vmem>> -> memref<128xi32, #tpu.memory_space<vmem>>
      %dma_wait3A_149 = arith.constant 0 : i32
      %dma_wait3A_150 = arith.constant 0 : i32
      %dma_wait3A_151 = tpu.memref_slice %arg2[%dma_wait3A_149, %dma_wait3A_150] : memref<10240x128xf32, #tpu.memory_space<hbm>> -> memref<10240x128xf32, #tpu.memory_space<hbm>>
      tpu.wait_indirect_dma semaphore(%arg12 : memref<!tpu.dma_semaphore, #tpu.memory_space<semaphore_mem>>) src(%dma_wait3A_151 : memref<10240x128xf32, #tpu.memory_space<hbm>>) dst(%arg9 : memref<128x128xf32, #tpu.memory_space<vmem>>)
      "tpu.region"() ({
        %run_scoped3A_161 = tpu.sem_alloc : memref<!tpu.dma_semaphore, #tpu.memory_space<semaphore_mem>>
        %dma_start3A_162 = arith.constant 0 : i32
        %dma_start3A_163 = tpu.memref_slice %arg7[%add3A_145, %dma_start3A_162] : memref<40x128xi32, #tpu.memory_space<vmem>> -> memref<1x128xi32, #tpu.memory_space<vmem>>
        %dma_start3A_164 = tpu.memref_squeeze %dma_start3A_163 : memref<1x128xi32, #tpu.memory_space<vmem>> -> memref<128xi32, #tpu.memory_space<vmem>>
        %dma_start3A_165 = arith.constant 0 : i32
        %dma_start3A_166 = arith.constant 0 : i32
        %dma_start3A_167 = tpu.memref_slice %arg10[%dma_start3A_165, %dma_start3A_166] : memref<10240x128xf32, #tpu.memory_space<vmem_shared>> -> memref<10240x128xf32, #tpu.memory_space<vmem_shared>>
        tpu.enqueue_indirect_dma source(%arg9 : memref<128x128xf32, #tpu.memory_space<vmem>>) target(%dma_start3A_167 : memref<10240x128xf32, #tpu.memory_space<vmem_shared>>) offsets(%dma_start3A_164 : memref<128xi32, #tpu.memory_space<vmem>>) semaphore(%run_scoped3A_161 : memref<!tpu.dma_semaphore, #tpu.memory_space<semaphore_mem>>) {add = true}
        %dma_wait3A_168 = arith.constant 0 : i32
        %dma_wait3A_169 = tpu.memref_slice %arg7[%add3A_145, %dma_wait3A_168] : memref<40x128xi32, #tpu.memory_space<vmem>> -> memref<1x128xi32, #tpu.memory_space<vmem>>
        %dma_wait3A_170 = tpu.memref_squeeze %dma_wait3A_169 : memref<1x128xi32, #tpu.memory_space<vmem>> -> memref<128xi32, #tpu.memory_space<vmem>>
        %dma_wait3A_171 = arith.constant 0 : i32
        %dma_wait3A_172 = arith.constant 0 : i32
        %dma_wait3A_173 = tpu.memref_slice %arg10[%dma_wait3A_171, %dma_wait3A_172] : memref<10240x128xf32, #tpu.memory_space<vmem_shared>> -> memref<10240x128xf32, #tpu.memory_space<vmem_shared>>
        tpu.wait_indirect_dma semaphore(%run_scoped3A_161 : memref<!tpu.dma_semaphore, #tpu.memory_space<semaphore_mem>>) src(%arg9 : memref<128x128xf32, #tpu.memory_space<vmem>>) dst(%dma_wait3A_173 : memref<10240x128xf32, #tpu.memory_space<vmem_shared>>)
        tpu.yield
      }) : () -> ()
      %add3A_152 = arith.constant 2 : i32
      %add3A_153 = arith.addi %add3A_145, %add3A_152 : i32
      %dma_start3A_154 = arith.constant 0 : i32
      %dma_start3A_155 = tpu.memref_slice %arg6[%add3A_153, %dma_start3A_154] : memref<40x128xi32, #tpu.memory_space<vmem>> -> memref<1x128xi32, #tpu.memory_space<vmem>>
      %dma_start3A_156 = tpu.memref_squeeze %dma_start3A_155 : memref<1x128xi32, #tpu.memory_space<vmem>> -> memref<128xi32, #tpu.memory_space<vmem>>
      %dma_start3A_157 = arith.constant 0 : i32
      %dma_start3A_158 = arith.constant 0 : i32
      %dma_start3A_159 = tpu.memref_slice %arg2[%dma_start3A_157, %dma_start3A_158] : memref<10240x128xf32, #tpu.memory_space<hbm>> -> memref<10240x128xf32, #tpu.memory_space<hbm>>
      tpu.enqueue_indirect_dma source(%dma_start3A_159 : memref<10240x128xf32, #tpu.memory_space<hbm>>) target(%arg9 : memref<128x128xf32, #tpu.memory_space<vmem>>) offsets(%dma_start3A_156 : memref<128xi32, #tpu.memory_space<vmem>>) semaphore(%arg12 : memref<!tpu.dma_semaphore, #tpu.memory_space<semaphore_mem>>)
      %scan3A_160 = arith.constant 0 : i32
      scf.yield %scan3A_160 : i32
    }
    %scan3A_81 = arith.constant 19 : i32
    %dma_wait3A_82 = arith.constant 38 : i32
    %dma_wait3A_83 = arith.constant 0 : i32
    %dma_wait3A_84 = tpu.memref_slice %arg6[%dma_wait3A_82, %dma_wait3A_83] : memref<40x128xi32, #tpu.memory_space<vmem>> -> memref<1x128xi32, #tpu.memory_space<vmem>>
    %dma_wait3A_85 = tpu.memref_squeeze %dma_wait3A_84 : memref<1x128xi32, #tpu.memory_space<vmem>> -> memref<128xi32, #tpu.memory_space<vmem>>
    %dma_wait3A_86 = arith.constant 0 : i32
    %dma_wait3A_87 = arith.constant 0 : i32
    %dma_wait3A_88 = tpu.memref_slice %arg2[%dma_wait3A_86, %dma_wait3A_87] : memref<10240x128xf32, #tpu.memory_space<hbm>> -> memref<10240x128xf32, #tpu.memory_space<hbm>>
    tpu.wait_indirect_dma semaphore(%arg11 : memref<!tpu.dma_semaphore, #tpu.memory_space<semaphore_mem>>) src(%dma_wait3A_88 : memref<10240x128xf32, #tpu.memory_space<hbm>>) dst(%arg8 : memref<128x128xf32, #tpu.memory_space<vmem>>)
    %run_scoped3A_89 = arith.constant 38 : i32
    "tpu.region"() ({
      %run_scoped3A_122 = tpu.sem_alloc : memref<!tpu.dma_semaphore, #tpu.memory_space<semaphore_mem>>
      %dma_start3A_123 = arith.constant 0 : i32
      %dma_start3A_124 = tpu.memref_slice %arg7[%run_scoped3A_89, %dma_start3A_123] : memref<40x128xi32, #tpu.memory_space<vmem>> -> memref<1x128xi32, #tpu.memory_space<vmem>>
      %dma_start3A_125 = tpu.memref_squeeze %dma_start3A_124 : memref<1x128xi32, #tpu.memory_space<vmem>> -> memref<128xi32, #tpu.memory_space<vmem>>
      %dma_start3A_126 = arith.constant 0 : i32
      %dma_start3A_127 = arith.constant 0 : i32
      %dma_start3A_128 = tpu.memref_slice %arg10[%dma_start3A_126, %dma_start3A_127] : memref<10240x128xf32, #tpu.memory_space<vmem_shared>> -> memref<10240x128xf32, #tpu.memory_space<vmem_shared>>
      tpu.enqueue_indirect_dma source(%arg8 : memref<128x128xf32, #tpu.memory_space<vmem>>) target(%dma_start3A_128 : memref<10240x128xf32, #tpu.memory_space<vmem_shared>>) offsets(%dma_start3A_125 : memref<128xi32, #tpu.memory_space<vmem>>) semaphore(%run_scoped3A_122 : memref<!tpu.dma_semaphore, #tpu.memory_space<semaphore_mem>>) {add = true}
      %dma_wait3A_129 = arith.constant 0 : i32
      %dma_wait3A_130 = tpu.memref_slice %arg7[%run_scoped3A_89, %dma_wait3A_129] : memref<40x128xi32, #tpu.memory_space<vmem>> -> memref<1x128xi32, #tpu.memory_space<vmem>>
      %dma_wait3A_131 = tpu.memref_squeeze %dma_wait3A_130 : memref<1x128xi32, #tpu.memory_space<vmem>> -> memref<128xi32, #tpu.memory_space<vmem>>
      %dma_wait3A_132 = arith.constant 0 : i32
      %dma_wait3A_133 = arith.constant 0 : i32
      %dma_wait3A_134 = tpu.memref_slice %arg10[%dma_wait3A_132, %dma_wait3A_133] : memref<10240x128xf32, #tpu.memory_space<vmem_shared>> -> memref<10240x128xf32, #tpu.memory_space<vmem_shared>>
      tpu.wait_indirect_dma semaphore(%run_scoped3A_122 : memref<!tpu.dma_semaphore, #tpu.memory_space<semaphore_mem>>) src(%arg8 : memref<128x128xf32, #tpu.memory_space<vmem>>) dst(%dma_wait3A_134 : memref<10240x128xf32, #tpu.memory_space<vmem_shared>>)
      tpu.yield
    }) : () -> ()
    %dma_wait3A_90 = arith.constant 39 : i32
    %dma_wait3A_91 = arith.constant 0 : i32
    %dma_wait3A_92 = tpu.memref_slice %arg6[%dma_wait3A_90, %dma_wait3A_91] : memref<40x128xi32, #tpu.memory_space<vmem>> -> memref<1x128xi32, #tpu.memory_space<vmem>>
    %dma_wait3A_93 = tpu.memref_squeeze %dma_wait3A_92 : memref<1x128xi32, #tpu.memory_space<vmem>> -> memref<128xi32, #tpu.memory_space<vmem>>
    %dma_wait3A_94 = arith.constant 0 : i32
    %dma_wait3A_95 = arith.constant 0 : i32
    %dma_wait3A_96 = tpu.memref_slice %arg2[%dma_wait3A_94, %dma_wait3A_95] : memref<10240x128xf32, #tpu.memory_space<hbm>> -> memref<10240x128xf32, #tpu.memory_space<hbm>>
    tpu.wait_indirect_dma semaphore(%arg12 : memref<!tpu.dma_semaphore, #tpu.memory_space<semaphore_mem>>) src(%dma_wait3A_96 : memref<10240x128xf32, #tpu.memory_space<hbm>>) dst(%arg9 : memref<128x128xf32, #tpu.memory_space<vmem>>)
    %run_scoped3A_97 = arith.constant 39 : i32
    "tpu.region"() ({
      %run_scoped3A_122 = tpu.sem_alloc : memref<!tpu.dma_semaphore, #tpu.memory_space<semaphore_mem>>
      %dma_start3A_123 = arith.constant 0 : i32
      %dma_start3A_124 = tpu.memref_slice %arg7[%run_scoped3A_97, %dma_start3A_123] : memref<40x128xi32, #tpu.memory_space<vmem>> -> memref<1x128xi32, #tpu.memory_space<vmem>>
      %dma_start3A_125 = tpu.memref_squeeze %dma_start3A_124 : memref<1x128xi32, #tpu.memory_space<vmem>> -> memref<128xi32, #tpu.memory_space<vmem>>
      %dma_start3A_126 = arith.constant 0 : i32
      %dma_start3A_127 = arith.constant 0 : i32
      %dma_start3A_128 = tpu.memref_slice %arg10[%dma_start3A_126, %dma_start3A_127] : memref<10240x128xf32, #tpu.memory_space<vmem_shared>> -> memref<10240x128xf32, #tpu.memory_space<vmem_shared>>
      tpu.enqueue_indirect_dma source(%arg9 : memref<128x128xf32, #tpu.memory_space<vmem>>) target(%dma_start3A_128 : memref<10240x128xf32, #tpu.memory_space<vmem_shared>>) offsets(%dma_start3A_125 : memref<128xi32, #tpu.memory_space<vmem>>) semaphore(%run_scoped3A_122 : memref<!tpu.dma_semaphore, #tpu.memory_space<semaphore_mem>>) {add = true}
      %dma_wait3A_129 = arith.constant 0 : i32
      %dma_wait3A_130 = tpu.memref_slice %arg7[%run_scoped3A_97, %dma_wait3A_129] : memref<40x128xi32, #tpu.memory_space<vmem>> -> memref<1x128xi32, #tpu.memory_space<vmem>>
      %dma_wait3A_131 = tpu.memref_squeeze %dma_wait3A_130 : memref<1x128xi32, #tpu.memory_space<vmem>> -> memref<128xi32, #tpu.memory_space<vmem>>
      %dma_wait3A_132 = arith.constant 0 : i32
      %dma_wait3A_133 = arith.constant 0 : i32
      %dma_wait3A_134 = tpu.memref_slice %arg10[%dma_wait3A_132, %dma_wait3A_133] : memref<10240x128xf32, #tpu.memory_space<vmem_shared>> -> memref<10240x128xf32, #tpu.memory_space<vmem_shared>>
      tpu.wait_indirect_dma semaphore(%run_scoped3A_122 : memref<!tpu.dma_semaphore, #tpu.memory_space<semaphore_mem>>) src(%arg9 : memref<128x128xf32, #tpu.memory_space<vmem>>) dst(%dma_wait3A_134 : memref<10240x128xf32, #tpu.memory_space<vmem_shared>>)
      tpu.yield
    }) : () -> ()
    %barrier3A_98 = arith.constant 0 : index
    tpu.barrier barrier_id(%barrier3A_98)
    %mul3A_99 = arith.constant 10240 : i32
    %mul3A_100 = arith.muli %arg0, %mul3A_99 : i32
    %add3A_101 = arith.addi %mul3A_100, %mul3A_8 : i32
    %add3A_102 = arith.constant 0 : i32
    %add3A_103 = arith.addi %mul3A_8, %add3A_102 : i32
    "tpu.region"() ({
      %run_scoped3A_122 = tpu.sem_alloc : memref<!tpu.dma_semaphore, #tpu.memory_space<semaphore_mem>>
      %dma_start3A_123 = arith.constant 0 : i32
      %dma_start3A_124 = tpu.memref_slice %arg10[%add3A_103, %dma_start3A_123] : memref<10240x128xf32, #tpu.memory_space<vmem_shared>> -> memref<128x128xf32, #tpu.memory_space<vmem_shared>>
      %dma_start3A_125 = arith.constant 0 : i32
      %dma_start3A_126 = tpu.memref_slice %arg10[%add3A_103, %dma_start3A_125] : memref<10240x128xf32, #tpu.memory_space<vmem_shared>> -> memref<128x128xf32, #tpu.memory_space<vmem_shared>>
      tpu.enqueue_dma source(%dma_start3A_126 : memref<128x128xf32, #tpu.memory_space<vmem_shared>>) target(%arg8 : memref<128x128xf32, #tpu.memory_space<vmem>>) target_semaphore(%run_scoped3A_122 : memref<!tpu.dma_semaphore, #tpu.memory_space<semaphore_mem>>)
      %dma_wait3A_127 = arith.constant 0 : i32
      %dma_wait3A_128 = tpu.memref_slice %arg10[%add3A_103, %dma_wait3A_127] : memref<10240x128xf32, #tpu.memory_space<vmem_shared>> -> memref<128x128xf32, #tpu.memory_space<vmem_shared>>
      %dma_wait3A_129 = arith.constant 0 : i32
      %dma_wait3A_130 = tpu.memref_slice %arg10[%add3A_103, %dma_wait3A_129] : memref<10240x128xf32, #tpu.memory_space<vmem_shared>> -> memref<128x128xf32, #tpu.memory_space<vmem_shared>>
      tpu.wait_dma2 semaphore(%run_scoped3A_122 : memref<!tpu.dma_semaphore, #tpu.memory_space<semaphore_mem>>) src(%dma_wait3A_130 : memref<128x128xf32, #tpu.memory_space<vmem_shared>>) dst(%arg8 : memref<128x128xf32, #tpu.memory_space<vmem>>)
      tpu.yield
    }) : () -> ()
    %add3A_104 = arith.constant 0 : i32
    %add3A_105 = arith.addi %add3A_101, %add3A_104 : i32
    "tpu.region"() ({
      %run_scoped3A_122 = tpu.sem_alloc : memref<!tpu.dma_semaphore, #tpu.memory_space<semaphore_mem>>
      %dma_start3A_123 = arith.constant 0 : i32
      %dma_start3A_124 = tpu.memref_slice %arg5[%add3A_105, %dma_start3A_123] : memref<20480x128xf32, #tpu.memory_space<hbm>> -> memref<128x128xf32, #tpu.memory_space<hbm>>
      %dma_start3A_125 = arith.constant 0 : i32
      %dma_start3A_126 = tpu.memref_slice %arg5[%add3A_105, %dma_start3A_125] : memref<20480x128xf32, #tpu.memory_space<hbm>> -> memref<128x128xf32, #tpu.memory_space<hbm>>
      tpu.enqueue_dma source(%arg8 : memref<128x128xf32, #tpu.memory_space<vmem>>) target(%dma_start3A_126 : memref<128x128xf32, #tpu.memory_space<hbm>>) target_semaphore(%run_scoped3A_122 : memref<!tpu.dma_semaphore, #tpu.memory_space<semaphore_mem>>)
      %dma_wait3A_127 = arith.constant 0 : i32
      %dma_wait3A_128 = tpu.memref_slice %arg5[%add3A_105, %dma_wait3A_127] : memref<20480x128xf32, #tpu.memory_space<hbm>> -> memref<128x128xf32, #tpu.memory_space<hbm>>
      %dma_wait3A_129 = arith.constant 0 : i32
      %dma_wait3A_130 = tpu.memref_slice %arg5[%add3A_105, %dma_wait3A_129] : memref<20480x128xf32, #tpu.memory_space<hbm>> -> memref<128x128xf32, #tpu.memory_space<hbm>>
      tpu.wait_dma2 semaphore(%run_scoped3A_122 : memref<!tpu.dma_semaphore, #tpu.memory_space<semaphore_mem>>) src(%arg8 : memref<128x128xf32, #tpu.memory_space<vmem>>) dst(%dma_wait3A_130 : memref<128x128xf32, #tpu.memory_space<hbm>>)
      tpu.yield
    }) : () -> ()
    %add3A_106 = arith.constant 128 : i32
    %add3A_107 = arith.addi %mul3A_8, %add3A_106 : i32
    "tpu.region"() ({
      %run_scoped3A_122 = tpu.sem_alloc : memref<!tpu.dma_semaphore, #tpu.memory_space<semaphore_mem>>
      %dma_start3A_123 = arith.constant 0 : i32
      %dma_start3A_124 = tpu.memref_slice %arg10[%add3A_107, %dma_start3A_123] : memref<10240x128xf32, #tpu.memory_space<vmem_shared>> -> memref<128x128xf32, #tpu.memory_space<vmem_shared>>
      %dma_start3A_125 = arith.constant 0 : i32
      %dma_start3A_126 = tpu.memref_slice %arg10[%add3A_107, %dma_start3A_125] : memref<10240x128xf32, #tpu.memory_space<vmem_shared>> -> memref<128x128xf32, #tpu.memory_space<vmem_shared>>
      tpu.enqueue_dma source(%dma_start3A_126 : memref<128x128xf32, #tpu.memory_space<vmem_shared>>) target(%arg8 : memref<128x128xf32, #tpu.memory_space<vmem>>) target_semaphore(%run_scoped3A_122 : memref<!tpu.dma_semaphore, #tpu.memory_space<semaphore_mem>>)
      %dma_wait3A_127 = arith.constant 0 : i32
      %dma_wait3A_128 = tpu.memref_slice %arg10[%add3A_107, %dma_wait3A_127] : memref<10240x128xf32, #tpu.memory_space<vmem_shared>> -> memref<128x128xf32, #tpu.memory_space<vmem_shared>>
      %dma_wait3A_129 = arith.constant 0 : i32
      %dma_wait3A_130 = tpu.memref_slice %arg10[%add3A_107, %dma_wait3A_129] : memref<10240x128xf32, #tpu.memory_space<vmem_shared>> -> memref<128x128xf32, #tpu.memory_space<vmem_shared>>
      tpu.wait_dma2 semaphore(%run_scoped3A_122 : memref<!tpu.dma_semaphore, #tpu.memory_space<semaphore_mem>>) src(%dma_wait3A_130 : memref<128x128xf32, #tpu.memory_space<vmem_shared>>) dst(%arg8 : memref<128x128xf32, #tpu.memory_space<vmem>>)
      tpu.yield
    }) : () -> ()
    %add3A_108 = arith.constant 128 : i32
    %add3A_109 = arith.addi %add3A_101, %add3A_108 : i32
    "tpu.region"() ({
      %run_scoped3A_122 = tpu.sem_alloc : memref<!tpu.dma_semaphore, #tpu.memory_space<semaphore_mem>>
      %dma_start3A_123 = arith.constant 0 : i32
      %dma_start3A_124 = tpu.memref_slice %arg5[%add3A_109, %dma_start3A_123] : memref<20480x128xf32, #tpu.memory_space<hbm>> -> memref<128x128xf32, #tpu.memory_space<hbm>>
      %dma_start3A_125 = arith.constant 0 : i32
      %dma_start3A_126 = tpu.memref_slice %arg5[%add3A_109, %dma_start3A_125] : memref<20480x128xf32, #tpu.memory_space<hbm>> -> memref<128x128xf32, #tpu.memory_space<hbm>>
      tpu.enqueue_dma source(%arg8 : memref<128x128xf32, #tpu.memory_space<vmem>>) target(%dma_start3A_126 : memref<128x128xf32, #tpu.memory_space<hbm>>) target_semaphore(%run_scoped3A_122 : memref<!tpu.dma_semaphore, #tpu.memory_space<semaphore_mem>>)
      %dma_wait3A_127 = arith.constant 0 : i32
      %dma_wait3A_128 = tpu.memref_slice %arg5[%add3A_109, %dma_wait3A_127] : memref<20480x128xf32, #tpu.memory_space<hbm>> -> memref<128x128xf32, #tpu.memory_space<hbm>>
      %dma_wait3A_129 = arith.constant 0 : i32
      %dma_wait3A_130 = tpu.memref_slice %arg5[%add3A_109, %dma_wait3A_129] : memref<20480x128xf32, #tpu.memory_space<hbm>> -> memref<128x128xf32, #tpu.memory_space<hbm>>
      tpu.wait_dma2 semaphore(%run_scoped3A_122 : memref<!tpu.dma_semaphore, #tpu.memory_space<semaphore_mem>>) src(%arg8 : memref<128x128xf32, #tpu.memory_space<vmem>>) dst(%dma_wait3A_130 : memref<128x128xf32, #tpu.memory_space<hbm>>)
      tpu.yield
    }) : () -> ()
    %add3A_110 = arith.constant 256 : i32
    %add3A_111 = arith.addi %mul3A_8, %add3A_110 : i32
    "tpu.region"() ({
      %run_scoped3A_122 = tpu.sem_alloc : memref<!tpu.dma_semaphore, #tpu.memory_space<semaphore_mem>>
      %dma_start3A_123 = arith.constant 0 : i32
      %dma_start3A_124 = tpu.memref_slice %arg10[%add3A_111, %dma_start3A_123] : memref<10240x128xf32, #tpu.memory_space<vmem_shared>> -> memref<128x128xf32, #tpu.memory_space<vmem_shared>>
      %dma_start3A_125 = arith.constant 0 : i32
      %dma_start3A_126 = tpu.memref_slice %arg10[%add3A_111, %dma_start3A_125] : memref<10240x128xf32, #tpu.memory_space<vmem_shared>> -> memref<128x128xf32, #tpu.memory_space<vmem_shared>>
      tpu.enqueue_dma source(%dma_start3A_126 : memref<128x128xf32, #tpu.memory_space<vmem_shared>>) target(%arg8 : memref<128x128xf32, #tpu.memory_space<vmem>>) target_semaphore(%run_scoped3A_122 : memref<!tpu.dma_semaphore, #tpu.memory_space<semaphore_mem>>)
      %dma_wait3A_127 = arith.constant 0 : i32
      %dma_wait3A_128 = tpu.memref_slice %arg10[%add3A_111, %dma_wait3A_127] : memref<10240x128xf32, #tpu.memory_space<vmem_shared>> -> memref<128x128xf32, #tpu.memory_space<vmem_shared>>
      %dma_wait3A_129 = arith.constant 0 : i32
      %dma_wait3A_130 = tpu.memref_slice %arg10[%add3A_111, %dma_wait3A_129] : memref<10240x128xf32, #tpu.memory_space<vmem_shared>> -> memref<128x128xf32, #tpu.memory_space<vmem_shared>>
      tpu.wait_dma2 semaphore(%run_scoped3A_122 : memref<!tpu.dma_semaphore, #tpu.memory_space<semaphore_mem>>) src(%dma_wait3A_130 : memref<128x128xf32, #tpu.memory_space<vmem_shared>>) dst(%arg8 : memref<128x128xf32, #tpu.memory_space<vmem>>)
      tpu.yield
    }) : () -> ()
    %add3A_112 = arith.constant 256 : i32
    %add3A_113 = arith.addi %add3A_101, %add3A_112 : i32
    "tpu.region"() ({
      %run_scoped3A_122 = tpu.sem_alloc : memref<!tpu.dma_semaphore, #tpu.memory_space<semaphore_mem>>
      %dma_start3A_123 = arith.constant 0 : i32
      %dma_start3A_124 = tpu.memref_slice %arg5[%add3A_113, %dma_start3A_123] : memref<20480x128xf32, #tpu.memory_space<hbm>> -> memref<128x128xf32, #tpu.memory_space<hbm>>
      %dma_start3A_125 = arith.constant 0 : i32
      %dma_start3A_126 = tpu.memref_slice %arg5[%add3A_113, %dma_start3A_125] : memref<20480x128xf32, #tpu.memory_space<hbm>> -> memref<128x128xf32, #tpu.memory_space<hbm>>
      tpu.enqueue_dma source(%arg8 : memref<128x128xf32, #tpu.memory_space<vmem>>) target(%dma_start3A_126 : memref<128x128xf32, #tpu.memory_space<hbm>>) target_semaphore(%run_scoped3A_122 : memref<!tpu.dma_semaphore, #tpu.memory_space<semaphore_mem>>)
      %dma_wait3A_127 = arith.constant 0 : i32
      %dma_wait3A_128 = tpu.memref_slice %arg5[%add3A_113, %dma_wait3A_127] : memref<20480x128xf32, #tpu.memory_space<hbm>> -> memref<128x128xf32, #tpu.memory_space<hbm>>
      %dma_wait3A_129 = arith.constant 0 : i32
      %dma_wait3A_130 = tpu.memref_slice %arg5[%add3A_113, %dma_wait3A_129] : memref<20480x128xf32, #tpu.memory_space<hbm>> -> memref<128x128xf32, #tpu.memory_space<hbm>>
      tpu.wait_dma2 semaphore(%run_scoped3A_122 : memref<!tpu.dma_semaphore, #tpu.memory_space<semaphore_mem>>) src(%arg8 : memref<128x128xf32, #tpu.memory_space<vmem>>) dst(%dma_wait3A_130 : memref<128x128xf32, #tpu.memory_space<hbm>>)
      tpu.yield
    }) : () -> ()
    %add3A_114 = arith.constant 384 : i32
    %add3A_115 = arith.addi %mul3A_8, %add3A_114 : i32
    "tpu.region"() ({
      %run_scoped3A_122 = tpu.sem_alloc : memref<!tpu.dma_semaphore, #tpu.memory_space<semaphore_mem>>
      %dma_start3A_123 = arith.constant 0 : i32
      %dma_start3A_124 = tpu.memref_slice %arg10[%add3A_115, %dma_start3A_123] : memref<10240x128xf32, #tpu.memory_space<vmem_shared>> -> memref<128x128xf32, #tpu.memory_space<vmem_shared>>
      %dma_start3A_125 = arith.constant 0 : i32
      %dma_start3A_126 = tpu.memref_slice %arg10[%add3A_115, %dma_start3A_125] : memref<10240x128xf32, #tpu.memory_space<vmem_shared>> -> memref<128x128xf32, #tpu.memory_space<vmem_shared>>
      tpu.enqueue_dma source(%dma_start3A_126 : memref<128x128xf32, #tpu.memory_space<vmem_shared>>) target(%arg8 : memref<128x128xf32, #tpu.memory_space<vmem>>) target_semaphore(%run_scoped3A_122 : memref<!tpu.dma_semaphore, #tpu.memory_space<semaphore_mem>>)
      %dma_wait3A_127 = arith.constant 0 : i32
      %dma_wait3A_128 = tpu.memref_slice %arg10[%add3A_115, %dma_wait3A_127] : memref<10240x128xf32, #tpu.memory_space<vmem_shared>> -> memref<128x128xf32, #tpu.memory_space<vmem_shared>>
      %dma_wait3A_129 = arith.constant 0 : i32
      %dma_wait3A_130 = tpu.memref_slice %arg10[%add3A_115, %dma_wait3A_129] : memref<10240x128xf32, #tpu.memory_space<vmem_shared>> -> memref<128x128xf32, #tpu.memory_space<vmem_shared>>
      tpu.wait_dma2 semaphore(%run_scoped3A_122 : memref<!tpu.dma_semaphore, #tpu.memory_space<semaphore_mem>>) src(%dma_wait3A_130 : memref<128x128xf32, #tpu.memory_space<vmem_shared>>) dst(%arg8 : memref<128x128xf32, #tpu.memory_space<vmem>>)
      tpu.yield
    }) : () -> ()
    %add3A_116 = arith.constant 384 : i32
    %add3A_117 = arith.addi %add3A_101, %add3A_116 : i32
    "tpu.region"() ({
      %run_scoped3A_122 = tpu.sem_alloc : memref<!tpu.dma_semaphore, #tpu.memory_space<semaphore_mem>>
      %dma_start3A_123 = arith.constant 0 : i32
      %dma_start3A_124 = tpu.memref_slice %arg5[%add3A_117, %dma_start3A_123] : memref<20480x128xf32, #tpu.memory_space<hbm>> -> memref<128x128xf32, #tpu.memory_space<hbm>>
      %dma_start3A_125 = arith.constant 0 : i32
      %dma_start3A_126 = tpu.memref_slice %arg5[%add3A_117, %dma_start3A_125] : memref<20480x128xf32, #tpu.memory_space<hbm>> -> memref<128x128xf32, #tpu.memory_space<hbm>>
      tpu.enqueue_dma source(%arg8 : memref<128x128xf32, #tpu.memory_space<vmem>>) target(%dma_start3A_126 : memref<128x128xf32, #tpu.memory_space<hbm>>) target_semaphore(%run_scoped3A_122 : memref<!tpu.dma_semaphore, #tpu.memory_space<semaphore_mem>>)
      %dma_wait3A_127 = arith.constant 0 : i32
      %dma_wait3A_128 = tpu.memref_slice %arg5[%add3A_117, %dma_wait3A_127] : memref<20480x128xf32, #tpu.memory_space<hbm>> -> memref<128x128xf32, #tpu.memory_space<hbm>>
      %dma_wait3A_129 = arith.constant 0 : i32
      %dma_wait3A_130 = tpu.memref_slice %arg5[%add3A_117, %dma_wait3A_129] : memref<20480x128xf32, #tpu.memory_space<hbm>> -> memref<128x128xf32, #tpu.memory_space<hbm>>
      tpu.wait_dma2 semaphore(%run_scoped3A_122 : memref<!tpu.dma_semaphore, #tpu.memory_space<semaphore_mem>>) src(%arg8 : memref<128x128xf32, #tpu.memory_space<vmem>>) dst(%dma_wait3A_130 : memref<128x128xf32, #tpu.memory_space<hbm>>)
      tpu.yield
    }) : () -> ()
    %add3A_118 = arith.constant 512 : i32
    %add3A_119 = arith.addi %mul3A_8, %add3A_118 : i32
    "tpu.region"() ({
      %run_scoped3A_122 = tpu.sem_alloc : memref<!tpu.dma_semaphore, #tpu.memory_space<semaphore_mem>>
      %dma_start3A_123 = arith.constant 0 : i32
      %dma_start3A_124 = tpu.memref_slice %arg10[%add3A_119, %dma_start3A_123] : memref<10240x128xf32, #tpu.memory_space<vmem_shared>> -> memref<128x128xf32, #tpu.memory_space<vmem_shared>>
      %dma_start3A_125 = arith.constant 0 : i32
      %dma_start3A_126 = tpu.memref_slice %arg10[%add3A_119, %dma_start3A_125] : memref<10240x128xf32, #tpu.memory_space<vmem_shared>> -> memref<128x128xf32, #tpu.memory_space<vmem_shared>>
      tpu.enqueue_dma source(%dma_start3A_126 : memref<128x128xf32, #tpu.memory_space<vmem_shared>>) target(%arg8 : memref<128x128xf32, #tpu.memory_space<vmem>>) target_semaphore(%run_scoped3A_122 : memref<!tpu.dma_semaphore, #tpu.memory_space<semaphore_mem>>)
      %dma_wait3A_127 = arith.constant 0 : i32
      %dma_wait3A_128 = tpu.memref_slice %arg10[%add3A_119, %dma_wait3A_127] : memref<10240x128xf32, #tpu.memory_space<vmem_shared>> -> memref<128x128xf32, #tpu.memory_space<vmem_shared>>
      %dma_wait3A_129 = arith.constant 0 : i32
      %dma_wait3A_130 = tpu.memref_slice %arg10[%add3A_119, %dma_wait3A_129] : memref<10240x128xf32, #tpu.memory_space<vmem_shared>> -> memref<128x128xf32, #tpu.memory_space<vmem_shared>>
      tpu.wait_dma2 semaphore(%run_scoped3A_122 : memref<!tpu.dma_semaphore, #tpu.memory_space<semaphore_mem>>) src(%dma_wait3A_130 : memref<128x128xf32, #tpu.memory_space<vmem_shared>>) dst(%arg8 : memref<128x128xf32, #tpu.memory_space<vmem>>)
      tpu.yield
    }) : () -> ()
    %add3A_120 = arith.constant 512 : i32
    %add3A_121 = arith.addi %add3A_101, %add3A_120 : i32
    "tpu.region"() ({
      %run_scoped3A_122 = tpu.sem_alloc : memref<!tpu.dma_semaphore, #tpu.memory_space<semaphore_mem>>
      %dma_start3A_123 = arith.constant 0 : i32
      %dma_start3A_124 = tpu.memref_slice %arg5[%add3A_121, %dma_start3A_123] : memref<20480x128xf32, #tpu.memory_space<hbm>> -> memref<128x128xf32, #tpu.memory_space<hbm>>
      %dma_start3A_125 = arith.constant 0 : i32
      %dma_start3A_126 = tpu.memref_slice %arg5[%add3A_121, %dma_start3A_125] : memref<20480x128xf32, #tpu.memory_space<hbm>> -> memref<128x128xf32, #tpu.memory_space<hbm>>
      tpu.enqueue_dma source(%arg8 : memref<128x128xf32, #tpu.memory_space<vmem>>) target(%dma_start3A_126 : memref<128x128xf32, #tpu.memory_space<hbm>>) target_semaphore(%run_scoped3A_122 : memref<!tpu.dma_semaphore, #tpu.memory_space<semaphore_mem>>)
      %dma_wait3A_127 = arith.constant 0 : i32
      %dma_wait3A_128 = tpu.memref_slice %arg5[%add3A_121, %dma_wait3A_127] : memref<20480x128xf32, #tpu.memory_space<hbm>> -> memref<128x128xf32, #tpu.memory_space<hbm>>
      %dma_wait3A_129 = arith.constant 0 : i32
      %dma_wait3A_130 = tpu.memref_slice %arg5[%add3A_121, %dma_wait3A_129] : memref<20480x128xf32, #tpu.memory_space<hbm>> -> memref<128x128xf32, #tpu.memory_space<hbm>>
      tpu.wait_dma2 semaphore(%run_scoped3A_122 : memref<!tpu.dma_semaphore, #tpu.memory_space<semaphore_mem>>) src(%arg8 : memref<128x128xf32, #tpu.memory_space<vmem>>) dst(%dma_wait3A_130 : memref<128x128xf32, #tpu.memory_space<hbm>>)
      tpu.yield
    }) : () -> ()
    return
  }
}

#map = affine_map<(d0, d1) -> (0, 0)>
module attributes {stable_mosaic.version = 14 : i64} {
  func.func @_sc_aggregate(%arg0: i32, %arg1: i32, %arg2: memref<10240x128xf32, #tpu.memory_space<hbm>>, %arg3: memref<2560x128xi32, #tpu.memory_space<hbm>>, %arg4: memref<2560x128xi32, #tpu.memory_space<hbm>>, %arg5: memref<20480x128xf32, #tpu.memory_space<hbm>>, %arg6: memref<40x128xi32, #tpu.memory_space<vmem>>, %arg7: memref<40x128xi32, #tpu.memory_space<vmem>>, %arg8: memref<128x128xf32, #tpu.memory_space<vmem>>, %arg9: memref<128x128xf32, #tpu.memory_space<vmem>>, %arg10: memref<10240x128xf32, #tpu.memory_space<vmem_shared>>, %arg11: memref<!tpu.dma_semaphore, #tpu.memory_space<semaphore_mem>>, %arg12: memref<!tpu.dma_semaphore, #tpu.memory_space<semaphore_mem>>) attributes {dimension_semantics = [#tpu.dimension_semantics<core_parallel>, #tpu.dimension_semantics<subcore_parallel>], iteration_bounds = array<i64: 2, 16>, scalar_prefetch = 0 : i64, scratch_operands = 7 : i64, tpu.core_type = #tpu.core_type<sc_vector_subcore>, window_params = [{transform_indices = #map}, {transform_indices = #map}, {transform_indices = #map}, {transform_indices = #map}]} {
    %mul3A = arith.constant 2 : i32
    %mul3A_0 = arith.muli %arg1, %mul3A : i32
    %add3A = arith.addi %mul3A_0, %arg0 : i32
    %scan3A = arith.constant 0 : i32
    %scan3A_1 = arith.constant 0 : i32
    %scan3A_2 = arith.constant 1024 : i32
    %scan3A_3 = arith.addi %scan3A_1, %scan3A_2 : i32
    %scan3A_4 = arith.constant 1 : i32
    %scan3A_5 = scf.for %scan3A_122 = %scan3A_1 to %scan3A_3 step %scan3A_4 iter_args(%scan3A_123 = %scan3A) -> (i32)  : i32 {
      %jit3A = arith.constant 8 : i32
      %div3A = arith.divsi %scan3A_122, %jit3A : i32
      %sign3A = arith.constant 0 : i32
      %sign3A_124 = arith.cmpi sgt, %scan3A_122, %sign3A : i32
      %sign3A_125 = arith.extui %sign3A_124 : i1 to i32
      %sign3A_126 = arith.constant 0 : i32
      %sign3A_127 = arith.cmpi slt, %scan3A_122, %sign3A_126 : i32
      %sign3A_128 = arith.extui %sign3A_127 : i1 to i32
      %sign3A_129 = arith.subi %sign3A_125, %sign3A_128 : i32
      %sign3A_130 = arith.constant 0 : i32
      %sign3A_131 = arith.cmpi sgt, %jit3A, %sign3A_130 : i32
      %sign3A_132 = arith.extui %sign3A_131 : i1 to i32
      %sign3A_133 = arith.constant 0 : i32
      %sign3A_134 = arith.cmpi slt, %jit3A, %sign3A_133 : i32
      %sign3A_135 = arith.extui %sign3A_134 : i1 to i32
      %sign3A_136 = arith.subi %sign3A_132, %sign3A_135 : i32
      %ne3A = arith.cmpi ne, %sign3A_129, %sign3A_136 : i32
      %rem3A = arith.remsi %scan3A_122, %jit3A : i32
      %ne3A_137 = arith.constant 0 : i32
      %ne3A_138 = arith.cmpi ne, %rem3A, %ne3A_137 : i32
      %and3A = arith.andi %ne3A, %ne3A_138 : i1
      %sub3A = arith.constant 1 : i32
      %sub3A_139 = arith.subi %div3A, %sub3A : i32
      %select_n3A = arith.select %and3A, %sub3A_139, %div3A : i32
      %jit3A_140 = arith.constant 8 : i32
      %eq3A = arith.constant 0 : i32
      %eq3A_141 = arith.cmpi eq, %jit3A_140, %eq3A : i32
      %jit3A_142 = arith.constant 1 : i32
      %select_n3A_143 = arith.select %eq3A_141, %jit3A_142, %jit3A_140 : i32
      %rem3A_144 = arith.remsi %scan3A_122, %select_n3A_143 : i32
      %ne3A_145 = arith.constant 0 : i32
      %ne3A_146 = arith.cmpi ne, %rem3A_144, %ne3A_145 : i32
      %lt3A = arith.constant 0 : i32
      %lt3A_147 = arith.cmpi slt, %rem3A_144, %lt3A : i32
      %lt3A_148 = arith.constant 0 : i32
      %lt3A_149 = arith.cmpi slt, %select_n3A_143, %lt3A_148 : i32
      %ne3A_150 = arith.xori %lt3A_147, %lt3A_149 : i1
      %and3A_151 = arith.andi %ne3A_150, %ne3A_146 : i1
      %add3A_152 = arith.addi %rem3A_144, %select_n3A_143 : i32
      %select_n3A_153 = arith.select %and3A_151, %add3A_152, %rem3A_144 : i32
      %mul3A_154 = arith.constant 16 : i32
      %mul3A_155 = arith.muli %select_n3A_153, %mul3A_154 : i32
      %broadcast_in_dim3A = arith.constant 0.000000e+00 : f32
      %broadcast_in_dim3A_156 = vector.broadcast %broadcast_in_dim3A : f32 to vector<16xf32>
      %swap3A = arith.index_cast %select_n3A : i32 to index
      %swap3A_157 = arith.index_cast %mul3A_155 : i32 to index
      %swap3A_158 = tpu.vector_load %arg8[%swap3A, %swap3A_157] {strides = array<i32>} : memref<128x128xf32, #tpu.memory_space<vmem>>, vector<1x16xf32>,
      %swap3A_159 = vector.shape_cast %swap3A_158 : vector<1x16xf32> to vector<16xf32>
      %swap3A_160 = vector.shape_cast %broadcast_in_dim3A_156 : vector<16xf32> to vector<1x16xf32>
      tpu.vector_store %arg8[%swap3A, %swap3A_157], %swap3A_160 {strides = array<i32>} : memref<128x128xf32, #tpu.memory_space<vmem>>, vector<1x16xf32>,
      %scan3A_161 = arith.constant 0 : i32
      scf.yield %scan3A_161 : i32
    }
    %scan3A_6 = arith.constant 1024 : i32
    %mul3A_7 = arith.constant 640 : i32
    %mul3A_8 = arith.muli %arg1, %mul3A_7 : i32
    %add3A_9 = arith.constant 0 : i32
    %add3A_10 = arith.addi %mul3A_8, %add3A_9 : i32
    "tpu.region"() ({
      %run_scoped3A_122 = tpu.sem_alloc : memref<!tpu.dma_semaphore, #tpu.memory_space<semaphore_mem>>
      %dma_start3A_123 = arith.constant 0 : i32
      %dma_start3A_124 = tpu.memref_slice %arg10[%add3A_10, %dma_start3A_123] : memref<10240x128xf32, #tpu.memory_space<vmem_shared>> -> memref<128x128xf32, #tpu.memory_space<vmem_shared>>
      %dma_start3A_125 = arith.constant 0 : i32
      %dma_start3A_126 = tpu.memref_slice %arg10[%add3A_10, %dma_start3A_125] : memref<10240x128xf32, #tpu.memory_space<vmem_shared>> -> memref<128x128xf32, #tpu.memory_space<vmem_shared>>
      tpu.enqueue_dma source(%arg8 : memref<128x128xf32, #tpu.memory_space<vmem>>) target(%dma_start3A_126 : memref<128x128xf32, #tpu.memory_space<vmem_shared>>) target_semaphore(%run_scoped3A_122 : memref<!tpu.dma_semaphore, #tpu.memory_space<semaphore_mem>>)
      %dma_wait3A_127 = arith.constant 0 : i32
      %dma_wait3A_128 = tpu.memref_slice %arg10[%add3A_10, %dma_wait3A_127] : memref<10240x128xf32, #tpu.memory_space<vmem_shared>> -> memref<128x128xf32, #tpu.memory_space<vmem_shared>>
      %dma_wait3A_129 = arith.constant 0 : i32
      %dma_wait3A_130 = tpu.memref_slice %arg10[%add3A_10, %dma_wait3A_129] : memref<10240x128xf32, #tpu.memory_space<vmem_shared>> -> memref<128x128xf32, #tpu.memory_space<vmem_shared>>
      tpu.wait_dma2 semaphore(%run_scoped3A_122 : memref<!tpu.dma_semaphore, #tpu.memory_space<semaphore_mem>>) src(%arg8 : memref<128x128xf32, #tpu.memory_space<vmem>>) dst(%dma_wait3A_130 : memref<128x128xf32, #tpu.memory_space<vmem_shared>>)
      tpu.yield
    }) : () -> ()
    %add3A_11 = arith.constant 128 : i32
    %add3A_12 = arith.addi %mul3A_8, %add3A_11 : i32
    "tpu.region"() ({
      %run_scoped3A_122 = tpu.sem_alloc : memref<!tpu.dma_semaphore, #tpu.memory_space<semaphore_mem>>
      %dma_start3A_123 = arith.constant 0 : i32
      %dma_start3A_124 = tpu.memref_slice %arg10[%add3A_12, %dma_start3A_123] : memref<10240x128xf32, #tpu.memory_space<vmem_shared>> -> memref<128x128xf32, #tpu.memory_space<vmem_shared>>
      %dma_start3A_125 = arith.constant 0 : i32
      %dma_start3A_126 = tpu.memref_slice %arg10[%add3A_12, %dma_start3A_125] : memref<10240x128xf32, #tpu.memory_space<vmem_shared>> -> memref<128x128xf32, #tpu.memory_space<vmem_shared>>
      tpu.enqueue_dma source(%arg8 : memref<128x128xf32, #tpu.memory_space<vmem>>) target(%dma_start3A_126 : memref<128x128xf32, #tpu.memory_space<vmem_shared>>) target_semaphore(%run_scoped3A_122 : memref<!tpu.dma_semaphore, #tpu.memory_space<semaphore_mem>>)
      %dma_wait3A_127 = arith.constant 0 : i32
      %dma_wait3A_128 = tpu.memref_slice %arg10[%add3A_12, %dma_wait3A_127] : memref<10240x128xf32, #tpu.memory_space<vmem_shared>> -> memref<128x128xf32, #tpu.memory_space<vmem_shared>>
      %dma_wait3A_129 = arith.constant 0 : i32
      %dma_wait3A_130 = tpu.memref_slice %arg10[%add3A_12, %dma_wait3A_129] : memref<10240x128xf32, #tpu.memory_space<vmem_shared>> -> memref<128x128xf32, #tpu.memory_space<vmem_shared>>
      tpu.wait_dma2 semaphore(%run_scoped3A_122 : memref<!tpu.dma_semaphore, #tpu.memory_space<semaphore_mem>>) src(%arg8 : memref<128x128xf32, #tpu.memory_space<vmem>>) dst(%dma_wait3A_130 : memref<128x128xf32, #tpu.memory_space<vmem_shared>>)
      tpu.yield
    }) : () -> ()
    %add3A_13 = arith.constant 256 : i32
    %add3A_14 = arith.addi %mul3A_8, %add3A_13 : i32
    "tpu.region"() ({
      %run_scoped3A_122 = tpu.sem_alloc : memref<!tpu.dma_semaphore, #tpu.memory_space<semaphore_mem>>
      %dma_start3A_123 = arith.constant 0 : i32
      %dma_start3A_124 = tpu.memref_slice %arg10[%add3A_14, %dma_start3A_123] : memref<10240x128xf32, #tpu.memory_space<vmem_shared>> -> memref<128x128xf32, #tpu.memory_space<vmem_shared>>
      %dma_start3A_125 = arith.constant 0 : i32
      %dma_start3A_126 = tpu.memref_slice %arg10[%add3A_14, %dma_start3A_125] : memref<10240x128xf32, #tpu.memory_space<vmem_shared>> -> memref<128x128xf32, #tpu.memory_space<vmem_shared>>
      tpu.enqueue_dma source(%arg8 : memref<128x128xf32, #tpu.memory_space<vmem>>) target(%dma_start3A_126 : memref<128x128xf32, #tpu.memory_space<vmem_shared>>) target_semaphore(%run_scoped3A_122 : memref<!tpu.dma_semaphore, #tpu.memory_space<semaphore_mem>>)
      %dma_wait3A_127 = arith.constant 0 : i32
      %dma_wait3A_128 = tpu.memref_slice %arg10[%add3A_14, %dma_wait3A_127] : memref<10240x128xf32, #tpu.memory_space<vmem_shared>> -> memref<128x128xf32, #tpu.memory_space<vmem_shared>>
      %dma_wait3A_129 = arith.constant 0 : i32
      %dma_wait3A_130 = tpu.memref_slice %arg10[%add3A_14, %dma_wait3A_129] : memref<10240x128xf32, #tpu.memory_space<vmem_shared>> -> memref<128x128xf32, #tpu.memory_space<vmem_shared>>
      tpu.wait_dma2 semaphore(%run_scoped3A_122 : memref<!tpu.dma_semaphore, #tpu.memory_space<semaphore_mem>>) src(%arg8 : memref<128x128xf32, #tpu.memory_space<vmem>>) dst(%dma_wait3A_130 : memref<128x128xf32, #tpu.memory_space<vmem_shared>>)
      tpu.yield
    }) : () -> ()
    %add3A_15 = arith.constant 384 : i32
    %add3A_16 = arith.addi %mul3A_8, %add3A_15 : i32
    "tpu.region"() ({
      %run_scoped3A_122 = tpu.sem_alloc : memref<!tpu.dma_semaphore, #tpu.memory_space<semaphore_mem>>
      %dma_start3A_123 = arith.constant 0 : i32
      %dma_start3A_124 = tpu.memref_slice %arg10[%add3A_16, %dma_start3A_123] : memref<10240x128xf32, #tpu.memory_space<vmem_shared>> -> memref<128x128xf32, #tpu.memory_space<vmem_shared>>
      %dma_start3A_125 = arith.constant 0 : i32
      %dma_start3A_126 = tpu.memref_slice %arg10[%add3A_16, %dma_start3A_125] : memref<10240x128xf32, #tpu.memory_space<vmem_shared>> -> memref<128x128xf32, #tpu.memory_space<vmem_shared>>
      tpu.enqueue_dma source(%arg8 : memref<128x128xf32, #tpu.memory_space<vmem>>) target(%dma_start3A_126 : memref<128x128xf32, #tpu.memory_space<vmem_shared>>) target_semaphore(%run_scoped3A_122 : memref<!tpu.dma_semaphore, #tpu.memory_space<semaphore_mem>>)
      %dma_wait3A_127 = arith.constant 0 : i32
      %dma_wait3A_128 = tpu.memref_slice %arg10[%add3A_16, %dma_wait3A_127] : memref<10240x128xf32, #tpu.memory_space<vmem_shared>> -> memref<128x128xf32, #tpu.memory_space<vmem_shared>>
      %dma_wait3A_129 = arith.constant 0 : i32
      %dma_wait3A_130 = tpu.memref_slice %arg10[%add3A_16, %dma_wait3A_129] : memref<10240x128xf32, #tpu.memory_space<vmem_shared>> -> memref<128x128xf32, #tpu.memory_space<vmem_shared>>
      tpu.wait_dma2 semaphore(%run_scoped3A_122 : memref<!tpu.dma_semaphore, #tpu.memory_space<semaphore_mem>>) src(%arg8 : memref<128x128xf32, #tpu.memory_space<vmem>>) dst(%dma_wait3A_130 : memref<128x128xf32, #tpu.memory_space<vmem_shared>>)
      tpu.yield
    }) : () -> ()
    %add3A_17 = arith.constant 512 : i32
    %add3A_18 = arith.addi %mul3A_8, %add3A_17 : i32
    "tpu.region"() ({
      %run_scoped3A_122 = tpu.sem_alloc : memref<!tpu.dma_semaphore, #tpu.memory_space<semaphore_mem>>
      %dma_start3A_123 = arith.constant 0 : i32
      %dma_start3A_124 = tpu.memref_slice %arg10[%add3A_18, %dma_start3A_123] : memref<10240x128xf32, #tpu.memory_space<vmem_shared>> -> memref<128x128xf32, #tpu.memory_space<vmem_shared>>
      %dma_start3A_125 = arith.constant 0 : i32
      %dma_start3A_126 = tpu.memref_slice %arg10[%add3A_18, %dma_start3A_125] : memref<10240x128xf32, #tpu.memory_space<vmem_shared>> -> memref<128x128xf32, #tpu.memory_space<vmem_shared>>
      tpu.enqueue_dma source(%arg8 : memref<128x128xf32, #tpu.memory_space<vmem>>) target(%dma_start3A_126 : memref<128x128xf32, #tpu.memory_space<vmem_shared>>) target_semaphore(%run_scoped3A_122 : memref<!tpu.dma_semaphore, #tpu.memory_space<semaphore_mem>>)
      %dma_wait3A_127 = arith.constant 0 : i32
      %dma_wait3A_128 = tpu.memref_slice %arg10[%add3A_18, %dma_wait3A_127] : memref<10240x128xf32, #tpu.memory_space<vmem_shared>> -> memref<128x128xf32, #tpu.memory_space<vmem_shared>>
      %dma_wait3A_129 = arith.constant 0 : i32
      %dma_wait3A_130 = tpu.memref_slice %arg10[%add3A_18, %dma_wait3A_129] : memref<10240x128xf32, #tpu.memory_space<vmem_shared>> -> memref<128x128xf32, #tpu.memory_space<vmem_shared>>
      tpu.wait_dma2 semaphore(%run_scoped3A_122 : memref<!tpu.dma_semaphore, #tpu.memory_space<semaphore_mem>>) src(%arg8 : memref<128x128xf32, #tpu.memory_space<vmem>>) dst(%dma_wait3A_130 : memref<128x128xf32, #tpu.memory_space<vmem_shared>>)
      tpu.yield
    }) : () -> ()
    %barrier3A = arith.constant 0 : index
    tpu.barrier barrier_id(%barrier3A)
    %mul3A_19 = arith.constant 80 : i32
    %mul3A_20 = arith.muli %add3A, %mul3A_19 : i32
    %add3A_21 = arith.constant 0 : i32
    %add3A_22 = arith.addi %mul3A_20, %add3A_21 : i32
    "tpu.region"() ({
      %run_scoped3A_122 = tpu.sem_alloc : memref<!tpu.dma_semaphore, #tpu.memory_space<semaphore_mem>>
      %dma_start3A_123 = arith.constant 0 : i32
      %dma_start3A_124 = tpu.memref_slice %arg3[%add3A_22, %dma_start3A_123] : memref<2560x128xi32, #tpu.memory_space<hbm>> -> memref<40x128xi32, #tpu.memory_space<hbm>>
      %dma_start3A_125 = arith.constant 0 : i32
      %dma_start3A_126 = tpu.memref_slice %arg3[%add3A_22, %dma_start3A_125] : memref<2560x128xi32, #tpu.memory_space<hbm>> -> memref<40x128xi32, #tpu.memory_space<hbm>>
      tpu.enqueue_dma source(%dma_start3A_126 : memref<40x128xi32, #tpu.memory_space<hbm>>) target(%arg6 : memref<40x128xi32, #tpu.memory_space<vmem>>) target_semaphore(%run_scoped3A_122 : memref<!tpu.dma_semaphore, #tpu.memory_space<semaphore_mem>>)
      %dma_wait3A_127 = arith.constant 0 : i32
      %dma_wait3A_128 = tpu.memref_slice %arg3[%add3A_22, %dma_wait3A_127] : memref<2560x128xi32, #tpu.memory_space<hbm>> -> memref<40x128xi32, #tpu.memory_space<hbm>>
      %dma_wait3A_129 = arith.constant 0 : i32
      %dma_wait3A_130 = tpu.memref_slice %arg3[%add3A_22, %dma_wait3A_129] : memref<2560x128xi32, #tpu.memory_space<hbm>> -> memref<40x128xi32, #tpu.memory_space<hbm>>
      tpu.wait_dma2 semaphore(%run_scoped3A_122 : memref<!tpu.dma_semaphore, #tpu.memory_space<semaphore_mem>>) src(%dma_wait3A_130 : memref<40x128xi32, #tpu.memory_space<hbm>>) dst(%arg6 : memref<40x128xi32, #tpu.memory_space<vmem>>)
      tpu.yield
    }) : () -> ()
    "tpu.region"() ({
      %run_scoped3A_122 = tpu.sem_alloc : memref<!tpu.dma_semaphore, #tpu.memory_space<semaphore_mem>>
      %dma_start3A_123 = arith.constant 0 : i32
      %dma_start3A_124 = tpu.memref_slice %arg4[%add3A_22, %dma_start3A_123] : memref<2560x128xi32, #tpu.memory_space<hbm>> -> memref<40x128xi32, #tpu.memory_space<hbm>>
      %dma_start3A_125 = arith.constant 0 : i32
      %dma_start3A_126 = tpu.memref_slice %arg4[%add3A_22, %dma_start3A_125] : memref<2560x128xi32, #tpu.memory_space<hbm>> -> memref<40x128xi32, #tpu.memory_space<hbm>>
      tpu.enqueue_dma source(%dma_start3A_126 : memref<40x128xi32, #tpu.memory_space<hbm>>) target(%arg7 : memref<40x128xi32, #tpu.memory_space<vmem>>) target_semaphore(%run_scoped3A_122 : memref<!tpu.dma_semaphore, #tpu.memory_space<semaphore_mem>>)
      %dma_wait3A_127 = arith.constant 0 : i32
      %dma_wait3A_128 = tpu.memref_slice %arg4[%add3A_22, %dma_wait3A_127] : memref<2560x128xi32, #tpu.memory_space<hbm>> -> memref<40x128xi32, #tpu.memory_space<hbm>>
      %dma_wait3A_129 = arith.constant 0 : i32
      %dma_wait3A_130 = tpu.memref_slice %arg4[%add3A_22, %dma_wait3A_129] : memref<2560x128xi32, #tpu.memory_space<hbm>> -> memref<40x128xi32, #tpu.memory_space<hbm>>
      tpu.wait_dma2 semaphore(%run_scoped3A_122 : memref<!tpu.dma_semaphore, #tpu.memory_space<semaphore_mem>>) src(%dma_wait3A_130 : memref<40x128xi32, #tpu.memory_space<hbm>>) dst(%arg7 : memref<40x128xi32, #tpu.memory_space<vmem>>)
      tpu.yield
    }) : () -> ()
    %dma_start3A = arith.constant 0 : i32
    %dma_start3A_23 = arith.constant 0 : i32
    %dma_start3A_24 = tpu.memref_slice %arg6[%dma_start3A, %dma_start3A_23] : memref<40x128xi32, #tpu.memory_space<vmem>> -> memref<1x128xi32, #tpu.memory_space<vmem>>
    %dma_start3A_25 = tpu.memref_squeeze %dma_start3A_24 : memref<1x128xi32, #tpu.memory_space<vmem>> -> memref<128xi32, #tpu.memory_space<vmem>>
    %dma_start3A_26 = arith.constant 0 : i32
    %dma_start3A_27 = arith.constant 0 : i32
    %dma_start3A_28 = tpu.memref_slice %arg2[%dma_start3A_26, %dma_start3A_27] : memref<10240x128xf32, #tpu.memory_space<hbm>> -> memref<10240x128xf32, #tpu.memory_space<hbm>>
    tpu.enqueue_indirect_dma source(%dma_start3A_28 : memref<10240x128xf32, #tpu.memory_space<hbm>>) target(%arg8 : memref<128x128xf32, #tpu.memory_space<vmem>>) offsets(%dma_start3A_25 : memref<128xi32, #tpu.memory_space<vmem>>) semaphore(%arg11 : memref<!tpu.dma_semaphore, #tpu.memory_space<semaphore_mem>>)
    %dma_start3A_29 = arith.constant 1 : i32
    %dma_start3A_30 = arith.constant 0 : i32
    %dma_start3A_31 = tpu.memref_slice %arg6[%dma_start3A_29, %dma_start3A_30] : memref<40x128xi32, #tpu.memory_space<vmem>> -> memref<1x128xi32, #tpu.memory_space<vmem>>
    %dma_start3A_32 = tpu.memref_squeeze %dma_start3A_31 : memref<1x128xi32, #tpu.memory_space<vmem>> -> memref<128xi32, #tpu.memory_space<vmem>>
    %dma_start3A_33 = arith.constant 0 : i32
    %dma_start3A_34 = arith.constant 0 : i32
    %dma_start3A_35 = tpu.memref_slice %arg2[%dma_start3A_33, %dma_start3A_34] : memref<10240x128xf32, #tpu.memory_space<hbm>> -> memref<10240x128xf32, #tpu.memory_space<hbm>>
    tpu.enqueue_indirect_dma source(%dma_start3A_35 : memref<10240x128xf32, #tpu.memory_space<hbm>>) target(%arg9 : memref<128x128xf32, #tpu.memory_space<vmem>>) offsets(%dma_start3A_32 : memref<128xi32, #tpu.memory_space<vmem>>) semaphore(%arg12 : memref<!tpu.dma_semaphore, #tpu.memory_space<semaphore_mem>>)
    %scan3A_36 = arith.constant 0 : i32
    %scan3A_37 = arith.constant 0 : i32
    %scan3A_38 = arith.constant 19 : i32
    %scan3A_39 = arith.addi %scan3A_37, %scan3A_38 : i32
    %scan3A_40 = arith.constant 1 : i32
    %scan3A_41 = scf.for %scan3A_122 = %scan3A_37 to %scan3A_39 step %scan3A_40 iter_args(%scan3A_123 = %scan3A_36) -> (i32)  : i32 {
      %mul3A_124 = arith.constant 2 : i32
      %mul3A_125 = arith.muli %scan3A_122, %mul3A_124 : i32
      %add3A_126 = arith.constant 0 : i32
      %add3A_127 = arith.addi %mul3A_125, %add3A_126 : i32
      %dma_wait3A_128 = arith.constant 0 : i32
      %dma_wait3A_129 = tpu.memref_slice %arg6[%add3A_127, %dma_wait3A_128] : memref<40x128xi32, #tpu.memory_space<vmem>> -> memref<1x128xi32, #tpu.memory_space<vmem>>
      %dma_wait3A_130 = tpu.memref_squeeze %dma_wait3A_129 : memref<1x128xi32, #tpu.memory_space<vmem>> -> memref<128xi32, #tpu.memory_space<vmem>>
      %dma_wait3A_131 = arith.constant 0 : i32
      %dma_wait3A_132 = arith.constant 0 : i32
      %dma_wait3A_133 = tpu.memref_slice %arg2[%dma_wait3A_131, %dma_wait3A_132] : memref<10240x128xf32, #tpu.memory_space<hbm>> -> memref<10240x128xf32, #tpu.memory_space<hbm>>
      tpu.wait_indirect_dma semaphore(%arg11 : memref<!tpu.dma_semaphore, #tpu.memory_space<semaphore_mem>>) src(%dma_wait3A_133 : memref<10240x128xf32, #tpu.memory_space<hbm>>) dst(%arg8 : memref<128x128xf32, #tpu.memory_space<vmem>>)
      "tpu.region"() ({
        %run_scoped3A_161 = tpu.sem_alloc : memref<!tpu.dma_semaphore, #tpu.memory_space<semaphore_mem>>
        %dma_start3A_162 = arith.constant 0 : i32
        %dma_start3A_163 = tpu.memref_slice %arg7[%add3A_127, %dma_start3A_162] : memref<40x128xi32, #tpu.memory_space<vmem>> -> memref<1x128xi32, #tpu.memory_space<vmem>>
        %dma_start3A_164 = tpu.memref_squeeze %dma_start3A_163 : memref<1x128xi32, #tpu.memory_space<vmem>> -> memref<128xi32, #tpu.memory_space<vmem>>
        %dma_start3A_165 = arith.constant 0 : i32
        %dma_start3A_166 = arith.constant 0 : i32
        %dma_start3A_167 = tpu.memref_slice %arg10[%dma_start3A_165, %dma_start3A_166] : memref<10240x128xf32, #tpu.memory_space<vmem_shared>> -> memref<10240x128xf32, #tpu.memory_space<vmem_shared>>
        tpu.enqueue_indirect_dma source(%arg8 : memref<128x128xf32, #tpu.memory_space<vmem>>) target(%dma_start3A_167 : memref<10240x128xf32, #tpu.memory_space<vmem_shared>>) offsets(%dma_start3A_164 : memref<128xi32, #tpu.memory_space<vmem>>) semaphore(%run_scoped3A_161 : memref<!tpu.dma_semaphore, #tpu.memory_space<semaphore_mem>>) {add = true}
        %dma_wait3A_168 = arith.constant 0 : i32
        %dma_wait3A_169 = tpu.memref_slice %arg7[%add3A_127, %dma_wait3A_168] : memref<40x128xi32, #tpu.memory_space<vmem>> -> memref<1x128xi32, #tpu.memory_space<vmem>>
        %dma_wait3A_170 = tpu.memref_squeeze %dma_wait3A_169 : memref<1x128xi32, #tpu.memory_space<vmem>> -> memref<128xi32, #tpu.memory_space<vmem>>
        %dma_wait3A_171 = arith.constant 0 : i32
        %dma_wait3A_172 = arith.constant 0 : i32
        %dma_wait3A_173 = tpu.memref_slice %arg10[%dma_wait3A_171, %dma_wait3A_172] : memref<10240x128xf32, #tpu.memory_space<vmem_shared>> -> memref<10240x128xf32, #tpu.memory_space<vmem_shared>>
        tpu.wait_indirect_dma semaphore(%run_scoped3A_161 : memref<!tpu.dma_semaphore, #tpu.memory_space<semaphore_mem>>) src(%arg8 : memref<128x128xf32, #tpu.memory_space<vmem>>) dst(%dma_wait3A_173 : memref<10240x128xf32, #tpu.memory_space<vmem_shared>>)
        tpu.yield
      }) : () -> ()
      %add3A_134 = arith.constant 2 : i32
      %add3A_135 = arith.addi %add3A_127, %add3A_134 : i32
      %dma_start3A_136 = arith.constant 0 : i32
      %dma_start3A_137 = tpu.memref_slice %arg6[%add3A_135, %dma_start3A_136] : memref<40x128xi32, #tpu.memory_space<vmem>> -> memref<1x128xi32, #tpu.memory_space<vmem>>
      %dma_start3A_138 = tpu.memref_squeeze %dma_start3A_137 : memref<1x128xi32, #tpu.memory_space<vmem>> -> memref<128xi32, #tpu.memory_space<vmem>>
      %dma_start3A_139 = arith.constant 0 : i32
      %dma_start3A_140 = arith.constant 0 : i32
      %dma_start3A_141 = tpu.memref_slice %arg2[%dma_start3A_139, %dma_start3A_140] : memref<10240x128xf32, #tpu.memory_space<hbm>> -> memref<10240x128xf32, #tpu.memory_space<hbm>>
      tpu.enqueue_indirect_dma source(%dma_start3A_141 : memref<10240x128xf32, #tpu.memory_space<hbm>>) target(%arg8 : memref<128x128xf32, #tpu.memory_space<vmem>>) offsets(%dma_start3A_138 : memref<128xi32, #tpu.memory_space<vmem>>) semaphore(%arg11 : memref<!tpu.dma_semaphore, #tpu.memory_space<semaphore_mem>>)
      %mul3A_142 = arith.constant 2 : i32
      %mul3A_143 = arith.muli %scan3A_122, %mul3A_142 : i32
      %add3A_144 = arith.constant 1 : i32
      %add3A_145 = arith.addi %mul3A_143, %add3A_144 : i32
      %dma_wait3A_146 = arith.constant 0 : i32
      %dma_wait3A_147 = tpu.memref_slice %arg6[%add3A_145, %dma_wait3A_146] : memref<40x128xi32, #tpu.memory_space<vmem>> -> memref<1x128xi32, #tpu.memory_space<vmem>>
      %dma_wait3A_148 = tpu.memref_squeeze %dma_wait3A_147 : memref<1x128xi32, #tpu.memory_space<vmem>> -> memref<128xi32, #tpu.memory_space<vmem>>
      %dma_wait3A_149 = arith.constant 0 : i32
      %dma_wait3A_150 = arith.constant 0 : i32
      %dma_wait3A_151 = tpu.memref_slice %arg2[%dma_wait3A_149, %dma_wait3A_150] : memref<10240x128xf32, #tpu.memory_space<hbm>> -> memref<10240x128xf32, #tpu.memory_space<hbm>>
      tpu.wait_indirect_dma semaphore(%arg12 : memref<!tpu.dma_semaphore, #tpu.memory_space<semaphore_mem>>) src(%dma_wait3A_151 : memref<10240x128xf32, #tpu.memory_space<hbm>>) dst(%arg9 : memref<128x128xf32, #tpu.memory_space<vmem>>)
      "tpu.region"() ({
        %run_scoped3A_161 = tpu.sem_alloc : memref<!tpu.dma_semaphore, #tpu.memory_space<semaphore_mem>>
        %dma_start3A_162 = arith.constant 0 : i32
        %dma_start3A_163 = tpu.memref_slice %arg7[%add3A_145, %dma_start3A_162] : memref<40x128xi32, #tpu.memory_space<vmem>> -> memref<1x128xi32, #tpu.memory_space<vmem>>
        %dma_start3A_164 = tpu.memref_squeeze %dma_start3A_163 : memref<1x128xi32, #tpu.memory_space<vmem>> -> memref<128xi32, #tpu.memory_space<vmem>>
        %dma_start3A_165 = arith.constant 0 : i32
        %dma_start3A_166 = arith.constant 0 : i32
        %dma_start3A_167 = tpu.memref_slice %arg10[%dma_start3A_165, %dma_start3A_166] : memref<10240x128xf32, #tpu.memory_space<vmem_shared>> -> memref<10240x128xf32, #tpu.memory_space<vmem_shared>>
        tpu.enqueue_indirect_dma source(%arg9 : memref<128x128xf32, #tpu.memory_space<vmem>>) target(%dma_start3A_167 : memref<10240x128xf32, #tpu.memory_space<vmem_shared>>) offsets(%dma_start3A_164 : memref<128xi32, #tpu.memory_space<vmem>>) semaphore(%run_scoped3A_161 : memref<!tpu.dma_semaphore, #tpu.memory_space<semaphore_mem>>) {add = true}
        %dma_wait3A_168 = arith.constant 0 : i32
        %dma_wait3A_169 = tpu.memref_slice %arg7[%add3A_145, %dma_wait3A_168] : memref<40x128xi32, #tpu.memory_space<vmem>> -> memref<1x128xi32, #tpu.memory_space<vmem>>
        %dma_wait3A_170 = tpu.memref_squeeze %dma_wait3A_169 : memref<1x128xi32, #tpu.memory_space<vmem>> -> memref<128xi32, #tpu.memory_space<vmem>>
        %dma_wait3A_171 = arith.constant 0 : i32
        %dma_wait3A_172 = arith.constant 0 : i32
        %dma_wait3A_173 = tpu.memref_slice %arg10[%dma_wait3A_171, %dma_wait3A_172] : memref<10240x128xf32, #tpu.memory_space<vmem_shared>> -> memref<10240x128xf32, #tpu.memory_space<vmem_shared>>
        tpu.wait_indirect_dma semaphore(%run_scoped3A_161 : memref<!tpu.dma_semaphore, #tpu.memory_space<semaphore_mem>>) src(%arg9 : memref<128x128xf32, #tpu.memory_space<vmem>>) dst(%dma_wait3A_173 : memref<10240x128xf32, #tpu.memory_space<vmem_shared>>)
        tpu.yield
      }) : () -> ()
      %add3A_152 = arith.constant 2 : i32
      %add3A_153 = arith.addi %add3A_145, %add3A_152 : i32
      %dma_start3A_154 = arith.constant 0 : i32
      %dma_start3A_155 = tpu.memref_slice %arg6[%add3A_153, %dma_start3A_154] : memref<40x128xi32, #tpu.memory_space<vmem>> -> memref<1x128xi32, #tpu.memory_space<vmem>>
      %dma_start3A_156 = tpu.memref_squeeze %dma_start3A_155 : memref<1x128xi32, #tpu.memory_space<vmem>> -> memref<128xi32, #tpu.memory_space<vmem>>
      %dma_start3A_157 = arith.constant 0 : i32
      %dma_start3A_158 = arith.constant 0 : i32
      %dma_start3A_159 = tpu.memref_slice %arg2[%dma_start3A_157, %dma_start3A_158] : memref<10240x128xf32, #tpu.memory_space<hbm>> -> memref<10240x128xf32, #tpu.memory_space<hbm>>
      tpu.enqueue_indirect_dma source(%dma_start3A_159 : memref<10240x128xf32, #tpu.memory_space<hbm>>) target(%arg9 : memref<128x128xf32, #tpu.memory_space<vmem>>) offsets(%dma_start3A_156 : memref<128xi32, #tpu.memory_space<vmem>>) semaphore(%arg12 : memref<!tpu.dma_semaphore, #tpu.memory_space<semaphore_mem>>)
      %scan3A_160 = arith.constant 0 : i32
      scf.yield %scan3A_160 : i32
    }
    %scan3A_42 = arith.constant 19 : i32
    %dma_wait3A = arith.constant 38 : i32
    %dma_wait3A_43 = arith.constant 0 : i32
    %dma_wait3A_44 = tpu.memref_slice %arg6[%dma_wait3A, %dma_wait3A_43] : memref<40x128xi32, #tpu.memory_space<vmem>> -> memref<1x128xi32, #tpu.memory_space<vmem>>
    %dma_wait3A_45 = tpu.memref_squeeze %dma_wait3A_44 : memref<1x128xi32, #tpu.memory_space<vmem>> -> memref<128xi32, #tpu.memory_space<vmem>>
    %dma_wait3A_46 = arith.constant 0 : i32
    %dma_wait3A_47 = arith.constant 0 : i32
    %dma_wait3A_48 = tpu.memref_slice %arg2[%dma_wait3A_46, %dma_wait3A_47] : memref<10240x128xf32, #tpu.memory_space<hbm>> -> memref<10240x128xf32, #tpu.memory_space<hbm>>
    tpu.wait_indirect_dma semaphore(%arg11 : memref<!tpu.dma_semaphore, #tpu.memory_space<semaphore_mem>>) src(%dma_wait3A_48 : memref<10240x128xf32, #tpu.memory_space<hbm>>) dst(%arg8 : memref<128x128xf32, #tpu.memory_space<vmem>>)
    %run_scoped3A = arith.constant 38 : i32
    "tpu.region"() ({
      %run_scoped3A_122 = tpu.sem_alloc : memref<!tpu.dma_semaphore, #tpu.memory_space<semaphore_mem>>
      %dma_start3A_123 = arith.constant 0 : i32
      %dma_start3A_124 = tpu.memref_slice %arg7[%run_scoped3A, %dma_start3A_123] : memref<40x128xi32, #tpu.memory_space<vmem>> -> memref<1x128xi32, #tpu.memory_space<vmem>>
      %dma_start3A_125 = tpu.memref_squeeze %dma_start3A_124 : memref<1x128xi32, #tpu.memory_space<vmem>> -> memref<128xi32, #tpu.memory_space<vmem>>
      %dma_start3A_126 = arith.constant 0 : i32
      %dma_start3A_127 = arith.constant 0 : i32
      %dma_start3A_128 = tpu.memref_slice %arg10[%dma_start3A_126, %dma_start3A_127] : memref<10240x128xf32, #tpu.memory_space<vmem_shared>> -> memref<10240x128xf32, #tpu.memory_space<vmem_shared>>
      tpu.enqueue_indirect_dma source(%arg8 : memref<128x128xf32, #tpu.memory_space<vmem>>) target(%dma_start3A_128 : memref<10240x128xf32, #tpu.memory_space<vmem_shared>>) offsets(%dma_start3A_125 : memref<128xi32, #tpu.memory_space<vmem>>) semaphore(%run_scoped3A_122 : memref<!tpu.dma_semaphore, #tpu.memory_space<semaphore_mem>>) {add = true}
      %dma_wait3A_129 = arith.constant 0 : i32
      %dma_wait3A_130 = tpu.memref_slice %arg7[%run_scoped3A, %dma_wait3A_129] : memref<40x128xi32, #tpu.memory_space<vmem>> -> memref<1x128xi32, #tpu.memory_space<vmem>>
      %dma_wait3A_131 = tpu.memref_squeeze %dma_wait3A_130 : memref<1x128xi32, #tpu.memory_space<vmem>> -> memref<128xi32, #tpu.memory_space<vmem>>
      %dma_wait3A_132 = arith.constant 0 : i32
      %dma_wait3A_133 = arith.constant 0 : i32
      %dma_wait3A_134 = tpu.memref_slice %arg10[%dma_wait3A_132, %dma_wait3A_133] : memref<10240x128xf32, #tpu.memory_space<vmem_shared>> -> memref<10240x128xf32, #tpu.memory_space<vmem_shared>>
      tpu.wait_indirect_dma semaphore(%run_scoped3A_122 : memref<!tpu.dma_semaphore, #tpu.memory_space<semaphore_mem>>) src(%arg8 : memref<128x128xf32, #tpu.memory_space<vmem>>) dst(%dma_wait3A_134 : memref<10240x128xf32, #tpu.memory_space<vmem_shared>>)
      tpu.yield
    }) : () -> ()
    %dma_wait3A_49 = arith.constant 39 : i32
    %dma_wait3A_50 = arith.constant 0 : i32
    %dma_wait3A_51 = tpu.memref_slice %arg6[%dma_wait3A_49, %dma_wait3A_50] : memref<40x128xi32, #tpu.memory_space<vmem>> -> memref<1x128xi32, #tpu.memory_space<vmem>>
    %dma_wait3A_52 = tpu.memref_squeeze %dma_wait3A_51 : memref<1x128xi32, #tpu.memory_space<vmem>> -> memref<128xi32, #tpu.memory_space<vmem>>
    %dma_wait3A_53 = arith.constant 0 : i32
    %dma_wait3A_54 = arith.constant 0 : i32
    %dma_wait3A_55 = tpu.memref_slice %arg2[%dma_wait3A_53, %dma_wait3A_54] : memref<10240x128xf32, #tpu.memory_space<hbm>> -> memref<10240x128xf32, #tpu.memory_space<hbm>>
    tpu.wait_indirect_dma semaphore(%arg12 : memref<!tpu.dma_semaphore, #tpu.memory_space<semaphore_mem>>) src(%dma_wait3A_55 : memref<10240x128xf32, #tpu.memory_space<hbm>>) dst(%arg9 : memref<128x128xf32, #tpu.memory_space<vmem>>)
    %run_scoped3A_56 = arith.constant 39 : i32
    "tpu.region"() ({
      %run_scoped3A_122 = tpu.sem_alloc : memref<!tpu.dma_semaphore, #tpu.memory_space<semaphore_mem>>
      %dma_start3A_123 = arith.constant 0 : i32
      %dma_start3A_124 = tpu.memref_slice %arg7[%run_scoped3A_56, %dma_start3A_123] : memref<40x128xi32, #tpu.memory_space<vmem>> -> memref<1x128xi32, #tpu.memory_space<vmem>>
      %dma_start3A_125 = tpu.memref_squeeze %dma_start3A_124 : memref<1x128xi32, #tpu.memory_space<vmem>> -> memref<128xi32, #tpu.memory_space<vmem>>
      %dma_start3A_126 = arith.constant 0 : i32
      %dma_start3A_127 = arith.constant 0 : i32
      %dma_start3A_128 = tpu.memref_slice %arg10[%dma_start3A_126, %dma_start3A_127] : memref<10240x128xf32, #tpu.memory_space<vmem_shared>> -> memref<10240x128xf32, #tpu.memory_space<vmem_shared>>
      tpu.enqueue_indirect_dma source(%arg9 : memref<128x128xf32, #tpu.memory_space<vmem>>) target(%dma_start3A_128 : memref<10240x128xf32, #tpu.memory_space<vmem_shared>>) offsets(%dma_start3A_125 : memref<128xi32, #tpu.memory_space<vmem>>) semaphore(%run_scoped3A_122 : memref<!tpu.dma_semaphore, #tpu.memory_space<semaphore_mem>>) {add = true}
      %dma_wait3A_129 = arith.constant 0 : i32
      %dma_wait3A_130 = tpu.memref_slice %arg7[%run_scoped3A_56, %dma_wait3A_129] : memref<40x128xi32, #tpu.memory_space<vmem>> -> memref<1x128xi32, #tpu.memory_space<vmem>>
      %dma_wait3A_131 = tpu.memref_squeeze %dma_wait3A_130 : memref<1x128xi32, #tpu.memory_space<vmem>> -> memref<128xi32, #tpu.memory_space<vmem>>
      %dma_wait3A_132 = arith.constant 0 : i32
      %dma_wait3A_133 = arith.constant 0 : i32
      %dma_wait3A_134 = tpu.memref_slice %arg10[%dma_wait3A_132, %dma_wait3A_133] : memref<10240x128xf32, #tpu.memory_space<vmem_shared>> -> memref<10240x128xf32, #tpu.memory_space<vmem_shared>>
      tpu.wait_indirect_dma semaphore(%run_scoped3A_122 : memref<!tpu.dma_semaphore, #tpu.memory_space<semaphore_mem>>) src(%arg9 : memref<128x128xf32, #tpu.memory_space<vmem>>) dst(%dma_wait3A_134 : memref<10240x128xf32, #tpu.memory_space<vmem_shared>>)
      tpu.yield
    }) : () -> ()
    %mul3A_57 = arith.constant 80 : i32
    %mul3A_58 = arith.muli %add3A, %mul3A_57 : i32
    %add3A_59 = arith.constant 40 : i32
    %add3A_60 = arith.addi %mul3A_58, %add3A_59 : i32
    "tpu.region"() ({
      %run_scoped3A_122 = tpu.sem_alloc : memref<!tpu.dma_semaphore, #tpu.memory_space<semaphore_mem>>
      %dma_start3A_123 = arith.constant 0 : i32
      %dma_start3A_124 = tpu.memref_slice %arg3[%add3A_60, %dma_start3A_123] : memref<2560x128xi32, #tpu.memory_space<hbm>> -> memref<40x128xi32, #tpu.memory_space<hbm>>
      %dma_start3A_125 = arith.constant 0 : i32
      %dma_start3A_126 = tpu.memref_slice %arg3[%add3A_60, %dma_start3A_125] : memref<2560x128xi32, #tpu.memory_space<hbm>> -> memref<40x128xi32, #tpu.memory_space<hbm>>
      tpu.enqueue_dma source(%dma_start3A_126 : memref<40x128xi32, #tpu.memory_space<hbm>>) target(%arg6 : memref<40x128xi32, #tpu.memory_space<vmem>>) target_semaphore(%run_scoped3A_122 : memref<!tpu.dma_semaphore, #tpu.memory_space<semaphore_mem>>)
      %dma_wait3A_127 = arith.constant 0 : i32
      %dma_wait3A_128 = tpu.memref_slice %arg3[%add3A_60, %dma_wait3A_127] : memref<2560x128xi32, #tpu.memory_space<hbm>> -> memref<40x128xi32, #tpu.memory_space<hbm>>
      %dma_wait3A_129 = arith.constant 0 : i32
      %dma_wait3A_130 = tpu.memref_slice %arg3[%add3A_60, %dma_wait3A_129] : memref<2560x128xi32, #tpu.memory_space<hbm>> -> memref<40x128xi32, #tpu.memory_space<hbm>>
      tpu.wait_dma2 semaphore(%run_scoped3A_122 : memref<!tpu.dma_semaphore, #tpu.memory_space<semaphore_mem>>) src(%dma_wait3A_130 : memref<40x128xi32, #tpu.memory_space<hbm>>) dst(%arg6 : memref<40x128xi32, #tpu.memory_space<vmem>>)
      tpu.yield
    }) : () -> ()
    "tpu.region"() ({
      %run_scoped3A_122 = tpu.sem_alloc : memref<!tpu.dma_semaphore, #tpu.memory_space<semaphore_mem>>
      %dma_start3A_123 = arith.constant 0 : i32
      %dma_start3A_124 = tpu.memref_slice %arg4[%add3A_60, %dma_start3A_123] : memref<2560x128xi32, #tpu.memory_space<hbm>> -> memref<40x128xi32, #tpu.memory_space<hbm>>
      %dma_start3A_125 = arith.constant 0 : i32
      %dma_start3A_126 = tpu.memref_slice %arg4[%add3A_60, %dma_start3A_125] : memref<2560x128xi32, #tpu.memory_space<hbm>> -> memref<40x128xi32, #tpu.memory_space<hbm>>
      tpu.enqueue_dma source(%dma_start3A_126 : memref<40x128xi32, #tpu.memory_space<hbm>>) target(%arg7 : memref<40x128xi32, #tpu.memory_space<vmem>>) target_semaphore(%run_scoped3A_122 : memref<!tpu.dma_semaphore, #tpu.memory_space<semaphore_mem>>)
      %dma_wait3A_127 = arith.constant 0 : i32
      %dma_wait3A_128 = tpu.memref_slice %arg4[%add3A_60, %dma_wait3A_127] : memref<2560x128xi32, #tpu.memory_space<hbm>> -> memref<40x128xi32, #tpu.memory_space<hbm>>
      %dma_wait3A_129 = arith.constant 0 : i32
      %dma_wait3A_130 = tpu.memref_slice %arg4[%add3A_60, %dma_wait3A_129] : memref<2560x128xi32, #tpu.memory_space<hbm>> -> memref<40x128xi32, #tpu.memory_space<hbm>>
      tpu.wait_dma2 semaphore(%run_scoped3A_122 : memref<!tpu.dma_semaphore, #tpu.memory_space<semaphore_mem>>) src(%dma_wait3A_130 : memref<40x128xi32, #tpu.memory_space<hbm>>) dst(%arg7 : memref<40x128xi32, #tpu.memory_space<vmem>>)
      tpu.yield
    }) : () -> ()
    %dma_start3A_61 = arith.constant 0 : i32
    %dma_start3A_62 = arith.constant 0 : i32
    %dma_start3A_63 = tpu.memref_slice %arg6[%dma_start3A_61, %dma_start3A_62] : memref<40x128xi32, #tpu.memory_space<vmem>> -> memref<1x128xi32, #tpu.memory_space<vmem>>
    %dma_start3A_64 = tpu.memref_squeeze %dma_start3A_63 : memref<1x128xi32, #tpu.memory_space<vmem>> -> memref<128xi32, #tpu.memory_space<vmem>>
    %dma_start3A_65 = arith.constant 0 : i32
    %dma_start3A_66 = arith.constant 0 : i32
    %dma_start3A_67 = tpu.memref_slice %arg2[%dma_start3A_65, %dma_start3A_66] : memref<10240x128xf32, #tpu.memory_space<hbm>> -> memref<10240x128xf32, #tpu.memory_space<hbm>>
    tpu.enqueue_indirect_dma source(%dma_start3A_67 : memref<10240x128xf32, #tpu.memory_space<hbm>>) target(%arg8 : memref<128x128xf32, #tpu.memory_space<vmem>>) offsets(%dma_start3A_64 : memref<128xi32, #tpu.memory_space<vmem>>) semaphore(%arg11 : memref<!tpu.dma_semaphore, #tpu.memory_space<semaphore_mem>>)
    %dma_start3A_68 = arith.constant 1 : i32
    %dma_start3A_69 = arith.constant 0 : i32
    %dma_start3A_70 = tpu.memref_slice %arg6[%dma_start3A_68, %dma_start3A_69] : memref<40x128xi32, #tpu.memory_space<vmem>> -> memref<1x128xi32, #tpu.memory_space<vmem>>
    %dma_start3A_71 = tpu.memref_squeeze %dma_start3A_70 : memref<1x128xi32, #tpu.memory_space<vmem>> -> memref<128xi32, #tpu.memory_space<vmem>>
    %dma_start3A_72 = arith.constant 0 : i32
    %dma_start3A_73 = arith.constant 0 : i32
    %dma_start3A_74 = tpu.memref_slice %arg2[%dma_start3A_72, %dma_start3A_73] : memref<10240x128xf32, #tpu.memory_space<hbm>> -> memref<10240x128xf32, #tpu.memory_space<hbm>>
    tpu.enqueue_indirect_dma source(%dma_start3A_74 : memref<10240x128xf32, #tpu.memory_space<hbm>>) target(%arg9 : memref<128x128xf32, #tpu.memory_space<vmem>>) offsets(%dma_start3A_71 : memref<128xi32, #tpu.memory_space<vmem>>) semaphore(%arg12 : memref<!tpu.dma_semaphore, #tpu.memory_space<semaphore_mem>>)
    %scan3A_75 = arith.constant 0 : i32
    %scan3A_76 = arith.constant 0 : i32
    %scan3A_77 = arith.constant 19 : i32
    %scan3A_78 = arith.addi %scan3A_76, %scan3A_77 : i32
    %scan3A_79 = arith.constant 1 : i32
    %scan3A_80 = scf.for %scan3A_122 = %scan3A_76 to %scan3A_78 step %scan3A_79 iter_args(%scan3A_123 = %scan3A_75) -> (i32)  : i32 {
      %mul3A_124 = arith.constant 2 : i32
      %mul3A_125 = arith.muli %scan3A_122, %mul3A_124 : i32
      %add3A_126 = arith.constant 0 : i32
      %add3A_127 = arith.addi %mul3A_125, %add3A_126 : i32
      %dma_wait3A_128 = arith.constant 0 : i32
      %dma_wait3A_129 = tpu.memref_slice %arg6[%add3A_127, %dma_wait3A_128] : memref<40x128xi32, #tpu.memory_space<vmem>> -> memref<1x128xi32, #tpu.memory_space<vmem>>
      %dma_wait3A_130 = tpu.memref_squeeze %dma_wait3A_129 : memref<1x128xi32, #tpu.memory_space<vmem>> -> memref<128xi32, #tpu.memory_space<vmem>>
      %dma_wait3A_131 = arith.constant 0 : i32
      %dma_wait3A_132 = arith.constant 0 : i32
      %dma_wait3A_133 = tpu.memref_slice %arg2[%dma_wait3A_131, %dma_wait3A_132] : memref<10240x128xf32, #tpu.memory_space<hbm>> -> memref<10240x128xf32, #tpu.memory_space<hbm>>
      tpu.wait_indirect_dma semaphore(%arg11 : memref<!tpu.dma_semaphore, #tpu.memory_space<semaphore_mem>>) src(%dma_wait3A_133 : memref<10240x128xf32, #tpu.memory_space<hbm>>) dst(%arg8 : memref<128x128xf32, #tpu.memory_space<vmem>>)
      "tpu.region"() ({
        %run_scoped3A_161 = tpu.sem_alloc : memref<!tpu.dma_semaphore, #tpu.memory_space<semaphore_mem>>
        %dma_start3A_162 = arith.constant 0 : i32
        %dma_start3A_163 = tpu.memref_slice %arg7[%add3A_127, %dma_start3A_162] : memref<40x128xi32, #tpu.memory_space<vmem>> -> memref<1x128xi32, #tpu.memory_space<vmem>>
        %dma_start3A_164 = tpu.memref_squeeze %dma_start3A_163 : memref<1x128xi32, #tpu.memory_space<vmem>> -> memref<128xi32, #tpu.memory_space<vmem>>
        %dma_start3A_165 = arith.constant 0 : i32
        %dma_start3A_166 = arith.constant 0 : i32
        %dma_start3A_167 = tpu.memref_slice %arg10[%dma_start3A_165, %dma_start3A_166] : memref<10240x128xf32, #tpu.memory_space<vmem_shared>> -> memref<10240x128xf32, #tpu.memory_space<vmem_shared>>
        tpu.enqueue_indirect_dma source(%arg8 : memref<128x128xf32, #tpu.memory_space<vmem>>) target(%dma_start3A_167 : memref<10240x128xf32, #tpu.memory_space<vmem_shared>>) offsets(%dma_start3A_164 : memref<128xi32, #tpu.memory_space<vmem>>) semaphore(%run_scoped3A_161 : memref<!tpu.dma_semaphore, #tpu.memory_space<semaphore_mem>>) {add = true}
        %dma_wait3A_168 = arith.constant 0 : i32
        %dma_wait3A_169 = tpu.memref_slice %arg7[%add3A_127, %dma_wait3A_168] : memref<40x128xi32, #tpu.memory_space<vmem>> -> memref<1x128xi32, #tpu.memory_space<vmem>>
        %dma_wait3A_170 = tpu.memref_squeeze %dma_wait3A_169 : memref<1x128xi32, #tpu.memory_space<vmem>> -> memref<128xi32, #tpu.memory_space<vmem>>
        %dma_wait3A_171 = arith.constant 0 : i32
        %dma_wait3A_172 = arith.constant 0 : i32
        %dma_wait3A_173 = tpu.memref_slice %arg10[%dma_wait3A_171, %dma_wait3A_172] : memref<10240x128xf32, #tpu.memory_space<vmem_shared>> -> memref<10240x128xf32, #tpu.memory_space<vmem_shared>>
        tpu.wait_indirect_dma semaphore(%run_scoped3A_161 : memref<!tpu.dma_semaphore, #tpu.memory_space<semaphore_mem>>) src(%arg8 : memref<128x128xf32, #tpu.memory_space<vmem>>) dst(%dma_wait3A_173 : memref<10240x128xf32, #tpu.memory_space<vmem_shared>>)
        tpu.yield
      }) : () -> ()
      %add3A_134 = arith.constant 2 : i32
      %add3A_135 = arith.addi %add3A_127, %add3A_134 : i32
      %dma_start3A_136 = arith.constant 0 : i32
      %dma_start3A_137 = tpu.memref_slice %arg6[%add3A_135, %dma_start3A_136] : memref<40x128xi32, #tpu.memory_space<vmem>> -> memref<1x128xi32, #tpu.memory_space<vmem>>
      %dma_start3A_138 = tpu.memref_squeeze %dma_start3A_137 : memref<1x128xi32, #tpu.memory_space<vmem>> -> memref<128xi32, #tpu.memory_space<vmem>>
      %dma_start3A_139 = arith.constant 0 : i32
      %dma_start3A_140 = arith.constant 0 : i32
      %dma_start3A_141 = tpu.memref_slice %arg2[%dma_start3A_139, %dma_start3A_140] : memref<10240x128xf32, #tpu.memory_space<hbm>> -> memref<10240x128xf32, #tpu.memory_space<hbm>>
      tpu.enqueue_indirect_dma source(%dma_start3A_141 : memref<10240x128xf32, #tpu.memory_space<hbm>>) target(%arg8 : memref<128x128xf32, #tpu.memory_space<vmem>>) offsets(%dma_start3A_138 : memref<128xi32, #tpu.memory_space<vmem>>) semaphore(%arg11 : memref<!tpu.dma_semaphore, #tpu.memory_space<semaphore_mem>>)
      %mul3A_142 = arith.constant 2 : i32
      %mul3A_143 = arith.muli %scan3A_122, %mul3A_142 : i32
      %add3A_144 = arith.constant 1 : i32
      %add3A_145 = arith.addi %mul3A_143, %add3A_144 : i32
      %dma_wait3A_146 = arith.constant 0 : i32
      %dma_wait3A_147 = tpu.memref_slice %arg6[%add3A_145, %dma_wait3A_146] : memref<40x128xi32, #tpu.memory_space<vmem>> -> memref<1x128xi32, #tpu.memory_space<vmem>>
      %dma_wait3A_148 = tpu.memref_squeeze %dma_wait3A_147 : memref<1x128xi32, #tpu.memory_space<vmem>> -> memref<128xi32, #tpu.memory_space<vmem>>
      %dma_wait3A_149 = arith.constant 0 : i32
      %dma_wait3A_150 = arith.constant 0 : i32
      %dma_wait3A_151 = tpu.memref_slice %arg2[%dma_wait3A_149, %dma_wait3A_150] : memref<10240x128xf32, #tpu.memory_space<hbm>> -> memref<10240x128xf32, #tpu.memory_space<hbm>>
      tpu.wait_indirect_dma semaphore(%arg12 : memref<!tpu.dma_semaphore, #tpu.memory_space<semaphore_mem>>) src(%dma_wait3A_151 : memref<10240x128xf32, #tpu.memory_space<hbm>>) dst(%arg9 : memref<128x128xf32, #tpu.memory_space<vmem>>)
      "tpu.region"() ({
        %run_scoped3A_161 = tpu.sem_alloc : memref<!tpu.dma_semaphore, #tpu.memory_space<semaphore_mem>>
        %dma_start3A_162 = arith.constant 0 : i32
        %dma_start3A_163 = tpu.memref_slice %arg7[%add3A_145, %dma_start3A_162] : memref<40x128xi32, #tpu.memory_space<vmem>> -> memref<1x128xi32, #tpu.memory_space<vmem>>
        %dma_start3A_164 = tpu.memref_squeeze %dma_start3A_163 : memref<1x128xi32, #tpu.memory_space<vmem>> -> memref<128xi32, #tpu.memory_space<vmem>>
        %dma_start3A_165 = arith.constant 0 : i32
        %dma_start3A_166 = arith.constant 0 : i32
        %dma_start3A_167 = tpu.memref_slice %arg10[%dma_start3A_165, %dma_start3A_166] : memref<10240x128xf32, #tpu.memory_space<vmem_shared>> -> memref<10240x128xf32, #tpu.memory_space<vmem_shared>>
        tpu.enqueue_indirect_dma source(%arg9 : memref<128x128xf32, #tpu.memory_space<vmem>>) target(%dma_start3A_167 : memref<10240x128xf32, #tpu.memory_space<vmem_shared>>) offsets(%dma_start3A_164 : memref<128xi32, #tpu.memory_space<vmem>>) semaphore(%run_scoped3A_161 : memref<!tpu.dma_semaphore, #tpu.memory_space<semaphore_mem>>) {add = true}
        %dma_wait3A_168 = arith.constant 0 : i32
        %dma_wait3A_169 = tpu.memref_slice %arg7[%add3A_145, %dma_wait3A_168] : memref<40x128xi32, #tpu.memory_space<vmem>> -> memref<1x128xi32, #tpu.memory_space<vmem>>
        %dma_wait3A_170 = tpu.memref_squeeze %dma_wait3A_169 : memref<1x128xi32, #tpu.memory_space<vmem>> -> memref<128xi32, #tpu.memory_space<vmem>>
        %dma_wait3A_171 = arith.constant 0 : i32
        %dma_wait3A_172 = arith.constant 0 : i32
        %dma_wait3A_173 = tpu.memref_slice %arg10[%dma_wait3A_171, %dma_wait3A_172] : memref<10240x128xf32, #tpu.memory_space<vmem_shared>> -> memref<10240x128xf32, #tpu.memory_space<vmem_shared>>
        tpu.wait_indirect_dma semaphore(%run_scoped3A_161 : memref<!tpu.dma_semaphore, #tpu.memory_space<semaphore_mem>>) src(%arg9 : memref<128x128xf32, #tpu.memory_space<vmem>>) dst(%dma_wait3A_173 : memref<10240x128xf32, #tpu.memory_space<vmem_shared>>)
        tpu.yield
      }) : () -> ()
      %add3A_152 = arith.constant 2 : i32
      %add3A_153 = arith.addi %add3A_145, %add3A_152 : i32
      %dma_start3A_154 = arith.constant 0 : i32
      %dma_start3A_155 = tpu.memref_slice %arg6[%add3A_153, %dma_start3A_154] : memref<40x128xi32, #tpu.memory_space<vmem>> -> memref<1x128xi32, #tpu.memory_space<vmem>>
      %dma_start3A_156 = tpu.memref_squeeze %dma_start3A_155 : memref<1x128xi32, #tpu.memory_space<vmem>> -> memref<128xi32, #tpu.memory_space<vmem>>
      %dma_start3A_157 = arith.constant 0 : i32
      %dma_start3A_158 = arith.constant 0 : i32
      %dma_start3A_159 = tpu.memref_slice %arg2[%dma_start3A_157, %dma_start3A_158] : memref<10240x128xf32, #tpu.memory_space<hbm>> -> memref<10240x128xf32, #tpu.memory_space<hbm>>
      tpu.enqueue_indirect_dma source(%dma_start3A_159 : memref<10240x128xf32, #tpu.memory_space<hbm>>) target(%arg9 : memref<128x128xf32, #tpu.memory_space<vmem>>) offsets(%dma_start3A_156 : memref<128xi32, #tpu.memory_space<vmem>>) semaphore(%arg12 : memref<!tpu.dma_semaphore, #tpu.memory_space<semaphore_mem>>)
      %scan3A_160 = arith.constant 0 : i32
      scf.yield %scan3A_160 : i32
    }
    %scan3A_81 = arith.constant 19 : i32
    %dma_wait3A_82 = arith.constant 38 : i32
    %dma_wait3A_83 = arith.constant 0 : i32
    %dma_wait3A_84 = tpu.memref_slice %arg6[%dma_wait3A_82, %dma_wait3A_83] : memref<40x128xi32, #tpu.memory_space<vmem>> -> memref<1x128xi32, #tpu.memory_space<vmem>>
    %dma_wait3A_85 = tpu.memref_squeeze %dma_wait3A_84 : memref<1x128xi32, #tpu.memory_space<vmem>> -> memref<128xi32, #tpu.memory_space<vmem>>
    %dma_wait3A_86 = arith.constant 0 : i32
    %dma_wait3A_87 = arith.constant 0 : i32
    %dma_wait3A_88 = tpu.memref_slice %arg2[%dma_wait3A_86, %dma_wait3A_87] : memref<10240x128xf32, #tpu.memory_space<hbm>> -> memref<10240x128xf32, #tpu.memory_space<hbm>>
    tpu.wait_indirect_dma semaphore(%arg11 : memref<!tpu.dma_semaphore, #tpu.memory_space<semaphore_mem>>) src(%dma_wait3A_88 : memref<10240x128xf32, #tpu.memory_space<hbm>>) dst(%arg8 : memref<128x128xf32, #tpu.memory_space<vmem>>)
    %run_scoped3A_89 = arith.constant 38 : i32
    "tpu.region"() ({
      %run_scoped3A_122 = tpu.sem_alloc : memref<!tpu.dma_semaphore, #tpu.memory_space<semaphore_mem>>
      %dma_start3A_123 = arith.constant 0 : i32
      %dma_start3A_124 = tpu.memref_slice %arg7[%run_scoped3A_89, %dma_start3A_123] : memref<40x128xi32, #tpu.memory_space<vmem>> -> memref<1x128xi32, #tpu.memory_space<vmem>>
      %dma_start3A_125 = tpu.memref_squeeze %dma_start3A_124 : memref<1x128xi32, #tpu.memory_space<vmem>> -> memref<128xi32, #tpu.memory_space<vmem>>
      %dma_start3A_126 = arith.constant 0 : i32
      %dma_start3A_127 = arith.constant 0 : i32
      %dma_start3A_128 = tpu.memref_slice %arg10[%dma_start3A_126, %dma_start3A_127] : memref<10240x128xf32, #tpu.memory_space<vmem_shared>> -> memref<10240x128xf32, #tpu.memory_space<vmem_shared>>
      tpu.enqueue_indirect_dma source(%arg8 : memref<128x128xf32, #tpu.memory_space<vmem>>) target(%dma_start3A_128 : memref<10240x128xf32, #tpu.memory_space<vmem_shared>>) offsets(%dma_start3A_125 : memref<128xi32, #tpu.memory_space<vmem>>) semaphore(%run_scoped3A_122 : memref<!tpu.dma_semaphore, #tpu.memory_space<semaphore_mem>>) {add = true}
      %dma_wait3A_129 = arith.constant 0 : i32
      %dma_wait3A_130 = tpu.memref_slice %arg7[%run_scoped3A_89, %dma_wait3A_129] : memref<40x128xi32, #tpu.memory_space<vmem>> -> memref<1x128xi32, #tpu.memory_space<vmem>>
      %dma_wait3A_131 = tpu.memref_squeeze %dma_wait3A_130 : memref<1x128xi32, #tpu.memory_space<vmem>> -> memref<128xi32, #tpu.memory_space<vmem>>
      %dma_wait3A_132 = arith.constant 0 : i32
      %dma_wait3A_133 = arith.constant 0 : i32
      %dma_wait3A_134 = tpu.memref_slice %arg10[%dma_wait3A_132, %dma_wait3A_133] : memref<10240x128xf32, #tpu.memory_space<vmem_shared>> -> memref<10240x128xf32, #tpu.memory_space<vmem_shared>>
      tpu.wait_indirect_dma semaphore(%run_scoped3A_122 : memref<!tpu.dma_semaphore, #tpu.memory_space<semaphore_mem>>) src(%arg8 : memref<128x128xf32, #tpu.memory_space<vmem>>) dst(%dma_wait3A_134 : memref<10240x128xf32, #tpu.memory_space<vmem_shared>>)
      tpu.yield
    }) : () -> ()
    %dma_wait3A_90 = arith.constant 39 : i32
    %dma_wait3A_91 = arith.constant 0 : i32
    %dma_wait3A_92 = tpu.memref_slice %arg6[%dma_wait3A_90, %dma_wait3A_91] : memref<40x128xi32, #tpu.memory_space<vmem>> -> memref<1x128xi32, #tpu.memory_space<vmem>>
    %dma_wait3A_93 = tpu.memref_squeeze %dma_wait3A_92 : memref<1x128xi32, #tpu.memory_space<vmem>> -> memref<128xi32, #tpu.memory_space<vmem>>
    %dma_wait3A_94 = arith.constant 0 : i32
    %dma_wait3A_95 = arith.constant 0 : i32
    %dma_wait3A_96 = tpu.memref_slice %arg2[%dma_wait3A_94, %dma_wait3A_95] : memref<10240x128xf32, #tpu.memory_space<hbm>> -> memref<10240x128xf32, #tpu.memory_space<hbm>>
    tpu.wait_indirect_dma semaphore(%arg12 : memref<!tpu.dma_semaphore, #tpu.memory_space<semaphore_mem>>) src(%dma_wait3A_96 : memref<10240x128xf32, #tpu.memory_space<hbm>>) dst(%arg9 : memref<128x128xf32, #tpu.memory_space<vmem>>)
    %run_scoped3A_97 = arith.constant 39 : i32
    "tpu.region"() ({
      %run_scoped3A_122 = tpu.sem_alloc : memref<!tpu.dma_semaphore, #tpu.memory_space<semaphore_mem>>
      %dma_start3A_123 = arith.constant 0 : i32
      %dma_start3A_124 = tpu.memref_slice %arg7[%run_scoped3A_97, %dma_start3A_123] : memref<40x128xi32, #tpu.memory_space<vmem>> -> memref<1x128xi32, #tpu.memory_space<vmem>>
      %dma_start3A_125 = tpu.memref_squeeze %dma_start3A_124 : memref<1x128xi32, #tpu.memory_space<vmem>> -> memref<128xi32, #tpu.memory_space<vmem>>
      %dma_start3A_126 = arith.constant 0 : i32
      %dma_start3A_127 = arith.constant 0 : i32
      %dma_start3A_128 = tpu.memref_slice %arg10[%dma_start3A_126, %dma_start3A_127] : memref<10240x128xf32, #tpu.memory_space<vmem_shared>> -> memref<10240x128xf32, #tpu.memory_space<vmem_shared>>
      tpu.enqueue_indirect_dma source(%arg9 : memref<128x128xf32, #tpu.memory_space<vmem>>) target(%dma_start3A_128 : memref<10240x128xf32, #tpu.memory_space<vmem_shared>>) offsets(%dma_start3A_125 : memref<128xi32, #tpu.memory_space<vmem>>) semaphore(%run_scoped3A_122 : memref<!tpu.dma_semaphore, #tpu.memory_space<semaphore_mem>>) {add = true}
      %dma_wait3A_129 = arith.constant 0 : i32
      %dma_wait3A_130 = tpu.memref_slice %arg7[%run_scoped3A_97, %dma_wait3A_129] : memref<40x128xi32, #tpu.memory_space<vmem>> -> memref<1x128xi32, #tpu.memory_space<vmem>>
      %dma_wait3A_131 = tpu.memref_squeeze %dma_wait3A_130 : memref<1x128xi32, #tpu.memory_space<vmem>> -> memref<128xi32, #tpu.memory_space<vmem>>
      %dma_wait3A_132 = arith.constant 0 : i32
      %dma_wait3A_133 = arith.constant 0 : i32
      %dma_wait3A_134 = tpu.memref_slice %arg10[%dma_wait3A_132, %dma_wait3A_133] : memref<10240x128xf32, #tpu.memory_space<vmem_shared>> -> memref<10240x128xf32, #tpu.memory_space<vmem_shared>>
      tpu.wait_indirect_dma semaphore(%run_scoped3A_122 : memref<!tpu.dma_semaphore, #tpu.memory_space<semaphore_mem>>) src(%arg9 : memref<128x128xf32, #tpu.memory_space<vmem>>) dst(%dma_wait3A_134 : memref<10240x128xf32, #tpu.memory_space<vmem_shared>>)
      tpu.yield
    }) : () -> ()
    %barrier3A_98 = arith.constant 0 : index
    tpu.barrier barrier_id(%barrier3A_98)
    %mul3A_99 = arith.constant 10240 : i32
    %mul3A_100 = arith.muli %arg0, %mul3A_99 : i32
    %add3A_101 = arith.addi %mul3A_100, %mul3A_8 : i32
    %add3A_102 = arith.constant 0 : i32
    %add3A_103 = arith.addi %mul3A_8, %add3A_102 : i32
    "tpu.region"() ({
      %run_scoped3A_122 = tpu.sem_alloc : memref<!tpu.dma_semaphore, #tpu.memory_space<semaphore_mem>>
      %dma_start3A_123 = arith.constant 0 : i32
      %dma_start3A_124 = tpu.memref_slice %arg10[%add3A_103, %dma_start3A_123] : memref<10240x128xf32, #tpu.memory_space<vmem_shared>> -> memref<128x128xf32, #tpu.memory_space<vmem_shared>>
      %dma_start3A_125 = arith.constant 0 : i32
      %dma_start3A_126 = tpu.memref_slice %arg10[%add3A_103, %dma_start3A_125] : memref<10240x128xf32, #tpu.memory_space<vmem_shared>> -> memref<128x128xf32, #tpu.memory_space<vmem_shared>>
      tpu.enqueue_dma source(%dma_start3A_126 : memref<128x128xf32, #tpu.memory_space<vmem_shared>>) target(%arg8 : memref<128x128xf32, #tpu.memory_space<vmem>>) target_semaphore(%run_scoped3A_122 : memref<!tpu.dma_semaphore, #tpu.memory_space<semaphore_mem>>)
      %dma_wait3A_127 = arith.constant 0 : i32
      %dma_wait3A_128 = tpu.memref_slice %arg10[%add3A_103, %dma_wait3A_127] : memref<10240x128xf32, #tpu.memory_space<vmem_shared>> -> memref<128x128xf32, #tpu.memory_space<vmem_shared>>
      %dma_wait3A_129 = arith.constant 0 : i32
      %dma_wait3A_130 = tpu.memref_slice %arg10[%add3A_103, %dma_wait3A_129] : memref<10240x128xf32, #tpu.memory_space<vmem_shared>> -> memref<128x128xf32, #tpu.memory_space<vmem_shared>>
      tpu.wait_dma2 semaphore(%run_scoped3A_122 : memref<!tpu.dma_semaphore, #tpu.memory_space<semaphore_mem>>) src(%dma_wait3A_130 : memref<128x128xf32, #tpu.memory_space<vmem_shared>>) dst(%arg8 : memref<128x128xf32, #tpu.memory_space<vmem>>)
      tpu.yield
    }) : () -> ()
    %add3A_104 = arith.constant 0 : i32
    %add3A_105 = arith.addi %add3A_101, %add3A_104 : i32
    "tpu.region"() ({
      %run_scoped3A_122 = tpu.sem_alloc : memref<!tpu.dma_semaphore, #tpu.memory_space<semaphore_mem>>
      %dma_start3A_123 = arith.constant 0 : i32
      %dma_start3A_124 = tpu.memref_slice %arg5[%add3A_105, %dma_start3A_123] : memref<20480x128xf32, #tpu.memory_space<hbm>> -> memref<128x128xf32, #tpu.memory_space<hbm>>
      %dma_start3A_125 = arith.constant 0 : i32
      %dma_start3A_126 = tpu.memref_slice %arg5[%add3A_105, %dma_start3A_125] : memref<20480x128xf32, #tpu.memory_space<hbm>> -> memref<128x128xf32, #tpu.memory_space<hbm>>
      tpu.enqueue_dma source(%arg8 : memref<128x128xf32, #tpu.memory_space<vmem>>) target(%dma_start3A_126 : memref<128x128xf32, #tpu.memory_space<hbm>>) target_semaphore(%run_scoped3A_122 : memref<!tpu.dma_semaphore, #tpu.memory_space<semaphore_mem>>)
      %dma_wait3A_127 = arith.constant 0 : i32
      %dma_wait3A_128 = tpu.memref_slice %arg5[%add3A_105, %dma_wait3A_127] : memref<20480x128xf32, #tpu.memory_space<hbm>> -> memref<128x128xf32, #tpu.memory_space<hbm>>
      %dma_wait3A_129 = arith.constant 0 : i32
      %dma_wait3A_130 = tpu.memref_slice %arg5[%add3A_105, %dma_wait3A_129] : memref<20480x128xf32, #tpu.memory_space<hbm>> -> memref<128x128xf32, #tpu.memory_space<hbm>>
      tpu.wait_dma2 semaphore(%run_scoped3A_122 : memref<!tpu.dma_semaphore, #tpu.memory_space<semaphore_mem>>) src(%arg8 : memref<128x128xf32, #tpu.memory_space<vmem>>) dst(%dma_wait3A_130 : memref<128x128xf32, #tpu.memory_space<hbm>>)
      tpu.yield
    }) : () -> ()
    %add3A_106 = arith.constant 128 : i32
    %add3A_107 = arith.addi %mul3A_8, %add3A_106 : i32
    "tpu.region"() ({
      %run_scoped3A_122 = tpu.sem_alloc : memref<!tpu.dma_semaphore, #tpu.memory_space<semaphore_mem>>
      %dma_start3A_123 = arith.constant 0 : i32
      %dma_start3A_124 = tpu.memref_slice %arg10[%add3A_107, %dma_start3A_123] : memref<10240x128xf32, #tpu.memory_space<vmem_shared>> -> memref<128x128xf32, #tpu.memory_space<vmem_shared>>
      %dma_start3A_125 = arith.constant 0 : i32
      %dma_start3A_126 = tpu.memref_slice %arg10[%add3A_107, %dma_start3A_125] : memref<10240x128xf32, #tpu.memory_space<vmem_shared>> -> memref<128x128xf32, #tpu.memory_space<vmem_shared>>
      tpu.enqueue_dma source(%dma_start3A_126 : memref<128x128xf32, #tpu.memory_space<vmem_shared>>) target(%arg8 : memref<128x128xf32, #tpu.memory_space<vmem>>) target_semaphore(%run_scoped3A_122 : memref<!tpu.dma_semaphore, #tpu.memory_space<semaphore_mem>>)
      %dma_wait3A_127 = arith.constant 0 : i32
      %dma_wait3A_128 = tpu.memref_slice %arg10[%add3A_107, %dma_wait3A_127] : memref<10240x128xf32, #tpu.memory_space<vmem_shared>> -> memref<128x128xf32, #tpu.memory_space<vmem_shared>>
      %dma_wait3A_129 = arith.constant 0 : i32
      %dma_wait3A_130 = tpu.memref_slice %arg10[%add3A_107, %dma_wait3A_129] : memref<10240x128xf32, #tpu.memory_space<vmem_shared>> -> memref<128x128xf32, #tpu.memory_space<vmem_shared>>
      tpu.wait_dma2 semaphore(%run_scoped3A_122 : memref<!tpu.dma_semaphore, #tpu.memory_space<semaphore_mem>>) src(%dma_wait3A_130 : memref<128x128xf32, #tpu.memory_space<vmem_shared>>) dst(%arg8 : memref<128x128xf32, #tpu.memory_space<vmem>>)
      tpu.yield
    }) : () -> ()
    %add3A_108 = arith.constant 128 : i32
    %add3A_109 = arith.addi %add3A_101, %add3A_108 : i32
    "tpu.region"() ({
      %run_scoped3A_122 = tpu.sem_alloc : memref<!tpu.dma_semaphore, #tpu.memory_space<semaphore_mem>>
      %dma_start3A_123 = arith.constant 0 : i32
      %dma_start3A_124 = tpu.memref_slice %arg5[%add3A_109, %dma_start3A_123] : memref<20480x128xf32, #tpu.memory_space<hbm>> -> memref<128x128xf32, #tpu.memory_space<hbm>>
      %dma_start3A_125 = arith.constant 0 : i32
      %dma_start3A_126 = tpu.memref_slice %arg5[%add3A_109, %dma_start3A_125] : memref<20480x128xf32, #tpu.memory_space<hbm>> -> memref<128x128xf32, #tpu.memory_space<hbm>>
      tpu.enqueue_dma source(%arg8 : memref<128x128xf32, #tpu.memory_space<vmem>>) target(%dma_start3A_126 : memref<128x128xf32, #tpu.memory_space<hbm>>) target_semaphore(%run_scoped3A_122 : memref<!tpu.dma_semaphore, #tpu.memory_space<semaphore_mem>>)
      %dma_wait3A_127 = arith.constant 0 : i32
      %dma_wait3A_128 = tpu.memref_slice %arg5[%add3A_109, %dma_wait3A_127] : memref<20480x128xf32, #tpu.memory_space<hbm>> -> memref<128x128xf32, #tpu.memory_space<hbm>>
      %dma_wait3A_129 = arith.constant 0 : i32
      %dma_wait3A_130 = tpu.memref_slice %arg5[%add3A_109, %dma_wait3A_129] : memref<20480x128xf32, #tpu.memory_space<hbm>> -> memref<128x128xf32, #tpu.memory_space<hbm>>
      tpu.wait_dma2 semaphore(%run_scoped3A_122 : memref<!tpu.dma_semaphore, #tpu.memory_space<semaphore_mem>>) src(%arg8 : memref<128x128xf32, #tpu.memory_space<vmem>>) dst(%dma_wait3A_130 : memref<128x128xf32, #tpu.memory_space<hbm>>)
      tpu.yield
    }) : () -> ()
    %add3A_110 = arith.constant 256 : i32
    %add3A_111 = arith.addi %mul3A_8, %add3A_110 : i32
    "tpu.region"() ({
      %run_scoped3A_122 = tpu.sem_alloc : memref<!tpu.dma_semaphore, #tpu.memory_space<semaphore_mem>>
      %dma_start3A_123 = arith.constant 0 : i32
      %dma_start3A_124 = tpu.memref_slice %arg10[%add3A_111, %dma_start3A_123] : memref<10240x128xf32, #tpu.memory_space<vmem_shared>> -> memref<128x128xf32, #tpu.memory_space<vmem_shared>>
      %dma_start3A_125 = arith.constant 0 : i32
      %dma_start3A_126 = tpu.memref_slice %arg10[%add3A_111, %dma_start3A_125] : memref<10240x128xf32, #tpu.memory_space<vmem_shared>> -> memref<128x128xf32, #tpu.memory_space<vmem_shared>>
      tpu.enqueue_dma source(%dma_start3A_126 : memref<128x128xf32, #tpu.memory_space<vmem_shared>>) target(%arg8 : memref<128x128xf32, #tpu.memory_space<vmem>>) target_semaphore(%run_scoped3A_122 : memref<!tpu.dma_semaphore, #tpu.memory_space<semaphore_mem>>)
      %dma_wait3A_127 = arith.constant 0 : i32
      %dma_wait3A_128 = tpu.memref_slice %arg10[%add3A_111, %dma_wait3A_127] : memref<10240x128xf32, #tpu.memory_space<vmem_shared>> -> memref<128x128xf32, #tpu.memory_space<vmem_shared>>
      %dma_wait3A_129 = arith.constant 0 : i32
      %dma_wait3A_130 = tpu.memref_slice %arg10[%add3A_111, %dma_wait3A_129] : memref<10240x128xf32, #tpu.memory_space<vmem_shared>> -> memref<128x128xf32, #tpu.memory_space<vmem_shared>>
      tpu.wait_dma2 semaphore(%run_scoped3A_122 : memref<!tpu.dma_semaphore, #tpu.memory_space<semaphore_mem>>) src(%dma_wait3A_130 : memref<128x128xf32, #tpu.memory_space<vmem_shared>>) dst(%arg8 : memref<128x128xf32, #tpu.memory_space<vmem>>)
      tpu.yield
    }) : () -> ()
    %add3A_112 = arith.constant 256 : i32
    %add3A_113 = arith.addi %add3A_101, %add3A_112 : i32
    "tpu.region"() ({
      %run_scoped3A_122 = tpu.sem_alloc : memref<!tpu.dma_semaphore, #tpu.memory_space<semaphore_mem>>
      %dma_start3A_123 = arith.constant 0 : i32
      %dma_start3A_124 = tpu.memref_slice %arg5[%add3A_113, %dma_start3A_123] : memref<20480x128xf32, #tpu.memory_space<hbm>> -> memref<128x128xf32, #tpu.memory_space<hbm>>
      %dma_start3A_125 = arith.constant 0 : i32
      %dma_start3A_126 = tpu.memref_slice %arg5[%add3A_113, %dma_start3A_125] : memref<20480x128xf32, #tpu.memory_space<hbm>> -> memref<128x128xf32, #tpu.memory_space<hbm>>
      tpu.enqueue_dma source(%arg8 : memref<128x128xf32, #tpu.memory_space<vmem>>) target(%dma_start3A_126 : memref<128x128xf32, #tpu.memory_space<hbm>>) target_semaphore(%run_scoped3A_122 : memref<!tpu.dma_semaphore, #tpu.memory_space<semaphore_mem>>)
      %dma_wait3A_127 = arith.constant 0 : i32
      %dma_wait3A_128 = tpu.memref_slice %arg5[%add3A_113, %dma_wait3A_127] : memref<20480x128xf32, #tpu.memory_space<hbm>> -> memref<128x128xf32, #tpu.memory_space<hbm>>
      %dma_wait3A_129 = arith.constant 0 : i32
      %dma_wait3A_130 = tpu.memref_slice %arg5[%add3A_113, %dma_wait3A_129] : memref<20480x128xf32, #tpu.memory_space<hbm>> -> memref<128x128xf32, #tpu.memory_space<hbm>>
      tpu.wait_dma2 semaphore(%run_scoped3A_122 : memref<!tpu.dma_semaphore, #tpu.memory_space<semaphore_mem>>) src(%arg8 : memref<128x128xf32, #tpu.memory_space<vmem>>) dst(%dma_wait3A_130 : memref<128x128xf32, #tpu.memory_space<hbm>>)
      tpu.yield
    }) : () -> ()
    %add3A_114 = arith.constant 384 : i32
    %add3A_115 = arith.addi %mul3A_8, %add3A_114 : i32
    "tpu.region"() ({
      %run_scoped3A_122 = tpu.sem_alloc : memref<!tpu.dma_semaphore, #tpu.memory_space<semaphore_mem>>
      %dma_start3A_123 = arith.constant 0 : i32
      %dma_start3A_124 = tpu.memref_slice %arg10[%add3A_115, %dma_start3A_123] : memref<10240x128xf32, #tpu.memory_space<vmem_shared>> -> memref<128x128xf32, #tpu.memory_space<vmem_shared>>
      %dma_start3A_125 = arith.constant 0 : i32
      %dma_start3A_126 = tpu.memref_slice %arg10[%add3A_115, %dma_start3A_125] : memref<10240x128xf32, #tpu.memory_space<vmem_shared>> -> memref<128x128xf32, #tpu.memory_space<vmem_shared>>
      tpu.enqueue_dma source(%dma_start3A_126 : memref<128x128xf32, #tpu.memory_space<vmem_shared>>) target(%arg8 : memref<128x128xf32, #tpu.memory_space<vmem>>) target_semaphore(%run_scoped3A_122 : memref<!tpu.dma_semaphore, #tpu.memory_space<semaphore_mem>>)
      %dma_wait3A_127 = arith.constant 0 : i32
      %dma_wait3A_128 = tpu.memref_slice %arg10[%add3A_115, %dma_wait3A_127] : memref<10240x128xf32, #tpu.memory_space<vmem_shared>> -> memref<128x128xf32, #tpu.memory_space<vmem_shared>>
      %dma_wait3A_129 = arith.constant 0 : i32
      %dma_wait3A_130 = tpu.memref_slice %arg10[%add3A_115, %dma_wait3A_129] : memref<10240x128xf32, #tpu.memory_space<vmem_shared>> -> memref<128x128xf32, #tpu.memory_space<vmem_shared>>
      tpu.wait_dma2 semaphore(%run_scoped3A_122 : memref<!tpu.dma_semaphore, #tpu.memory_space<semaphore_mem>>) src(%dma_wait3A_130 : memref<128x128xf32, #tpu.memory_space<vmem_shared>>) dst(%arg8 : memref<128x128xf32, #tpu.memory_space<vmem>>)
      tpu.yield
    }) : () -> ()
    %add3A_116 = arith.constant 384 : i32
    %add3A_117 = arith.addi %add3A_101, %add3A_116 : i32
    "tpu.region"() ({
      %run_scoped3A_122 = tpu.sem_alloc : memref<!tpu.dma_semaphore, #tpu.memory_space<semaphore_mem>>
      %dma_start3A_123 = arith.constant 0 : i32
      %dma_start3A_124 = tpu.memref_slice %arg5[%add3A_117, %dma_start3A_123] : memref<20480x128xf32, #tpu.memory_space<hbm>> -> memref<128x128xf32, #tpu.memory_space<hbm>>
      %dma_start3A_125 = arith.constant 0 : i32
      %dma_start3A_126 = tpu.memref_slice %arg5[%add3A_117, %dma_start3A_125] : memref<20480x128xf32, #tpu.memory_space<hbm>> -> memref<128x128xf32, #tpu.memory_space<hbm>>
      tpu.enqueue_dma source(%arg8 : memref<128x128xf32, #tpu.memory_space<vmem>>) target(%dma_start3A_126 : memref<128x128xf32, #tpu.memory_space<hbm>>) target_semaphore(%run_scoped3A_122 : memref<!tpu.dma_semaphore, #tpu.memory_space<semaphore_mem>>)
      %dma_wait3A_127 = arith.constant 0 : i32
      %dma_wait3A_128 = tpu.memref_slice %arg5[%add3A_117, %dma_wait3A_127] : memref<20480x128xf32, #tpu.memory_space<hbm>> -> memref<128x128xf32, #tpu.memory_space<hbm>>
      %dma_wait3A_129 = arith.constant 0 : i32
      %dma_wait3A_130 = tpu.memref_slice %arg5[%add3A_117, %dma_wait3A_129] : memref<20480x128xf32, #tpu.memory_space<hbm>> -> memref<128x128xf32, #tpu.memory_space<hbm>>
      tpu.wait_dma2 semaphore(%run_scoped3A_122 : memref<!tpu.dma_semaphore, #tpu.memory_space<semaphore_mem>>) src(%arg8 : memref<128x128xf32, #tpu.memory_space<vmem>>) dst(%dma_wait3A_130 : memref<128x128xf32, #tpu.memory_space<hbm>>)
      tpu.yield
    }) : () -> ()
    %add3A_118 = arith.constant 512 : i32
    %add3A_119 = arith.addi %mul3A_8, %add3A_118 : i32
    "tpu.region"() ({
      %run_scoped3A_122 = tpu.sem_alloc : memref<!tpu.dma_semaphore, #tpu.memory_space<semaphore_mem>>
      %dma_start3A_123 = arith.constant 0 : i32
      %dma_start3A_124 = tpu.memref_slice %arg10[%add3A_119, %dma_start3A_123] : memref<10240x128xf32, #tpu.memory_space<vmem_shared>> -> memref<128x128xf32, #tpu.memory_space<vmem_shared>>
      %dma_start3A_125 = arith.constant 0 : i32
      %dma_start3A_126 = tpu.memref_slice %arg10[%add3A_119, %dma_start3A_125] : memref<10240x128xf32, #tpu.memory_space<vmem_shared>> -> memref<128x128xf32, #tpu.memory_space<vmem_shared>>
      tpu.enqueue_dma source(%dma_start3A_126 : memref<128x128xf32, #tpu.memory_space<vmem_shared>>) target(%arg8 : memref<128x128xf32, #tpu.memory_space<vmem>>) target_semaphore(%run_scoped3A_122 : memref<!tpu.dma_semaphore, #tpu.memory_space<semaphore_mem>>)
      %dma_wait3A_127 = arith.constant 0 : i32
      %dma_wait3A_128 = tpu.memref_slice %arg10[%add3A_119, %dma_wait3A_127] : memref<10240x128xf32, #tpu.memory_space<vmem_shared>> -> memref<128x128xf32, #tpu.memory_space<vmem_shared>>
      %dma_wait3A_129 = arith.constant 0 : i32
      %dma_wait3A_130 = tpu.memref_slice %arg10[%add3A_119, %dma_wait3A_129] : memref<10240x128xf32, #tpu.memory_space<vmem_shared>> -> memref<128x128xf32, #tpu.memory_space<vmem_shared>>
      tpu.wait_dma2 semaphore(%run_scoped3A_122 : memref<!tpu.dma_semaphore, #tpu.memory_space<semaphore_mem>>) src(%dma_wait3A_130 : memref<128x128xf32, #tpu.memory_space<vmem_shared>>) dst(%arg8 : memref<128x128xf32, #tpu.memory_space<vmem>>)
      tpu.yield
    }) : () -> ()
    %add3A_120 = arith.constant 512 : i32
    %add3A_121 = arith.addi %add3A_101, %add3A_120 : i32
    "tpu.region"() ({
      %run_scoped3A_122 = tpu.sem_alloc : memref<!tpu.dma_semaphore, #tpu.memory_space<semaphore_mem>>
      %dma_start3A_123 = arith.constant 0 : i32
      %dma_start3A_124 = tpu.memref_slice %arg5[%add3A_121, %dma_start3A_123] : memref<20480x128xf32, #tpu.memory_space<hbm>> -> memref<128x128xf32, #tpu.memory_space<hbm>>
      %dma_start3A_125 = arith.constant 0 : i32
      %dma_start3A_126 = tpu.memref_slice %arg5[%add3A_121, %dma_start3A_125] : memref<20480x128xf32, #tpu.memory_space<hbm>> -> memref<128x128xf32, #tpu.memory_space<hbm>>
      tpu.enqueue_dma source(%arg8 : memref<128x128xf32, #tpu.memory_space<vmem>>) target(%dma_start3A_126 : memref<128x128xf32, #tpu.memory_space<hbm>>) target_semaphore(%run_scoped3A_122 : memref<!tpu.dma_semaphore, #tpu.memory_space<semaphore_mem>>)
      %dma_wait3A_127 = arith.constant 0 : i32
      %dma_wait3A_128 = tpu.memref_slice %arg5[%add3A_121, %dma_wait3A_127] : memref<20480x128xf32, #tpu.memory_space<hbm>> -> memref<128x128xf32, #tpu.memory_space<hbm>>
      %dma_wait3A_129 = arith.constant 0 : i32
      %dma_wait3A_130 = tpu.memref_slice %arg5[%add3A_121, %dma_wait3A_129] : memref<20480x128xf32, #tpu.memory_space<hbm>> -> memref<128x128xf32, #tpu.memory_space<hbm>>
      tpu.wait_dma2 semaphore(%run_scoped3A_122 : memref<!tpu.dma_semaphore, #tpu.memory_space<semaphore_mem>>) src(%arg8 : memref<128x128xf32, #tpu.memory_space<vmem>>) dst(%dma_wait3A_130 : memref<128x128xf32, #tpu.memory_space<hbm>>)
      tpu.yield
    }) : () -> ()
    return
  }
}

#map = affine_map<(d0, d1) -> (0, 0)>
module attributes {stable_mosaic.version = 14 : i64} {
  func.func @_sc_aggregate(%arg0: i32, %arg1: i32, %arg2: memref<10240x128xf32, #tpu.memory_space<hbm>>, %arg3: memref<2560x128xi32, #tpu.memory_space<hbm>>, %arg4: memref<2560x128xi32, #tpu.memory_space<hbm>>, %arg5: memref<20480x128xf32, #tpu.memory_space<hbm>>, %arg6: memref<40x128xi32, #tpu.memory_space<vmem>>, %arg7: memref<40x128xi32, #tpu.memory_space<vmem>>, %arg8: memref<128x128xf32, #tpu.memory_space<vmem>>, %arg9: memref<128x128xf32, #tpu.memory_space<vmem>>, %arg10: memref<10240x128xf32, #tpu.memory_space<vmem_shared>>, %arg11: memref<!tpu.dma_semaphore, #tpu.memory_space<semaphore_mem>>, %arg12: memref<!tpu.dma_semaphore, #tpu.memory_space<semaphore_mem>>) attributes {dimension_semantics = [#tpu.dimension_semantics<core_parallel>, #tpu.dimension_semantics<subcore_parallel>], iteration_bounds = array<i64: 2, 16>, scalar_prefetch = 0 : i64, scratch_operands = 7 : i64, tpu.core_type = #tpu.core_type<sc_vector_subcore>, window_params = [{transform_indices = #map}, {transform_indices = #map}, {transform_indices = #map}, {transform_indices = #map}]} {
    %mul3A = arith.constant 2 : i32
    %mul3A_0 = arith.muli %arg1, %mul3A : i32
    %add3A = arith.addi %mul3A_0, %arg0 : i32
    %scan3A = arith.constant 0 : i32
    %scan3A_1 = arith.constant 0 : i32
    %scan3A_2 = arith.constant 1024 : i32
    %scan3A_3 = arith.addi %scan3A_1, %scan3A_2 : i32
    %scan3A_4 = arith.constant 1 : i32
    %scan3A_5 = scf.for %scan3A_122 = %scan3A_1 to %scan3A_3 step %scan3A_4 iter_args(%scan3A_123 = %scan3A) -> (i32)  : i32 {
      %jit3A = arith.constant 8 : i32
      %div3A = arith.divsi %scan3A_122, %jit3A : i32
      %sign3A = arith.constant 0 : i32
      %sign3A_124 = arith.cmpi sgt, %scan3A_122, %sign3A : i32
      %sign3A_125 = arith.extui %sign3A_124 : i1 to i32
      %sign3A_126 = arith.constant 0 : i32
      %sign3A_127 = arith.cmpi slt, %scan3A_122, %sign3A_126 : i32
      %sign3A_128 = arith.extui %sign3A_127 : i1 to i32
      %sign3A_129 = arith.subi %sign3A_125, %sign3A_128 : i32
      %sign3A_130 = arith.constant 0 : i32
      %sign3A_131 = arith.cmpi sgt, %jit3A, %sign3A_130 : i32
      %sign3A_132 = arith.extui %sign3A_131 : i1 to i32
      %sign3A_133 = arith.constant 0 : i32
      %sign3A_134 = arith.cmpi slt, %jit3A, %sign3A_133 : i32
      %sign3A_135 = arith.extui %sign3A_134 : i1 to i32
      %sign3A_136 = arith.subi %sign3A_132, %sign3A_135 : i32
      %ne3A = arith.cmpi ne, %sign3A_129, %sign3A_136 : i32
      %rem3A = arith.remsi %scan3A_122, %jit3A : i32
      %ne3A_137 = arith.constant 0 : i32
      %ne3A_138 = arith.cmpi ne, %rem3A, %ne3A_137 : i32
      %and3A = arith.andi %ne3A, %ne3A_138 : i1
      %sub3A = arith.constant 1 : i32
      %sub3A_139 = arith.subi %div3A, %sub3A : i32
      %select_n3A = arith.select %and3A, %sub3A_139, %div3A : i32
      %jit3A_140 = arith.constant 8 : i32
      %eq3A = arith.constant 0 : i32
      %eq3A_141 = arith.cmpi eq, %jit3A_140, %eq3A : i32
      %jit3A_142 = arith.constant 1 : i32
      %select_n3A_143 = arith.select %eq3A_141, %jit3A_142, %jit3A_140 : i32
      %rem3A_144 = arith.remsi %scan3A_122, %select_n3A_143 : i32
      %ne3A_145 = arith.constant 0 : i32
      %ne3A_146 = arith.cmpi ne, %rem3A_144, %ne3A_145 : i32
      %lt3A = arith.constant 0 : i32
      %lt3A_147 = arith.cmpi slt, %rem3A_144, %lt3A : i32
      %lt3A_148 = arith.constant 0 : i32
      %lt3A_149 = arith.cmpi slt, %select_n3A_143, %lt3A_148 : i32
      %ne3A_150 = arith.xori %lt3A_147, %lt3A_149 : i1
      %and3A_151 = arith.andi %ne3A_150, %ne3A_146 : i1
      %add3A_152 = arith.addi %rem3A_144, %select_n3A_143 : i32
      %select_n3A_153 = arith.select %and3A_151, %add3A_152, %rem3A_144 : i32
      %mul3A_154 = arith.constant 16 : i32
      %mul3A_155 = arith.muli %select_n3A_153, %mul3A_154 : i32
      %broadcast_in_dim3A = arith.constant 0.000000e+00 : f32
      %broadcast_in_dim3A_156 = vector.broadcast %broadcast_in_dim3A : f32 to vector<16xf32>
      %swap3A = arith.index_cast %select_n3A : i32 to index
      %swap3A_157 = arith.index_cast %mul3A_155 : i32 to index
      %swap3A_158 = tpu.vector_load %arg8[%swap3A, %swap3A_157] {strides = array<i32>} : memref<128x128xf32, #tpu.memory_space<vmem>>, vector<1x16xf32>,
      %swap3A_159 = vector.shape_cast %swap3A_158 : vector<1x16xf32> to vector<16xf32>
      %swap3A_160 = vector.shape_cast %broadcast_in_dim3A_156 : vector<16xf32> to vector<1x16xf32>
      tpu.vector_store %arg8[%swap3A, %swap3A_157], %swap3A_160 {strides = array<i32>} : memref<128x128xf32, #tpu.memory_space<vmem>>, vector<1x16xf32>,
      %scan3A_161 = arith.constant 0 : i32
      scf.yield %scan3A_161 : i32
    }
    %scan3A_6 = arith.constant 1024 : i32
    %mul3A_7 = arith.constant 640 : i32
    %mul3A_8 = arith.muli %arg1, %mul3A_7 : i32
    %add3A_9 = arith.constant 0 : i32
    %add3A_10 = arith.addi %mul3A_8, %add3A_9 : i32
    "tpu.region"() ({
      %run_scoped3A_122 = tpu.sem_alloc : memref<!tpu.dma_semaphore, #tpu.memory_space<semaphore_mem>>
      %dma_start3A_123 = arith.constant 0 : i32
      %dma_start3A_124 = tpu.memref_slice %arg10[%add3A_10, %dma_start3A_123] : memref<10240x128xf32, #tpu.memory_space<vmem_shared>> -> memref<128x128xf32, #tpu.memory_space<vmem_shared>>
      %dma_start3A_125 = arith.constant 0 : i32
      %dma_start3A_126 = tpu.memref_slice %arg10[%add3A_10, %dma_start3A_125] : memref<10240x128xf32, #tpu.memory_space<vmem_shared>> -> memref<128x128xf32, #tpu.memory_space<vmem_shared>>
      tpu.enqueue_dma source(%arg8 : memref<128x128xf32, #tpu.memory_space<vmem>>) target(%dma_start3A_126 : memref<128x128xf32, #tpu.memory_space<vmem_shared>>) target_semaphore(%run_scoped3A_122 : memref<!tpu.dma_semaphore, #tpu.memory_space<semaphore_mem>>)
      %dma_wait3A_127 = arith.constant 0 : i32
      %dma_wait3A_128 = tpu.memref_slice %arg10[%add3A_10, %dma_wait3A_127] : memref<10240x128xf32, #tpu.memory_space<vmem_shared>> -> memref<128x128xf32, #tpu.memory_space<vmem_shared>>
      %dma_wait3A_129 = arith.constant 0 : i32
      %dma_wait3A_130 = tpu.memref_slice %arg10[%add3A_10, %dma_wait3A_129] : memref<10240x128xf32, #tpu.memory_space<vmem_shared>> -> memref<128x128xf32, #tpu.memory_space<vmem_shared>>
      tpu.wait_dma2 semaphore(%run_scoped3A_122 : memref<!tpu.dma_semaphore, #tpu.memory_space<semaphore_mem>>) src(%arg8 : memref<128x128xf32, #tpu.memory_space<vmem>>) dst(%dma_wait3A_130 : memref<128x128xf32, #tpu.memory_space<vmem_shared>>)
      tpu.yield
    }) : () -> ()
    %add3A_11 = arith.constant 128 : i32
    %add3A_12 = arith.addi %mul3A_8, %add3A_11 : i32
    "tpu.region"() ({
      %run_scoped3A_122 = tpu.sem_alloc : memref<!tpu.dma_semaphore, #tpu.memory_space<semaphore_mem>>
      %dma_start3A_123 = arith.constant 0 : i32
      %dma_start3A_124 = tpu.memref_slice %arg10[%add3A_12, %dma_start3A_123] : memref<10240x128xf32, #tpu.memory_space<vmem_shared>> -> memref<128x128xf32, #tpu.memory_space<vmem_shared>>
      %dma_start3A_125 = arith.constant 0 : i32
      %dma_start3A_126 = tpu.memref_slice %arg10[%add3A_12, %dma_start3A_125] : memref<10240x128xf32, #tpu.memory_space<vmem_shared>> -> memref<128x128xf32, #tpu.memory_space<vmem_shared>>
      tpu.enqueue_dma source(%arg8 : memref<128x128xf32, #tpu.memory_space<vmem>>) target(%dma_start3A_126 : memref<128x128xf32, #tpu.memory_space<vmem_shared>>) target_semaphore(%run_scoped3A_122 : memref<!tpu.dma_semaphore, #tpu.memory_space<semaphore_mem>>)
      %dma_wait3A_127 = arith.constant 0 : i32
      %dma_wait3A_128 = tpu.memref_slice %arg10[%add3A_12, %dma_wait3A_127] : memref<10240x128xf32, #tpu.memory_space<vmem_shared>> -> memref<128x128xf32, #tpu.memory_space<vmem_shared>>
      %dma_wait3A_129 = arith.constant 0 : i32
      %dma_wait3A_130 = tpu.memref_slice %arg10[%add3A_12, %dma_wait3A_129] : memref<10240x128xf32, #tpu.memory_space<vmem_shared>> -> memref<128x128xf32, #tpu.memory_space<vmem_shared>>
      tpu.wait_dma2 semaphore(%run_scoped3A_122 : memref<!tpu.dma_semaphore, #tpu.memory_space<semaphore_mem>>) src(%arg8 : memref<128x128xf32, #tpu.memory_space<vmem>>) dst(%dma_wait3A_130 : memref<128x128xf32, #tpu.memory_space<vmem_shared>>)
      tpu.yield
    }) : () -> ()
    %add3A_13 = arith.constant 256 : i32
    %add3A_14 = arith.addi %mul3A_8, %add3A_13 : i32
    "tpu.region"() ({
      %run_scoped3A_122 = tpu.sem_alloc : memref<!tpu.dma_semaphore, #tpu.memory_space<semaphore_mem>>
      %dma_start3A_123 = arith.constant 0 : i32
      %dma_start3A_124 = tpu.memref_slice %arg10[%add3A_14, %dma_start3A_123] : memref<10240x128xf32, #tpu.memory_space<vmem_shared>> -> memref<128x128xf32, #tpu.memory_space<vmem_shared>>
      %dma_start3A_125 = arith.constant 0 : i32
      %dma_start3A_126 = tpu.memref_slice %arg10[%add3A_14, %dma_start3A_125] : memref<10240x128xf32, #tpu.memory_space<vmem_shared>> -> memref<128x128xf32, #tpu.memory_space<vmem_shared>>
      tpu.enqueue_dma source(%arg8 : memref<128x128xf32, #tpu.memory_space<vmem>>) target(%dma_start3A_126 : memref<128x128xf32, #tpu.memory_space<vmem_shared>>) target_semaphore(%run_scoped3A_122 : memref<!tpu.dma_semaphore, #tpu.memory_space<semaphore_mem>>)
      %dma_wait3A_127 = arith.constant 0 : i32
      %dma_wait3A_128 = tpu.memref_slice %arg10[%add3A_14, %dma_wait3A_127] : memref<10240x128xf32, #tpu.memory_space<vmem_shared>> -> memref<128x128xf32, #tpu.memory_space<vmem_shared>>
      %dma_wait3A_129 = arith.constant 0 : i32
      %dma_wait3A_130 = tpu.memref_slice %arg10[%add3A_14, %dma_wait3A_129] : memref<10240x128xf32, #tpu.memory_space<vmem_shared>> -> memref<128x128xf32, #tpu.memory_space<vmem_shared>>
      tpu.wait_dma2 semaphore(%run_scoped3A_122 : memref<!tpu.dma_semaphore, #tpu.memory_space<semaphore_mem>>) src(%arg8 : memref<128x128xf32, #tpu.memory_space<vmem>>) dst(%dma_wait3A_130 : memref<128x128xf32, #tpu.memory_space<vmem_shared>>)
      tpu.yield
    }) : () -> ()
    %add3A_15 = arith.constant 384 : i32
    %add3A_16 = arith.addi %mul3A_8, %add3A_15 : i32
    "tpu.region"() ({
      %run_scoped3A_122 = tpu.sem_alloc : memref<!tpu.dma_semaphore, #tpu.memory_space<semaphore_mem>>
      %dma_start3A_123 = arith.constant 0 : i32
      %dma_start3A_124 = tpu.memref_slice %arg10[%add3A_16, %dma_start3A_123] : memref<10240x128xf32, #tpu.memory_space<vmem_shared>> -> memref<128x128xf32, #tpu.memory_space<vmem_shared>>
      %dma_start3A_125 = arith.constant 0 : i32
      %dma_start3A_126 = tpu.memref_slice %arg10[%add3A_16, %dma_start3A_125] : memref<10240x128xf32, #tpu.memory_space<vmem_shared>> -> memref<128x128xf32, #tpu.memory_space<vmem_shared>>
      tpu.enqueue_dma source(%arg8 : memref<128x128xf32, #tpu.memory_space<vmem>>) target(%dma_start3A_126 : memref<128x128xf32, #tpu.memory_space<vmem_shared>>) target_semaphore(%run_scoped3A_122 : memref<!tpu.dma_semaphore, #tpu.memory_space<semaphore_mem>>)
      %dma_wait3A_127 = arith.constant 0 : i32
      %dma_wait3A_128 = tpu.memref_slice %arg10[%add3A_16, %dma_wait3A_127] : memref<10240x128xf32, #tpu.memory_space<vmem_shared>> -> memref<128x128xf32, #tpu.memory_space<vmem_shared>>
      %dma_wait3A_129 = arith.constant 0 : i32
      %dma_wait3A_130 = tpu.memref_slice %arg10[%add3A_16, %dma_wait3A_129] : memref<10240x128xf32, #tpu.memory_space<vmem_shared>> -> memref<128x128xf32, #tpu.memory_space<vmem_shared>>
      tpu.wait_dma2 semaphore(%run_scoped3A_122 : memref<!tpu.dma_semaphore, #tpu.memory_space<semaphore_mem>>) src(%arg8 : memref<128x128xf32, #tpu.memory_space<vmem>>) dst(%dma_wait3A_130 : memref<128x128xf32, #tpu.memory_space<vmem_shared>>)
      tpu.yield
    }) : () -> ()
    %add3A_17 = arith.constant 512 : i32
    %add3A_18 = arith.addi %mul3A_8, %add3A_17 : i32
    "tpu.region"() ({
      %run_scoped3A_122 = tpu.sem_alloc : memref<!tpu.dma_semaphore, #tpu.memory_space<semaphore_mem>>
      %dma_start3A_123 = arith.constant 0 : i32
      %dma_start3A_124 = tpu.memref_slice %arg10[%add3A_18, %dma_start3A_123] : memref<10240x128xf32, #tpu.memory_space<vmem_shared>> -> memref<128x128xf32, #tpu.memory_space<vmem_shared>>
      %dma_start3A_125 = arith.constant 0 : i32
      %dma_start3A_126 = tpu.memref_slice %arg10[%add3A_18, %dma_start3A_125] : memref<10240x128xf32, #tpu.memory_space<vmem_shared>> -> memref<128x128xf32, #tpu.memory_space<vmem_shared>>
      tpu.enqueue_dma source(%arg8 : memref<128x128xf32, #tpu.memory_space<vmem>>) target(%dma_start3A_126 : memref<128x128xf32, #tpu.memory_space<vmem_shared>>) target_semaphore(%run_scoped3A_122 : memref<!tpu.dma_semaphore, #tpu.memory_space<semaphore_mem>>)
      %dma_wait3A_127 = arith.constant 0 : i32
      %dma_wait3A_128 = tpu.memref_slice %arg10[%add3A_18, %dma_wait3A_127] : memref<10240x128xf32, #tpu.memory_space<vmem_shared>> -> memref<128x128xf32, #tpu.memory_space<vmem_shared>>
      %dma_wait3A_129 = arith.constant 0 : i32
      %dma_wait3A_130 = tpu.memref_slice %arg10[%add3A_18, %dma_wait3A_129] : memref<10240x128xf32, #tpu.memory_space<vmem_shared>> -> memref<128x128xf32, #tpu.memory_space<vmem_shared>>
      tpu.wait_dma2 semaphore(%run_scoped3A_122 : memref<!tpu.dma_semaphore, #tpu.memory_space<semaphore_mem>>) src(%arg8 : memref<128x128xf32, #tpu.memory_space<vmem>>) dst(%dma_wait3A_130 : memref<128x128xf32, #tpu.memory_space<vmem_shared>>)
      tpu.yield
    }) : () -> ()
    %barrier3A = arith.constant 0 : index
    tpu.barrier barrier_id(%barrier3A)
    %mul3A_19 = arith.constant 80 : i32
    %mul3A_20 = arith.muli %add3A, %mul3A_19 : i32
    %add3A_21 = arith.constant 0 : i32
    %add3A_22 = arith.addi %mul3A_20, %add3A_21 : i32
    "tpu.region"() ({
      %run_scoped3A_122 = tpu.sem_alloc : memref<!tpu.dma_semaphore, #tpu.memory_space<semaphore_mem>>
      %dma_start3A_123 = arith.constant 0 : i32
      %dma_start3A_124 = tpu.memref_slice %arg3[%add3A_22, %dma_start3A_123] : memref<2560x128xi32, #tpu.memory_space<hbm>> -> memref<40x128xi32, #tpu.memory_space<hbm>>
      %dma_start3A_125 = arith.constant 0 : i32
      %dma_start3A_126 = tpu.memref_slice %arg3[%add3A_22, %dma_start3A_125] : memref<2560x128xi32, #tpu.memory_space<hbm>> -> memref<40x128xi32, #tpu.memory_space<hbm>>
      tpu.enqueue_dma source(%dma_start3A_126 : memref<40x128xi32, #tpu.memory_space<hbm>>) target(%arg6 : memref<40x128xi32, #tpu.memory_space<vmem>>) target_semaphore(%run_scoped3A_122 : memref<!tpu.dma_semaphore, #tpu.memory_space<semaphore_mem>>)
      %dma_wait3A_127 = arith.constant 0 : i32
      %dma_wait3A_128 = tpu.memref_slice %arg3[%add3A_22, %dma_wait3A_127] : memref<2560x128xi32, #tpu.memory_space<hbm>> -> memref<40x128xi32, #tpu.memory_space<hbm>>
      %dma_wait3A_129 = arith.constant 0 : i32
      %dma_wait3A_130 = tpu.memref_slice %arg3[%add3A_22, %dma_wait3A_129] : memref<2560x128xi32, #tpu.memory_space<hbm>> -> memref<40x128xi32, #tpu.memory_space<hbm>>
      tpu.wait_dma2 semaphore(%run_scoped3A_122 : memref<!tpu.dma_semaphore, #tpu.memory_space<semaphore_mem>>) src(%dma_wait3A_130 : memref<40x128xi32, #tpu.memory_space<hbm>>) dst(%arg6 : memref<40x128xi32, #tpu.memory_space<vmem>>)
      tpu.yield
    }) : () -> ()
    "tpu.region"() ({
      %run_scoped3A_122 = tpu.sem_alloc : memref<!tpu.dma_semaphore, #tpu.memory_space<semaphore_mem>>
      %dma_start3A_123 = arith.constant 0 : i32
      %dma_start3A_124 = tpu.memref_slice %arg4[%add3A_22, %dma_start3A_123] : memref<2560x128xi32, #tpu.memory_space<hbm>> -> memref<40x128xi32, #tpu.memory_space<hbm>>
      %dma_start3A_125 = arith.constant 0 : i32
      %dma_start3A_126 = tpu.memref_slice %arg4[%add3A_22, %dma_start3A_125] : memref<2560x128xi32, #tpu.memory_space<hbm>> -> memref<40x128xi32, #tpu.memory_space<hbm>>
      tpu.enqueue_dma source(%dma_start3A_126 : memref<40x128xi32, #tpu.memory_space<hbm>>) target(%arg7 : memref<40x128xi32, #tpu.memory_space<vmem>>) target_semaphore(%run_scoped3A_122 : memref<!tpu.dma_semaphore, #tpu.memory_space<semaphore_mem>>)
      %dma_wait3A_127 = arith.constant 0 : i32
      %dma_wait3A_128 = tpu.memref_slice %arg4[%add3A_22, %dma_wait3A_127] : memref<2560x128xi32, #tpu.memory_space<hbm>> -> memref<40x128xi32, #tpu.memory_space<hbm>>
      %dma_wait3A_129 = arith.constant 0 : i32
      %dma_wait3A_130 = tpu.memref_slice %arg4[%add3A_22, %dma_wait3A_129] : memref<2560x128xi32, #tpu.memory_space<hbm>> -> memref<40x128xi32, #tpu.memory_space<hbm>>
      tpu.wait_dma2 semaphore(%run_scoped3A_122 : memref<!tpu.dma_semaphore, #tpu.memory_space<semaphore_mem>>) src(%dma_wait3A_130 : memref<40x128xi32, #tpu.memory_space<hbm>>) dst(%arg7 : memref<40x128xi32, #tpu.memory_space<vmem>>)
      tpu.yield
    }) : () -> ()
    %dma_start3A = arith.constant 0 : i32
    %dma_start3A_23 = arith.constant 0 : i32
    %dma_start3A_24 = tpu.memref_slice %arg6[%dma_start3A, %dma_start3A_23] : memref<40x128xi32, #tpu.memory_space<vmem>> -> memref<1x128xi32, #tpu.memory_space<vmem>>
    %dma_start3A_25 = tpu.memref_squeeze %dma_start3A_24 : memref<1x128xi32, #tpu.memory_space<vmem>> -> memref<128xi32, #tpu.memory_space<vmem>>
    %dma_start3A_26 = arith.constant 0 : i32
    %dma_start3A_27 = arith.constant 0 : i32
    %dma_start3A_28 = tpu.memref_slice %arg2[%dma_start3A_26, %dma_start3A_27] : memref<10240x128xf32, #tpu.memory_space<hbm>> -> memref<10240x128xf32, #tpu.memory_space<hbm>>
    tpu.enqueue_indirect_dma source(%dma_start3A_28 : memref<10240x128xf32, #tpu.memory_space<hbm>>) target(%arg8 : memref<128x128xf32, #tpu.memory_space<vmem>>) offsets(%dma_start3A_25 : memref<128xi32, #tpu.memory_space<vmem>>) semaphore(%arg11 : memref<!tpu.dma_semaphore, #tpu.memory_space<semaphore_mem>>)
    %dma_start3A_29 = arith.constant 1 : i32
    %dma_start3A_30 = arith.constant 0 : i32
    %dma_start3A_31 = tpu.memref_slice %arg6[%dma_start3A_29, %dma_start3A_30] : memref<40x128xi32, #tpu.memory_space<vmem>> -> memref<1x128xi32, #tpu.memory_space<vmem>>
    %dma_start3A_32 = tpu.memref_squeeze %dma_start3A_31 : memref<1x128xi32, #tpu.memory_space<vmem>> -> memref<128xi32, #tpu.memory_space<vmem>>
    %dma_start3A_33 = arith.constant 0 : i32
    %dma_start3A_34 = arith.constant 0 : i32
    %dma_start3A_35 = tpu.memref_slice %arg2[%dma_start3A_33, %dma_start3A_34] : memref<10240x128xf32, #tpu.memory_space<hbm>> -> memref<10240x128xf32, #tpu.memory_space<hbm>>
    tpu.enqueue_indirect_dma source(%dma_start3A_35 : memref<10240x128xf32, #tpu.memory_space<hbm>>) target(%arg9 : memref<128x128xf32, #tpu.memory_space<vmem>>) offsets(%dma_start3A_32 : memref<128xi32, #tpu.memory_space<vmem>>) semaphore(%arg12 : memref<!tpu.dma_semaphore, #tpu.memory_space<semaphore_mem>>)
    %scan3A_36 = arith.constant 0 : i32
    %scan3A_37 = arith.constant 0 : i32
    %scan3A_38 = arith.constant 19 : i32
    %scan3A_39 = arith.addi %scan3A_37, %scan3A_38 : i32
    %scan3A_40 = arith.constant 1 : i32
    %scan3A_41 = scf.for %scan3A_122 = %scan3A_37 to %scan3A_39 step %scan3A_40 iter_args(%scan3A_123 = %scan3A_36) -> (i32)  : i32 {
      %mul3A_124 = arith.constant 2 : i32
      %mul3A_125 = arith.muli %scan3A_122, %mul3A_124 : i32
      %add3A_126 = arith.constant 0 : i32
      %add3A_127 = arith.addi %mul3A_125, %add3A_126 : i32
      %dma_wait3A_128 = arith.constant 0 : i32
      %dma_wait3A_129 = tpu.memref_slice %arg6[%add3A_127, %dma_wait3A_128] : memref<40x128xi32, #tpu.memory_space<vmem>> -> memref<1x128xi32, #tpu.memory_space<vmem>>
      %dma_wait3A_130 = tpu.memref_squeeze %dma_wait3A_129 : memref<1x128xi32, #tpu.memory_space<vmem>> -> memref<128xi32, #tpu.memory_space<vmem>>
      %dma_wait3A_131 = arith.constant 0 : i32
      %dma_wait3A_132 = arith.constant 0 : i32
      %dma_wait3A_133 = tpu.memref_slice %arg2[%dma_wait3A_131, %dma_wait3A_132] : memref<10240x128xf32, #tpu.memory_space<hbm>> -> memref<10240x128xf32, #tpu.memory_space<hbm>>
      tpu.wait_indirect_dma semaphore(%arg11 : memref<!tpu.dma_semaphore, #tpu.memory_space<semaphore_mem>>) src(%dma_wait3A_133 : memref<10240x128xf32, #tpu.memory_space<hbm>>) dst(%arg8 : memref<128x128xf32, #tpu.memory_space<vmem>>)
      "tpu.region"() ({
        %run_scoped3A_161 = tpu.sem_alloc : memref<!tpu.dma_semaphore, #tpu.memory_space<semaphore_mem>>
        %dma_start3A_162 = arith.constant 0 : i32
        %dma_start3A_163 = tpu.memref_slice %arg7[%add3A_127, %dma_start3A_162] : memref<40x128xi32, #tpu.memory_space<vmem>> -> memref<1x128xi32, #tpu.memory_space<vmem>>
        %dma_start3A_164 = tpu.memref_squeeze %dma_start3A_163 : memref<1x128xi32, #tpu.memory_space<vmem>> -> memref<128xi32, #tpu.memory_space<vmem>>
        %dma_start3A_165 = arith.constant 0 : i32
        %dma_start3A_166 = arith.constant 0 : i32
        %dma_start3A_167 = tpu.memref_slice %arg10[%dma_start3A_165, %dma_start3A_166] : memref<10240x128xf32, #tpu.memory_space<vmem_shared>> -> memref<10240x128xf32, #tpu.memory_space<vmem_shared>>
        tpu.enqueue_indirect_dma source(%arg8 : memref<128x128xf32, #tpu.memory_space<vmem>>) target(%dma_start3A_167 : memref<10240x128xf32, #tpu.memory_space<vmem_shared>>) offsets(%dma_start3A_164 : memref<128xi32, #tpu.memory_space<vmem>>) semaphore(%run_scoped3A_161 : memref<!tpu.dma_semaphore, #tpu.memory_space<semaphore_mem>>) {add = true}
        %dma_wait3A_168 = arith.constant 0 : i32
        %dma_wait3A_169 = tpu.memref_slice %arg7[%add3A_127, %dma_wait3A_168] : memref<40x128xi32, #tpu.memory_space<vmem>> -> memref<1x128xi32, #tpu.memory_space<vmem>>
        %dma_wait3A_170 = tpu.memref_squeeze %dma_wait3A_169 : memref<1x128xi32, #tpu.memory_space<vmem>> -> memref<128xi32, #tpu.memory_space<vmem>>
        %dma_wait3A_171 = arith.constant 0 : i32
        %dma_wait3A_172 = arith.constant 0 : i32
        %dma_wait3A_173 = tpu.memref_slice %arg10[%dma_wait3A_171, %dma_wait3A_172] : memref<10240x128xf32, #tpu.memory_space<vmem_shared>> -> memref<10240x128xf32, #tpu.memory_space<vmem_shared>>
        tpu.wait_indirect_dma semaphore(%run_scoped3A_161 : memref<!tpu.dma_semaphore, #tpu.memory_space<semaphore_mem>>) src(%arg8 : memref<128x128xf32, #tpu.memory_space<vmem>>) dst(%dma_wait3A_173 : memref<10240x128xf32, #tpu.memory_space<vmem_shared>>)
        tpu.yield
      }) : () -> ()
      %add3A_134 = arith.constant 2 : i32
      %add3A_135 = arith.addi %add3A_127, %add3A_134 : i32
      %dma_start3A_136 = arith.constant 0 : i32
      %dma_start3A_137 = tpu.memref_slice %arg6[%add3A_135, %dma_start3A_136] : memref<40x128xi32, #tpu.memory_space<vmem>> -> memref<1x128xi32, #tpu.memory_space<vmem>>
      %dma_start3A_138 = tpu.memref_squeeze %dma_start3A_137 : memref<1x128xi32, #tpu.memory_space<vmem>> -> memref<128xi32, #tpu.memory_space<vmem>>
      %dma_start3A_139 = arith.constant 0 : i32
      %dma_start3A_140 = arith.constant 0 : i32
      %dma_start3A_141 = tpu.memref_slice %arg2[%dma_start3A_139, %dma_start3A_140] : memref<10240x128xf32, #tpu.memory_space<hbm>> -> memref<10240x128xf32, #tpu.memory_space<hbm>>
      tpu.enqueue_indirect_dma source(%dma_start3A_141 : memref<10240x128xf32, #tpu.memory_space<hbm>>) target(%arg8 : memref<128x128xf32, #tpu.memory_space<vmem>>) offsets(%dma_start3A_138 : memref<128xi32, #tpu.memory_space<vmem>>) semaphore(%arg11 : memref<!tpu.dma_semaphore, #tpu.memory_space<semaphore_mem>>)
      %mul3A_142 = arith.constant 2 : i32
      %mul3A_143 = arith.muli %scan3A_122, %mul3A_142 : i32
      %add3A_144 = arith.constant 1 : i32
      %add3A_145 = arith.addi %mul3A_143, %add3A_144 : i32
      %dma_wait3A_146 = arith.constant 0 : i32
      %dma_wait3A_147 = tpu.memref_slice %arg6[%add3A_145, %dma_wait3A_146] : memref<40x128xi32, #tpu.memory_space<vmem>> -> memref<1x128xi32, #tpu.memory_space<vmem>>
      %dma_wait3A_148 = tpu.memref_squeeze %dma_wait3A_147 : memref<1x128xi32, #tpu.memory_space<vmem>> -> memref<128xi32, #tpu.memory_space<vmem>>
      %dma_wait3A_149 = arith.constant 0 : i32
      %dma_wait3A_150 = arith.constant 0 : i32
      %dma_wait3A_151 = tpu.memref_slice %arg2[%dma_wait3A_149, %dma_wait3A_150] : memref<10240x128xf32, #tpu.memory_space<hbm>> -> memref<10240x128xf32, #tpu.memory_space<hbm>>
      tpu.wait_indirect_dma semaphore(%arg12 : memref<!tpu.dma_semaphore, #tpu.memory_space<semaphore_mem>>) src(%dma_wait3A_151 : memref<10240x128xf32, #tpu.memory_space<hbm>>) dst(%arg9 : memref<128x128xf32, #tpu.memory_space<vmem>>)
      "tpu.region"() ({
        %run_scoped3A_161 = tpu.sem_alloc : memref<!tpu.dma_semaphore, #tpu.memory_space<semaphore_mem>>
        %dma_start3A_162 = arith.constant 0 : i32
        %dma_start3A_163 = tpu.memref_slice %arg7[%add3A_145, %dma_start3A_162] : memref<40x128xi32, #tpu.memory_space<vmem>> -> memref<1x128xi32, #tpu.memory_space<vmem>>
        %dma_start3A_164 = tpu.memref_squeeze %dma_start3A_163 : memref<1x128xi32, #tpu.memory_space<vmem>> -> memref<128xi32, #tpu.memory_space<vmem>>
        %dma_start3A_165 = arith.constant 0 : i32
        %dma_start3A_166 = arith.constant 0 : i32
        %dma_start3A_167 = tpu.memref_slice %arg10[%dma_start3A_165, %dma_start3A_166] : memref<10240x128xf32, #tpu.memory_space<vmem_shared>> -> memref<10240x128xf32, #tpu.memory_space<vmem_shared>>
        tpu.enqueue_indirect_dma source(%arg9 : memref<128x128xf32, #tpu.memory_space<vmem>>) target(%dma_start3A_167 : memref<10240x128xf32, #tpu.memory_space<vmem_shared>>) offsets(%dma_start3A_164 : memref<128xi32, #tpu.memory_space<vmem>>) semaphore(%run_scoped3A_161 : memref<!tpu.dma_semaphore, #tpu.memory_space<semaphore_mem>>) {add = true}
        %dma_wait3A_168 = arith.constant 0 : i32
        %dma_wait3A_169 = tpu.memref_slice %arg7[%add3A_145, %dma_wait3A_168] : memref<40x128xi32, #tpu.memory_space<vmem>> -> memref<1x128xi32, #tpu.memory_space<vmem>>
        %dma_wait3A_170 = tpu.memref_squeeze %dma_wait3A_169 : memref<1x128xi32, #tpu.memory_space<vmem>> -> memref<128xi32, #tpu.memory_space<vmem>>
        %dma_wait3A_171 = arith.constant 0 : i32
        %dma_wait3A_172 = arith.constant 0 : i32
        %dma_wait3A_173 = tpu.memref_slice %arg10[%dma_wait3A_171, %dma_wait3A_172] : memref<10240x128xf32, #tpu.memory_space<vmem_shared>> -> memref<10240x128xf32, #tpu.memory_space<vmem_shared>>
        tpu.wait_indirect_dma semaphore(%run_scoped3A_161 : memref<!tpu.dma_semaphore, #tpu.memory_space<semaphore_mem>>) src(%arg9 : memref<128x128xf32, #tpu.memory_space<vmem>>) dst(%dma_wait3A_173 : memref<10240x128xf32, #tpu.memory_space<vmem_shared>>)
        tpu.yield
      }) : () -> ()
      %add3A_152 = arith.constant 2 : i32
      %add3A_153 = arith.addi %add3A_145, %add3A_152 : i32
      %dma_start3A_154 = arith.constant 0 : i32
      %dma_start3A_155 = tpu.memref_slice %arg6[%add3A_153, %dma_start3A_154] : memref<40x128xi32, #tpu.memory_space<vmem>> -> memref<1x128xi32, #tpu.memory_space<vmem>>
      %dma_start3A_156 = tpu.memref_squeeze %dma_start3A_155 : memref<1x128xi32, #tpu.memory_space<vmem>> -> memref<128xi32, #tpu.memory_space<vmem>>
      %dma_start3A_157 = arith.constant 0 : i32
      %dma_start3A_158 = arith.constant 0 : i32
      %dma_start3A_159 = tpu.memref_slice %arg2[%dma_start3A_157, %dma_start3A_158] : memref<10240x128xf32, #tpu.memory_space<hbm>> -> memref<10240x128xf32, #tpu.memory_space<hbm>>
      tpu.enqueue_indirect_dma source(%dma_start3A_159 : memref<10240x128xf32, #tpu.memory_space<hbm>>) target(%arg9 : memref<128x128xf32, #tpu.memory_space<vmem>>) offsets(%dma_start3A_156 : memref<128xi32, #tpu.memory_space<vmem>>) semaphore(%arg12 : memref<!tpu.dma_semaphore, #tpu.memory_space<semaphore_mem>>)
      %scan3A_160 = arith.constant 0 : i32
      scf.yield %scan3A_160 : i32
    }
    %scan3A_42 = arith.constant 19 : i32
    %dma_wait3A = arith.constant 38 : i32
    %dma_wait3A_43 = arith.constant 0 : i32
    %dma_wait3A_44 = tpu.memref_slice %arg6[%dma_wait3A, %dma_wait3A_43] : memref<40x128xi32, #tpu.memory_space<vmem>> -> memref<1x128xi32, #tpu.memory_space<vmem>>
    %dma_wait3A_45 = tpu.memref_squeeze %dma_wait3A_44 : memref<1x128xi32, #tpu.memory_space<vmem>> -> memref<128xi32, #tpu.memory_space<vmem>>
    %dma_wait3A_46 = arith.constant 0 : i32
    %dma_wait3A_47 = arith.constant 0 : i32
    %dma_wait3A_48 = tpu.memref_slice %arg2[%dma_wait3A_46, %dma_wait3A_47] : memref<10240x128xf32, #tpu.memory_space<hbm>> -> memref<10240x128xf32, #tpu.memory_space<hbm>>
    tpu.wait_indirect_dma semaphore(%arg11 : memref<!tpu.dma_semaphore, #tpu.memory_space<semaphore_mem>>) src(%dma_wait3A_48 : memref<10240x128xf32, #tpu.memory_space<hbm>>) dst(%arg8 : memref<128x128xf32, #tpu.memory_space<vmem>>)
    %run_scoped3A = arith.constant 38 : i32
    "tpu.region"() ({
      %run_scoped3A_122 = tpu.sem_alloc : memref<!tpu.dma_semaphore, #tpu.memory_space<semaphore_mem>>
      %dma_start3A_123 = arith.constant 0 : i32
      %dma_start3A_124 = tpu.memref_slice %arg7[%run_scoped3A, %dma_start3A_123] : memref<40x128xi32, #tpu.memory_space<vmem>> -> memref<1x128xi32, #tpu.memory_space<vmem>>
      %dma_start3A_125 = tpu.memref_squeeze %dma_start3A_124 : memref<1x128xi32, #tpu.memory_space<vmem>> -> memref<128xi32, #tpu.memory_space<vmem>>
      %dma_start3A_126 = arith.constant 0 : i32
      %dma_start3A_127 = arith.constant 0 : i32
      %dma_start3A_128 = tpu.memref_slice %arg10[%dma_start3A_126, %dma_start3A_127] : memref<10240x128xf32, #tpu.memory_space<vmem_shared>> -> memref<10240x128xf32, #tpu.memory_space<vmem_shared>>
      tpu.enqueue_indirect_dma source(%arg8 : memref<128x128xf32, #tpu.memory_space<vmem>>) target(%dma_start3A_128 : memref<10240x128xf32, #tpu.memory_space<vmem_shared>>) offsets(%dma_start3A_125 : memref<128xi32, #tpu.memory_space<vmem>>) semaphore(%run_scoped3A_122 : memref<!tpu.dma_semaphore, #tpu.memory_space<semaphore_mem>>) {add = true}
      %dma_wait3A_129 = arith.constant 0 : i32
      %dma_wait3A_130 = tpu.memref_slice %arg7[%run_scoped3A, %dma_wait3A_129] : memref<40x128xi32, #tpu.memory_space<vmem>> -> memref<1x128xi32, #tpu.memory_space<vmem>>
      %dma_wait3A_131 = tpu.memref_squeeze %dma_wait3A_130 : memref<1x128xi32, #tpu.memory_space<vmem>> -> memref<128xi32, #tpu.memory_space<vmem>>
      %dma_wait3A_132 = arith.constant 0 : i32
      %dma_wait3A_133 = arith.constant 0 : i32
      %dma_wait3A_134 = tpu.memref_slice %arg10[%dma_wait3A_132, %dma_wait3A_133] : memref<10240x128xf32, #tpu.memory_space<vmem_shared>> -> memref<10240x128xf32, #tpu.memory_space<vmem_shared>>
      tpu.wait_indirect_dma semaphore(%run_scoped3A_122 : memref<!tpu.dma_semaphore, #tpu.memory_space<semaphore_mem>>) src(%arg8 : memref<128x128xf32, #tpu.memory_space<vmem>>) dst(%dma_wait3A_134 : memref<10240x128xf32, #tpu.memory_space<vmem_shared>>)
      tpu.yield
    }) : () -> ()
    %dma_wait3A_49 = arith.constant 39 : i32
    %dma_wait3A_50 = arith.constant 0 : i32
    %dma_wait3A_51 = tpu.memref_slice %arg6[%dma_wait3A_49, %dma_wait3A_50] : memref<40x128xi32, #tpu.memory_space<vmem>> -> memref<1x128xi32, #tpu.memory_space<vmem>>
    %dma_wait3A_52 = tpu.memref_squeeze %dma_wait3A_51 : memref<1x128xi32, #tpu.memory_space<vmem>> -> memref<128xi32, #tpu.memory_space<vmem>>
    %dma_wait3A_53 = arith.constant 0 : i32
    %dma_wait3A_54 = arith.constant 0 : i32
    %dma_wait3A_55 = tpu.memref_slice %arg2[%dma_wait3A_53, %dma_wait3A_54] : memref<10240x128xf32, #tpu.memory_space<hbm>> -> memref<10240x128xf32, #tpu.memory_space<hbm>>
    tpu.wait_indirect_dma semaphore(%arg12 : memref<!tpu.dma_semaphore, #tpu.memory_space<semaphore_mem>>) src(%dma_wait3A_55 : memref<10240x128xf32, #tpu.memory_space<hbm>>) dst(%arg9 : memref<128x128xf32, #tpu.memory_space<vmem>>)
    %run_scoped3A_56 = arith.constant 39 : i32
    "tpu.region"() ({
      %run_scoped3A_122 = tpu.sem_alloc : memref<!tpu.dma_semaphore, #tpu.memory_space<semaphore_mem>>
      %dma_start3A_123 = arith.constant 0 : i32
      %dma_start3A_124 = tpu.memref_slice %arg7[%run_scoped3A_56, %dma_start3A_123] : memref<40x128xi32, #tpu.memory_space<vmem>> -> memref<1x128xi32, #tpu.memory_space<vmem>>
      %dma_start3A_125 = tpu.memref_squeeze %dma_start3A_124 : memref<1x128xi32, #tpu.memory_space<vmem>> -> memref<128xi32, #tpu.memory_space<vmem>>
      %dma_start3A_126 = arith.constant 0 : i32
      %dma_start3A_127 = arith.constant 0 : i32
      %dma_start3A_128 = tpu.memref_slice %arg10[%dma_start3A_126, %dma_start3A_127] : memref<10240x128xf32, #tpu.memory_space<vmem_shared>> -> memref<10240x128xf32, #tpu.memory_space<vmem_shared>>
      tpu.enqueue_indirect_dma source(%arg9 : memref<128x128xf32, #tpu.memory_space<vmem>>) target(%dma_start3A_128 : memref<10240x128xf32, #tpu.memory_space<vmem_shared>>) offsets(%dma_start3A_125 : memref<128xi32, #tpu.memory_space<vmem>>) semaphore(%run_scoped3A_122 : memref<!tpu.dma_semaphore, #tpu.memory_space<semaphore_mem>>) {add = true}
      %dma_wait3A_129 = arith.constant 0 : i32
      %dma_wait3A_130 = tpu.memref_slice %arg7[%run_scoped3A_56, %dma_wait3A_129] : memref<40x128xi32, #tpu.memory_space<vmem>> -> memref<1x128xi32, #tpu.memory_space<vmem>>
      %dma_wait3A_131 = tpu.memref_squeeze %dma_wait3A_130 : memref<1x128xi32, #tpu.memory_space<vmem>> -> memref<128xi32, #tpu.memory_space<vmem>>
      %dma_wait3A_132 = arith.constant 0 : i32
      %dma_wait3A_133 = arith.constant 0 : i32
      %dma_wait3A_134 = tpu.memref_slice %arg10[%dma_wait3A_132, %dma_wait3A_133] : memref<10240x128xf32, #tpu.memory_space<vmem_shared>> -> memref<10240x128xf32, #tpu.memory_space<vmem_shared>>
      tpu.wait_indirect_dma semaphore(%run_scoped3A_122 : memref<!tpu.dma_semaphore, #tpu.memory_space<semaphore_mem>>) src(%arg9 : memref<128x128xf32, #tpu.memory_space<vmem>>) dst(%dma_wait3A_134 : memref<10240x128xf32, #tpu.memory_space<vmem_shared>>)
      tpu.yield
    }) : () -> ()
    %mul3A_57 = arith.constant 80 : i32
    %mul3A_58 = arith.muli %add3A, %mul3A_57 : i32
    %add3A_59 = arith.constant 40 : i32
    %add3A_60 = arith.addi %mul3A_58, %add3A_59 : i32
    "tpu.region"() ({
      %run_scoped3A_122 = tpu.sem_alloc : memref<!tpu.dma_semaphore, #tpu.memory_space<semaphore_mem>>
      %dma_start3A_123 = arith.constant 0 : i32
      %dma_start3A_124 = tpu.memref_slice %arg3[%add3A_60, %dma_start3A_123] : memref<2560x128xi32, #tpu.memory_space<hbm>> -> memref<40x128xi32, #tpu.memory_space<hbm>>
      %dma_start3A_125 = arith.constant 0 : i32
      %dma_start3A_126 = tpu.memref_slice %arg3[%add3A_60, %dma_start3A_125] : memref<2560x128xi32, #tpu.memory_space<hbm>> -> memref<40x128xi32, #tpu.memory_space<hbm>>
      tpu.enqueue_dma source(%dma_start3A_126 : memref<40x128xi32, #tpu.memory_space<hbm>>) target(%arg6 : memref<40x128xi32, #tpu.memory_space<vmem>>) target_semaphore(%run_scoped3A_122 : memref<!tpu.dma_semaphore, #tpu.memory_space<semaphore_mem>>)
      %dma_wait3A_127 = arith.constant 0 : i32
      %dma_wait3A_128 = tpu.memref_slice %arg3[%add3A_60, %dma_wait3A_127] : memref<2560x128xi32, #tpu.memory_space<hbm>> -> memref<40x128xi32, #tpu.memory_space<hbm>>
      %dma_wait3A_129 = arith.constant 0 : i32
      %dma_wait3A_130 = tpu.memref_slice %arg3[%add3A_60, %dma_wait3A_129] : memref<2560x128xi32, #tpu.memory_space<hbm>> -> memref<40x128xi32, #tpu.memory_space<hbm>>
      tpu.wait_dma2 semaphore(%run_scoped3A_122 : memref<!tpu.dma_semaphore, #tpu.memory_space<semaphore_mem>>) src(%dma_wait3A_130 : memref<40x128xi32, #tpu.memory_space<hbm>>) dst(%arg6 : memref<40x128xi32, #tpu.memory_space<vmem>>)
      tpu.yield
    }) : () -> ()
    "tpu.region"() ({
      %run_scoped3A_122 = tpu.sem_alloc : memref<!tpu.dma_semaphore, #tpu.memory_space<semaphore_mem>>
      %dma_start3A_123 = arith.constant 0 : i32
      %dma_start3A_124 = tpu.memref_slice %arg4[%add3A_60, %dma_start3A_123] : memref<2560x128xi32, #tpu.memory_space<hbm>> -> memref<40x128xi32, #tpu.memory_space<hbm>>
      %dma_start3A_125 = arith.constant 0 : i32
      %dma_start3A_126 = tpu.memref_slice %arg4[%add3A_60, %dma_start3A_125] : memref<2560x128xi32, #tpu.memory_space<hbm>> -> memref<40x128xi32, #tpu.memory_space<hbm>>
      tpu.enqueue_dma source(%dma_start3A_126 : memref<40x128xi32, #tpu.memory_space<hbm>>) target(%arg7 : memref<40x128xi32, #tpu.memory_space<vmem>>) target_semaphore(%run_scoped3A_122 : memref<!tpu.dma_semaphore, #tpu.memory_space<semaphore_mem>>)
      %dma_wait3A_127 = arith.constant 0 : i32
      %dma_wait3A_128 = tpu.memref_slice %arg4[%add3A_60, %dma_wait3A_127] : memref<2560x128xi32, #tpu.memory_space<hbm>> -> memref<40x128xi32, #tpu.memory_space<hbm>>
      %dma_wait3A_129 = arith.constant 0 : i32
      %dma_wait3A_130 = tpu.memref_slice %arg4[%add3A_60, %dma_wait3A_129] : memref<2560x128xi32, #tpu.memory_space<hbm>> -> memref<40x128xi32, #tpu.memory_space<hbm>>
      tpu.wait_dma2 semaphore(%run_scoped3A_122 : memref<!tpu.dma_semaphore, #tpu.memory_space<semaphore_mem>>) src(%dma_wait3A_130 : memref<40x128xi32, #tpu.memory_space<hbm>>) dst(%arg7 : memref<40x128xi32, #tpu.memory_space<vmem>>)
      tpu.yield
    }) : () -> ()
    %dma_start3A_61 = arith.constant 0 : i32
    %dma_start3A_62 = arith.constant 0 : i32
    %dma_start3A_63 = tpu.memref_slice %arg6[%dma_start3A_61, %dma_start3A_62] : memref<40x128xi32, #tpu.memory_space<vmem>> -> memref<1x128xi32, #tpu.memory_space<vmem>>
    %dma_start3A_64 = tpu.memref_squeeze %dma_start3A_63 : memref<1x128xi32, #tpu.memory_space<vmem>> -> memref<128xi32, #tpu.memory_space<vmem>>
    %dma_start3A_65 = arith.constant 0 : i32
    %dma_start3A_66 = arith.constant 0 : i32
    %dma_start3A_67 = tpu.memref_slice %arg2[%dma_start3A_65, %dma_start3A_66] : memref<10240x128xf32, #tpu.memory_space<hbm>> -> memref<10240x128xf32, #tpu.memory_space<hbm>>
    tpu.enqueue_indirect_dma source(%dma_start3A_67 : memref<10240x128xf32, #tpu.memory_space<hbm>>) target(%arg8 : memref<128x128xf32, #tpu.memory_space<vmem>>) offsets(%dma_start3A_64 : memref<128xi32, #tpu.memory_space<vmem>>) semaphore(%arg11 : memref<!tpu.dma_semaphore, #tpu.memory_space<semaphore_mem>>)
    %dma_start3A_68 = arith.constant 1 : i32
    %dma_start3A_69 = arith.constant 0 : i32
    %dma_start3A_70 = tpu.memref_slice %arg6[%dma_start3A_68, %dma_start3A_69] : memref<40x128xi32, #tpu.memory_space<vmem>> -> memref<1x128xi32, #tpu.memory_space<vmem>>
    %dma_start3A_71 = tpu.memref_squeeze %dma_start3A_70 : memref<1x128xi32, #tpu.memory_space<vmem>> -> memref<128xi32, #tpu.memory_space<vmem>>
    %dma_start3A_72 = arith.constant 0 : i32
    %dma_start3A_73 = arith.constant 0 : i32
    %dma_start3A_74 = tpu.memref_slice %arg2[%dma_start3A_72, %dma_start3A_73] : memref<10240x128xf32, #tpu.memory_space<hbm>> -> memref<10240x128xf32, #tpu.memory_space<hbm>>
    tpu.enqueue_indirect_dma source(%dma_start3A_74 : memref<10240x128xf32, #tpu.memory_space<hbm>>) target(%arg9 : memref<128x128xf32, #tpu.memory_space<vmem>>) offsets(%dma_start3A_71 : memref<128xi32, #tpu.memory_space<vmem>>) semaphore(%arg12 : memref<!tpu.dma_semaphore, #tpu.memory_space<semaphore_mem>>)
    %scan3A_75 = arith.constant 0 : i32
    %scan3A_76 = arith.constant 0 : i32
    %scan3A_77 = arith.constant 19 : i32
    %scan3A_78 = arith.addi %scan3A_76, %scan3A_77 : i32
    %scan3A_79 = arith.constant 1 : i32
    %scan3A_80 = scf.for %scan3A_122 = %scan3A_76 to %scan3A_78 step %scan3A_79 iter_args(%scan3A_123 = %scan3A_75) -> (i32)  : i32 {
      %mul3A_124 = arith.constant 2 : i32
      %mul3A_125 = arith.muli %scan3A_122, %mul3A_124 : i32
      %add3A_126 = arith.constant 0 : i32
      %add3A_127 = arith.addi %mul3A_125, %add3A_126 : i32
      %dma_wait3A_128 = arith.constant 0 : i32
      %dma_wait3A_129 = tpu.memref_slice %arg6[%add3A_127, %dma_wait3A_128] : memref<40x128xi32, #tpu.memory_space<vmem>> -> memref<1x128xi32, #tpu.memory_space<vmem>>
      %dma_wait3A_130 = tpu.memref_squeeze %dma_wait3A_129 : memref<1x128xi32, #tpu.memory_space<vmem>> -> memref<128xi32, #tpu.memory_space<vmem>>
      %dma_wait3A_131 = arith.constant 0 : i32
      %dma_wait3A_132 = arith.constant 0 : i32
      %dma_wait3A_133 = tpu.memref_slice %arg2[%dma_wait3A_131, %dma_wait3A_132] : memref<10240x128xf32, #tpu.memory_space<hbm>> -> memref<10240x128xf32, #tpu.memory_space<hbm>>
      tpu.wait_indirect_dma semaphore(%arg11 : memref<!tpu.dma_semaphore, #tpu.memory_space<semaphore_mem>>) src(%dma_wait3A_133 : memref<10240x128xf32, #tpu.memory_space<hbm>>) dst(%arg8 : memref<128x128xf32, #tpu.memory_space<vmem>>)
      "tpu.region"() ({
        %run_scoped3A_161 = tpu.sem_alloc : memref<!tpu.dma_semaphore, #tpu.memory_space<semaphore_mem>>
        %dma_start3A_162 = arith.constant 0 : i32
        %dma_start3A_163 = tpu.memref_slice %arg7[%add3A_127, %dma_start3A_162] : memref<40x128xi32, #tpu.memory_space<vmem>> -> memref<1x128xi32, #tpu.memory_space<vmem>>
        %dma_start3A_164 = tpu.memref_squeeze %dma_start3A_163 : memref<1x128xi32, #tpu.memory_space<vmem>> -> memref<128xi32, #tpu.memory_space<vmem>>
        %dma_start3A_165 = arith.constant 0 : i32
        %dma_start3A_166 = arith.constant 0 : i32
        %dma_start3A_167 = tpu.memref_slice %arg10[%dma_start3A_165, %dma_start3A_166] : memref<10240x128xf32, #tpu.memory_space<vmem_shared>> -> memref<10240x128xf32, #tpu.memory_space<vmem_shared>>
        tpu.enqueue_indirect_dma source(%arg8 : memref<128x128xf32, #tpu.memory_space<vmem>>) target(%dma_start3A_167 : memref<10240x128xf32, #tpu.memory_space<vmem_shared>>) offsets(%dma_start3A_164 : memref<128xi32, #tpu.memory_space<vmem>>) semaphore(%run_scoped3A_161 : memref<!tpu.dma_semaphore, #tpu.memory_space<semaphore_mem>>) {add = true}
        %dma_wait3A_168 = arith.constant 0 : i32
        %dma_wait3A_169 = tpu.memref_slice %arg7[%add3A_127, %dma_wait3A_168] : memref<40x128xi32, #tpu.memory_space<vmem>> -> memref<1x128xi32, #tpu.memory_space<vmem>>
        %dma_wait3A_170 = tpu.memref_squeeze %dma_wait3A_169 : memref<1x128xi32, #tpu.memory_space<vmem>> -> memref<128xi32, #tpu.memory_space<vmem>>
        %dma_wait3A_171 = arith.constant 0 : i32
        %dma_wait3A_172 = arith.constant 0 : i32
        %dma_wait3A_173 = tpu.memref_slice %arg10[%dma_wait3A_171, %dma_wait3A_172] : memref<10240x128xf32, #tpu.memory_space<vmem_shared>> -> memref<10240x128xf32, #tpu.memory_space<vmem_shared>>
        tpu.wait_indirect_dma semaphore(%run_scoped3A_161 : memref<!tpu.dma_semaphore, #tpu.memory_space<semaphore_mem>>) src(%arg8 : memref<128x128xf32, #tpu.memory_space<vmem>>) dst(%dma_wait3A_173 : memref<10240x128xf32, #tpu.memory_space<vmem_shared>>)
        tpu.yield
      }) : () -> ()
      %add3A_134 = arith.constant 2 : i32
      %add3A_135 = arith.addi %add3A_127, %add3A_134 : i32
      %dma_start3A_136 = arith.constant 0 : i32
      %dma_start3A_137 = tpu.memref_slice %arg6[%add3A_135, %dma_start3A_136] : memref<40x128xi32, #tpu.memory_space<vmem>> -> memref<1x128xi32, #tpu.memory_space<vmem>>
      %dma_start3A_138 = tpu.memref_squeeze %dma_start3A_137 : memref<1x128xi32, #tpu.memory_space<vmem>> -> memref<128xi32, #tpu.memory_space<vmem>>
      %dma_start3A_139 = arith.constant 0 : i32
      %dma_start3A_140 = arith.constant 0 : i32
      %dma_start3A_141 = tpu.memref_slice %arg2[%dma_start3A_139, %dma_start3A_140] : memref<10240x128xf32, #tpu.memory_space<hbm>> -> memref<10240x128xf32, #tpu.memory_space<hbm>>
      tpu.enqueue_indirect_dma source(%dma_start3A_141 : memref<10240x128xf32, #tpu.memory_space<hbm>>) target(%arg8 : memref<128x128xf32, #tpu.memory_space<vmem>>) offsets(%dma_start3A_138 : memref<128xi32, #tpu.memory_space<vmem>>) semaphore(%arg11 : memref<!tpu.dma_semaphore, #tpu.memory_space<semaphore_mem>>)
      %mul3A_142 = arith.constant 2 : i32
      %mul3A_143 = arith.muli %scan3A_122, %mul3A_142 : i32
      %add3A_144 = arith.constant 1 : i32
      %add3A_145 = arith.addi %mul3A_143, %add3A_144 : i32
      %dma_wait3A_146 = arith.constant 0 : i32
      %dma_wait3A_147 = tpu.memref_slice %arg6[%add3A_145, %dma_wait3A_146] : memref<40x128xi32, #tpu.memory_space<vmem>> -> memref<1x128xi32, #tpu.memory_space<vmem>>
      %dma_wait3A_148 = tpu.memref_squeeze %dma_wait3A_147 : memref<1x128xi32, #tpu.memory_space<vmem>> -> memref<128xi32, #tpu.memory_space<vmem>>
      %dma_wait3A_149 = arith.constant 0 : i32
      %dma_wait3A_150 = arith.constant 0 : i32
      %dma_wait3A_151 = tpu.memref_slice %arg2[%dma_wait3A_149, %dma_wait3A_150] : memref<10240x128xf32, #tpu.memory_space<hbm>> -> memref<10240x128xf32, #tpu.memory_space<hbm>>
      tpu.wait_indirect_dma semaphore(%arg12 : memref<!tpu.dma_semaphore, #tpu.memory_space<semaphore_mem>>) src(%dma_wait3A_151 : memref<10240x128xf32, #tpu.memory_space<hbm>>) dst(%arg9 : memref<128x128xf32, #tpu.memory_space<vmem>>)
      "tpu.region"() ({
        %run_scoped3A_161 = tpu.sem_alloc : memref<!tpu.dma_semaphore, #tpu.memory_space<semaphore_mem>>
        %dma_start3A_162 = arith.constant 0 : i32
        %dma_start3A_163 = tpu.memref_slice %arg7[%add3A_145, %dma_start3A_162] : memref<40x128xi32, #tpu.memory_space<vmem>> -> memref<1x128xi32, #tpu.memory_space<vmem>>
        %dma_start3A_164 = tpu.memref_squeeze %dma_start3A_163 : memref<1x128xi32, #tpu.memory_space<vmem>> -> memref<128xi32, #tpu.memory_space<vmem>>
        %dma_start3A_165 = arith.constant 0 : i32
        %dma_start3A_166 = arith.constant 0 : i32
        %dma_start3A_167 = tpu.memref_slice %arg10[%dma_start3A_165, %dma_start3A_166] : memref<10240x128xf32, #tpu.memory_space<vmem_shared>> -> memref<10240x128xf32, #tpu.memory_space<vmem_shared>>
        tpu.enqueue_indirect_dma source(%arg9 : memref<128x128xf32, #tpu.memory_space<vmem>>) target(%dma_start3A_167 : memref<10240x128xf32, #tpu.memory_space<vmem_shared>>) offsets(%dma_start3A_164 : memref<128xi32, #tpu.memory_space<vmem>>) semaphore(%run_scoped3A_161 : memref<!tpu.dma_semaphore, #tpu.memory_space<semaphore_mem>>) {add = true}
        %dma_wait3A_168 = arith.constant 0 : i32
        %dma_wait3A_169 = tpu.memref_slice %arg7[%add3A_145, %dma_wait3A_168] : memref<40x128xi32, #tpu.memory_space<vmem>> -> memref<1x128xi32, #tpu.memory_space<vmem>>
        %dma_wait3A_170 = tpu.memref_squeeze %dma_wait3A_169 : memref<1x128xi32, #tpu.memory_space<vmem>> -> memref<128xi32, #tpu.memory_space<vmem>>
        %dma_wait3A_171 = arith.constant 0 : i32
        %dma_wait3A_172 = arith.constant 0 : i32
        %dma_wait3A_173 = tpu.memref_slice %arg10[%dma_wait3A_171, %dma_wait3A_172] : memref<10240x128xf32, #tpu.memory_space<vmem_shared>> -> memref<10240x128xf32, #tpu.memory_space<vmem_shared>>
        tpu.wait_indirect_dma semaphore(%run_scoped3A_161 : memref<!tpu.dma_semaphore, #tpu.memory_space<semaphore_mem>>) src(%arg9 : memref<128x128xf32, #tpu.memory_space<vmem>>) dst(%dma_wait3A_173 : memref<10240x128xf32, #tpu.memory_space<vmem_shared>>)
        tpu.yield
      }) : () -> ()
      %add3A_152 = arith.constant 2 : i32
      %add3A_153 = arith.addi %add3A_145, %add3A_152 : i32
      %dma_start3A_154 = arith.constant 0 : i32
      %dma_start3A_155 = tpu.memref_slice %arg6[%add3A_153, %dma_start3A_154] : memref<40x128xi32, #tpu.memory_space<vmem>> -> memref<1x128xi32, #tpu.memory_space<vmem>>
      %dma_start3A_156 = tpu.memref_squeeze %dma_start3A_155 : memref<1x128xi32, #tpu.memory_space<vmem>> -> memref<128xi32, #tpu.memory_space<vmem>>
      %dma_start3A_157 = arith.constant 0 : i32
      %dma_start3A_158 = arith.constant 0 : i32
      %dma_start3A_159 = tpu.memref_slice %arg2[%dma_start3A_157, %dma_start3A_158] : memref<10240x128xf32, #tpu.memory_space<hbm>> -> memref<10240x128xf32, #tpu.memory_space<hbm>>
      tpu.enqueue_indirect_dma source(%dma_start3A_159 : memref<10240x128xf32, #tpu.memory_space<hbm>>) target(%arg9 : memref<128x128xf32, #tpu.memory_space<vmem>>) offsets(%dma_start3A_156 : memref<128xi32, #tpu.memory_space<vmem>>) semaphore(%arg12 : memref<!tpu.dma_semaphore, #tpu.memory_space<semaphore_mem>>)
      %scan3A_160 = arith.constant 0 : i32
      scf.yield %scan3A_160 : i32
    }
    %scan3A_81 = arith.constant 19 : i32
    %dma_wait3A_82 = arith.constant 38 : i32
    %dma_wait3A_83 = arith.constant 0 : i32
    %dma_wait3A_84 = tpu.memref_slice %arg6[%dma_wait3A_82, %dma_wait3A_83] : memref<40x128xi32, #tpu.memory_space<vmem>> -> memref<1x128xi32, #tpu.memory_space<vmem>>
    %dma_wait3A_85 = tpu.memref_squeeze %dma_wait3A_84 : memref<1x128xi32, #tpu.memory_space<vmem>> -> memref<128xi32, #tpu.memory_space<vmem>>
    %dma_wait3A_86 = arith.constant 0 : i32
    %dma_wait3A_87 = arith.constant 0 : i32
    %dma_wait3A_88 = tpu.memref_slice %arg2[%dma_wait3A_86, %dma_wait3A_87] : memref<10240x128xf32, #tpu.memory_space<hbm>> -> memref<10240x128xf32, #tpu.memory_space<hbm>>
    tpu.wait_indirect_dma semaphore(%arg11 : memref<!tpu.dma_semaphore, #tpu.memory_space<semaphore_mem>>) src(%dma_wait3A_88 : memref<10240x128xf32, #tpu.memory_space<hbm>>) dst(%arg8 : memref<128x128xf32, #tpu.memory_space<vmem>>)
    %run_scoped3A_89 = arith.constant 38 : i32
    "tpu.region"() ({
      %run_scoped3A_122 = tpu.sem_alloc : memref<!tpu.dma_semaphore, #tpu.memory_space<semaphore_mem>>
      %dma_start3A_123 = arith.constant 0 : i32
      %dma_start3A_124 = tpu.memref_slice %arg7[%run_scoped3A_89, %dma_start3A_123] : memref<40x128xi32, #tpu.memory_space<vmem>> -> memref<1x128xi32, #tpu.memory_space<vmem>>
      %dma_start3A_125 = tpu.memref_squeeze %dma_start3A_124 : memref<1x128xi32, #tpu.memory_space<vmem>> -> memref<128xi32, #tpu.memory_space<vmem>>
      %dma_start3A_126 = arith.constant 0 : i32
      %dma_start3A_127 = arith.constant 0 : i32
      %dma_start3A_128 = tpu.memref_slice %arg10[%dma_start3A_126, %dma_start3A_127] : memref<10240x128xf32, #tpu.memory_space<vmem_shared>> -> memref<10240x128xf32, #tpu.memory_space<vmem_shared>>
      tpu.enqueue_indirect_dma source(%arg8 : memref<128x128xf32, #tpu.memory_space<vmem>>) target(%dma_start3A_128 : memref<10240x128xf32, #tpu.memory_space<vmem_shared>>) offsets(%dma_start3A_125 : memref<128xi32, #tpu.memory_space<vmem>>) semaphore(%run_scoped3A_122 : memref<!tpu.dma_semaphore, #tpu.memory_space<semaphore_mem>>) {add = true}
      %dma_wait3A_129 = arith.constant 0 : i32
      %dma_wait3A_130 = tpu.memref_slice %arg7[%run_scoped3A_89, %dma_wait3A_129] : memref<40x128xi32, #tpu.memory_space<vmem>> -> memref<1x128xi32, #tpu.memory_space<vmem>>
      %dma_wait3A_131 = tpu.memref_squeeze %dma_wait3A_130 : memref<1x128xi32, #tpu.memory_space<vmem>> -> memref<128xi32, #tpu.memory_space<vmem>>
      %dma_wait3A_132 = arith.constant 0 : i32
      %dma_wait3A_133 = arith.constant 0 : i32
      %dma_wait3A_134 = tpu.memref_slice %arg10[%dma_wait3A_132, %dma_wait3A_133] : memref<10240x128xf32, #tpu.memory_space<vmem_shared>> -> memref<10240x128xf32, #tpu.memory_space<vmem_shared>>
      tpu.wait_indirect_dma semaphore(%run_scoped3A_122 : memref<!tpu.dma_semaphore, #tpu.memory_space<semaphore_mem>>) src(%arg8 : memref<128x128xf32, #tpu.memory_space<vmem>>) dst(%dma_wait3A_134 : memref<10240x128xf32, #tpu.memory_space<vmem_shared>>)
      tpu.yield
    }) : () -> ()
    %dma_wait3A_90 = arith.constant 39 : i32
    %dma_wait3A_91 = arith.constant 0 : i32
    %dma_wait3A_92 = tpu.memref_slice %arg6[%dma_wait3A_90, %dma_wait3A_91] : memref<40x128xi32, #tpu.memory_space<vmem>> -> memref<1x128xi32, #tpu.memory_space<vmem>>
    %dma_wait3A_93 = tpu.memref_squeeze %dma_wait3A_92 : memref<1x128xi32, #tpu.memory_space<vmem>> -> memref<128xi32, #tpu.memory_space<vmem>>
    %dma_wait3A_94 = arith.constant 0 : i32
    %dma_wait3A_95 = arith.constant 0 : i32
    %dma_wait3A_96 = tpu.memref_slice %arg2[%dma_wait3A_94, %dma_wait3A_95] : memref<10240x128xf32, #tpu.memory_space<hbm>> -> memref<10240x128xf32, #tpu.memory_space<hbm>>
    tpu.wait_indirect_dma semaphore(%arg12 : memref<!tpu.dma_semaphore, #tpu.memory_space<semaphore_mem>>) src(%dma_wait3A_96 : memref<10240x128xf32, #tpu.memory_space<hbm>>) dst(%arg9 : memref<128x128xf32, #tpu.memory_space<vmem>>)
    %run_scoped3A_97 = arith.constant 39 : i32
    "tpu.region"() ({
      %run_scoped3A_122 = tpu.sem_alloc : memref<!tpu.dma_semaphore, #tpu.memory_space<semaphore_mem>>
      %dma_start3A_123 = arith.constant 0 : i32
      %dma_start3A_124 = tpu.memref_slice %arg7[%run_scoped3A_97, %dma_start3A_123] : memref<40x128xi32, #tpu.memory_space<vmem>> -> memref<1x128xi32, #tpu.memory_space<vmem>>
      %dma_start3A_125 = tpu.memref_squeeze %dma_start3A_124 : memref<1x128xi32, #tpu.memory_space<vmem>> -> memref<128xi32, #tpu.memory_space<vmem>>
      %dma_start3A_126 = arith.constant 0 : i32
      %dma_start3A_127 = arith.constant 0 : i32
      %dma_start3A_128 = tpu.memref_slice %arg10[%dma_start3A_126, %dma_start3A_127] : memref<10240x128xf32, #tpu.memory_space<vmem_shared>> -> memref<10240x128xf32, #tpu.memory_space<vmem_shared>>
      tpu.enqueue_indirect_dma source(%arg9 : memref<128x128xf32, #tpu.memory_space<vmem>>) target(%dma_start3A_128 : memref<10240x128xf32, #tpu.memory_space<vmem_shared>>) offsets(%dma_start3A_125 : memref<128xi32, #tpu.memory_space<vmem>>) semaphore(%run_scoped3A_122 : memref<!tpu.dma_semaphore, #tpu.memory_space<semaphore_mem>>) {add = true}
      %dma_wait3A_129 = arith.constant 0 : i32
      %dma_wait3A_130 = tpu.memref_slice %arg7[%run_scoped3A_97, %dma_wait3A_129] : memref<40x128xi32, #tpu.memory_space<vmem>> -> memref<1x128xi32, #tpu.memory_space<vmem>>
      %dma_wait3A_131 = tpu.memref_squeeze %dma_wait3A_130 : memref<1x128xi32, #tpu.memory_space<vmem>> -> memref<128xi32, #tpu.memory_space<vmem>>
      %dma_wait3A_132 = arith.constant 0 : i32
      %dma_wait3A_133 = arith.constant 0 : i32
      %dma_wait3A_134 = tpu.memref_slice %arg10[%dma_wait3A_132, %dma_wait3A_133] : memref<10240x128xf32, #tpu.memory_space<vmem_shared>> -> memref<10240x128xf32, #tpu.memory_space<vmem_shared>>
      tpu.wait_indirect_dma semaphore(%run_scoped3A_122 : memref<!tpu.dma_semaphore, #tpu.memory_space<semaphore_mem>>) src(%arg9 : memref<128x128xf32, #tpu.memory_space<vmem>>) dst(%dma_wait3A_134 : memref<10240x128xf32, #tpu.memory_space<vmem_shared>>)
      tpu.yield
    }) : () -> ()
    %barrier3A_98 = arith.constant 0 : index
    tpu.barrier barrier_id(%barrier3A_98)
    %mul3A_99 = arith.constant 10240 : i32
    %mul3A_100 = arith.muli %arg0, %mul3A_99 : i32
    %add3A_101 = arith.addi %mul3A_100, %mul3A_8 : i32
    %add3A_102 = arith.constant 0 : i32
    %add3A_103 = arith.addi %mul3A_8, %add3A_102 : i32
    "tpu.region"() ({
      %run_scoped3A_122 = tpu.sem_alloc : memref<!tpu.dma_semaphore, #tpu.memory_space<semaphore_mem>>
      %dma_start3A_123 = arith.constant 0 : i32
      %dma_start3A_124 = tpu.memref_slice %arg10[%add3A_103, %dma_start3A_123] : memref<10240x128xf32, #tpu.memory_space<vmem_shared>> -> memref<128x128xf32, #tpu.memory_space<vmem_shared>>
      %dma_start3A_125 = arith.constant 0 : i32
      %dma_start3A_126 = tpu.memref_slice %arg10[%add3A_103, %dma_start3A_125] : memref<10240x128xf32, #tpu.memory_space<vmem_shared>> -> memref<128x128xf32, #tpu.memory_space<vmem_shared>>
      tpu.enqueue_dma source(%dma_start3A_126 : memref<128x128xf32, #tpu.memory_space<vmem_shared>>) target(%arg8 : memref<128x128xf32, #tpu.memory_space<vmem>>) target_semaphore(%run_scoped3A_122 : memref<!tpu.dma_semaphore, #tpu.memory_space<semaphore_mem>>)
      %dma_wait3A_127 = arith.constant 0 : i32
      %dma_wait3A_128 = tpu.memref_slice %arg10[%add3A_103, %dma_wait3A_127] : memref<10240x128xf32, #tpu.memory_space<vmem_shared>> -> memref<128x128xf32, #tpu.memory_space<vmem_shared>>
      %dma_wait3A_129 = arith.constant 0 : i32
      %dma_wait3A_130 = tpu.memref_slice %arg10[%add3A_103, %dma_wait3A_129] : memref<10240x128xf32, #tpu.memory_space<vmem_shared>> -> memref<128x128xf32, #tpu.memory_space<vmem_shared>>
      tpu.wait_dma2 semaphore(%run_scoped3A_122 : memref<!tpu.dma_semaphore, #tpu.memory_space<semaphore_mem>>) src(%dma_wait3A_130 : memref<128x128xf32, #tpu.memory_space<vmem_shared>>) dst(%arg8 : memref<128x128xf32, #tpu.memory_space<vmem>>)
      tpu.yield
    }) : () -> ()
    %add3A_104 = arith.constant 0 : i32
    %add3A_105 = arith.addi %add3A_101, %add3A_104 : i32
    "tpu.region"() ({
      %run_scoped3A_122 = tpu.sem_alloc : memref<!tpu.dma_semaphore, #tpu.memory_space<semaphore_mem>>
      %dma_start3A_123 = arith.constant 0 : i32
      %dma_start3A_124 = tpu.memref_slice %arg5[%add3A_105, %dma_start3A_123] : memref<20480x128xf32, #tpu.memory_space<hbm>> -> memref<128x128xf32, #tpu.memory_space<hbm>>
      %dma_start3A_125 = arith.constant 0 : i32
      %dma_start3A_126 = tpu.memref_slice %arg5[%add3A_105, %dma_start3A_125] : memref<20480x128xf32, #tpu.memory_space<hbm>> -> memref<128x128xf32, #tpu.memory_space<hbm>>
      tpu.enqueue_dma source(%arg8 : memref<128x128xf32, #tpu.memory_space<vmem>>) target(%dma_start3A_126 : memref<128x128xf32, #tpu.memory_space<hbm>>) target_semaphore(%run_scoped3A_122 : memref<!tpu.dma_semaphore, #tpu.memory_space<semaphore_mem>>)
      %dma_wait3A_127 = arith.constant 0 : i32
      %dma_wait3A_128 = tpu.memref_slice %arg5[%add3A_105, %dma_wait3A_127] : memref<20480x128xf32, #tpu.memory_space<hbm>> -> memref<128x128xf32, #tpu.memory_space<hbm>>
      %dma_wait3A_129 = arith.constant 0 : i32
      %dma_wait3A_130 = tpu.memref_slice %arg5[%add3A_105, %dma_wait3A_129] : memref<20480x128xf32, #tpu.memory_space<hbm>> -> memref<128x128xf32, #tpu.memory_space<hbm>>
      tpu.wait_dma2 semaphore(%run_scoped3A_122 : memref<!tpu.dma_semaphore, #tpu.memory_space<semaphore_mem>>) src(%arg8 : memref<128x128xf32, #tpu.memory_space<vmem>>) dst(%dma_wait3A_130 : memref<128x128xf32, #tpu.memory_space<hbm>>)
      tpu.yield
    }) : () -> ()
    %add3A_106 = arith.constant 128 : i32
    %add3A_107 = arith.addi %mul3A_8, %add3A_106 : i32
    "tpu.region"() ({
      %run_scoped3A_122 = tpu.sem_alloc : memref<!tpu.dma_semaphore, #tpu.memory_space<semaphore_mem>>
      %dma_start3A_123 = arith.constant 0 : i32
      %dma_start3A_124 = tpu.memref_slice %arg10[%add3A_107, %dma_start3A_123] : memref<10240x128xf32, #tpu.memory_space<vmem_shared>> -> memref<128x128xf32, #tpu.memory_space<vmem_shared>>
      %dma_start3A_125 = arith.constant 0 : i32
      %dma_start3A_126 = tpu.memref_slice %arg10[%add3A_107, %dma_start3A_125] : memref<10240x128xf32, #tpu.memory_space<vmem_shared>> -> memref<128x128xf32, #tpu.memory_space<vmem_shared>>
      tpu.enqueue_dma source(%dma_start3A_126 : memref<128x128xf32, #tpu.memory_space<vmem_shared>>) target(%arg8 : memref<128x128xf32, #tpu.memory_space<vmem>>) target_semaphore(%run_scoped3A_122 : memref<!tpu.dma_semaphore, #tpu.memory_space<semaphore_mem>>)
      %dma_wait3A_127 = arith.constant 0 : i32
      %dma_wait3A_128 = tpu.memref_slice %arg10[%add3A_107, %dma_wait3A_127] : memref<10240x128xf32, #tpu.memory_space<vmem_shared>> -> memref<128x128xf32, #tpu.memory_space<vmem_shared>>
      %dma_wait3A_129 = arith.constant 0 : i32
      %dma_wait3A_130 = tpu.memref_slice %arg10[%add3A_107, %dma_wait3A_129] : memref<10240x128xf32, #tpu.memory_space<vmem_shared>> -> memref<128x128xf32, #tpu.memory_space<vmem_shared>>
      tpu.wait_dma2 semaphore(%run_scoped3A_122 : memref<!tpu.dma_semaphore, #tpu.memory_space<semaphore_mem>>) src(%dma_wait3A_130 : memref<128x128xf32, #tpu.memory_space<vmem_shared>>) dst(%arg8 : memref<128x128xf32, #tpu.memory_space<vmem>>)
      tpu.yield
    }) : () -> ()
    %add3A_108 = arith.constant 128 : i32
    %add3A_109 = arith.addi %add3A_101, %add3A_108 : i32
    "tpu.region"() ({
      %run_scoped3A_122 = tpu.sem_alloc : memref<!tpu.dma_semaphore, #tpu.memory_space<semaphore_mem>>
      %dma_start3A_123 = arith.constant 0 : i32
      %dma_start3A_124 = tpu.memref_slice %arg5[%add3A_109, %dma_start3A_123] : memref<20480x128xf32, #tpu.memory_space<hbm>> -> memref<128x128xf32, #tpu.memory_space<hbm>>
      %dma_start3A_125 = arith.constant 0 : i32
      %dma_start3A_126 = tpu.memref_slice %arg5[%add3A_109, %dma_start3A_125] : memref<20480x128xf32, #tpu.memory_space<hbm>> -> memref<128x128xf32, #tpu.memory_space<hbm>>
      tpu.enqueue_dma source(%arg8 : memref<128x128xf32, #tpu.memory_space<vmem>>) target(%dma_start3A_126 : memref<128x128xf32, #tpu.memory_space<hbm>>) target_semaphore(%run_scoped3A_122 : memref<!tpu.dma_semaphore, #tpu.memory_space<semaphore_mem>>)
      %dma_wait3A_127 = arith.constant 0 : i32
      %dma_wait3A_128 = tpu.memref_slice %arg5[%add3A_109, %dma_wait3A_127] : memref<20480x128xf32, #tpu.memory_space<hbm>> -> memref<128x128xf32, #tpu.memory_space<hbm>>
      %dma_wait3A_129 = arith.constant 0 : i32
      %dma_wait3A_130 = tpu.memref_slice %arg5[%add3A_109, %dma_wait3A_129] : memref<20480x128xf32, #tpu.memory_space<hbm>> -> memref<128x128xf32, #tpu.memory_space<hbm>>
      tpu.wait_dma2 semaphore(%run_scoped3A_122 : memref<!tpu.dma_semaphore, #tpu.memory_space<semaphore_mem>>) src(%arg8 : memref<128x128xf32, #tpu.memory_space<vmem>>) dst(%dma_wait3A_130 : memref<128x128xf32, #tpu.memory_space<hbm>>)
      tpu.yield
    }) : () -> ()
    %add3A_110 = arith.constant 256 : i32
    %add3A_111 = arith.addi %mul3A_8, %add3A_110 : i32
    "tpu.region"() ({
      %run_scoped3A_122 = tpu.sem_alloc : memref<!tpu.dma_semaphore, #tpu.memory_space<semaphore_mem>>
      %dma_start3A_123 = arith.constant 0 : i32
      %dma_start3A_124 = tpu.memref_slice %arg10[%add3A_111, %dma_start3A_123] : memref<10240x128xf32, #tpu.memory_space<vmem_shared>> -> memref<128x128xf32, #tpu.memory_space<vmem_shared>>
      %dma_start3A_125 = arith.constant 0 : i32
      %dma_start3A_126 = tpu.memref_slice %arg10[%add3A_111, %dma_start3A_125] : memref<10240x128xf32, #tpu.memory_space<vmem_shared>> -> memref<128x128xf32, #tpu.memory_space<vmem_shared>>
      tpu.enqueue_dma source(%dma_start3A_126 : memref<128x128xf32, #tpu.memory_space<vmem_shared>>) target(%arg8 : memref<128x128xf32, #tpu.memory_space<vmem>>) target_semaphore(%run_scoped3A_122 : memref<!tpu.dma_semaphore, #tpu.memory_space<semaphore_mem>>)
      %dma_wait3A_127 = arith.constant 0 : i32
      %dma_wait3A_128 = tpu.memref_slice %arg10[%add3A_111, %dma_wait3A_127] : memref<10240x128xf32, #tpu.memory_space<vmem_shared>> -> memref<128x128xf32, #tpu.memory_space<vmem_shared>>
      %dma_wait3A_129 = arith.constant 0 : i32
      %dma_wait3A_130 = tpu.memref_slice %arg10[%add3A_111, %dma_wait3A_129] : memref<10240x128xf32, #tpu.memory_space<vmem_shared>> -> memref<128x128xf32, #tpu.memory_space<vmem_shared>>
      tpu.wait_dma2 semaphore(%run_scoped3A_122 : memref<!tpu.dma_semaphore, #tpu.memory_space<semaphore_mem>>) src(%dma_wait3A_130 : memref<128x128xf32, #tpu.memory_space<vmem_shared>>) dst(%arg8 : memref<128x128xf32, #tpu.memory_space<vmem>>)
      tpu.yield
    }) : () -> ()
    %add3A_112 = arith.constant 256 : i32
    %add3A_113 = arith.addi %add3A_101, %add3A_112 : i32
    "tpu.region"() ({
      %run_scoped3A_122 = tpu.sem_alloc : memref<!tpu.dma_semaphore, #tpu.memory_space<semaphore_mem>>
      %dma_start3A_123 = arith.constant 0 : i32
      %dma_start3A_124 = tpu.memref_slice %arg5[%add3A_113, %dma_start3A_123] : memref<20480x128xf32, #tpu.memory_space<hbm>> -> memref<128x128xf32, #tpu.memory_space<hbm>>
      %dma_start3A_125 = arith.constant 0 : i32
      %dma_start3A_126 = tpu.memref_slice %arg5[%add3A_113, %dma_start3A_125] : memref<20480x128xf32, #tpu.memory_space<hbm>> -> memref<128x128xf32, #tpu.memory_space<hbm>>
      tpu.enqueue_dma source(%arg8 : memref<128x128xf32, #tpu.memory_space<vmem>>) target(%dma_start3A_126 : memref<128x128xf32, #tpu.memory_space<hbm>>) target_semaphore(%run_scoped3A_122 : memref<!tpu.dma_semaphore, #tpu.memory_space<semaphore_mem>>)
      %dma_wait3A_127 = arith.constant 0 : i32
      %dma_wait3A_128 = tpu.memref_slice %arg5[%add3A_113, %dma_wait3A_127] : memref<20480x128xf32, #tpu.memory_space<hbm>> -> memref<128x128xf32, #tpu.memory_space<hbm>>
      %dma_wait3A_129 = arith.constant 0 : i32
      %dma_wait3A_130 = tpu.memref_slice %arg5[%add3A_113, %dma_wait3A_129] : memref<20480x128xf32, #tpu.memory_space<hbm>> -> memref<128x128xf32, #tpu.memory_space<hbm>>
      tpu.wait_dma2 semaphore(%run_scoped3A_122 : memref<!tpu.dma_semaphore, #tpu.memory_space<semaphore_mem>>) src(%arg8 : memref<128x128xf32, #tpu.memory_space<vmem>>) dst(%dma_wait3A_130 : memref<128x128xf32, #tpu.memory_space<hbm>>)
      tpu.yield
    }) : () -> ()
    %add3A_114 = arith.constant 384 : i32
    %add3A_115 = arith.addi %mul3A_8, %add3A_114 : i32
    "tpu.region"() ({
      %run_scoped3A_122 = tpu.sem_alloc : memref<!tpu.dma_semaphore, #tpu.memory_space<semaphore_mem>>
      %dma_start3A_123 = arith.constant 0 : i32
      %dma_start3A_124 = tpu.memref_slice %arg10[%add3A_115, %dma_start3A_123] : memref<10240x128xf32, #tpu.memory_space<vmem_shared>> -> memref<128x128xf32, #tpu.memory_space<vmem_shared>>
      %dma_start3A_125 = arith.constant 0 : i32
      %dma_start3A_126 = tpu.memref_slice %arg10[%add3A_115, %dma_start3A_125] : memref<10240x128xf32, #tpu.memory_space<vmem_shared>> -> memref<128x128xf32, #tpu.memory_space<vmem_shared>>
      tpu.enqueue_dma source(%dma_start3A_126 : memref<128x128xf32, #tpu.memory_space<vmem_shared>>) target(%arg8 : memref<128x128xf32, #tpu.memory_space<vmem>>) target_semaphore(%run_scoped3A_122 : memref<!tpu.dma_semaphore, #tpu.memory_space<semaphore_mem>>)
      %dma_wait3A_127 = arith.constant 0 : i32
      %dma_wait3A_128 = tpu.memref_slice %arg10[%add3A_115, %dma_wait3A_127] : memref<10240x128xf32, #tpu.memory_space<vmem_shared>> -> memref<128x128xf32, #tpu.memory_space<vmem_shared>>
      %dma_wait3A_129 = arith.constant 0 : i32
      %dma_wait3A_130 = tpu.memref_slice %arg10[%add3A_115, %dma_wait3A_129] : memref<10240x128xf32, #tpu.memory_space<vmem_shared>> -> memref<128x128xf32, #tpu.memory_space<vmem_shared>>
      tpu.wait_dma2 semaphore(%run_scoped3A_122 : memref<!tpu.dma_semaphore, #tpu.memory_space<semaphore_mem>>) src(%dma_wait3A_130 : memref<128x128xf32, #tpu.memory_space<vmem_shared>>) dst(%arg8 : memref<128x128xf32, #tpu.memory_space<vmem>>)
      tpu.yield
    }) : () -> ()
    %add3A_116 = arith.constant 384 : i32
    %add3A_117 = arith.addi %add3A_101, %add3A_116 : i32
    "tpu.region"() ({
      %run_scoped3A_122 = tpu.sem_alloc : memref<!tpu.dma_semaphore, #tpu.memory_space<semaphore_mem>>
      %dma_start3A_123 = arith.constant 0 : i32
      %dma_start3A_124 = tpu.memref_slice %arg5[%add3A_117, %dma_start3A_123] : memref<20480x128xf32, #tpu.memory_space<hbm>> -> memref<128x128xf32, #tpu.memory_space<hbm>>
      %dma_start3A_125 = arith.constant 0 : i32
      %dma_start3A_126 = tpu.memref_slice %arg5[%add3A_117, %dma_start3A_125] : memref<20480x128xf32, #tpu.memory_space<hbm>> -> memref<128x128xf32, #tpu.memory_space<hbm>>
      tpu.enqueue_dma source(%arg8 : memref<128x128xf32, #tpu.memory_space<vmem>>) target(%dma_start3A_126 : memref<128x128xf32, #tpu.memory_space<hbm>>) target_semaphore(%run_scoped3A_122 : memref<!tpu.dma_semaphore, #tpu.memory_space<semaphore_mem>>)
      %dma_wait3A_127 = arith.constant 0 : i32
      %dma_wait3A_128 = tpu.memref_slice %arg5[%add3A_117, %dma_wait3A_127] : memref<20480x128xf32, #tpu.memory_space<hbm>> -> memref<128x128xf32, #tpu.memory_space<hbm>>
      %dma_wait3A_129 = arith.constant 0 : i32
      %dma_wait3A_130 = tpu.memref_slice %arg5[%add3A_117, %dma_wait3A_129] : memref<20480x128xf32, #tpu.memory_space<hbm>> -> memref<128x128xf32, #tpu.memory_space<hbm>>
      tpu.wait_dma2 semaphore(%run_scoped3A_122 : memref<!tpu.dma_semaphore, #tpu.memory_space<semaphore_mem>>) src(%arg8 : memref<128x128xf32, #tpu.memory_space<vmem>>) dst(%dma_wait3A_130 : memref<128x128xf32, #tpu.memory_space<hbm>>)
      tpu.yield
    }) : () -> ()
    %add3A_118 = arith.constant 512 : i32
    %add3A_119 = arith.addi %mul3A_8, %add3A_118 : i32
    "tpu.region"() ({
      %run_scoped3A_122 = tpu.sem_alloc : memref<!tpu.dma_semaphore, #tpu.memory_space<semaphore_mem>>
      %dma_start3A_123 = arith.constant 0 : i32
      %dma_start3A_124 = tpu.memref_slice %arg10[%add3A_119, %dma_start3A_123] : memref<10240x128xf32, #tpu.memory_space<vmem_shared>> -> memref<128x128xf32, #tpu.memory_space<vmem_shared>>
      %dma_start3A_125 = arith.constant 0 : i32
      %dma_start3A_126 = tpu.memref_slice %arg10[%add3A_119, %dma_start3A_125] : memref<10240x128xf32, #tpu.memory_space<vmem_shared>> -> memref<128x128xf32, #tpu.memory_space<vmem_shared>>
      tpu.enqueue_dma source(%dma_start3A_126 : memref<128x128xf32, #tpu.memory_space<vmem_shared>>) target(%arg8 : memref<128x128xf32, #tpu.memory_space<vmem>>) target_semaphore(%run_scoped3A_122 : memref<!tpu.dma_semaphore, #tpu.memory_space<semaphore_mem>>)
      %dma_wait3A_127 = arith.constant 0 : i32
      %dma_wait3A_128 = tpu.memref_slice %arg10[%add3A_119, %dma_wait3A_127] : memref<10240x128xf32, #tpu.memory_space<vmem_shared>> -> memref<128x128xf32, #tpu.memory_space<vmem_shared>>
      %dma_wait3A_129 = arith.constant 0 : i32
      %dma_wait3A_130 = tpu.memref_slice %arg10[%add3A_119, %dma_wait3A_129] : memref<10240x128xf32, #tpu.memory_space<vmem_shared>> -> memref<128x128xf32, #tpu.memory_space<vmem_shared>>
      tpu.wait_dma2 semaphore(%run_scoped3A_122 : memref<!tpu.dma_semaphore, #tpu.memory_space<semaphore_mem>>) src(%dma_wait3A_130 : memref<128x128xf32, #tpu.memory_space<vmem_shared>>) dst(%arg8 : memref<128x128xf32, #tpu.memory_space<vmem>>)
      tpu.yield
    }) : () -> ()
    %add3A_120 = arith.constant 512 : i32
    %add3A_121 = arith.addi %add3A_101, %add3A_120 : i32
    "tpu.region"() ({
      %run_scoped3A_122 = tpu.sem_alloc : memref<!tpu.dma_semaphore, #tpu.memory_space<semaphore_mem>>
      %dma_start3A_123 = arith.constant 0 : i32
      %dma_start3A_124 = tpu.memref_slice %arg5[%add3A_121, %dma_start3A_123] : memref<20480x128xf32, #tpu.memory_space<hbm>> -> memref<128x128xf32, #tpu.memory_space<hbm>>
      %dma_start3A_125 = arith.constant 0 : i32
      %dma_start3A_126 = tpu.memref_slice %arg5[%add3A_121, %dma_start3A_125] : memref<20480x128xf32, #tpu.memory_space<hbm>> -> memref<128x128xf32, #tpu.memory_space<hbm>>
      tpu.enqueue_dma source(%arg8 : memref<128x128xf32, #tpu.memory_space<vmem>>) target(%dma_start3A_126 : memref<128x128xf32, #tpu.memory_space<hbm>>) target_semaphore(%run_scoped3A_122 : memref<!tpu.dma_semaphore, #tpu.memory_space<semaphore_mem>>)
      %dma_wait3A_127 = arith.constant 0 : i32
      %dma_wait3A_128 = tpu.memref_slice %arg5[%add3A_121, %dma_wait3A_127] : memref<20480x128xf32, #tpu.memory_space<hbm>> -> memref<128x128xf32, #tpu.memory_space<hbm>>
      %dma_wait3A_129 = arith.constant 0 : i32
      %dma_wait3A_130 = tpu.memref_slice %arg5[%add3A_121, %dma_wait3A_129] : memref<20480x128xf32, #tpu.memory_space<hbm>> -> memref<128x128xf32, #tpu.memory_space<hbm>>
      tpu.wait_dma2 semaphore(%run_scoped3A_122 : memref<!tpu.dma_semaphore, #tpu.memory_space<semaphore_mem>>) src(%arg8 : memref<128x128xf32, #tpu.memory_space<vmem>>) dst(%dma_wait3A_130 : memref<128x128xf32, #tpu.memory_space<hbm>>)
      tpu.yield
    }) : () -> ()
    return
  }
}

module attributes {stable_mosaic.version = 14 : i64} {
  func.func @body(%arg0: i32, %arg1: memref<1024x128xf32, #tpu.memory_space<vmem>>, %arg2: memref<128x128xf32, #tpu.memory_space<vmem>>, %arg3: memref<1024x16xf32, #tpu.memory_space<vmem>>, %arg4: memref<1024x16xf32, #tpu.memory_space<vmem>>, %arg5: memref<1024x128xf32, #tpu.memory_space<vmem>>, %arg6: memref<1024x128xf32, #tpu.memory_space<vmem>>) attributes {dimension_semantics = [#tpu.dimension_semantics<arbitrary>], iteration_bounds = array<i64: 10>, scalar_prefetch = 0 : i64, scratch_operands = 0 : i64, tpu.core_type = #tpu.core_type<tc>, window_params = [{transform_indices = @transform_0, window_bounds = array<i64: 1024, 128>}, {pipeline_mode = #tpu.pipeline_mode<synchronous>, transform_indices = @transform_1, window_bounds = array<i64: 128, 128>}, {transform_indices = @transform_2, window_bounds = array<i64: 1024, 16>}, {transform_indices = @transform_3, window_bounds = array<i64: 1024, 16>}, {transform_indices = @transform_4, window_bounds = array<i64: 1024, 128>}, {transform_indices = @transform_5, window_bounds = array<i64: 1024, 128>}]} {
    %get3A = arith.constant 0 : index
    %get3A_0 = arith.constant 0 : index
    %get3A_1 = vector.load %arg3[%get3A, %get3A_0] : memref<1024x16xf32, #tpu.memory_space<vmem>>, vector<1024x1xf32>
    %get3A_2 = arith.constant 0 : index
    %get3A_3 = arith.constant 0 : index
    %get3A_4 = vector.load %arg4[%get3A_2, %get3A_3] : memref<1024x16xf32, #tpu.memory_space<vmem>>, vector<1024x1xf32>
    %add3A = arith.addf %get3A_1, %get3A_4 : vector<1024x1xf32>
    %add3A_5 = arith.constant 1.000000e+00 : f32
    %add3A_6 = vector.broadcast %add3A_5 : f32 to vector<1024x1xf32>
    %add3A_7 = arith.addf %add3A, %add3A_6 : vector<1024x1xf32>
    %rsqrt3A = math.rsqrt %add3A_7 : vector<1024x1xf32>
    %mul3A = arith.constant 1024 : i32
    %mul3A_8 = arith.muli %arg0, %mul3A : i32
    %iota3A = tpu.iota {dimensions = array<i32: 0>} : vector<1024x1xi32>
    %add3A_9 = vector.broadcast %mul3A_8 : i32 to vector<1024x1xi32>
    %add3A_10 = arith.addi %add3A_9, %iota3A : vector<1024x1xi32>
    %lt3A = arith.constant 10000 : i32
    %lt3A_11 = vector.broadcast %lt3A : i32 to vector<1024x1xi32>
    %lt3A_12 = arith.cmpi slt, %add3A_10, %lt3A_11 : vector<1024x1xi32>
    %jit3A = arith.constant 0.000000e+00 : f32
    %broadcast_in_dim3A = vector.broadcast %jit3A : f32 to vector<1024x1xf32>
    %select_n3A = arith.select %lt3A_12, %rsqrt3A, %broadcast_in_dim3A : vector<1024x1xi1>, vector<1024x1xf32>
    %broadcast_in_dim3A_13 = vector.shape_cast %select_n3A : vector<1024x1xf32> to vector<1024x1xf32>
    %broadcast_in_dim3A_14 = vector.broadcast %broadcast_in_dim3A_13 : vector<1024x1xf32> to vector<1024x128xf32>
    %swap3A = arith.constant 0 : index
    %swap3A_15 = arith.constant 0 : index
    %swap3A_16 = vector.load %arg5[%swap3A, %swap3A_15] : memref<1024x128xf32, #tpu.memory_space<vmem>>, vector<1024x128xf32>
    tpu.vector_store %arg5[%swap3A, %swap3A_15], %broadcast_in_dim3A_14 {strides = array<i32>} : memref<1024x128xf32, #tpu.memory_space<vmem>>, vector<1024x128xf32>,
    %get3A_17 = arith.constant 0 : index
    %get3A_18 = arith.constant 0 : index
    %get3A_19 = vector.load %arg1[%get3A_17, %get3A_18] : memref<1024x128xf32, #tpu.memory_space<vmem>>, vector<1024x128xf32>
    %get3A_20 = arith.constant 0 : index
    %get3A_21 = arith.constant 0 : index
    %get3A_22 = vector.load %arg2[%get3A_20, %get3A_21] : memref<128x128xf32, #tpu.memory_space<vmem>>, vector<128x128xf32>
    %dot_general3A = arith.constant dense<0.000000e+00> : vector<1024x128xf32>
    %dot_general3A_23 = tpu.matmul %get3A_19, %get3A_22, %dot_general3A {dimension_numbers = #tpu.dot_dimension_numbers<[1], [0], [0], [1], [0, 0, 1, 1], [], []>, transpose_lhs_hint = false} : vector<1024x128xf32>, vector<128x128xf32>, vector<1024x128xf32> -> vector<1024x128xf32>
    %mul3A_24 = arith.mulf %broadcast_in_dim3A_14, %dot_general3A_23 : vector<1024x128xf32>
    %swap3A_25 = arith.constant 0 : index
    %swap3A_26 = arith.constant 0 : index
    %swap3A_27 = vector.load %arg6[%swap3A_25, %swap3A_26] : memref<1024x128xf32, #tpu.memory_space<vmem>>, vector<1024x128xf32>
    tpu.vector_store %arg6[%swap3A_25, %swap3A_26], %mul3A_24 {strides = array<i32>} : memref<1024x128xf32, #tpu.memory_space<vmem>>, vector<1024x128xf32>,
    return
  }
  func.func @transform_0(%arg0: i32) -> (i32, i32) {
    %c0_i32 = arith.constant 0 : i32
    %c0_i32_0 = arith.constant 0 : i32
    return %arg0, %c0_i32 : i32, i32
  }
  func.func @transform_1(%arg0: i32) -> (i32, i32) {
    %c0_i32 = arith.constant 0 : i32
    %c0_i32_0 = arith.constant 0 : i32
    %c0_i32_1 = arith.constant 0 : i32
    return %c0_i32, %c0_i32_0 : i32, i32
  }
  func.func @transform_2(%arg0: i32) -> (i32, i32) {
    %c0_i32 = arith.constant 0 : i32
    %c0_i32_0 = arith.constant 0 : i32
    return %arg0, %c0_i32 : i32, i32
  }
  func.func @transform_3(%arg0: i32) -> (i32, i32) {
    %c0_i32 = arith.constant 0 : i32
    %c0_i32_0 = arith.constant 0 : i32
    return %arg0, %c0_i32 : i32, i32
  }
  func.func @transform_4(%arg0: i32) -> (i32, i32) {
    %c0_i32 = arith.constant 0 : i32
    %c0_i32_0 = arith.constant 0 : i32
    return %arg0, %c0_i32 : i32, i32
  }
  func.func @transform_5(%arg0: i32) -> (i32, i32) {
    %c0_i32 = arith.constant 0 : i32
    %c0_i32_0 = arith.constant 0 : i32
    return %arg0, %c0_i32 : i32, i32
  }
}

module attributes {stable_mosaic.version = 14 : i64} {
  func.func @body(%arg0: i32, %arg1: memref<1024x128xf32, #tpu.memory_space<vmem>>, %arg2: memref<1024x128xf32, #tpu.memory_space<vmem>>, %arg3: memref<1024x128xf32, #tpu.memory_space<vmem>>, %arg4: memref<1024x128xf32, #tpu.memory_space<vmem>>, %arg5: memref<1x128xf32, #tpu.memory_space<vmem>>, %arg6: memref<128x128xf32, #tpu.memory_space<vmem>>, %arg7: memref<1024x128xf32, #tpu.memory_space<vmem>>) attributes {dimension_semantics = [#tpu.dimension_semantics<arbitrary>], iteration_bounds = array<i64: 10>, scalar_prefetch = 0 : i64, scratch_operands = 0 : i64, tpu.core_type = #tpu.core_type<tc>, window_params = [{transform_indices = @transform_0, window_bounds = array<i64: 1024, 128>}, {transform_indices = @transform_1, window_bounds = array<i64: 1024, 128>}, {transform_indices = @transform_2, window_bounds = array<i64: 1024, 128>}, {transform_indices = @transform_3, window_bounds = array<i64: 1024, 128>}, {pipeline_mode = #tpu.pipeline_mode<synchronous>, transform_indices = @transform_4, window_bounds = array<i64: 1, 128>}, {pipeline_mode = #tpu.pipeline_mode<synchronous>, transform_indices = @transform_5, window_bounds = array<i64: 128, 128>}, {transform_indices = @transform_6, window_bounds = array<i64: 1024, 128>}]} {
    %get3A = arith.constant 0 : index
    %get3A_0 = arith.constant 0 : index
    %get3A_1 = vector.load %arg4[%get3A, %get3A_0] : memref<1024x128xf32, #tpu.memory_space<vmem>>, vector<1024x128xf32>
    %get3A_2 = arith.constant 0 : index
    %get3A_3 = arith.constant 0 : index
    %get3A_4 = vector.load %arg1[%get3A_2, %get3A_3] : memref<1024x128xf32, #tpu.memory_space<vmem>>, vector<1024x128xf32>
    %get3A_5 = arith.constant 0 : index
    %get3A_6 = arith.constant 0 : index
    %get3A_7 = vector.load %arg2[%get3A_5, %get3A_6] : memref<1024x128xf32, #tpu.memory_space<vmem>>, vector<1024x128xf32>
    %add3A = arith.addf %get3A_4, %get3A_7 : vector<1024x128xf32>
    %get3A_8 = arith.constant 0 : index
    %get3A_9 = arith.constant 0 : index
    %get3A_10 = vector.load %arg3[%get3A_8, %get3A_9] : memref<1024x128xf32, #tpu.memory_space<vmem>>, vector<1024x128xf32>
    %add3A_11 = arith.addf %add3A, %get3A_10 : vector<1024x128xf32>
    %mul3A = arith.mulf %get3A_1, %add3A_11 : vector<1024x128xf32>
    %get3A_12 = arith.constant 0 : index
    %get3A_13 = arith.constant 0 : index
    %get3A_14 = vector.load %arg5[%get3A_12, %get3A_13] : memref<1x128xf32, #tpu.memory_space<vmem>>, vector<1x128xf32>
    %add3A_15 = vector.broadcast %get3A_14 : vector<1x128xf32> to vector<1024x128xf32>
    %add3A_16 = arith.addf %mul3A, %add3A_15 : vector<1024x128xf32>
    %max3A = arith.constant 0.000000e+00 : f32
    %max3A_17 = vector.broadcast %max3A : f32 to vector<1024x128xf32>
    %max3A_18 = arith.maximumf %add3A_16, %max3A_17 : vector<1024x128xf32>
    %get3A_19 = arith.constant 0 : index
    %get3A_20 = arith.constant 0 : index
    %get3A_21 = vector.load %arg6[%get3A_19, %get3A_20] : memref<128x128xf32, #tpu.memory_space<vmem>>, vector<128x128xf32>
    %dot_general3A = arith.constant dense<0.000000e+00> : vector<1024x128xf32>
    %dot_general3A_22 = tpu.matmul %max3A_18, %get3A_21, %dot_general3A {dimension_numbers = #tpu.dot_dimension_numbers<[1], [0], [0], [1], [0, 0, 1, 1], [], []>, transpose_lhs_hint = false} : vector<1024x128xf32>, vector<128x128xf32>, vector<1024x128xf32> -> vector<1024x128xf32>
    %mul3A_23 = arith.mulf %get3A_1, %dot_general3A_22 : vector<1024x128xf32>
    %swap3A = arith.constant 0 : index
    %swap3A_24 = arith.constant 0 : index
    %swap3A_25 = vector.load %arg7[%swap3A, %swap3A_24] : memref<1024x128xf32, #tpu.memory_space<vmem>>, vector<1024x128xf32>
    tpu.vector_store %arg7[%swap3A, %swap3A_24], %mul3A_23 {strides = array<i32>} : memref<1024x128xf32, #tpu.memory_space<vmem>>, vector<1024x128xf32>,
    return
  }
  func.func @transform_0(%arg0: i32) -> (i32, i32) {
    %c0_i32 = arith.constant 0 : i32
    %c0_i32_0 = arith.constant 0 : i32
    return %arg0, %c0_i32 : i32, i32
  }
  func.func @transform_1(%arg0: i32) -> (i32, i32) {
    %c0_i32 = arith.constant 0 : i32
    %c0_i32_0 = arith.constant 0 : i32
    return %arg0, %c0_i32 : i32, i32
  }
  func.func @transform_2(%arg0: i32) -> (i32, i32) {
    %c0_i32 = arith.constant 0 : i32
    %c0_i32_0 = arith.constant 0 : i32
    return %arg0, %c0_i32 : i32, i32
  }
  func.func @transform_3(%arg0: i32) -> (i32, i32) {
    %c0_i32 = arith.constant 0 : i32
    %c0_i32_0 = arith.constant 0 : i32
    return %arg0, %c0_i32 : i32, i32
  }
  func.func @transform_4(%arg0: i32) -> (i32, i32) {
    %c0_i32 = arith.constant 0 : i32
    %c0_i32_0 = arith.constant 0 : i32
    %c0_i32_1 = arith.constant 0 : i32
    return %c0_i32, %c0_i32_0 : i32, i32
  }
  func.func @transform_5(%arg0: i32) -> (i32, i32) {
    %c0_i32 = arith.constant 0 : i32
    %c0_i32_0 = arith.constant 0 : i32
    %c0_i32_1 = arith.constant 0 : i32
    return %c0_i32, %c0_i32_0 : i32, i32
  }
  func.func @transform_6(%arg0: i32) -> (i32, i32) {
    %c0_i32 = arith.constant 0 : i32
    %c0_i32_0 = arith.constant 0 : i32
    return %arg0, %c0_i32 : i32, i32
  }
}

module attributes {stable_mosaic.version = 14 : i64} {
  func.func @body(%arg0: i32, %arg1: memref<1024x128xf32, #tpu.memory_space<vmem>>, %arg2: memref<1024x128xf32, #tpu.memory_space<vmem>>, %arg3: memref<1024x128xf32, #tpu.memory_space<vmem>>, %arg4: memref<1024x128xf32, #tpu.memory_space<vmem>>, %arg5: memref<1x128xf32, #tpu.memory_space<vmem>>, %arg6: memref<1024x128xf32, #tpu.memory_space<vmem>>) attributes {dimension_semantics = [#tpu.dimension_semantics<arbitrary>], iteration_bounds = array<i64: 10>, scalar_prefetch = 0 : i64, scratch_operands = 0 : i64, tpu.core_type = #tpu.core_type<tc>, window_params = [{transform_indices = @transform_0, window_bounds = array<i64: 1024, 128>}, {transform_indices = @transform_1, window_bounds = array<i64: 1024, 128>}, {transform_indices = @transform_2, window_bounds = array<i64: 1024, 128>}, {transform_indices = @transform_3, window_bounds = array<i64: 1024, 128>}, {pipeline_mode = #tpu.pipeline_mode<synchronous>, transform_indices = @transform_4, window_bounds = array<i64: 1, 128>}, {transform_indices = @transform_5, window_bounds = array<i64: 1024, 128>}]} {
    %get3A = arith.constant 0 : index
    %get3A_0 = arith.constant 0 : index
    %get3A_1 = vector.load %arg4[%get3A, %get3A_0] : memref<1024x128xf32, #tpu.memory_space<vmem>>, vector<1024x128xf32>
    %get3A_2 = arith.constant 0 : index
    %get3A_3 = arith.constant 0 : index
    %get3A_4 = vector.load %arg1[%get3A_2, %get3A_3] : memref<1024x128xf32, #tpu.memory_space<vmem>>, vector<1024x128xf32>
    %get3A_5 = arith.constant 0 : index
    %get3A_6 = arith.constant 0 : index
    %get3A_7 = vector.load %arg2[%get3A_5, %get3A_6] : memref<1024x128xf32, #tpu.memory_space<vmem>>, vector<1024x128xf32>
    %add3A = arith.addf %get3A_4, %get3A_7 : vector<1024x128xf32>
    %get3A_8 = arith.constant 0 : index
    %get3A_9 = arith.constant 0 : index
    %get3A_10 = vector.load %arg3[%get3A_8, %get3A_9] : memref<1024x128xf32, #tpu.memory_space<vmem>>, vector<1024x128xf32>
    %add3A_11 = arith.addf %add3A, %get3A_10 : vector<1024x128xf32>
    %mul3A = arith.mulf %get3A_1, %add3A_11 : vector<1024x128xf32>
    %get3A_12 = arith.constant 0 : index
    %get3A_13 = arith.constant 0 : index
    %get3A_14 = vector.load %arg5[%get3A_12, %get3A_13] : memref<1x128xf32, #tpu.memory_space<vmem>>, vector<1x128xf32>
    %add3A_15 = vector.broadcast %get3A_14 : vector<1x128xf32> to vector<1024x128xf32>
    %add3A_16 = arith.addf %mul3A, %add3A_15 : vector<1024x128xf32>
    %swap3A = arith.constant 0 : index
    %swap3A_17 = arith.constant 0 : index
    %swap3A_18 = vector.load %arg6[%swap3A, %swap3A_17] : memref<1024x128xf32, #tpu.memory_space<vmem>>, vector<1024x128xf32>
    tpu.vector_store %arg6[%swap3A, %swap3A_17], %add3A_16 {strides = array<i32>} : memref<1024x128xf32, #tpu.memory_space<vmem>>, vector<1024x128xf32>,
    return
  }
  func.func @transform_0(%arg0: i32) -> (i32, i32) {
    %c0_i32 = arith.constant 0 : i32
    %c0_i32_0 = arith.constant 0 : i32
    return %arg0, %c0_i32 : i32, i32
  }
  func.func @transform_1(%arg0: i32) -> (i32, i32) {
    %c0_i32 = arith.constant 0 : i32
    %c0_i32_0 = arith.constant 0 : i32
    return %arg0, %c0_i32 : i32, i32
  }
  func.func @transform_2(%arg0: i32) -> (i32, i32) {
    %c0_i32 = arith.constant 0 : i32
    %c0_i32_0 = arith.constant 0 : i32
    return %arg0, %c0_i32 : i32, i32
  }
  func.func @transform_3(%arg0: i32) -> (i32, i32) {
    %c0_i32 = arith.constant 0 : i32
    %c0_i32_0 = arith.constant 0 : i32
    return %arg0, %c0_i32 : i32, i32
  }
  func.func @transform_4(%arg0: i32) -> (i32, i32) {
    %c0_i32 = arith.constant 0 : i32
    %c0_i32_0 = arith.constant 0 : i32
    %c0_i32_1 = arith.constant 0 : i32
    return %c0_i32, %c0_i32_0 : i32, i32
  }
  func.func @transform_5(%arg0: i32) -> (i32, i32) {
    %c0_i32 = arith.constant 0 : i32
    %c0_i32_0 = arith.constant 0 : i32
    return %arg0, %c0_i32 : i32, i32
  }
}

</mosaic_0001>

<sc_bundles>
// kernel: kernel.10.cloned.1.call-start
scs
__scs_entry_jumppad:
0x0: {  	(pc) =	sbr.rel $0x88, $3  }
0x1: {  	(tag) =	ssettag $0x0;
	lr =	simm.s32 $0x1  }
0x2: {  	[smem:$0x3F99] =	sst lr;
	_ =	strace $0xD0000000  }
0x3: {  	_ = 	snop  }
0x4: {  	_ = 	snop  }
0x5: {  	_ = 	snop  }
0x6: {  	_ = 	snop  }
0x7: {  	_ = 	snop  }
__scs_overlays_trampoline_lowered:
0x8: {  	[smem:$0x3FA8] =	sst s0  }
0x9: {  	[smem:$0x3FA9] =	sst s1  }
0xa: {  	[smem:$0x3FAA] =	sst s2  }
0xb: {  	[smem:$0x3FAB] =	sst s3  }
0xc: {  	[smem:$0x3FAC] =	sst s4  }
0xd: {  	[smem:$0x3FAD] =	sst s5  }
0xe: {  	[smem:$0x3FAE] =	sst s6  }
0xf: {  	[smem:$0x3FAF] =	sst s7  }
0x10: {  	[smem:$0x3FB0] =	sst s8  }
0x11: {  	[smem:$0x3FB1] =	sst s9;
	s0 =	simm.s32 @!p0 $0x0  }
0x12: {  	s1 =	sld [smem:$0x3F97];
	s0 =	simm.s32 @p0 $0x1  }
0x13: {  	[smem:$0x3FB2] =	sst s0;
	s0 =	simm.s32 @!p1 $0x0  }
0x14: {  	s2 =	sld [smem:$0x3F96];
	s0 =	simm.s32 @p1 $0x1  }
0x15: {  	[smem:$0x3FB3] =	sst s0;
	s0 =	simm.s32 @!p2 $0x0  }
0x16: {  	s3 =	sld [smem:$0x3FDB];
	s0 =	simm.s32 @p2 $0x1  }
0x17: {  	s4 =	simm.s32 $0x1BF5;
	[smem:$0x3FB5] =	sst s0  }
0x18: {  	s0 =	sld [smem:$0x3F98];
	_ =	swait.ge [sflag:s4], $0x0  }
0x19: {  	s7 =	sld [smem:$0x3F99]  }
0x1a: {  	s8 =	sadd.s32 $0xFFFFE003, lr  }
0x1b: {  	s9 =	sadd.s32 $0xFFFFFEF7, lr;
	s5 =	simm.s32 $0xFFFFFFFF;
	p2 =	slt.u32 s8, $0xFFFFF086  }
0x1c: {  	p1 =	slt.u32 s9, $0xF7A;
	s5 =	simm.s32 @!p2 $0x0  }
0x1d: {  	s5 =	simm.s32 @p1 $0x1;
	p0 =	seq.s32 s7, s2  }
0x1e: {  	s7 =	smul.u32 @!p0 $0xF7A, s2;
	p2 =	seq.s32 @!p0 s5, $0x0  }
0x1f: {  	s9 =	smul.u32 $0xF7A, s1;
	s8 =	simm.s32 @!p0 $0x1BF5;
	p2 =	por !p2, p0  }
0x20: {  	[sflag:s8] =	ssyncset.s32 @!p0 $0xFFFFF086;
	s6 =	sadd.s32 @!p0 s3, s7;
	s7 =	simm.s32 @!p0 $0x108  }
0x21: {  	s3 =	sadd.s32 s3, s9;
	s6 =	sadd.s32 @!p0 $0x88, s6;
	s7 =	simm.s32 @p2 $0x1082  }
0x22: {  	[simem:s7], [sflag:s8] =	dma.local @!p0 [hbm:s6], $0xF7A  }
0x23: {  	s9 =	sor.u32 $0xD0000000, s2;
	s6 =	simm.s32 $0x108;
	_ =	swait.ge @!p0 [sflag:s8], $0x0  }
0x24: {  	s3 =	sadd.s32 $0x88, s3;
	s6 =	simm.s32 @!p1 $0x1082;
	[sflag:s4] =	ssyncset.s32 $0xFFFFF086  }
0x25: {  	[simem:s6], [sflag:s4] =	dma.local [hbm:s3], $0xF7A  }
0x26: {  	[smem:$0x3F99] =	sst s1;
	(tag) =	ssettag s2;
	_ =	strace s9  }
0x27: {  	s1 =	sld [smem:$0x3FA9]  }
0x28: {  	s2 =	sld [smem:$0x3FAA]  }
0x29: {  	s4 =	sld [smem:$0x3FAC]  }
0x2a: {  	p0 =	seq.s32 s5, $0x0;
	s5 =	sld [smem:$0x3FAD]  }
0x2b: {  	s6 =	sld [smem:$0x3FAE]  }
0x2c: {  	s7 =	sld [smem:$0x3FAF]  }
0x2d: {  	s3 =	simm.s32 $0x108;
	s8 =	sld [smem:$0x3FB0]  }
0x2e: {  	s3 =	simm.s32 @!p0 $0x1082;
	s9 =	sld [smem:$0x3FB1]  }
0x2f: {  	lr =	sadd.s32 s0, s3;
	s0 =	sld [smem:$0x3FA8]  }
0x30: {  	s3 =	sld [smem:$0x3FAB]  }
0x31: {  	[smem:$0x3FB4] =	sst s10  }
0x32: {  	s10 =	sld [smem:$0x3FB2];
	_ =	sdelay $0x3  }
0x33: {  	p0 =	seq.s32 s10, $0x1;
	s10 =	sld [smem:$0x3FB4];
	_ =	sdelay $0x3  }
0x34: {  	[smem:$0x3FB4] =	sst s10  }
0x35: {  	s10 =	sld [smem:$0x3FB3];
	_ =	sdelay $0x3  }
0x36: {  	p1 =	seq.s32 s10, $0x1;
	s10 =	sld [smem:$0x3FB4];
	_ =	sdelay $0x3  }
0x37: {  	[smem:$0x3FB4] =	sst s10  }
0x38: {  	s10 =	sld [smem:$0x3FB5]  }
0x39: {  	_ = 	snop;
	(pc) =	sbr.ind lr, $3  }
0x3a: {  	_ = 	snop  }
0x3b: {  	_ = 	snop  }
0x3c: {  	p2 =	seq.s32 s10, $0x1;
	s10 =	sld [smem:$0x3FB4]  }
0x3d: {  	_ =	shalt  }
0x3e: {  	_ =	shalt  }
0x3f: {  	_ =	shalt  }
0x40: {  	_ =	shalt  }
0x41: {  	_ =	shalt  }
0x42: {  	_ =	shalt  }
0x43: {  	_ =	shalt  }
0x44: {  	_ =	shalt  }
0x45: {  	_ =	shalt  }
0x46: {  	_ =	shalt  }
0x47: {  	_ =	shalt  }
0x48: {  	_ =	shalt  }
0x49: {  	_ =	shalt  }
0x4a: {  	_ =	shalt  }
0x4b: {  	_ =	shalt  }
0x4c: {  	_ =	shalt  }
0x4d: {  	_ =	shalt  }
0x4e: {  	_ =	shalt  }
0x4f: {  	_ =	shalt  }
0x50: {  	_ =	shalt  }
0x51: {  	_ =	shalt  }
0x52: {  	_ =	shalt  }
0x53: {  	_ =	shalt  }
0x54: {  	_ =	shalt  }
0x55: {  	_ =	shalt  }
0x56: {  	_ =	shalt  }
0x57: {  	_ =	shalt  }
0x58: {  	_ =	shalt  }
0x59: {  	_ =	shalt  }
0x5a: {  	_ =	shalt  }
0x5b: {  	_ =	shalt  }
0x5c: {  	_ =	shalt  }
0x5d: {  	_ =	shalt  }
0x5e: {  	_ =	shalt  }
0x5f: {  	_ =	shalt  }
0x60: {  	_ =	shalt  }
0x61: {  	_ =	shalt  }
0x62: {  	_ =	shalt  }
0x63: {  	_ =	shalt  }
0x64: {  	_ =	shalt  }
0x65: {  	_ =	shalt  }
0x66: {  	_ =	shalt  }
0x67: {  	_ =	shalt  }
0x68: {  	_ =	shalt  }
0x69: {  	_ =	shalt  }
0x6a: {  	_ =	shalt  }
0x6b: {  	_ =	shalt  }
0x6c: {  	_ =	shalt  }
0x6d: {  	_ =	shalt  }
0x6e: {  	_ =	shalt  }
0x6f: {  	_ =	shalt  }
0x70: {  	_ =	shalt  }
0x71: {  	_ =	shalt  }
0x72: {  	_ =	shalt  }
0x73: {  	_ =	shalt  }
0x74: {  	_ =	shalt  }
0x75: {  	_ =	shalt  }
0x76: {  	_ =	shalt  }
0x77: {  	_ =	shalt  }
0x78: {  	_ =	shalt  }
0x79: {  	_ =	shalt  }
0x7a: {  	_ =	shalt  }
0x7b: {  	_ =	shalt  }
0x7c: {  	_ =	shalt  }
0x7d: {  	_ =	shalt  }
0x7e: {  	_ =	shalt  }
0x7f: {  	_ =	shalt  }
0x80: {  	_ =	shalt  }
0x81: {  	_ =	shalt  }
0x82: {  	_ =	shalt  }
0x83: {  	_ =	shalt  }
0x84: {  	_ =	shalt  }
0x85: {  	_ =	shalt  }
0x86: {  	_ =	shalt  }
0x87: {  	_ =	shalt  }
.Lfunc_end0:
.L_simem_size_0:
called_computation_lowered:
.L_overlay_start_0:
0x88: {  	s2 =	sld [smem:$0x3FD9]  }
0x89: {  	s3 =	sld [smem:$0x3FFE];
	_ =	sdelay $0x1  }
0x8a: {  	s1 =	srdreg.scid  }
0x8b: {  	s0 =	sand.u32 $0x1, s1  }
0x8c: {  	s16 =	sshll.u32 s0, $0xA;
	s2 =	sadd.s32 s3, s2  }
0x8d: {  	s2 =	sadd.s32 s2, s16  }
0x8e: {  	[smem:$0x3FC0] =	sst s2  }
0x8f: {  	_ = 	snop  }
0x90: {  	(tm) =	ssettm $0x1  }
0x91: {  	s17 =	sld [smem:$0x3FFB];
	_ =	sdelay $0x3  }
0x92: {  	_ =	strace s17  }
0x93: {  	s2 =	sld [smem:$0x3FFC];
	_ =	sdelay $0x3  }
0x94: {  	_ =	strace s2  }
0x95: {  	s2 =	sld [smem:$0x3FFD];
	_ =	sdelay $0x3  }
0x96: {  	_ =	strace s2  }
0x97: {  	_ =	strace $0x8FFFFFFF  }
0x98: {  	s18 =	sld [smem:$0x3FDB];
	_ =	sdelay $0x1  }
0x99: {  	s19 =	simm.s32 $_scs_section_size  }
0x9a: {  	s4 =	simm.s32 $_size__tile_overlayer_lowered;
	s5 =	simm.s32 $_tile_overlayer_lowered  }
0x9b: {  	s22 =	simm.s32 $0x1BFF;
	s21 =	sshll.u32 s5, $0x1;
	s2 =	sadd.s32 s19, s18  }
0x9c: {  	s6 =	simm.s32 $0x0;
	s20 =	sshll.u32 s4, $0x1;
	s4 =	sadd.s32 s21, s2  }
0x9d: {  	[timem:s6], [sflag:s22] =	dma.local [hbm:s4], s20  }
0x9e: {  	_ =	swait.ge [sflag:s22], s20  }
0x9f: {  	s3 =	ssub.s32 $0x0, s20;
	[sflag:s22] =	ssyncset.done $0x0  }
0xa0: {  	[sflag:s22] =	ssyncadd.s32 s3;
	_ =	sdelay $0x1  }
0xa1: {  	s23 =	simm.s32 $0x1B8B  }
0xa2: {  	_ =	swait.ge [sflag:s23], $0x1  }
0xa3: {  	[sflag:s23] =	ssyncset.done $0x0  }
0xa4: {  	s25 =	simm.s32 $0x1B8E;
	s24 =	sld [smem:$0x3FFE];
	[sflag:s23] =	ssyncadd.s32 $0xFFFFFFFF  }
0xa5: {  	s26 =	simm.s32 $execute0_lowered;
	[smem:$0x3FD2] =	sst s25  }
0xa6: {  	s4 =	sshll.u32 s26, $0x1;
	_ =	strace $0x80000046;
	[dreg:$0x1] =	wrdreg $0xFFFFFFFF  }
0xa7: {  	s28 =	simm.s32 $_size_execute0_lowered;
	s2 =	sadd.s32 s2, s4;
	[dreg:$0x0] =	wrdreg $0x0  }
0xa8: {  	s4 =	sshll.u32 s28, $0x1;
	[dreg:$0x2] =	wrdreg s2  }
0xa9: {  	[dreg:$0x3] =	wrdreg s4  }
0xaa: {  	[dreg:$0x4] =	wrdreg $0xC0  }
0xab: {  	_ =	task [dreg:s6], $0x5FFFF  }
0xac: {  	[dreg:$0x1] =	wrdreg $0xFFFFFFFF  }
0xad: {  	[dreg:$0x0] =	wrdreg $0x60  }
0xae: {  	[dreg:$0x2] =	wrdreg s24  }
0xaf: {  	[dreg:$0x3] =	wrdreg $0xA8000  }
0xb0: {  	[dreg:$0x4] =	wrdreg $0x9  }
0xb1: {  	_ =	task.clear_ibuf [dreg:s6], $0x5FFFF;
	_ =	strace $0x90000046  }
0xb2: {  	s29 =	simm.s32 $0x9;
	_ =	strace $0x80000048  }
0xb3: {  	_ =	swait.ge [sflag:s29], $0x1  }
0xb4: {  	[sflag:s29] =	ssyncadd.s32 $0xFFFFFFFF  }
0xb5: {  	_ =	strace $0x90000048  }
0xb6: {  	_ =	sfence  }
0xb7: {  	s30 =	sld [smem:$0x0];
	_ =	sdelay $0x2  }
0xb8: {  	s31 =	sshll.u32 s1, $0xD;
	s1 =	sshrl.u32 s1, $0x2  }
0xb9: {  	s3 =	sand.u32 $0x4000, s31;
	s1 =	sadd.s32 s1, s30  }
0xba: {  	s0 =	sor.u32 s3, s0;
	s1 =	sshll.u32 s1, $0x11  }
0xbb: {  	s0 =	sor.u32 s1, s0  }
0xbc: {  	s0 =	sadd.s32 $0x8F2B, s0  }
0xbd: {  	[sflag:s0] =	ssyncadd.remote.s32 $0x1  }
0xbe: {  	_ =	sfence.sel $0xFFFF  }
0xbf: {  	[dreg:$0x0] =	wrdreg $0xFFFFFFFF;
	(pc) =	sbr.abs _section_cstart, $3  }
0xc0: {  	[dreg:$0x1] =	wrdreg $0xFFFFFFFF  }
0xc1: {  	_ =	task.clear_ibuf [dreg:s6], $0x2FFFF;
	_ =	strace $0x9FFFFFFF  }
0xc2: {  	(tm) =	ssettm $0x7FFFFFFF  }
0xc3: {  	_ =	shalt  }
tec
execute0_lowered:
.L_overlay_start_1:
0x0: {  	(tag) =	ssettag $0x1  }
0x1: {  	s1 =	srdreg.scid;
	s5 =	rddreg [dreg:$0x0]  }
0x2: {  	s0 =	stileid.u32;
	s2 =	rddreg [dreg:$0x1]  }
0x3: {  	s3 =	simm.s32 $0x0;
	s16 =	simm.s32 $0x6800;
	s17 =	simm.s32 $0x1  }
0x4: {  	s18 =	simm.s32 $0x80;
	s19 =	simm.s32 $0x2800;
	s7 =	smul.u32 $0x280, s0  }
0x5: {  	s4 =	sand.u32 $0x1, s1;
	s26 =	sshll.u32 s0, $0x1;
	s9 =	smul.u32 $0x50000, s0  }
0x6: {  	s20 =	simm.s32 $0x0;
	s1 =	sor.u32 s4, s26;
	s8 =	smul.u32 $0x2800, s4  }
0x7: {  	[smem:$0x7FF] =	sst s3;
	s29 =	ssub.s32 $0x2, s4;
	s6 =	smul.u32 $0x500, s1  }
0x8: {  	s1 =	rddreg [dreg:$0x2];
	_ =	strace $0x80000047;
	s30 =	sshrl.u32 s9, $0x2  }
0x9: {  	s31 =	sshrl.u32 s29, $0x1;
	s28 =	sadd.s32 s7, s8;
	s4 =	sadd.s32 s30, s2  }
0xa: {  	s15 =	ssub.s32 s29, s31;
	s10 =	sadd.s32 s6, s5;
	s6 =	sshll.u32 s28, $0x4  }
0xb: {  	s7 =	sadd.s32 $0xC000, s4;
	s8 =	sadd.s32 $0x10000, s4;
	s15 =	smax.u32 s15, $0x1  }
0xc: {  	s14 =	sadd.s32 s6, s5;
	s5 =	sadd.s32 $0x4000, s4;
	s6 =	sadd.s32 $0x8000, s4  }
0xd: {  	s9 =	sadd.s32 $0x4200, s10;
	s10 =	sadd.s32 $0xE200, s14;
	s11 =	sadd.s32 $0xEA00, s14  }
0xe: {  	v0 =	vimm.f32 $1.000000000e+00;
	v1 =	vimm.f32 $0.0e+00;
	s12 =	sadd.s32 $0xF200, s14;
	s13 =	sadd.s32 $0xFA00, s14;
	s14 =	sadd.s32 $0x10200, s14  }
.LBB2_1:
0xf: {  	s21 =	simm.s32 $0x200;
	s22 =	simm.s32 $0x0  }
.LBB2_2:
0x10: {  	p0 =	sne.s32 s21, $0xFE00;
	[tilespmem:s22+$0x2800] =	vst v0;
	s23 =	smov.u32 s21;
	s21 =	sadd.s32 $0x200, s21  }
.Ltmp0:
0x11: {  	[tilespmem:s22+$0x6800] =	vst v1;
	(pc) =	sbr.rel @p0 .LBB2_2-.Ltmp0, $2  }
0x12: {  	_ =	sdelay $0x2  }
0x13: {  	s22 =	sshra.s32 s23, $0x2  }
0x14: {  	[tilespmem:s22+$0x2800] =	vst v0  }
0x15: {  	[tilespmem:s22+$0x6800] =	vst v1  }
0x16: {  	[spmem:s4] =	stream.linear.scatter [tilespmem:s16], [sflag:$0x1], $0x4000, $0x38;
	[tilespmem:$0xD000] =	vst v63  }
0x17: {  	_ =	swait.ge [sflag:s17], $0x4000  }
0x18: {  	[sflag:s17] =	ssyncset.done $0x0  }
0x19: {  	[sflag:s17] =	ssyncadd.s32 $0xFFFFC000  }
0x1a: {  	[spmem:s5] =	stream.linear.scatter [tilespmem:s16], [sflag:$0x1], $0x4000, $0x38;
	[tilespmem:$0xD000] =	vst v63  }
0x1b: {  	_ =	swait.ge [sflag:s17], $0x4000  }
0x1c: {  	[sflag:s17] =	ssyncset.done $0x0  }
0x1d: {  	[sflag:s17] =	ssyncadd.s32 $0xFFFFC000  }
0x1e: {  	[spmem:s6] =	stream.linear.scatter [tilespmem:s16], [sflag:$0x1], $0x4000, $0x38;
	[tilespmem:$0xD000] =	vst v63  }
0x1f: {  	_ =	swait.ge [sflag:s17], $0x4000  }
0x20: {  	[sflag:s17] =	ssyncset.done $0x0  }
0x21: {  	[sflag:s17] =	ssyncadd.s32 $0xFFFFC000  }
0x22: {  	[spmem:s7] =	stream.linear.scatter [tilespmem:s16], [sflag:$0x1], $0x4000, $0x38;
	[tilespmem:$0xD000] =	vst v63  }
0x23: {  	_ =	swait.ge [sflag:s17], $0x4000  }
0x24: {  	[sflag:s17] =	ssyncset.done $0x0  }
0x25: {  	[sflag:s17] =	ssyncadd.s32 $0xFFFFC000  }
0x26: {  	[spmem:s8] =	stream.linear.scatter [tilespmem:s16], [sflag:$0x1], $0x4000, $0x38;
	[tilespmem:$0xD000] =	vst v63  }
0x27: {  	_ =	swait.ge [sflag:s17], $0x4000  }
0x28: {  	[sflag:s17] =	ssyncset.done $0x0  }
0x29: {  	[sflag:s17] =	ssyncadd.s32 $0xFFFFC000  }
0x2a: {  	s21 =	simm.s32 $0x0;
	[bflag:$0x0] =	sbarrier.arrive $0xFFFF  }
0x2b: {  	[tilespmem:s21], [sflag:$0x1] =	stream.linear.gather [hbm4b:s9+s21], $0x2800, $0x38;
	[tilespmem:$0xD000] =	vst v63  }
0x2c: {  	_ =	swait.ge [sflag:s17], $0x2800  }
0x2d: {  	[sflag:s17] =	ssyncset.done $0x0  }
0x2e: {  	s31 =	simm.s32 $0x0;
	[sflag:s17] =	ssyncadd.s32 $0xFFFFD800  }
0x2f: {  	[spmem:s2] =	stream.indirect.scatter.add.f32 [tilespmem:s19], [sflag:$0x1], $0x10, s31, s18, $0xb8;
	[tilespmem:$0xD000] =	vst v63  }
0x30: {  	_ =	swait.ge [sflag:s17], $0x800  }
0x31: {  	s21 =	simm.s32 $0x200;
	[sflag:s17] =	ssyncset.done $0x0  }
.LBB2_4:
0x32: {  	s22 =	sshra.s32 s21, $0x2;
	[sflag:s17] =	ssyncadd.s32 $0xFFFFF800;
	p0 =	sne.s32 s21, $0x9E00  }
0x33: {  	[spmem:s2] =	stream.indirect.scatter.add.f32 [tilespmem:s19], [sflag:$0x1], $0x10, s22, s18, $0xb8;
	[tilespmem:$0xD000] =	vst v63  }
.Ltmp1:
0x34: {  	_ = 	snop;
	(pc) =	sbr.rel @p0 .LBB2_4-.Ltmp1, $4  }
0x35: {  	_ = 	snop  }
0x36: {  	s21 =	sadd.s32 $0x200, s21  }
0x37: {  	_ =	swait.ge [sflag:s17], $0x800  }
0x38: {  	[sflag:s17] =	ssyncset.done $0x0  }
0x39: {  	[sflag:s17] =	ssyncadd.s32 $0xFFFFF800  }
0x3a: {  	[bflag:$0x0] =	sbarrier.arrive $0xFFFF  }
0x3b: {  	[tilespmem:s16], [sflag:$0x1] =	stream.linear.gather [spmem:s4], $0x4000, $0x38;
	[tilespmem:$0xD000] =	vst v63  }
0x3c: {  	_ =	swait.ge [sflag:s17], $0x4000  }
0x3d: {  	[sflag:s17] =	ssyncset.done $0x0  }
0x3e: {  	[sflag:s17] =	ssyncadd.s32 $0xFFFFC000  }
0x3f: {  	[hbm4b:s10+s3] =	stream.linear.scatter [tilespmem:s16], [sflag:$0x1], $0x4000, $0x38;
	[tilespmem:$0xD000] =	vst v63  }
0x40: {  	_ =	swait.ge [sflag:s17], $0x4000  }
0x41: {  	[sflag:s17] =	ssyncset.done $0x0  }
0x42: {  	[sflag:s17] =	ssyncadd.s32 $0xFFFFC000  }
0x43: {  	[tilespmem:s16], [sflag:$0x1] =	stream.linear.gather [spmem:s5], $0x4000, $0x38;
	[tilespmem:$0xD000] =	vst v63  }
0x44: {  	_ =	swait.ge [sflag:s17], $0x4000  }
0x45: {  	[sflag:s17] =	ssyncset.done $0x0  }
0x46: {  	[sflag:s17] =	ssyncadd.s32 $0xFFFFC000  }
0x47: {  	[hbm4b:s11+s3] =	stream.linear.scatter [tilespmem:s16], [sflag:$0x1], $0x4000, $0x38;
	[tilespmem:$0xD000] =	vst v63  }
0x48: {  	_ =	swait.ge [sflag:s17], $0x4000  }
0x49: {  	[sflag:s17] =	ssyncset.done $0x0  }
0x4a: {  	[sflag:s17] =	ssyncadd.s32 $0xFFFFC000  }
0x4b: {  	[tilespmem:s16], [sflag:$0x1] =	stream.linear.gather [spmem:s6], $0x4000, $0x38;
	[tilespmem:$0xD000] =	vst v63  }
0x4c: {  	_ =	swait.ge [sflag:s17], $0x4000  }
0x4d: {  	[sflag:s17] =	ssyncset.done $0x0  }
0x4e: {  	[sflag:s17] =	ssyncadd.s32 $0xFFFFC000  }
0x4f: {  	[hbm4b:s12+s3] =	stream.linear.scatter [tilespmem:s16], [sflag:$0x1], $0x4000, $0x38;
	[tilespmem:$0xD000] =	vst v63  }
0x50: {  	_ =	swait.ge [sflag:s17], $0x4000  }
0x51: {  	[sflag:s17] =	ssyncset.done $0x0  }
0x52: {  	[sflag:s17] =	ssyncadd.s32 $0xFFFFC000  }
0x53: {  	[tilespmem:s16], [sflag:$0x1] =	stream.linear.gather [spmem:s7], $0x4000, $0x38;
	[tilespmem:$0xD000] =	vst v63  }
0x54: {  	_ =	swait.ge [sflag:s17], $0x4000  }
0x55: {  	[sflag:s17] =	ssyncset.done $0x0  }
0x56: {  	[sflag:s17] =	ssyncadd.s32 $0xFFFFC000  }
0x57: {  	[hbm4b:s13+s3] =	stream.linear.scatter [tilespmem:s16], [sflag:$0x1], $0x4000, $0x38;
	[tilespmem:$0xD000] =	vst v63  }
0x58: {  	_ =	swait.ge [sflag:s17], $0x4000  }
0x59: {  	[sflag:s17] =	ssyncset.done $0x0  }
0x5a: {  	[sflag:s17] =	ssyncadd.s32 $0xFFFFC000  }
0x5b: {  	[tilespmem:s16], [sflag:$0x1] =	stream.linear.gather [spmem:s8], $0x4000, $0x38;
	[tilespmem:$0xD000] =	vst v63  }
0x5c: {  	s20 =	sadd.s32 $0x1, s20;
	_ =	swait.ge [sflag:s17], $0x4000  }
0x5d: {  	p0 =	sne.s32 s20, s15;
	[sflag:s17] =	ssyncset.done $0x0  }
.Ltmp2:
0x5e: {  	[sflag:s17] =	ssyncadd.s32 $0xFFFFC000;
	(pc) =	sbr.rel @p0 .LBB2_1-.Ltmp2, $4  }
0x5f: {  	[hbm4b:s14+s3] =	stream.linear.scatter [tilespmem:s16], [sflag:$0x1], $0x4000, $0x38;
	[tilespmem:$0xD000] =	vst v63  }
0x60: {  	_ =	swait.ge [sflag:s17], $0x4000  }
0x61: {  	[sflag:s17] =	ssyncset.done $0x0  }
0x62: {  	[sflag:s17] =	ssyncadd.s32 $0xFFFFC000  }
0x63: {  	_ =	sfence.sel $0x180000  }
0x64: {  	[bflag:$0x0] =	sbarrier.arrive $0xFFFF  }
0x65: {  	p0 =	sne.s32 s0, $0x0;
	_ =	strace $0x90000047  }
0x66: {  	s0 =	sadd.s32 @!p0 $0x100000, s1;
	[bflag:$0x2] =	sbarrier.arrive $0xFFFF  }
0x67: {  	[sflag:s0] =	ssyncadd.tile.s32 @!p0 $0x1;
	_ =	shalt  }
.Lfunc_end2:
_tile_overlayer_lowered:
.L_overlay_start_2:
0x68: {  	(tag) =	ssettag $0x2  }
0x69: {  	s0 =	rddreg [dreg:$0x0];
	s2 =	stileid.u32  }
0x6a: {  	s1 =	rddreg [dreg:$0x1];
	p0 =	sne.s32 s2, $0x0  }
0x6b: {  	s3 =	rddreg [dreg:$0x2];
	[bflag:$0x3] =	sbarrier.arrive $0xFFFF;
	s2 =	simm.s32 @!p0 $0x1C01  }
0x6c: {  	[timem:s3], [sflag:s2] =	dma.local @!p0 [hbm:s0], s1  }
0x6d: {  	s0 =	simm.s32 @!p0 $0x1  }
0x6e: {  	_ =	swait.ge @!p0 [sflag:s0], s1  }
0x6f: {  	s1 =	ssub.s32 @!p0 $0x0, s1;
	[sflag:s0] =	ssyncset.done @!p0 $0x0  }
0x70: {  	[sflag:s0] =	ssyncadd.s32 @!p0 s1  }
0x71: {  	[bflag:$0x3] =	sbarrier.arrive $0xFFFF  }
0x72: {  	_ =	shalt  }

// kernel: kernel.13.cloned.1.call-start
scs
__scs_entry_jumppad:
0x0: {  	(pc) =	sbr.rel $0x88, $3  }
0x1: {  	(tag) =	ssettag $0x0;
	lr =	simm.s32 $0x1  }
0x2: {  	[smem:$0x3F99] =	sst lr;
	_ =	strace $0xD0000000  }
0x3: {  	_ = 	snop  }
0x4: {  	_ = 	snop  }
0x5: {  	_ = 	snop  }
0x6: {  	_ = 	snop  }
0x7: {  	_ = 	snop  }
__scs_overlays_trampoline_lowered:
0x8: {  	[smem:$0x3FA8] =	sst s0  }
0x9: {  	[smem:$0x3FA9] =	sst s1  }
0xa: {  	[smem:$0x3FAA] =	sst s2  }
0xb: {  	[smem:$0x3FAB] =	sst s3  }
0xc: {  	[smem:$0x3FAC] =	sst s4  }
0xd: {  	[smem:$0x3FAD] =	sst s5  }
0xe: {  	[smem:$0x3FAE] =	sst s6  }
0xf: {  	[smem:$0x3FAF] =	sst s7  }
0x10: {  	[smem:$0x3FB0] =	sst s8  }
0x11: {  	[smem:$0x3FB1] =	sst s9;
	s0 =	simm.s32 @!p0 $0x0  }
0x12: {  	s1 =	sld [smem:$0x3F97];
	s0 =	simm.s32 @p0 $0x1  }
0x13: {  	[smem:$0x3FB2] =	sst s0;
	s0 =	simm.s32 @!p1 $0x0  }
0x14: {  	s2 =	sld [smem:$0x3F96];
	s0 =	simm.s32 @p1 $0x1  }
0x15: {  	[smem:$0x3FB3] =	sst s0;
	s0 =	simm.s32 @!p2 $0x0  }
0x16: {  	s3 =	sld [smem:$0x3FDB];
	s0 =	simm.s32 @p2 $0x1  }
0x17: {  	s4 =	simm.s32 $0x1BF5;
	[smem:$0x3FB5] =	sst s0  }
0x18: {  	s0 =	sld [smem:$0x3F98];
	_ =	swait.ge [sflag:s4], $0x0  }
0x19: {  	s7 =	sld [smem:$0x3F99]  }
0x1a: {  	s8 =	sadd.s32 $0xFFFFE003, lr  }
0x1b: {  	s9 =	sadd.s32 $0xFFFFFEF7, lr;
	s5 =	simm.s32 $0xFFFFFFFF;
	p2 =	slt.u32 s8, $0xFFFFF086  }
0x1c: {  	p1 =	slt.u32 s9, $0xF7A;
	s5 =	simm.s32 @!p2 $0x0  }
0x1d: {  	s5 =	simm.s32 @p1 $0x1;
	p0 =	seq.s32 s7, s2  }
0x1e: {  	s7 =	smul.u32 @!p0 $0xF7A, s2;
	p2 =	seq.s32 @!p0 s5, $0x0  }
0x1f: {  	s9 =	smul.u32 $0xF7A, s1;
	s8 =	simm.s32 @!p0 $0x1BF5;
	p2 =	por !p2, p0  }
0x20: {  	[sflag:s8] =	ssyncset.s32 @!p0 $0xFFFFF086;
	s6 =	sadd.s32 @!p0 s3, s7;
	s7 =	simm.s32 @!p0 $0x108  }
0x21: {  	s3 =	sadd.s32 s3, s9;
	s6 =	sadd.s32 @!p0 $0x88, s6;
	s7 =	simm.s32 @p2 $0x1082  }
0x22: {  	[simem:s7], [sflag:s8] =	dma.local @!p0 [hbm:s6], $0xF7A  }
0x23: {  	s9 =	sor.u32 $0xD0000000, s2;
	s6 =	simm.s32 $0x108;
	_ =	swait.ge @!p0 [sflag:s8], $0x0  }
0x24: {  	s3 =	sadd.s32 $0x88, s3;
	s6 =	simm.s32 @!p1 $0x1082;
	[sflag:s4] =	ssyncset.s32 $0xFFFFF086  }
0x25: {  	[simem:s6], [sflag:s4] =	dma.local [hbm:s3], $0xF7A  }
0x26: {  	[smem:$0x3F99] =	sst s1;
	(tag) =	ssettag s2;
	_ =	strace s9  }
0x27: {  	s1 =	sld [smem:$0x3FA9]  }
0x28: {  	s2 =	sld [smem:$0x3FAA]  }
0x29: {  	s4 =	sld [smem:$0x3FAC]  }
0x2a: {  	p0 =	seq.s32 s5, $0x0;
	s5 =	sld [smem:$0x3FAD]  }
0x2b: {  	s6 =	sld [smem:$0x3FAE]  }
0x2c: {  	s7 =	sld [smem:$0x3FAF]  }
0x2d: {  	s3 =	simm.s32 $0x108;
	s8 =	sld [smem:$0x3FB0]  }
0x2e: {  	s3 =	simm.s32 @!p0 $0x1082;
	s9 =	sld [smem:$0x3FB1]  }
0x2f: {  	lr =	sadd.s32 s0, s3;
	s0 =	sld [smem:$0x3FA8]  }
0x30: {  	s3 =	sld [smem:$0x3FAB]  }
0x31: {  	[smem:$0x3FB4] =	sst s10  }
0x32: {  	s10 =	sld [smem:$0x3FB2];
	_ =	sdelay $0x3  }
0x33: {  	p0 =	seq.s32 s10, $0x1;
	s10 =	sld [smem:$0x3FB4];
	_ =	sdelay $0x3  }
0x34: {  	[smem:$0x3FB4] =	sst s10  }
0x35: {  	s10 =	sld [smem:$0x3FB3];
	_ =	sdelay $0x3  }
0x36: {  	p1 =	seq.s32 s10, $0x1;
	s10 =	sld [smem:$0x3FB4];
	_ =	sdelay $0x3  }
0x37: {  	[smem:$0x3FB4] =	sst s10  }
0x38: {  	s10 =	sld [smem:$0x3FB5]  }
0x39: {  	_ = 	snop;
	(pc) =	sbr.ind lr, $3  }
0x3a: {  	_ = 	snop  }
0x3b: {  	_ = 	snop  }
0x3c: {  	p2 =	seq.s32 s10, $0x1;
	s10 =	sld [smem:$0x3FB4]  }
0x3d: {  	_ =	shalt  }
0x3e: {  	_ =	shalt  }
0x3f: {  	_ =	shalt  }
0x40: {  	_ =	shalt  }
0x41: {  	_ =	shalt  }
0x42: {  	_ =	shalt  }
0x43: {  	_ =	shalt  }
0x44: {  	_ =	shalt  }
0x45: {  	_ =	shalt  }
0x46: {  	_ =	shalt  }
0x47: {  	_ =	shalt  }
0x48: {  	_ =	shalt  }
0x49: {  	_ =	shalt  }
0x4a: {  	_ =	shalt  }
0x4b: {  	_ =	shalt  }
0x4c: {  	_ =	shalt  }
0x4d: {  	_ =	shalt  }
0x4e: {  	_ =	shalt  }
0x4f: {  	_ =	shalt  }
0x50: {  	_ =	shalt  }
0x51: {  	_ =	shalt  }
0x52: {  	_ =	shalt  }
0x53: {  	_ =	shalt  }
0x54: {  	_ =	shalt  }
0x55: {  	_ =	shalt  }
0x56: {  	_ =	shalt  }
0x57: {  	_ =	shalt  }
0x58: {  	_ =	shalt  }
0x59: {  	_ =	shalt  }
0x5a: {  	_ =	shalt  }
0x5b: {  	_ =	shalt  }
0x5c: {  	_ =	shalt  }
0x5d: {  	_ =	shalt  }
0x5e: {  	_ =	shalt  }
0x5f: {  	_ =	shalt  }
0x60: {  	_ =	shalt  }
0x61: {  	_ =	shalt  }
0x62: {  	_ =	shalt  }
0x63: {  	_ =	shalt  }
0x64: {  	_ =	shalt  }
0x65: {  	_ =	shalt  }
0x66: {  	_ =	shalt  }
0x67: {  	_ =	shalt  }
0x68: {  	_ =	shalt  }
0x69: {  	_ =	shalt  }
0x6a: {  	_ =	shalt  }
0x6b: {  	_ =	shalt  }
0x6c: {  	_ =	shalt  }
0x6d: {  	_ =	shalt  }
0x6e: {  	_ =	shalt  }
0x6f: {  	_ =	shalt  }
0x70: {  	_ =	shalt  }
0x71: {  	_ =	shalt  }
0x72: {  	_ =	shalt  }
0x73: {  	_ =	shalt  }
0x74: {  	_ =	shalt  }
0x75: {  	_ =	shalt  }
0x76: {  	_ =	shalt  }
0x77: {  	_ =	shalt  }
0x78: {  	_ =	shalt  }
0x79: {  	_ =	shalt  }
0x7a: {  	_ =	shalt  }
0x7b: {  	_ =	shalt  }
0x7c: {  	_ =	shalt  }
0x7d: {  	_ =	shalt  }
0x7e: {  	_ =	shalt  }
0x7f: {  	_ =	shalt  }
0x80: {  	_ =	shalt  }
0x81: {  	_ =	shalt  }
0x82: {  	_ =	shalt  }
0x83: {  	_ =	shalt  }
0x84: {  	_ =	shalt  }
0x85: {  	_ =	shalt  }
0x86: {  	_ =	shalt  }
0x87: {  	_ =	shalt  }
.Lfunc_end0:
.L_simem_size_0:
called_computation.1_lowered:
.L_overlay_start_0:
0x88: {  	s2 =	sld [smem:$0x3FD9]  }
0x89: {  	s3 =	sld [smem:$0x3FFE];
	_ =	sdelay $0x1  }
0x8a: {  	s1 =	srdreg.scid  }
0x8b: {  	s0 =	sand.u32 $0x1, s1  }
0x8c: {  	s17 =	sshll.u32 s0, $0xA;
	s2 =	sadd.s32 s3, s2  }
0x8d: {  	s2 =	sadd.s32 s2, s17  }
0x8e: {  	[smem:$0x3FC0] =	sst s2  }
0x8f: {  	_ = 	snop  }
0x90: {  	s2 =	sld [smem:$0x3FD0];
	(tm) =	ssettm $0x1  }
0x91: {  	s18 =	sld [smem:$0x3FFB];
	_ =	sdelay $0x3  }
0x92: {  	_ =	strace s18  }
0x93: {  	s3 =	sld [smem:$0x3FFC];
	_ =	sdelay $0x3  }
0x94: {  	_ =	strace s3  }
0x95: {  	s3 =	sld [smem:$0x3FFD];
	_ =	sdelay $0x3  }
0x96: {  	_ =	strace s3  }
0x97: {  	_ =	strace $0x8FFFFFFF  }
0x98: {  	s19 =	sld [smem:$0x3FDB];
	_ =	sdelay $0x1  }
0x99: {  	s4 =	simm.s32 $_scs_section_size  }
0x9a: {  	s5 =	simm.s32 $_size__tile_overlayer_lowered;
	s6 =	simm.s32 $_tile_overlayer_lowered  }
0x9b: {  	s22 =	simm.s32 $0x1BFF;
	s21 =	sshll.u32 s6, $0x1;
	s3 =	sadd.s32 s4, s19  }
0x9c: {  	s7 =	simm.s32 $0x0;
	s20 =	sshll.u32 s5, $0x1;
	s5 =	sadd.s32 s21, s3  }
0x9d: {  	[timem:s7], [sflag:s22] =	dma.local [hbm:s5], s20  }
0x9e: {  	_ =	swait.ge [sflag:s22], s20  }
0x9f: {  	s4 =	ssub.s32 $0x0, s20;
	[sflag:s22] =	ssyncset.done $0x0  }
0xa0: {  	[sflag:s22] =	ssyncadd.s32 s4;
	_ =	sdelay $0x1  }
0xa1: {  	s23 =	simm.s32 $0x1B8B  }
0xa2: {  	_ =	swait.ge [sflag:s23], $0x1  }
0xa3: {  	[sflag:s23] =	ssyncset.done $0x0  }
0xa4: {  	s25 =	simm.s32 $0x1B8E;
	s24 =	sld [smem:$0x3FFE];
	[sflag:s23] =	ssyncadd.s32 $0xFFFFFFFF  }
0xa5: {  	s26 =	simm.s32 $execute0_lowered;
	[smem:$0x3FD2] =	sst s25  }
0xa6: {  	s5 =	sshll.u32 s26, $0x1;
	_ =	strace $0x80000049;
	[dreg:$0x1] =	wrdreg $0xFFFFFFFF  }
0xa7: {  	s28 =	simm.s32 $_size_execute0_lowered;
	s3 =	sadd.s32 s3, s5;
	[dreg:$0x0] =	wrdreg $0x0  }
0xa8: {  	s5 =	sshll.u32 s28, $0x1;
	[dreg:$0x2] =	wrdreg s3  }
0xa9: {  	[dreg:$0x3] =	wrdreg s5  }
0xaa: {  	[dreg:$0x4] =	wrdreg $0xC0  }
0xab: {  	_ =	task [dreg:s7], $0x5FFFF  }
0xac: {  	[dreg:$0x1] =	wrdreg $0xFFFFFFFF  }
0xad: {  	[dreg:$0x0] =	wrdreg $0x60  }
0xae: {  	[dreg:$0x2] =	wrdreg s24  }
0xaf: {  	[dreg:$0x3] =	wrdreg s2  }
0xb0: {  	[dreg:$0x4] =	wrdreg $0xA8000  }
0xb1: {  	[dreg:$0x5] =	wrdreg $0x9  }
0xb2: {  	_ =	task.clear_ibuf [dreg:s7], $0x6FFFF;
	_ =	strace $0x90000049  }
0xb3: {  	s29 =	simm.s32 $0x9;
	_ =	strace $0x8000004B  }
0xb4: {  	_ =	swait.ge [sflag:s29], $0x1  }
0xb5: {  	[sflag:s29] =	ssyncadd.s32 $0xFFFFFFFF  }
0xb6: {  	_ =	strace $0x9000004B  }
0xb7: {  	_ =	sfence  }
0xb8: {  	s30 =	sld [smem:$0x0];
	_ =	sdelay $0x2  }
0xb9: {  	s31 =	sshll.u32 s1, $0xD;
	s1 =	sshrl.u32 s1, $0x2  }
0xba: {  	s3 =	sand.u32 $0x4000, s31;
	s1 =	sadd.s32 s1, s30  }
0xbb: {  	s0 =	sor.u32 s3, s0;
	s1 =	sshll.u32 s1, $0x11  }
0xbc: {  	s0 =	sor.u32 s1, s0  }
0xbd: {  	s0 =	sadd.s32 $0x8F2B, s0  }
0xbe: {  	[sflag:s0] =	ssyncadd.remote.s32 $0x1  }
0xbf: {  	_ =	sfence.sel $0xFFFF  }
0xc0: {  	[dreg:$0x0] =	wrdreg $0xFFFFFFFF;
	(pc) =	sbr.abs _section_cstart, $3  }
0xc1: {  	[dreg:$0x1] =	wrdreg $0xFFFFFFFF  }
0xc2: {  	_ =	task.clear_ibuf [dreg:s7], $0x2FFFF;
	_ =	strace $0x9FFFFFFF  }
0xc3: {  	(tm) =	ssettm $0x7FFFFFFF  }
tec
execute0_lowered:
.L_overlay_start_1:
0x0: {  	(tag) =	ssettag $0x1  }
0x1: {  	s0 =	rddreg [dreg:$0x0]  }
0x2: {  	s1 =	rddreg [dreg:$0x1];
	s3 =	srdreg.scid  }
0x3: {  	s8 =	stileid.u32;
	s2 =	rddreg [dreg:$0x2]  }
0x4: {  	s20 =	simm.s32 $0x2800;
	s21 =	simm.s32 $0x3;
	s22 =	simm.s32 $0x1400  }
0x5: {  	s23 =	simm.s32 $0x80;
	s28 =	simm.s32 $0x2700;
	s29 =	simm.s32 $0x2780  }
0x6: {  	s30 =	simm.s32 $0x0;
	s5 =	sand.u32 $0x1, s3;
	s6 =	smul.u32 $0x280, s8  }
0x7: {  	s3 =	simm.s32 $0x0;
	s4 =	sadd.s32 $0xE200, s0;
	s24 =	smul.u32 $0x50000, s8  }
0x8: {  	s13 =	sadd.s32 $0x4200, s0;
	s8 =	sshll.u32 s8, $0x1;
	s7 =	smul.u32 $0x2800, s5  }
0x9: {  	[smem:$0x7FF] =	sst s3;
	s25 =	ssub.s32 $0x2, s5;
	s8 =	sor.u32 s5, s8  }
0xa: {  	_ =	strace $0x8000004A;
	s9 =	sshrl.u32 s25, $0x1;
	s10 =	smul.u32 $0x2800, s8  }
0xb: {  	s26 =	sshrl.u32 s24, $0x2;
	s11 =	smul.u32 $0x500, s8;
	s24 =	simm.s32 $0x6800  }
0xc: {  	s6 =	sadd.s32 s6, s7;
	s19 =	ssub.s32 s25, s9;
	s5 =	sadd.s32 s26, s2  }
0xd: {  	s25 =	simm.s32 $0x1;
	s26 =	simm.s32 $0x2;
	s6 =	sshll.u32 s6, $0x4  }
0xe: {  	s7 =	sadd.s32 $0x8000, s5;
	s8 =	sadd.s32 $0xC000, s5;
	s9 =	sadd.s32 $0x10000, s5  }
0xf: {  	s12 =	sshrl.u32 s10, $0x3;
	s31 =	sadd.s32 s1, s11;
	s11 =	sadd.s32 s13, s11  }
0x10: {  	s19 =	smax.u32 s19, $0x1;
	s0 =	sadd.s32 s6, s0;
	s14 =	sadd.s32 $0x280, s12  }
0x11: {  	s6 =	sadd.s32 $0x4000, s5;
	[dreg:$0x4] =	wrdreg s31;
	s12 =	sadd.s32 s1, s14  }
0x12: {  	s13 =	sadd.s32 s13, s14;
	s14 =	sadd.s32 $0x5E200, s0;
	s15 =	sadd.s32 $0x5EA00, s0  }
0x13: {  	v0 =	vimm.f32 $0.0e+00;
	s16 =	sadd.s32 $0x5F200, s0;
	s17 =	sadd.s32 $0x5FA00, s0;
	s18 =	sadd.s32 $0x60200, s0  }
.LBB2_1:
0x14: {  	s0 =	sand.u32 $0xFE00, s3  }
0x15: {  	s1 =	sand.u32 $0x70, s3;
	s0 =	sshrl.u32 s0, $0x2  }
0x16: {  	s31 =	simm.s32 $0x40;
	s0 =	sor.u32 s1, s0;
	s1 =	simm.s32 $0x0  }
.LBB2_2:
0x17: {  	p0 =	sne.s32 s31, $0xFFC0  }
0x18: {  	[tilespmem:s0+$0x2800] =	vst v0;
	s1 =	sadd.s32 $0x10, s1;
	s0 =	smov.u32 s31;
	s31 =	sadd.s32 $0x40, s31  }
.Ltmp0:
0x19: {  	(pc) =	sbr.rel @p0 .LBB2_2-.Ltmp0, $4  }
0x1a: {  	_ = 	snop  }
0x1b: {  	s0 =	sand.u32 $0xFE00, s0  }
0x1c: {  	s10 =	sand.u32 $0x70, s1;
	s0 =	sshrl.u32 s0, $0x2  }
0x1d: {  	s0 =	sor.u32 s10, s0  }
0x1e: {  	[tilespmem:s0+$0x2800] =	vst v0  }
0x1f: {  	[spmem:s5] =	stream.linear.scatter [tilespmem:s20], [sflag:$0x3], $0x4000, $0x38;
	[tilespmem:$0x1E800] =	vst v63  }
0x20: {  	_ =	swait.ge [sflag:s21], $0x4000  }
0x21: {  	[sflag:s21] =	ssyncset.done $0x0  }
0x22: {  	[sflag:s21] =	ssyncadd.s32 $0xFFFFC000  }
0x23: {  	[spmem:s6] =	stream.linear.scatter [tilespmem:s20], [sflag:$0x3], $0x4000, $0x38;
	[tilespmem:$0x1E800] =	vst v63  }
0x24: {  	_ =	swait.ge [sflag:s21], $0x4000  }
0x25: {  	[sflag:s21] =	ssyncset.done $0x0  }
0x26: {  	[sflag:s21] =	ssyncadd.s32 $0xFFFFC000  }
0x27: {  	[spmem:s7] =	stream.linear.scatter [tilespmem:s20], [sflag:$0x3], $0x4000, $0x38;
	[tilespmem:$0x1E800] =	vst v63  }
0x28: {  	_ =	swait.ge [sflag:s21], $0x4000  }
0x29: {  	[sflag:s21] =	ssyncset.done $0x0  }
0x2a: {  	[sflag:s21] =	ssyncadd.s32 $0xFFFFC000  }
0x2b: {  	[spmem:s8] =	stream.linear.scatter [tilespmem:s20], [sflag:$0x3], $0x4000, $0x38;
	[tilespmem:$0x1E800] =	vst v63  }
0x2c: {  	_ =	swait.ge [sflag:s21], $0x4000  }
0x2d: {  	[sflag:s21] =	ssyncset.done $0x0  }
0x2e: {  	[sflag:s21] =	ssyncadd.s32 $0xFFFFC000  }
0x2f: {  	[spmem:s9] =	stream.linear.scatter [tilespmem:s20], [sflag:$0x3], $0x4000, $0x38;
	[tilespmem:$0x1E800] =	vst v63  }
0x30: {  	_ =	swait.ge [sflag:s21], $0x4000  }
0x31: {  	[sflag:s21] =	ssyncset.done $0x0  }
0x32: {  	[sflag:s21] =	ssyncadd.s32 $0xFFFFC000  }
0x33: {  	[bflag:$0x0] =	sbarrier.arrive $0xFFFF  }
0x34: {  	s10 =	simm.s32 $0x0;
	s1 =	rddreg [dreg:$0x4]  }
0x35: {  	[tilespmem:s10], [sflag:$0x3] =	stream.linear.gather [hbm4b:s1+s10], $0x1400, $0x38;
	[tilespmem:$0x1E800] =	vst v63  }
0x36: {  	_ =	swait.ge [sflag:s21], $0x1400  }
0x37: {  	[sflag:s21] =	ssyncset.done $0x0  }
0x38: {  	[sflag:s21] =	ssyncadd.s32 $0xFFFFEC00  }
0x39: {  	[tilespmem:s22], [sflag:$0x3] =	stream.linear.gather [hbm4b:s11+s10], $0x1400, $0x38;
	[tilespmem:$0x1E800] =	vst v63  }
0x3a: {  	_ =	swait.ge [sflag:s21], $0x1400  }
0x3b: {  	[sflag:s21] =	ssyncset.done $0x0  }
0x3c: {  	[sflag:s21] =	ssyncadd.s32 $0xFFFFEC00  }
0x3d: {  	[tilespmem:s20], [sflag:$0x1] =	stream.indirect.gather [hbm4b:s4+s23], $0x80, s10, s23, $0xb8;
	[tilespmem:$0x1E800] =	vst v63  }
0x3e: {  	_ = 	snop  }
0x3f: {  	[tilespmem:s24], [sflag:$0x2] =	stream.indirect.gather [hbm4b:s4+s23], $0x80, s23, s23, $0xb8;
	[tilespmem:$0x1E800] =	vst v63  }
0x40: {  	_ =	swait.ge [sflag:s25], $0x4000  }
0x41: {  	[sflag:s25] =	ssyncset.done $0x0  }
0x42: {  	s10 =	simm.s32 $0x1400;
	[sflag:s25] =	ssyncadd.s32 $0xFFFFC000  }
0x43: {  	[spmem:s2] =	stream.indirect.scatter.add.f32 [tilespmem:s20], [sflag:$0x3], $0x80, s10, s23, $0xb8;
	[tilespmem:$0x1E800] =	vst v63  }
0x44: {  	_ =	swait.ge [sflag:s21], $0x4000  }
0x45: {  	[sflag:s21] =	ssyncset.done $0x0  }
0x46: {  	s1 =	simm.s32 $0x100;
	[sflag:s21] =	ssyncadd.s32 $0xFFFFC000  }
0x47: {  	[tilespmem:s20], [sflag:$0x1] =	stream.indirect.gather [hbm4b:s4+s23], $0x80, s1, s23, $0xb8;
	[tilespmem:$0x1E800] =	vst v63  }
0x48: {  	_ =	swait.ge [sflag:s26], $0x4000  }
0x49: {  	[sflag:s26] =	ssyncset.done $0x0  }
0x4a: {  	s10 =	simm.s32 $0x1480;
	[sflag:s26] =	ssyncadd.s32 $0xFFFFC000  }
0x4b: {  	[spmem:s2] =	stream.indirect.scatter.add.f32 [tilespmem:s24], [sflag:$0x3], $0x80, s10, s23, $0xb8;
	[tilespmem:$0x1E800] =	vst v63  }
0x4c: {  	_ =	swait.ge [sflag:s21], $0x4000  }
0x4d: {  	[sflag:s21] =	ssyncset.done $0x0  }
0x4e: {  	s31 =	simm.s32 $0x400;
	s0 =	simm.s32 $0x180;
	[sflag:s21] =	ssyncadd.s32 $0xFFFFC000  }
.LBB2_4:
0x4f: {  	[tilespmem:s24], [sflag:$0x2] =	stream.indirect.gather [hbm4b:s4+s23], $0x80, s0, s23, $0xb8;
	[tilespmem:$0x1E800] =	vst v63  }
0x50: {  	s0 =	smov.u32 s31  }
0x51: {  	p0 =	sne.s32 s31, $0x4800;
	s31 =	sadd.s32 $0x400, s31;
	_ =	swait.ge [sflag:s25], $0x4000  }
0x52: {  	s0 =	sshra.s32 s0, $0x2;
	[sflag:s25] =	ssyncset.done $0x0  }
0x53: {  	s1 =	sadd.s32 $0x1400, s0;
	[sflag:s25] =	ssyncadd.s32 $0xFFFFC000  }
0x54: {  	[spmem:s2] =	stream.indirect.scatter.add.f32 [tilespmem:s20], [sflag:$0x3], $0x80, s1, s23, $0xb8;
	[tilespmem:$0x1E800] =	vst v63  }
0x55: {  	_ =	swait.ge [sflag:s21], $0x4000  }
0x56: {  	[sflag:s21] =	ssyncset.done $0x0  }
0x57: {  	s1 =	sadd.s32 $0x100, s0;
	[sflag:s21] =	ssyncadd.s32 $0xFFFFC000  }
0x58: {  	[tilespmem:s20], [sflag:$0x1] =	stream.indirect.gather [hbm4b:s4+s23], $0x80, s1, s23, $0xb8;
	[tilespmem:$0x1E800] =	vst v63  }
0x59: {  	_ =	swait.ge [sflag:s26], $0x4000  }
0x5a: {  	[sflag:s26] =	ssyncset.done $0x0  }
.Ltmp1:
0x5b: {  	s1 =	sadd.s32 $0x1480, s0;
	[sflag:s26] =	ssyncadd.s32 $0xFFFFC000;
	(pc) =	sbr.rel @p0 .LBB2_4-.Ltmp1, $4  }
0x5c: {  	[spmem:s2] =	stream.indirect.scatter.add.f32 [tilespmem:s24], [sflag:$0x3], $0x80, s1, s23, $0xb8;
	[tilespmem:$0x1E800] =	vst v63  }
0x5d: {  	_ =	swait.ge [sflag:s21], $0x4000  }
0x5e: {  	[sflag:s21] =	ssyncset.done $0x0  }
0x5f: {  	s0 =	sadd.s32 $0x180, s0;
	[sflag:s21] =	ssyncadd.s32 $0xFFFFC000  }
0x60: {  	[tilespmem:s24], [sflag:$0x2] =	stream.indirect.gather [hbm4b:s4+s23], $0x80, s0, s23, $0xb8;
	[tilespmem:$0x1E800] =	vst v63  }
0x61: {  	_ =	swait.ge [sflag:s25], $0x4000  }
0x62: {  	[sflag:s25] =	ssyncset.done $0x0  }
0x63: {  	[sflag:s25] =	ssyncadd.s32 $0xFFFFC000  }
0x64: {  	[spmem:s2] =	stream.indirect.scatter.add.f32 [tilespmem:s20], [sflag:$0x3], $0x80, s28, s23, $0xb8;
	[tilespmem:$0x1E800] =	vst v63  }
0x65: {  	_ =	swait.ge [sflag:s21], $0x4000  }
0x66: {  	[sflag:s21] =	ssyncset.done $0x0  }
0x67: {  	[sflag:s21] =	ssyncadd.s32 $0xFFFFC000  }
0x68: {  	_ =	swait.ge [sflag:s26], $0x4000  }
0x69: {  	[sflag:s26] =	ssyncset.done $0x0  }
0x6a: {  	[sflag:s26] =	ssyncadd.s32 $0xFFFFC000  }
0x6b: {  	[spmem:s2] =	stream.indirect.scatter.add.f32 [tilespmem:s24], [sflag:$0x3], $0x80, s29, s23, $0xb8;
	[tilespmem:$0x1E800] =	vst v63  }
0x6c: {  	_ =	swait.ge [sflag:s21], $0x4000  }
0x6d: {  	[sflag:s21] =	ssyncset.done $0x0  }
0x6e: {  	s1 =	simm.s32 $0x0;
	[sflag:s21] =	ssyncadd.s32 $0xFFFFC000  }
0x6f: {  	[tilespmem:s1], [sflag:$0x3] =	stream.linear.gather [hbm4b:s12+s1], $0x1400, $0x38;
	[tilespmem:$0x1E800] =	vst v63  }
0x70: {  	_ =	swait.ge [sflag:s21], $0x1400  }
0x71: {  	[sflag:s21] =	ssyncset.done $0x0  }
0x72: {  	[sflag:s21] =	ssyncadd.s32 $0xFFFFEC00  }
0x73: {  	[tilespmem:s22], [sflag:$0x3] =	stream.linear.gather [hbm4b:s13+s1], $0x1400, $0x38;
	[tilespmem:$0x1E800] =	vst v63  }
0x74: {  	_ =	swait.ge [sflag:s21], $0x1400  }
0x75: {  	[sflag:s21] =	ssyncset.done $0x0  }
0x76: {  	[sflag:s21] =	ssyncadd.s32 $0xFFFFEC00  }
0x77: {  	[tilespmem:s20], [sflag:$0x1] =	stream.indirect.gather [hbm4b:s4+s23], $0x80, s1, s23, $0xb8;
	[tilespmem:$0x1E800] =	vst v63  }
0x78: {  	_ = 	snop  }
0x79: {  	[tilespmem:s24], [sflag:$0x2] =	stream.indirect.gather [hbm4b:s4+s23], $0x80, s23, s23, $0xb8;
	[tilespmem:$0x1E800] =	vst v63  }
0x7a: {  	_ =	swait.ge [sflag:s25], $0x4000  }
0x7b: {  	[sflag:s25] =	ssyncset.done $0x0  }
0x7c: {  	s10 =	simm.s32 $0x1400;
	[sflag:s25] =	ssyncadd.s32 $0xFFFFC000  }
0x7d: {  	[spmem:s2] =	stream.indirect.scatter.add.f32 [tilespmem:s20], [sflag:$0x3], $0x80, s10, s23, $0xb8;
	[tilespmem:$0x1E800] =	vst v63  }
0x7e: {  	_ =	swait.ge [sflag:s21], $0x4000  }
0x7f: {  	[sflag:s21] =	ssyncset.done $0x0  }
0x80: {  	s1 =	simm.s32 $0x100;
	[sflag:s21] =	ssyncadd.s32 $0xFFFFC000  }
0x81: {  	[tilespmem:s20], [sflag:$0x1] =	stream.indirect.gather [hbm4b:s4+s23], $0x80, s1, s23, $0xb8;
	[tilespmem:$0x1E800] =	vst v63  }
0x82: {  	_ =	swait.ge [sflag:s26], $0x4000  }
0x83: {  	[sflag:s26] =	ssyncset.done $0x0  }
0x84: {  	s10 =	simm.s32 $0x1480;
	[sflag:s26] =	ssyncadd.s32 $0xFFFFC000  }
0x85: {  	[spmem:s2] =	stream.indirect.scatter.add.f32 [tilespmem:s24], [sflag:$0x3], $0x80, s10, s23, $0xb8;
	[tilespmem:$0x1E800] =	vst v63  }
0x86: {  	_ =	swait.ge [sflag:s21], $0x4000  }
0x87: {  	[sflag:s21] =	ssyncset.done $0x0  }
0x88: {  	s31 =	simm.s32 $0x400;
	s0 =	simm.s32 $0x180;
	[sflag:s21] =	ssyncadd.s32 $0xFFFFC000  }
.LBB2_6:
0x89: {  	[tilespmem:s24], [sflag:$0x2] =	stream.indirect.gather [hbm4b:s4+s23], $0x80, s0, s23, $0xb8;
	[tilespmem:$0x1E800] =	vst v63  }
0x8a: {  	s0 =	smov.u32 s31  }
0x8b: {  	p0 =	sne.s32 s31, $0x4800;
	s31 =	sadd.s32 $0x400, s31;
	_ =	swait.ge [sflag:s25], $0x4000  }
0x8c: {  	s0 =	sshra.s32 s0, $0x2;
	[sflag:s25] =	ssyncset.done $0x0  }
0x8d: {  	s1 =	sadd.s32 $0x1400, s0;
	[sflag:s25] =	ssyncadd.s32 $0xFFFFC000  }
0x8e: {  	[spmem:s2] =	stream.indirect.scatter.add.f32 [tilespmem:s20], [sflag:$0x3], $0x80, s1, s23, $0xb8;
	[tilespmem:$0x1E800] =	vst v63  }
0x8f: {  	_ =	swait.ge [sflag:s21], $0x4000  }
0x90: {  	[sflag:s21] =	ssyncset.done $0x0  }
0x91: {  	s1 =	sadd.s32 $0x100, s0;
	[sflag:s21] =	ssyncadd.s32 $0xFFFFC000  }
0x92: {  	[tilespmem:s20], [sflag:$0x1] =	stream.indirect.gather [hbm4b:s4+s23], $0x80, s1, s23, $0xb8;
	[tilespmem:$0x1E800] =	vst v63  }
0x93: {  	_ =	swait.ge [sflag:s26], $0x4000  }
0x94: {  	[sflag:s26] =	ssyncset.done $0x0  }
.Ltmp2:
0x95: {  	s1 =	sadd.s32 $0x1480, s0;
	[sflag:s26] =	ssyncadd.s32 $0xFFFFC000;
	(pc) =	sbr.rel @p0 .LBB2_6-.Ltmp2, $4  }
0x96: {  	[spmem:s2] =	stream.indirect.scatter.add.f32 [tilespmem:s24], [sflag:$0x3], $0x80, s1, s23, $0xb8;
	[tilespmem:$0x1E800] =	vst v63  }
0x97: {  	_ =	swait.ge [sflag:s21], $0x4000  }
0x98: {  	[sflag:s21] =	ssyncset.done $0x0  }
0x99: {  	s0 =	sadd.s32 $0x180, s0;
	[sflag:s21] =	ssyncadd.s32 $0xFFFFC000  }
0x9a: {  	[tilespmem:s24], [sflag:$0x2] =	stream.indirect.gather [hbm4b:s4+s23], $0x80, s0, s23, $0xb8;
	[tilespmem:$0x1E800] =	vst v63  }
0x9b: {  	_ =	swait.ge [sflag:s25], $0x4000  }
0x9c: {  	[sflag:s25] =	ssyncset.done $0x0  }
0x9d: {  	[sflag:s25] =	ssyncadd.s32 $0xFFFFC000  }
0x9e: {  	[spmem:s2] =	stream.indirect.scatter.add.f32 [tilespmem:s20], [sflag:$0x3], $0x80, s28, s23, $0xb8;
	[tilespmem:$0x1E800] =	vst v63  }
0x9f: {  	_ =	swait.ge [sflag:s21], $0x4000  }
0xa0: {  	[sflag:s21] =	ssyncset.done $0x0  }
0xa1: {  	[sflag:s21] =	ssyncadd.s32 $0xFFFFC000  }
0xa2: {  	_ =	swait.ge [sflag:s26], $0x4000  }
0xa3: {  	[sflag:s26] =	ssyncset.done $0x0  }
0xa4: {  	[sflag:s26] =	ssyncadd.s32 $0xFFFFC000  }
0xa5: {  	[spmem:s2] =	stream.indirect.scatter.add.f32 [tilespmem:s24], [sflag:$0x3], $0x80, s29, s23, $0xb8;
	[tilespmem:$0x1E800] =	vst v63  }
0xa6: {  	_ =	swait.ge [sflag:s21], $0x4000  }
0xa7: {  	[sflag:s21] =	ssyncset.done $0x0  }
0xa8: {  	[sflag:s21] =	ssyncadd.s32 $0xFFFFC000  }
0xa9: {  	[bflag:$0x0] =	sbarrier.arrive $0xFFFF  }
0xaa: {  	[tilespmem:s20], [sflag:$0x3] =	stream.linear.gather [spmem:s5], $0x4000, $0x38;
	[tilespmem:$0x1E800] =	vst v63  }
0xab: {  	_ =	swait.ge [sflag:s21], $0x4000  }
0xac: {  	[sflag:s21] =	ssyncset.done $0x0  }
0xad: {  	[sflag:s21] =	ssyncadd.s32 $0xFFFFC000  }
0xae: {  	[hbm4b:s14+s3] =	stream.linear.scatter [tilespmem:s20], [sflag:$0x3], $0x4000, $0x38;
	[tilespmem:$0x1E800] =	vst v63  }
0xaf: {  	_ =	swait.ge [sflag:s21], $0x4000  }
0xb0: {  	[sflag:s21] =	ssyncset.done $0x0  }
0xb1: {  	[sflag:s21] =	ssyncadd.s32 $0xFFFFC000  }
0xb2: {  	[tilespmem:s20], [sflag:$0x3] =	stream.linear.gather [spmem:s6], $0x4000, $0x38;
	[tilespmem:$0x1E800] =	vst v63  }
0xb3: {  	_ =	swait.ge [sflag:s21], $0x4000  }
0xb4: {  	[sflag:s21] =	ssyncset.done $0x0  }
0xb5: {  	[sflag:s21] =	ssyncadd.s32 $0xFFFFC000  }
0xb6: {  	[hbm4b:s15+s3] =	stream.linear.scatter [tilespmem:s20], [sflag:$0x3], $0x4000, $0x38;
	[tilespmem:$0x1E800] =	vst v63  }
0xb7: {  	_ =	swait.ge [sflag:s21], $0x4000  }
0xb8: {  	[sflag:s21] =	ssyncset.done $0x0  }
0xb9: {  	[sflag:s21] =	ssyncadd.s32 $0xFFFFC000  }
0xba: {  	[tilespmem:s20], [sflag:$0x3] =	stream.linear.gather [spmem:s7], $0x4000, $0x38;
	[tilespmem:$0x1E800] =	vst v63  }
0xbb: {  	_ =	swait.ge [sflag:s21], $0x4000  }
0xbc: {  	[sflag:s21] =	ssyncset.done $0x0  }
0xbd: {  	[sflag:s21] =	ssyncadd.s32 $0xFFFFC000  }
0xbe: {  	[hbm4b:s16+s3] =	stream.linear.scatter [tilespmem:s20], [sflag:$0x3], $0x4000, $0x38;
	[tilespmem:$0x1E800] =	vst v63  }
0xbf: {  	_ =	swait.ge [sflag:s21], $0x4000  }
0xc0: {  	[sflag:s21] =	ssyncset.done $0x0  }
0xc1: {  	[sflag:s21] =	ssyncadd.s32 $0xFFFFC000  }
0xc2: {  	[tilespmem:s20], [sflag:$0x3] =	stream.linear.gather [spmem:s8], $0x4000, $0x38;
	[tilespmem:$0x1E800] =	vst v63  }
0xc3: {  	_ =	swait.ge [sflag:s21], $0x4000  }
0xc4: {  	[sflag:s21] =	ssyncset.done $0x0  }
0xc5: {  	[sflag:s21] =	ssyncadd.s32 $0xFFFFC000  }
0xc6: {  	[hbm4b:s17+s3] =	stream.linear.scatter [tilespmem:s20], [sflag:$0x3], $0x4000, $0x38;
	[tilespmem:$0x1E800] =	vst v63  }
0xc7: {  	_ =	swait.ge [sflag:s21], $0x4000  }
0xc8: {  	[sflag:s21] =	ssyncset.done $0x0  }
0xc9: {  	[sflag:s21] =	ssyncadd.s32 $0xFFFFC000  }
0xca: {  	[tilespmem:s20], [sflag:$0x3] =	stream.linear.gather [spmem:s9], $0x4000, $0x38;
	[tilespmem:$0x1E800] =	vst v63  }
0xcb: {  	s30 =	sadd.s32 $0x1, s30;
	_ =	swait.ge [sflag:s21], $0x4000  }
0xcc: {  	p0 =	sne.s32 s30, s19;
	[sflag:s21] =	ssyncset.done $0x0  }
.Ltmp3:
0xcd: {  	[sflag:s21] =	ssyncadd.s32 $0xFFFFC000;
	(pc) =	sbr.rel @p0 .LBB2_1-.Ltmp3, $4  }
0xce: {  	[hbm4b:s18+s3] =	stream.linear.scatter [tilespmem:s20], [sflag:$0x3], $0x4000, $0x38;
	[tilespmem:$0x1E800] =	vst v63  }
0xcf: {  	_ =	swait.ge [sflag:s21], $0x4000  }
0xd0: {  	[sflag:s21] =	ssyncset.done $0x0  }
0xd1: {  	[sflag:s21] =	ssyncadd.s32 $0xFFFFC000  }
0xd2: {  	_ =	sfence.sel $0x180000  }
0xd3: {  	[bflag:$0x0] =	sbarrier.arrive $0xFFFF  }
0xd4: {  	_ =	strace $0x9000004A  }
0xd5: {  	s0 =	stileid.u32;
	[bflag:$0x2] =	sbarrier.arrive $0xFFFF  }
0xd6: {  	p0 =	sne.s32 s0, $0x0;
	s0 =	rddreg [dreg:$0x3]  }
0xd7: {  	s0 =	sadd.s32 @!p0 $0x100000, s0  }
0xd8: {  	[sflag:s0] =	ssyncadd.tile.s32 @!p0 $0x1;
	_ =	shalt  }
.Lfunc_end2:
_tile_overlayer_lowered:
.L_overlay_start_2:
0xd9: {  	(tag) =	ssettag $0x2  }
0xda: {  	s0 =	rddreg [dreg:$0x0];
	s2 =	stileid.u32  }
0xdb: {  	s1 =	rddreg [dreg:$0x1];
	p0 =	sne.s32 s2, $0x0  }
0xdc: {  	s3 =	rddreg [dreg:$0x2];
	[bflag:$0x3] =	sbarrier.arrive $0xFFFF;
	s2 =	simm.s32 @!p0 $0x1C03  }
0xdd: {  	[timem:s3], [sflag:s2] =	dma.local @!p0 [hbm:s0], s1  }
0xde: {  	s0 =	simm.s32 @!p0 $0x3  }
0xdf: {  	_ =	swait.ge @!p0 [sflag:s0], s1  }
0xe0: {  	s1 =	ssub.s32 @!p0 $0x0, s1;
	[sflag:s0] =	ssyncset.done @!p0 $0x0  }
0xe1: {  	[sflag:s0] =	ssyncadd.s32 @!p0 s1  }
0xe2: {  	[bflag:$0x3] =	sbarrier.arrive $0xFFFF  }
0xe3: {  	_ =	shalt  }

// kernel: kernel.16.cloned.1.call-start
scs
__scs_entry_jumppad:
0x0: {  	(pc) =	sbr.rel $0x88, $3  }
0x1: {  	(tag) =	ssettag $0x0;
	lr =	simm.s32 $0x1  }
0x2: {  	[smem:$0x3F99] =	sst lr;
	_ =	strace $0xD0000000  }
0x3: {  	_ = 	snop  }
0x4: {  	_ = 	snop  }
0x5: {  	_ = 	snop  }
0x6: {  	_ = 	snop  }
0x7: {  	_ = 	snop  }
__scs_overlays_trampoline_lowered:
0x8: {  	[smem:$0x3FA8] =	sst s0  }
0x9: {  	[smem:$0x3FA9] =	sst s1  }
0xa: {  	[smem:$0x3FAA] =	sst s2  }
0xb: {  	[smem:$0x3FAB] =	sst s3  }
0xc: {  	[smem:$0x3FAC] =	sst s4  }
0xd: {  	[smem:$0x3FAD] =	sst s5  }
0xe: {  	[smem:$0x3FAE] =	sst s6  }
0xf: {  	[smem:$0x3FAF] =	sst s7  }
0x10: {  	[smem:$0x3FB0] =	sst s8  }
0x11: {  	[smem:$0x3FB1] =	sst s9;
	s0 =	simm.s32 @!p0 $0x0  }
0x12: {  	s1 =	sld [smem:$0x3F97];
	s0 =	simm.s32 @p0 $0x1  }
0x13: {  	[smem:$0x3FB2] =	sst s0;
	s0 =	simm.s32 @!p1 $0x0  }
0x14: {  	s2 =	sld [smem:$0x3F96];
	s0 =	simm.s32 @p1 $0x1  }
0x15: {  	[smem:$0x3FB3] =	sst s0;
	s0 =	simm.s32 @!p2 $0x0  }
0x16: {  	s3 =	sld [smem:$0x3FDB];
	s0 =	simm.s32 @p2 $0x1  }
0x17: {  	s4 =	simm.s32 $0x1BF5;
	[smem:$0x3FB5] =	sst s0  }
0x18: {  	s0 =	sld [smem:$0x3F98];
	_ =	swait.ge [sflag:s4], $0x0  }
0x19: {  	s7 =	sld [smem:$0x3F99]  }
0x1a: {  	s8 =	sadd.s32 $0xFFFFE003, lr  }
0x1b: {  	s9 =	sadd.s32 $0xFFFFFEF7, lr;
	s5 =	simm.s32 $0xFFFFFFFF;
	p2 =	slt.u32 s8, $0xFFFFF086  }
0x1c: {  	p1 =	slt.u32 s9, $0xF7A;
	s5 =	simm.s32 @!p2 $0x0  }
0x1d: {  	s5 =	simm.s32 @p1 $0x1;
	p0 =	seq.s32 s7, s2  }
0x1e: {  	s7 =	smul.u32 @!p0 $0xF7A, s2;
	p2 =	seq.s32 @!p0 s5, $0x0  }
0x1f: {  	s9 =	smul.u32 $0xF7A, s1;
	s8 =	simm.s32 @!p0 $0x1BF5;
	p2 =	por !p2, p0  }
0x20: {  	[sflag:s8] =	ssyncset.s32 @!p0 $0xFFFFF086;
	s6 =	sadd.s32 @!p0 s3, s7;
	s7 =	simm.s32 @!p0 $0x108  }
0x21: {  	s3 =	sadd.s32 s3, s9;
	s6 =	sadd.s32 @!p0 $0x88, s6;
	s7 =	simm.s32 @p2 $0x1082  }
0x22: {  	[simem:s7], [sflag:s8] =	dma.local @!p0 [hbm:s6], $0xF7A  }
0x23: {  	s9 =	sor.u32 $0xD0000000, s2;
	s6 =	simm.s32 $0x108;
	_ =	swait.ge @!p0 [sflag:s8], $0x0  }
0x24: {  	s3 =	sadd.s32 $0x88, s3;
	s6 =	simm.s32 @!p1 $0x1082;
	[sflag:s4] =	ssyncset.s32 $0xFFFFF086  }
0x25: {  	[simem:s6], [sflag:s4] =	dma.local [hbm:s3], $0xF7A  }
0x26: {  	[smem:$0x3F99] =	sst s1;
	(tag) =	ssettag s2;
	_ =	strace s9  }
0x27: {  	s1 =	sld [smem:$0x3FA9]  }
0x28: {  	s2 =	sld [smem:$0x3FAA]  }
0x29: {  	s4 =	sld [smem:$0x3FAC]  }
0x2a: {  	p0 =	seq.s32 s5, $0x0;
	s5 =	sld [smem:$0x3FAD]  }
0x2b: {  	s6 =	sld [smem:$0x3FAE]  }
0x2c: {  	s7 =	sld [smem:$0x3FAF]  }
0x2d: {  	s3 =	simm.s32 $0x108;
	s8 =	sld [smem:$0x3FB0]  }
0x2e: {  	s3 =	simm.s32 @!p0 $0x1082;
	s9 =	sld [smem:$0x3FB1]  }
0x2f: {  	lr =	sadd.s32 s0, s3;
	s0 =	sld [smem:$0x3FA8]  }
0x30: {  	s3 =	sld [smem:$0x3FAB]  }
0x31: {  	[smem:$0x3FB4] =	sst s10  }
0x32: {  	s10 =	sld [smem:$0x3FB2];
	_ =	sdelay $0x3  }
0x33: {  	p0 =	seq.s32 s10, $0x1;
	s10 =	sld [smem:$0x3FB4];
	_ =	sdelay $0x3  }
0x34: {  	[smem:$0x3FB4] =	sst s10  }
0x35: {  	s10 =	sld [smem:$0x3FB3];
	_ =	sdelay $0x3  }
0x36: {  	p1 =	seq.s32 s10, $0x1;
	s10 =	sld [smem:$0x3FB4];
	_ =	sdelay $0x3  }
0x37: {  	[smem:$0x3FB4] =	sst s10  }
0x38: {  	s10 =	sld [smem:$0x3FB5]  }
0x39: {  	_ = 	snop;
	(pc) =	sbr.ind lr, $3  }
0x3a: {  	_ = 	snop  }
0x3b: {  	_ = 	snop  }
0x3c: {  	p2 =	seq.s32 s10, $0x1;
	s10 =	sld [smem:$0x3FB4]  }
0x3d: {  	_ =	shalt  }
0x3e: {  	_ =	shalt  }
0x3f: {  	_ =	shalt  }
0x40: {  	_ =	shalt  }
0x41: {  	_ =	shalt  }
0x42: {  	_ =	shalt  }
0x43: {  	_ =	shalt  }
0x44: {  	_ =	shalt  }
0x45: {  	_ =	shalt  }
0x46: {  	_ =	shalt  }
0x47: {  	_ =	shalt  }
0x48: {  	_ =	shalt  }
0x49: {  	_ =	shalt  }
0x4a: {  	_ =	shalt  }
0x4b: {  	_ =	shalt  }
0x4c: {  	_ =	shalt  }
0x4d: {  	_ =	shalt  }
0x4e: {  	_ =	shalt  }
0x4f: {  	_ =	shalt  }
0x50: {  	_ =	shalt  }
0x51: {  	_ =	shalt  }
0x52: {  	_ =	shalt  }
0x53: {  	_ =	shalt  }
0x54: {  	_ =	shalt  }
0x55: {  	_ =	shalt  }
0x56: {  	_ =	shalt  }
0x57: {  	_ =	shalt  }
0x58: {  	_ =	shalt  }
0x59: {  	_ =	shalt  }
0x5a: {  	_ =	shalt  }
0x5b: {  	_ =	shalt  }
0x5c: {  	_ =	shalt  }
0x5d: {  	_ =	shalt  }
0x5e: {  	_ =	shalt  }
0x5f: {  	_ =	shalt  }
0x60: {  	_ =	shalt  }
0x61: {  	_ =	shalt  }
0x62: {  	_ =	shalt  }
0x63: {  	_ =	shalt  }
0x64: {  	_ =	shalt  }
0x65: {  	_ =	shalt  }
0x66: {  	_ =	shalt  }
0x67: {  	_ =	shalt  }
0x68: {  	_ =	shalt  }
0x69: {  	_ =	shalt  }
0x6a: {  	_ =	shalt  }
0x6b: {  	_ =	shalt  }
0x6c: {  	_ =	shalt  }
0x6d: {  	_ =	shalt  }
0x6e: {  	_ =	shalt  }
0x6f: {  	_ =	shalt  }
0x70: {  	_ =	shalt  }
0x71: {  	_ =	shalt  }
0x72: {  	_ =	shalt  }
0x73: {  	_ =	shalt  }
0x74: {  	_ =	shalt  }
0x75: {  	_ =	shalt  }
0x76: {  	_ =	shalt  }
0x77: {  	_ =	shalt  }
0x78: {  	_ =	shalt  }
0x79: {  	_ =	shalt  }
0x7a: {  	_ =	shalt  }
0x7b: {  	_ =	shalt  }
0x7c: {  	_ =	shalt  }
0x7d: {  	_ =	shalt  }
0x7e: {  	_ =	shalt  }
0x7f: {  	_ =	shalt  }
0x80: {  	_ =	shalt  }
0x81: {  	_ =	shalt  }
0x82: {  	_ =	shalt  }
0x83: {  	_ =	shalt  }
0x84: {  	_ =	shalt  }
0x85: {  	_ =	shalt  }
0x86: {  	_ =	shalt  }
0x87: {  	_ =	shalt  }
.Lfunc_end0:
.L_simem_size_0:
called_computation.2_lowered:
.L_overlay_start_0:
0x88: {  	s2 =	sld [smem:$0x3FD9]  }
0x89: {  	s3 =	sld [smem:$0x3FFE];
	_ =	sdelay $0x1  }
0x8a: {  	s1 =	srdreg.scid  }
0x8b: {  	s0 =	sand.u32 $0x1, s1  }
0x8c: {  	s17 =	sshll.u32 s0, $0xA;
	s2 =	sadd.s32 s3, s2  }
0x8d: {  	s2 =	sadd.s32 s2, s17  }
0x8e: {  	[smem:$0x3FC0] =	sst s2  }
0x8f: {  	_ = 	snop  }
0x90: {  	s2 =	sld [smem:$0x3FD0];
	(tm) =	ssettm $0x1  }
0x91: {  	s18 =	sld [smem:$0x3FFB];
	_ =	sdelay $0x3  }
0x92: {  	_ =	strace s18  }
0x93: {  	s3 =	sld [smem:$0x3FFC];
	_ =	sdelay $0x3  }
0x94: {  	_ =	strace s3  }
0x95: {  	s3 =	sld [smem:$0x3FFD];
	_ =	sdelay $0x3  }
0x96: {  	_ =	strace s3  }
0x97: {  	_ =	strace $0x8FFFFFFF  }
0x98: {  	s19 =	sld [smem:$0x3FDB];
	_ =	sdelay $0x1  }
0x99: {  	s4 =	simm.s32 $_scs_section_size  }
0x9a: {  	s5 =	simm.s32 $_size__tile_overlayer_lowered;
	s6 =	simm.s32 $_tile_overlayer_lowered  }
0x9b: {  	s22 =	simm.s32 $0x1BFF;
	s21 =	sshll.u32 s6, $0x1;
	s3 =	sadd.s32 s4, s19  }
0x9c: {  	s7 =	simm.s32 $0x0;
	s20 =	sshll.u32 s5, $0x1;
	s5 =	sadd.s32 s21, s3  }
0x9d: {  	[timem:s7], [sflag:s22] =	dma.local [hbm:s5], s20  }
0x9e: {  	_ =	swait.ge [sflag:s22], s20  }
0x9f: {  	s4 =	ssub.s32 $0x0, s20;
	[sflag:s22] =	ssyncset.done $0x0  }
0xa0: {  	[sflag:s22] =	ssyncadd.s32 s4;
	_ =	sdelay $0x1  }
0xa1: {  	s23 =	simm.s32 $0x1B8B  }
0xa2: {  	_ =	swait.ge [sflag:s23], $0x1  }
0xa3: {  	[sflag:s23] =	ssyncset.done $0x0  }
0xa4: {  	s25 =	simm.s32 $0x1B8E;
	s24 =	sld [smem:$0x3FFE];
	[sflag:s23] =	ssyncadd.s32 $0xFFFFFFFF  }
0xa5: {  	s26 =	simm.s32 $execute0_lowered;
	[smem:$0x3FD2] =	sst s25  }
0xa6: {  	s5 =	sshll.u32 s26, $0x1;
	_ =	strace $0x8000004C;
	[dreg:$0x1] =	wrdreg $0xFFFFFFFF  }
0xa7: {  	s28 =	simm.s32 $_size_execute0_lowered;
	s3 =	sadd.s32 s3, s5;
	[dreg:$0x0] =	wrdreg $0x0  }
0xa8: {  	s5 =	sshll.u32 s28, $0x1;
	[dreg:$0x2] =	wrdreg s3  }
0xa9: {  	[dreg:$0x3] =	wrdreg s5  }
0xaa: {  	[dreg:$0x4] =	wrdreg $0xC0  }
0xab: {  	_ =	task [dreg:s7], $0x5FFFF  }
0xac: {  	[dreg:$0x1] =	wrdreg $0xFFFFFFFF  }
0xad: {  	[dreg:$0x0] =	wrdreg $0x60  }
0xae: {  	[dreg:$0x2] =	wrdreg s24  }
0xaf: {  	[dreg:$0x3] =	wrdreg s2  }
0xb0: {  	[dreg:$0x4] =	wrdreg $0xA8000  }
0xb1: {  	[dreg:$0x5] =	wrdreg $0x9  }
0xb2: {  	_ =	task.clear_ibuf [dreg:s7], $0x6FFFF;
	_ =	strace $0x9000004C  }
0xb3: {  	s29 =	simm.s32 $0x9;
	_ =	strace $0x8000004E  }
0xb4: {  	_ =	swait.ge [sflag:s29], $0x1  }
0xb5: {  	[sflag:s29] =	ssyncadd.s32 $0xFFFFFFFF  }
0xb6: {  	_ =	strace $0x9000004E  }
0xb7: {  	_ =	sfence  }
0xb8: {  	s30 =	sld [smem:$0x0];
	_ =	sdelay $0x2  }
0xb9: {  	s31 =	sshll.u32 s1, $0xD;
	s1 =	sshrl.u32 s1, $0x2  }
0xba: {  	s3 =	sand.u32 $0x4000, s31;
	s1 =	sadd.s32 s1, s30  }
0xbb: {  	s0 =	sor.u32 s3, s0;
	s1 =	sshll.u32 s1, $0x11  }
0xbc: {  	s0 =	sor.u32 s1, s0  }
0xbd: {  	s0 =	sadd.s32 $0x8F2B, s0  }
0xbe: {  	[sflag:s0] =	ssyncadd.remote.s32 $0x1  }
0xbf: {  	_ =	sfence.sel $0xFFFF  }
0xc0: {  	[dreg:$0x0] =	wrdreg $0xFFFFFFFF;
	(pc) =	sbr.abs _section_cstart, $3  }
0xc1: {  	[dreg:$0x1] =	wrdreg $0xFFFFFFFF  }
0xc2: {  	_ =	task.clear_ibuf [dreg:s7], $0x2FFFF;
	_ =	strace $0x9FFFFFFF  }
0xc3: {  	(tm) =	ssettm $0x7FFFFFFF  }
tec
execute0_lowered:
.L_overlay_start_1:
0x0: {  	(tag) =	ssettag $0x1  }
0x1: {  	s0 =	rddreg [dreg:$0x0]  }
0x2: {  	s1 =	rddreg [dreg:$0x1];
	s3 =	srdreg.scid  }
0x3: {  	s8 =	stileid.u32;
	s2 =	rddreg [dreg:$0x2]  }
0x4: {  	s20 =	simm.s32 $0x2800;
	s21 =	simm.s32 $0x3;
	s22 =	simm.s32 $0x1400  }
0x5: {  	s23 =	simm.s32 $0x80;
	s28 =	simm.s32 $0x2700;
	s29 =	simm.s32 $0x2780  }
0x6: {  	s30 =	simm.s32 $0x0;
	s5 =	sand.u32 $0x1, s3;
	s6 =	smul.u32 $0x280, s8  }
0x7: {  	s3 =	simm.s32 $0x0;
	s4 =	sadd.s32 $0xE200, s0;
	s24 =	smul.u32 $0x50000, s8  }
0x8: {  	s13 =	sadd.s32 $0x4200, s0;
	s8 =	sshll.u32 s8, $0x1;
	s7 =	smul.u32 $0x2800, s5  }
0x9: {  	[smem:$0x7FF] =	sst s3;
	s25 =	ssub.s32 $0x2, s5;
	s8 =	sor.u32 s5, s8  }
0xa: {  	_ =	strace $0x8000004D;
	s9 =	sshrl.u32 s25, $0x1;
	s10 =	smul.u32 $0x2800, s8  }
0xb: {  	s26 =	sshrl.u32 s24, $0x2;
	s11 =	smul.u32 $0x500, s8;
	s24 =	simm.s32 $0x6800  }
0xc: {  	s6 =	sadd.s32 s6, s7;
	s19 =	ssub.s32 s25, s9;
	s5 =	sadd.s32 s26, s2  }
0xd: {  	s25 =	simm.s32 $0x1;
	s26 =	simm.s32 $0x2;
	s6 =	sshll.u32 s6, $0x4  }
0xe: {  	s7 =	sadd.s32 $0x8000, s5;
	s8 =	sadd.s32 $0xC000, s5;
	s9 =	sadd.s32 $0x10000, s5  }
0xf: {  	s12 =	sshrl.u32 s10, $0x3;
	s31 =	sadd.s32 s1, s11;
	s11 =	sadd.s32 s13, s11  }
0x10: {  	s19 =	smax.u32 s19, $0x1;
	s0 =	sadd.s32 s6, s0;
	s14 =	sadd.s32 $0x280, s12  }
0x11: {  	s6 =	sadd.s32 $0x4000, s5;
	[dreg:$0x4] =	wrdreg s31;
	s12 =	sadd.s32 s1, s14  }
0x12: {  	s13 =	sadd.s32 s13, s14;
	s14 =	sadd.s32 $0x5E200, s0;
	s15 =	sadd.s32 $0x5EA00, s0  }
0x13: {  	v0 =	vimm.f32 $0.0e+00;
	s16 =	sadd.s32 $0x5F200, s0;
	s17 =	sadd.s32 $0x5FA00, s0;
	s18 =	sadd.s32 $0x60200, s0  }
.LBB2_1:
0x14: {  	s0 =	sand.u32 $0xFE00, s3  }
0x15: {  	s1 =	sand.u32 $0x70, s3;
	s0 =	sshrl.u32 s0, $0x2  }
0x16: {  	s31 =	simm.s32 $0x40;
	s0 =	sor.u32 s1, s0;
	s1 =	simm.s32 $0x0  }
.LBB2_2:
0x17: {  	p0 =	sne.s32 s31, $0xFFC0  }
0x18: {  	[tilespmem:s0+$0x2800] =	vst v0;
	s1 =	sadd.s32 $0x10, s1;
	s0 =	smov.u32 s31;
	s31 =	sadd.s32 $0x40, s31  }
.Ltmp0:
0x19: {  	(pc) =	sbr.rel @p0 .LBB2_2-.Ltmp0, $4  }
0x1a: {  	_ = 	snop  }
0x1b: {  	s0 =	sand.u32 $0xFE00, s0  }
0x1c: {  	s10 =	sand.u32 $0x70, s1;
	s0 =	sshrl.u32 s0, $0x2  }
0x1d: {  	s0 =	sor.u32 s10, s0  }
0x1e: {  	[tilespmem:s0+$0x2800] =	vst v0  }
0x1f: {  	[spmem:s5] =	stream.linear.scatter [tilespmem:s20], [sflag:$0x3], $0x4000, $0x38;
	[tilespmem:$0x1E800] =	vst v63  }
0x20: {  	_ =	swait.ge [sflag:s21], $0x4000  }
0x21: {  	[sflag:s21] =	ssyncset.done $0x0  }
0x22: {  	[sflag:s21] =	ssyncadd.s32 $0xFFFFC000  }
0x23: {  	[spmem:s6] =	stream.linear.scatter [tilespmem:s20], [sflag:$0x3], $0x4000, $0x38;
	[tilespmem:$0x1E800] =	vst v63  }
0x24: {  	_ =	swait.ge [sflag:s21], $0x4000  }
0x25: {  	[sflag:s21] =	ssyncset.done $0x0  }
0x26: {  	[sflag:s21] =	ssyncadd.s32 $0xFFFFC000  }
0x27: {  	[spmem:s7] =	stream.linear.scatter [tilespmem:s20], [sflag:$0x3], $0x4000, $0x38;
	[tilespmem:$0x1E800] =	vst v63  }
0x28: {  	_ =	swait.ge [sflag:s21], $0x4000  }
0x29: {  	[sflag:s21] =	ssyncset.done $0x0  }
0x2a: {  	[sflag:s21] =	ssyncadd.s32 $0xFFFFC000  }
0x2b: {  	[spmem:s8] =	stream.linear.scatter [tilespmem:s20], [sflag:$0x3], $0x4000, $0x38;
	[tilespmem:$0x1E800] =	vst v63  }
0x2c: {  	_ =	swait.ge [sflag:s21], $0x4000  }
0x2d: {  	[sflag:s21] =	ssyncset.done $0x0  }
0x2e: {  	[sflag:s21] =	ssyncadd.s32 $0xFFFFC000  }
0x2f: {  	[spmem:s9] =	stream.linear.scatter [tilespmem:s20], [sflag:$0x3], $0x4000, $0x38;
	[tilespmem:$0x1E800] =	vst v63  }
0x30: {  	_ =	swait.ge [sflag:s21], $0x4000  }
0x31: {  	[sflag:s21] =	ssyncset.done $0x0  }
0x32: {  	[sflag:s21] =	ssyncadd.s32 $0xFFFFC000  }
0x33: {  	[bflag:$0x0] =	sbarrier.arrive $0xFFFF  }
0x34: {  	s10 =	simm.s32 $0x0;
	s1 =	rddreg [dreg:$0x4]  }
0x35: {  	[tilespmem:s10], [sflag:$0x3] =	stream.linear.gather [hbm4b:s1+s10], $0x1400, $0x38;
	[tilespmem:$0x1E800] =	vst v63  }
0x36: {  	_ =	swait.ge [sflag:s21], $0x1400  }
0x37: {  	[sflag:s21] =	ssyncset.done $0x0  }
0x38: {  	[sflag:s21] =	ssyncadd.s32 $0xFFFFEC00  }
0x39: {  	[tilespmem:s22], [sflag:$0x3] =	stream.linear.gather [hbm4b:s11+s10], $0x1400, $0x38;
	[tilespmem:$0x1E800] =	vst v63  }
0x3a: {  	_ =	swait.ge [sflag:s21], $0x1400  }
0x3b: {  	[sflag:s21] =	ssyncset.done $0x0  }
0x3c: {  	[sflag:s21] =	ssyncadd.s32 $0xFFFFEC00  }
0x3d: {  	[tilespmem:s20], [sflag:$0x1] =	stream.indirect.gather [hbm4b:s4+s23], $0x80, s10, s23, $0xb8;
	[tilespmem:$0x1E800] =	vst v63  }
0x3e: {  	_ = 	snop  }
0x3f: {  	[tilespmem:s24], [sflag:$0x2] =	stream.indirect.gather [hbm4b:s4+s23], $0x80, s23, s23, $0xb8;
	[tilespmem:$0x1E800] =	vst v63  }
0x40: {  	_ =	swait.ge [sflag:s25], $0x4000  }
0x41: {  	[sflag:s25] =	ssyncset.done $0x0  }
0x42: {  	s10 =	simm.s32 $0x1400;
	[sflag:s25] =	ssyncadd.s32 $0xFFFFC000  }
0x43: {  	[spmem:s2] =	stream.indirect.scatter.add.f32 [tilespmem:s20], [sflag:$0x3], $0x80, s10, s23, $0xb8;
	[tilespmem:$0x1E800] =	vst v63  }
0x44: {  	_ =	swait.ge [sflag:s21], $0x4000  }
0x45: {  	[sflag:s21] =	ssyncset.done $0x0  }
0x46: {  	s1 =	simm.s32 $0x100;
	[sflag:s21] =	ssyncadd.s32 $0xFFFFC000  }
0x47: {  	[tilespmem:s20], [sflag:$0x1] =	stream.indirect.gather [hbm4b:s4+s23], $0x80, s1, s23, $0xb8;
	[tilespmem:$0x1E800] =	vst v63  }
0x48: {  	_ =	swait.ge [sflag:s26], $0x4000  }
0x49: {  	[sflag:s26] =	ssyncset.done $0x0  }
0x4a: {  	s10 =	simm.s32 $0x1480;
	[sflag:s26] =	ssyncadd.s32 $0xFFFFC000  }
0x4b: {  	[spmem:s2] =	stream.indirect.scatter.add.f32 [tilespmem:s24], [sflag:$0x3], $0x80, s10, s23, $0xb8;
	[tilespmem:$0x1E800] =	vst v63  }
0x4c: {  	_ =	swait.ge [sflag:s21], $0x4000  }
0x4d: {  	[sflag:s21] =	ssyncset.done $0x0  }
0x4e: {  	s31 =	simm.s32 $0x400;
	s0 =	simm.s32 $0x180;
	[sflag:s21] =	ssyncadd.s32 $0xFFFFC000  }
.LBB2_4:
0x4f: {  	[tilespmem:s24], [sflag:$0x2] =	stream.indirect.gather [hbm4b:s4+s23], $0x80, s0, s23, $0xb8;
	[tilespmem:$0x1E800] =	vst v63  }
0x50: {  	s0 =	smov.u32 s31  }
0x51: {  	p0 =	sne.s32 s31, $0x4800;
	s31 =	sadd.s32 $0x400, s31;
	_ =	swait.ge [sflag:s25], $0x4000  }
0x52: {  	s0 =	sshra.s32 s0, $0x2;
	[sflag:s25] =	ssyncset.done $0x0  }
0x53: {  	s1 =	sadd.s32 $0x1400, s0;
	[sflag:s25] =	ssyncadd.s32 $0xFFFFC000  }
0x54: {  	[spmem:s2] =	stream.indirect.scatter.add.f32 [tilespmem:s20], [sflag:$0x3], $0x80, s1, s23, $0xb8;
	[tilespmem:$0x1E800] =	vst v63  }
0x55: {  	_ =	swait.ge [sflag:s21], $0x4000  }
0x56: {  	[sflag:s21] =	ssyncset.done $0x0  }
0x57: {  	s1 =	sadd.s32 $0x100, s0;
	[sflag:s21] =	ssyncadd.s32 $0xFFFFC000  }
0x58: {  	[tilespmem:s20], [sflag:$0x1] =	stream.indirect.gather [hbm4b:s4+s23], $0x80, s1, s23, $0xb8;
	[tilespmem:$0x1E800] =	vst v63  }
0x59: {  	_ =	swait.ge [sflag:s26], $0x4000  }
0x5a: {  	[sflag:s26] =	ssyncset.done $0x0  }
.Ltmp1:
0x5b: {  	s1 =	sadd.s32 $0x1480, s0;
	[sflag:s26] =	ssyncadd.s32 $0xFFFFC000;
	(pc) =	sbr.rel @p0 .LBB2_4-.Ltmp1, $4  }
0x5c: {  	[spmem:s2] =	stream.indirect.scatter.add.f32 [tilespmem:s24], [sflag:$0x3], $0x80, s1, s23, $0xb8;
	[tilespmem:$0x1E800] =	vst v63  }
0x5d: {  	_ =	swait.ge [sflag:s21], $0x4000  }
0x5e: {  	[sflag:s21] =	ssyncset.done $0x0  }
0x5f: {  	s0 =	sadd.s32 $0x180, s0;
	[sflag:s21] =	ssyncadd.s32 $0xFFFFC000  }
0x60: {  	[tilespmem:s24], [sflag:$0x2] =	stream.indirect.gather [hbm4b:s4+s23], $0x80, s0, s23, $0xb8;
	[tilespmem:$0x1E800] =	vst v63  }
0x61: {  	_ =	swait.ge [sflag:s25], $0x4000  }
0x62: {  	[sflag:s25] =	ssyncset.done $0x0  }
0x63: {  	[sflag:s25] =	ssyncadd.s32 $0xFFFFC000  }
0x64: {  	[spmem:s2] =	stream.indirect.scatter.add.f32 [tilespmem:s20], [sflag:$0x3], $0x80, s28, s23, $0xb8;
	[tilespmem:$0x1E800] =	vst v63  }
0x65: {  	_ =	swait.ge [sflag:s21], $0x4000  }
0x66: {  	[sflag:s21] =	ssyncset.done $0x0  }
0x67: {  	[sflag:s21] =	ssyncadd.s32 $0xFFFFC000  }
0x68: {  	_ =	swait.ge [sflag:s26], $0x4000  }
0x69: {  	[sflag:s26] =	ssyncset.done $0x0  }
0x6a: {  	[sflag:s26] =	ssyncadd.s32 $0xFFFFC000  }
0x6b: {  	[spmem:s2] =	stream.indirect.scatter.add.f32 [tilespmem:s24], [sflag:$0x3], $0x80, s29, s23, $0xb8;
	[tilespmem:$0x1E800] =	vst v63  }
0x6c: {  	_ =	swait.ge [sflag:s21], $0x4000  }
0x6d: {  	[sflag:s21] =	ssyncset.done $0x0  }
0x6e: {  	s1 =	simm.s32 $0x0;
	[sflag:s21] =	ssyncadd.s32 $0xFFFFC000  }
0x6f: {  	[tilespmem:s1], [sflag:$0x3] =	stream.linear.gather [hbm4b:s12+s1], $0x1400, $0x38;
	[tilespmem:$0x1E800] =	vst v63  }
0x70: {  	_ =	swait.ge [sflag:s21], $0x1400  }
0x71: {  	[sflag:s21] =	ssyncset.done $0x0  }
0x72: {  	[sflag:s21] =	ssyncadd.s32 $0xFFFFEC00  }
0x73: {  	[tilespmem:s22], [sflag:$0x3] =	stream.linear.gather [hbm4b:s13+s1], $0x1400, $0x38;
	[tilespmem:$0x1E800] =	vst v63  }
0x74: {  	_ =	swait.ge [sflag:s21], $0x1400  }
0x75: {  	[sflag:s21] =	ssyncset.done $0x0  }
0x76: {  	[sflag:s21] =	ssyncadd.s32 $0xFFFFEC00  }
0x77: {  	[tilespmem:s20], [sflag:$0x1] =	stream.indirect.gather [hbm4b:s4+s23], $0x80, s1, s23, $0xb8;
	[tilespmem:$0x1E800] =	vst v63  }
0x78: {  	_ = 	snop  }
0x79: {  	[tilespmem:s24], [sflag:$0x2] =	stream.indirect.gather [hbm4b:s4+s23], $0x80, s23, s23, $0xb8;
	[tilespmem:$0x1E800] =	vst v63  }
0x7a: {  	_ =	swait.ge [sflag:s25], $0x4000  }
0x7b: {  	[sflag:s25] =	ssyncset.done $0x0  }
0x7c: {  	s10 =	simm.s32 $0x1400;
	[sflag:s25] =	ssyncadd.s32 $0xFFFFC000  }
0x7d: {  	[spmem:s2] =	stream.indirect.scatter.add.f32 [tilespmem:s20], [sflag:$0x3], $0x80, s10, s23, $0xb8;
	[tilespmem:$0x1E800] =	vst v63  }
0x7e: {  	_ =	swait.ge [sflag:s21], $0x4000  }
0x7f: {  	[sflag:s21] =	ssyncset.done $0x0  }
0x80: {  	s1 =	simm.s32 $0x100;
	[sflag:s21] =	ssyncadd.s32 $0xFFFFC000  }
0x81: {  	[tilespmem:s20], [sflag:$0x1] =	stream.indirect.gather [hbm4b:s4+s23], $0x80, s1, s23, $0xb8;
	[tilespmem:$0x1E800] =	vst v63  }
0x82: {  	_ =	swait.ge [sflag:s26], $0x4000  }
0x83: {  	[sflag:s26] =	ssyncset.done $0x0  }
0x84: {  	s10 =	simm.s32 $0x1480;
	[sflag:s26] =	ssyncadd.s32 $0xFFFFC000  }
0x85: {  	[spmem:s2] =	stream.indirect.scatter.add.f32 [tilespmem:s24], [sflag:$0x3], $0x80, s10, s23, $0xb8;
	[tilespmem:$0x1E800] =	vst v63  }
0x86: {  	_ =	swait.ge [sflag:s21], $0x4000  }
0x87: {  	[sflag:s21] =	ssyncset.done $0x0  }
0x88: {  	s31 =	simm.s32 $0x400;
	s0 =	simm.s32 $0x180;
	[sflag:s21] =	ssyncadd.s32 $0xFFFFC000  }
.LBB2_6:
0x89: {  	[tilespmem:s24], [sflag:$0x2] =	stream.indirect.gather [hbm4b:s4+s23], $0x80, s0, s23, $0xb8;
	[tilespmem:$0x1E800] =	vst v63  }
0x8a: {  	s0 =	smov.u32 s31  }
0x8b: {  	p0 =	sne.s32 s31, $0x4800;
	s31 =	sadd.s32 $0x400, s31;
	_ =	swait.ge [sflag:s25], $0x4000  }
0x8c: {  	s0 =	sshra.s32 s0, $0x2;
	[sflag:s25] =	ssyncset.done $0x0  }
0x8d: {  	s1 =	sadd.s32 $0x1400, s0;
	[sflag:s25] =	ssyncadd.s32 $0xFFFFC000  }
0x8e: {  	[spmem:s2] =	stream.indirect.scatter.add.f32 [tilespmem:s20], [sflag:$0x3], $0x80, s1, s23, $0xb8;
	[tilespmem:$0x1E800] =	vst v63  }
0x8f: {  	_ =	swait.ge [sflag:s21], $0x4000  }
0x90: {  	[sflag:s21] =	ssyncset.done $0x0  }
0x91: {  	s1 =	sadd.s32 $0x100, s0;
	[sflag:s21] =	ssyncadd.s32 $0xFFFFC000  }
0x92: {  	[tilespmem:s20], [sflag:$0x1] =	stream.indirect.gather [hbm4b:s4+s23], $0x80, s1, s23, $0xb8;
	[tilespmem:$0x1E800] =	vst v63  }
0x93: {  	_ =	swait.ge [sflag:s26], $0x4000  }
0x94: {  	[sflag:s26] =	ssyncset.done $0x0  }
.Ltmp2:
0x95: {  	s1 =	sadd.s32 $0x1480, s0;
	[sflag:s26] =	ssyncadd.s32 $0xFFFFC000;
	(pc) =	sbr.rel @p0 .LBB2_6-.Ltmp2, $4  }
0x96: {  	[spmem:s2] =	stream.indirect.scatter.add.f32 [tilespmem:s24], [sflag:$0x3], $0x80, s1, s23, $0xb8;
	[tilespmem:$0x1E800] =	vst v63  }
0x97: {  	_ =	swait.ge [sflag:s21], $0x4000  }
0x98: {  	[sflag:s21] =	ssyncset.done $0x0  }
0x99: {  	s0 =	sadd.s32 $0x180, s0;
	[sflag:s21] =	ssyncadd.s32 $0xFFFFC000  }
0x9a: {  	[tilespmem:s24], [sflag:$0x2] =	stream.indirect.gather [hbm4b:s4+s23], $0x80, s0, s23, $0xb8;
	[tilespmem:$0x1E800] =	vst v63  }
0x9b: {  	_ =	swait.ge [sflag:s25], $0x4000  }
0x9c: {  	[sflag:s25] =	ssyncset.done $0x0  }
0x9d: {  	[sflag:s25] =	ssyncadd.s32 $0xFFFFC000  }
0x9e: {  	[spmem:s2] =	stream.indirect.scatter.add.f32 [tilespmem:s20], [sflag:$0x3], $0x80, s28, s23, $0xb8;
	[tilespmem:$0x1E800] =	vst v63  }
0x9f: {  	_ =	swait.ge [sflag:s21], $0x4000  }
0xa0: {  	[sflag:s21] =	ssyncset.done $0x0  }
0xa1: {  	[sflag:s21] =	ssyncadd.s32 $0xFFFFC000  }
0xa2: {  	_ =	swait.ge [sflag:s26], $0x4000  }
0xa3: {  	[sflag:s26] =	ssyncset.done $0x0  }
0xa4: {  	[sflag:s26] =	ssyncadd.s32 $0xFFFFC000  }
0xa5: {  	[spmem:s2] =	stream.indirect.scatter.add.f32 [tilespmem:s24], [sflag:$0x3], $0x80, s29, s23, $0xb8;
	[tilespmem:$0x1E800] =	vst v63  }
0xa6: {  	_ =	swait.ge [sflag:s21], $0x4000  }
0xa7: {  	[sflag:s21] =	ssyncset.done $0x0  }
0xa8: {  	[sflag:s21] =	ssyncadd.s32 $0xFFFFC000  }
0xa9: {  	[bflag:$0x0] =	sbarrier.arrive $0xFFFF  }
0xaa: {  	[tilespmem:s20], [sflag:$0x3] =	stream.linear.gather [spmem:s5], $0x4000, $0x38;
	[tilespmem:$0x1E800] =	vst v63  }
0xab: {  	_ =	swait.ge [sflag:s21], $0x4000  }
0xac: {  	[sflag:s21] =	ssyncset.done $0x0  }
0xad: {  	[sflag:s21] =	ssyncadd.s32 $0xFFFFC000  }
0xae: {  	[hbm4b:s14+s3] =	stream.linear.scatter [tilespmem:s20], [sflag:$0x3], $0x4000, $0x38;
	[tilespmem:$0x1E800] =	vst v63  }
0xaf: {  	_ =	swait.ge [sflag:s21], $0x4000  }
0xb0: {  	[sflag:s21] =	ssyncset.done $0x0  }
0xb1: {  	[sflag:s21] =	ssyncadd.s32 $0xFFFFC000  }
0xb2: {  	[tilespmem:s20], [sflag:$0x3] =	stream.linear.gather [spmem:s6], $0x4000, $0x38;
	[tilespmem:$0x1E800] =	vst v63  }
0xb3: {  	_ =	swait.ge [sflag:s21], $0x4000  }
0xb4: {  	[sflag:s21] =	ssyncset.done $0x0  }
0xb5: {  	[sflag:s21] =	ssyncadd.s32 $0xFFFFC000  }
0xb6: {  	[hbm4b:s15+s3] =	stream.linear.scatter [tilespmem:s20], [sflag:$0x3], $0x4000, $0x38;
	[tilespmem:$0x1E800] =	vst v63  }
0xb7: {  	_ =	swait.ge [sflag:s21], $0x4000  }
0xb8: {  	[sflag:s21] =	ssyncset.done $0x0  }
0xb9: {  	[sflag:s21] =	ssyncadd.s32 $0xFFFFC000  }
0xba: {  	[tilespmem:s20], [sflag:$0x3] =	stream.linear.gather [spmem:s7], $0x4000, $0x38;
	[tilespmem:$0x1E800] =	vst v63  }
0xbb: {  	_ =	swait.ge [sflag:s21], $0x4000  }
0xbc: {  	[sflag:s21] =	ssyncset.done $0x0  }
0xbd: {  	[sflag:s21] =	ssyncadd.s32 $0xFFFFC000  }
0xbe: {  	[hbm4b:s16+s3] =	stream.linear.scatter [tilespmem:s20], [sflag:$0x3], $0x4000, $0x38;
	[tilespmem:$0x1E800] =	vst v63  }
0xbf: {  	_ =	swait.ge [sflag:s21], $0x4000  }
0xc0: {  	[sflag:s21] =	ssyncset.done $0x0  }
0xc1: {  	[sflag:s21] =	ssyncadd.s32 $0xFFFFC000  }
0xc2: {  	[tilespmem:s20], [sflag:$0x3] =	stream.linear.gather [spmem:s8], $0x4000, $0x38;
	[tilespmem:$0x1E800] =	vst v63  }
0xc3: {  	_ =	swait.ge [sflag:s21], $0x4000  }
0xc4: {  	[sflag:s21] =	ssyncset.done $0x0  }
0xc5: {  	[sflag:s21] =	ssyncadd.s32 $0xFFFFC000  }
0xc6: {  	[hbm4b:s17+s3] =	stream.linear.scatter [tilespmem:s20], [sflag:$0x3], $0x4000, $0x38;
	[tilespmem:$0x1E800] =	vst v63  }
0xc7: {  	_ =	swait.ge [sflag:s21], $0x4000  }
0xc8: {  	[sflag:s21] =	ssyncset.done $0x0  }
0xc9: {  	[sflag:s21] =	ssyncadd.s32 $0xFFFFC000  }
0xca: {  	[tilespmem:s20], [sflag:$0x3] =	stream.linear.gather [spmem:s9], $0x4000, $0x38;
	[tilespmem:$0x1E800] =	vst v63  }
0xcb: {  	s30 =	sadd.s32 $0x1, s30;
	_ =	swait.ge [sflag:s21], $0x4000  }
0xcc: {  	p0 =	sne.s32 s30, s19;
	[sflag:s21] =	ssyncset.done $0x0  }
.Ltmp3:
0xcd: {  	[sflag:s21] =	ssyncadd.s32 $0xFFFFC000;
	(pc) =	sbr.rel @p0 .LBB2_1-.Ltmp3, $4  }
0xce: {  	[hbm4b:s18+s3] =	stream.linear.scatter [tilespmem:s20], [sflag:$0x3], $0x4000, $0x38;
	[tilespmem:$0x1E800] =	vst v63  }
0xcf: {  	_ =	swait.ge [sflag:s21], $0x4000  }
0xd0: {  	[sflag:s21] =	ssyncset.done $0x0  }
0xd1: {  	[sflag:s21] =	ssyncadd.s32 $0xFFFFC000  }
0xd2: {  	_ =	sfence.sel $0x180000  }
0xd3: {  	[bflag:$0x0] =	sbarrier.arrive $0xFFFF  }
0xd4: {  	_ =	strace $0x9000004D  }
0xd5: {  	s0 =	stileid.u32;
	[bflag:$0x2] =	sbarrier.arrive $0xFFFF  }
0xd6: {  	p0 =	sne.s32 s0, $0x0;
	s0 =	rddreg [dreg:$0x3]  }
0xd7: {  	s0 =	sadd.s32 @!p0 $0x100000, s0  }
0xd8: {  	[sflag:s0] =	ssyncadd.tile.s32 @!p0 $0x1;
	_ =	shalt  }
.Lfunc_end2:
_tile_overlayer_lowered:
.L_overlay_start_2:
0xd9: {  	(tag) =	ssettag $0x2  }
0xda: {  	s0 =	rddreg [dreg:$0x0];
	s2 =	stileid.u32  }
0xdb: {  	s1 =	rddreg [dreg:$0x1];
	p0 =	sne.s32 s2, $0x0  }
0xdc: {  	s3 =	rddreg [dreg:$0x2];
	[bflag:$0x3] =	sbarrier.arrive $0xFFFF;
	s2 =	simm.s32 @!p0 $0x1C03  }
0xdd: {  	[timem:s3], [sflag:s2] =	dma.local @!p0 [hbm:s0], s1  }
0xde: {  	s0 =	simm.s32 @!p0 $0x3  }
0xdf: {  	_ =	swait.ge @!p0 [sflag:s0], s1  }
0xe0: {  	s1 =	ssub.s32 @!p0 $0x0, s1;
	[sflag:s0] =	ssyncset.done @!p0 $0x0  }
0xe1: {  	[sflag:s0] =	ssyncadd.s32 @!p0 s1  }
0xe2: {  	[bflag:$0x3] =	sbarrier.arrive $0xFFFF  }
0xe3: {  	_ =	shalt  }

// kernel: kernel.19.cloned.1.call-start
scs
__scs_entry_jumppad:
0x0: {  	(pc) =	sbr.rel $0x88, $3  }
0x1: {  	(tag) =	ssettag $0x0;
	lr =	simm.s32 $0x1  }
0x2: {  	[smem:$0x3F99] =	sst lr;
	_ =	strace $0xD0000000  }
0x3: {  	_ = 	snop  }
0x4: {  	_ = 	snop  }
0x5: {  	_ = 	snop  }
0x6: {  	_ = 	snop  }
0x7: {  	_ = 	snop  }
__scs_overlays_trampoline_lowered:
0x8: {  	[smem:$0x3FA8] =	sst s0  }
0x9: {  	[smem:$0x3FA9] =	sst s1  }
0xa: {  	[smem:$0x3FAA] =	sst s2  }
0xb: {  	[smem:$0x3FAB] =	sst s3  }
0xc: {  	[smem:$0x3FAC] =	sst s4  }
0xd: {  	[smem:$0x3FAD] =	sst s5  }
0xe: {  	[smem:$0x3FAE] =	sst s6  }
0xf: {  	[smem:$0x3FAF] =	sst s7  }
0x10: {  	[smem:$0x3FB0] =	sst s8  }
0x11: {  	[smem:$0x3FB1] =	sst s9;
	s0 =	simm.s32 @!p0 $0x0  }
0x12: {  	s1 =	sld [smem:$0x3F97];
	s0 =	simm.s32 @p0 $0x1  }
0x13: {  	[smem:$0x3FB2] =	sst s0;
	s0 =	simm.s32 @!p1 $0x0  }
0x14: {  	s2 =	sld [smem:$0x3F96];
	s0 =	simm.s32 @p1 $0x1  }
0x15: {  	[smem:$0x3FB3] =	sst s0;
	s0 =	simm.s32 @!p2 $0x0  }
0x16: {  	s3 =	sld [smem:$0x3FDB];
	s0 =	simm.s32 @p2 $0x1  }
0x17: {  	s4 =	simm.s32 $0x1BF5;
	[smem:$0x3FB5] =	sst s0  }
0x18: {  	s0 =	sld [smem:$0x3F98];
	_ =	swait.ge [sflag:s4], $0x0  }
0x19: {  	s7 =	sld [smem:$0x3F99]  }
0x1a: {  	s8 =	sadd.s32 $0xFFFFE003, lr  }
0x1b: {  	s9 =	sadd.s32 $0xFFFFFEF7, lr;
	s5 =	simm.s32 $0xFFFFFFFF;
	p2 =	slt.u32 s8, $0xFFFFF086  }
0x1c: {  	p1 =	slt.u32 s9, $0xF7A;
	s5 =	simm.s32 @!p2 $0x0  }
0x1d: {  	s5 =	simm.s32 @p1 $0x1;
	p0 =	seq.s32 s7, s2  }
0x1e: {  	s7 =	smul.u32 @!p0 $0xF7A, s2;
	p2 =	seq.s32 @!p0 s5, $0x0  }
0x1f: {  	s9 =	smul.u32 $0xF7A, s1;
	s8 =	simm.s32 @!p0 $0x1BF5;
	p2 =	por !p2, p0  }
0x20: {  	[sflag:s8] =	ssyncset.s32 @!p0 $0xFFFFF086;
	s6 =	sadd.s32 @!p0 s3, s7;
	s7 =	simm.s32 @!p0 $0x108  }
0x21: {  	s3 =	sadd.s32 s3, s9;
	s6 =	sadd.s32 @!p0 $0x88, s6;
	s7 =	simm.s32 @p2 $0x1082  }
0x22: {  	[simem:s7], [sflag:s8] =	dma.local @!p0 [hbm:s6], $0xF7A  }
0x23: {  	s9 =	sor.u32 $0xD0000000, s2;
	s6 =	simm.s32 $0x108;
	_ =	swait.ge @!p0 [sflag:s8], $0x0  }
0x24: {  	s3 =	sadd.s32 $0x88, s3;
	s6 =	simm.s32 @!p1 $0x1082;
	[sflag:s4] =	ssyncset.s32 $0xFFFFF086  }
0x25: {  	[simem:s6], [sflag:s4] =	dma.local [hbm:s3], $0xF7A  }
0x26: {  	[smem:$0x3F99] =	sst s1;
	(tag) =	ssettag s2;
	_ =	strace s9  }
0x27: {  	s1 =	sld [smem:$0x3FA9]  }
0x28: {  	s2 =	sld [smem:$0x3FAA]  }
0x29: {  	s4 =	sld [smem:$0x3FAC]  }
0x2a: {  	p0 =	seq.s32 s5, $0x0;
	s5 =	sld [smem:$0x3FAD]  }
0x2b: {  	s6 =	sld [smem:$0x3FAE]  }
0x2c: {  	s7 =	sld [smem:$0x3FAF]  }
0x2d: {  	s3 =	simm.s32 $0x108;
	s8 =	sld [smem:$0x3FB0]  }
0x2e: {  	s3 =	simm.s32 @!p0 $0x1082;
	s9 =	sld [smem:$0x3FB1]  }
0x2f: {  	lr =	sadd.s32 s0, s3;
	s0 =	sld [smem:$0x3FA8]  }
0x30: {  	s3 =	sld [smem:$0x3FAB]  }
0x31: {  	[smem:$0x3FB4] =	sst s10  }
0x32: {  	s10 =	sld [smem:$0x3FB2];
	_ =	sdelay $0x3  }
0x33: {  	p0 =	seq.s32 s10, $0x1;
	s10 =	sld [smem:$0x3FB4];
	_ =	sdelay $0x3  }
0x34: {  	[smem:$0x3FB4] =	sst s10  }
0x35: {  	s10 =	sld [smem:$0x3FB3];
	_ =	sdelay $0x3  }
0x36: {  	p1 =	seq.s32 s10, $0x1;
	s10 =	sld [smem:$0x3FB4];
	_ =	sdelay $0x3  }
0x37: {  	[smem:$0x3FB4] =	sst s10  }
0x38: {  	s10 =	sld [smem:$0x3FB5]  }
0x39: {  	_ = 	snop;
	(pc) =	sbr.ind lr, $3  }
0x3a: {  	_ = 	snop  }
0x3b: {  	_ = 	snop  }
0x3c: {  	p2 =	seq.s32 s10, $0x1;
	s10 =	sld [smem:$0x3FB4]  }
0x3d: {  	_ =	shalt  }
0x3e: {  	_ =	shalt  }
0x3f: {  	_ =	shalt  }
0x40: {  	_ =	shalt  }
0x41: {  	_ =	shalt  }
0x42: {  	_ =	shalt  }
0x43: {  	_ =	shalt  }
0x44: {  	_ =	shalt  }
0x45: {  	_ =	shalt  }
0x46: {  	_ =	shalt  }
0x47: {  	_ =	shalt  }
0x48: {  	_ =	shalt  }
0x49: {  	_ =	shalt  }
0x4a: {  	_ =	shalt  }
0x4b: {  	_ =	shalt  }
0x4c: {  	_ =	shalt  }
0x4d: {  	_ =	shalt  }
0x4e: {  	_ =	shalt  }
0x4f: {  	_ =	shalt  }
0x50: {  	_ =	shalt  }
0x51: {  	_ =	shalt  }
0x52: {  	_ =	shalt  }
0x53: {  	_ =	shalt  }
0x54: {  	_ =	shalt  }
0x55: {  	_ =	shalt  }
0x56: {  	_ =	shalt  }
0x57: {  	_ =	shalt  }
0x58: {  	_ =	shalt  }
0x59: {  	_ =	shalt  }
0x5a: {  	_ =	shalt  }
0x5b: {  	_ =	shalt  }
0x5c: {  	_ =	shalt  }
0x5d: {  	_ =	shalt  }
0x5e: {  	_ =	shalt  }
0x5f: {  	_ =	shalt  }
0x60: {  	_ =	shalt  }
0x61: {  	_ =	shalt  }
0x62: {  	_ =	shalt  }
0x63: {  	_ =	shalt  }
0x64: {  	_ =	shalt  }
0x65: {  	_ =	shalt  }
0x66: {  	_ =	shalt  }
0x67: {  	_ =	shalt  }
0x68: {  	_ =	shalt  }
0x69: {  	_ =	shalt  }
0x6a: {  	_ =	shalt  }
0x6b: {  	_ =	shalt  }
0x6c: {  	_ =	shalt  }
0x6d: {  	_ =	shalt  }
0x6e: {  	_ =	shalt  }
0x6f: {  	_ =	shalt  }
0x70: {  	_ =	shalt  }
0x71: {  	_ =	shalt  }
0x72: {  	_ =	shalt  }
0x73: {  	_ =	shalt  }
0x74: {  	_ =	shalt  }
0x75: {  	_ =	shalt  }
0x76: {  	_ =	shalt  }
0x77: {  	_ =	shalt  }
0x78: {  	_ =	shalt  }
0x79: {  	_ =	shalt  }
0x7a: {  	_ =	shalt  }
0x7b: {  	_ =	shalt  }
0x7c: {  	_ =	shalt  }
0x7d: {  	_ =	shalt  }
0x7e: {  	_ =	shalt  }
0x7f: {  	_ =	shalt  }
0x80: {  	_ =	shalt  }
0x81: {  	_ =	shalt  }
0x82: {  	_ =	shalt  }
0x83: {  	_ =	shalt  }
0x84: {  	_ =	shalt  }
0x85: {  	_ =	shalt  }
0x86: {  	_ =	shalt  }
0x87: {  	_ =	shalt  }
.Lfunc_end0:
.L_simem_size_0:
called_computation.3_lowered:
.L_overlay_start_0:
0x88: {  	s2 =	sld [smem:$0x3FD9]  }
0x89: {  	s3 =	sld [smem:$0x3FFE];
	_ =	sdelay $0x1  }
0x8a: {  	s1 =	srdreg.scid  }
0x8b: {  	s0 =	sand.u32 $0x1, s1  }
0x8c: {  	s17 =	sshll.u32 s0, $0xA;
	s2 =	sadd.s32 s3, s2  }
0x8d: {  	s2 =	sadd.s32 s2, s17  }
0x8e: {  	[smem:$0x3FC0] =	sst s2  }
0x8f: {  	_ = 	snop  }
0x90: {  	s2 =	sld [smem:$0x3FD0];
	(tm) =	ssettm $0x1  }
0x91: {  	s18 =	sld [smem:$0x3FFB];
	_ =	sdelay $0x3  }
0x92: {  	_ =	strace s18  }
0x93: {  	s3 =	sld [smem:$0x3FFC];
	_ =	sdelay $0x3  }
0x94: {  	_ =	strace s3  }
0x95: {  	s3 =	sld [smem:$0x3FFD];
	_ =	sdelay $0x3  }
0x96: {  	_ =	strace s3  }
0x97: {  	_ =	strace $0x8FFFFFFF  }
0x98: {  	s19 =	sld [smem:$0x3FDB];
	_ =	sdelay $0x1  }
0x99: {  	s4 =	simm.s32 $_scs_section_size  }
0x9a: {  	s5 =	simm.s32 $_size__tile_overlayer_lowered;
	s6 =	simm.s32 $_tile_overlayer_lowered  }
0x9b: {  	s22 =	simm.s32 $0x1BFF;
	s21 =	sshll.u32 s6, $0x1;
	s3 =	sadd.s32 s4, s19  }
0x9c: {  	s7 =	simm.s32 $0x0;
	s20 =	sshll.u32 s5, $0x1;
	s5 =	sadd.s32 s21, s3  }
0x9d: {  	[timem:s7], [sflag:s22] =	dma.local [hbm:s5], s20  }
0x9e: {  	_ =	swait.ge [sflag:s22], s20  }
0x9f: {  	s4 =	ssub.s32 $0x0, s20;
	[sflag:s22] =	ssyncset.done $0x0  }
0xa0: {  	[sflag:s22] =	ssyncadd.s32 s4;
	_ =	sdelay $0x1  }
0xa1: {  	s23 =	simm.s32 $0x1B8B  }
0xa2: {  	_ =	swait.ge [sflag:s23], $0x1  }
0xa3: {  	[sflag:s23] =	ssyncset.done $0x0  }
0xa4: {  	s25 =	simm.s32 $0x1B8E;
	s24 =	sld [smem:$0x3FFE];
	[sflag:s23] =	ssyncadd.s32 $0xFFFFFFFF  }
0xa5: {  	s26 =	simm.s32 $execute0_lowered;
	[smem:$0x3FD2] =	sst s25  }
0xa6: {  	s5 =	sshll.u32 s26, $0x1;
	_ =	strace $0x8000004F;
	[dreg:$0x1] =	wrdreg $0xFFFFFFFF  }
0xa7: {  	s28 =	simm.s32 $_size_execute0_lowered;
	s3 =	sadd.s32 s3, s5;
	[dreg:$0x0] =	wrdreg $0x0  }
0xa8: {  	s5 =	sshll.u32 s28, $0x1;
	[dreg:$0x2] =	wrdreg s3  }
0xa9: {  	[dreg:$0x3] =	wrdreg s5  }
0xaa: {  	[dreg:$0x4] =	wrdreg $0xC0  }
0xab: {  	_ =	task [dreg:s7], $0x5FFFF  }
0xac: {  	[dreg:$0x1] =	wrdreg $0xFFFFFFFF  }
0xad: {  	[dreg:$0x0] =	wrdreg $0x60  }
0xae: {  	[dreg:$0x2] =	wrdreg s24  }
0xaf: {  	[dreg:$0x3] =	wrdreg s2  }
0xb0: {  	[dreg:$0x4] =	wrdreg $0xA8000  }
0xb1: {  	[dreg:$0x5] =	wrdreg $0x9  }
0xb2: {  	_ =	task.clear_ibuf [dreg:s7], $0x6FFFF;
	_ =	strace $0x9000004F  }
0xb3: {  	s29 =	simm.s32 $0x9;
	_ =	strace $0x80000051  }
0xb4: {  	_ =	swait.ge [sflag:s29], $0x1  }
0xb5: {  	[sflag:s29] =	ssyncadd.s32 $0xFFFFFFFF  }
0xb6: {  	_ =	strace $0x90000051  }
0xb7: {  	_ =	sfence  }
0xb8: {  	s30 =	sld [smem:$0x0];
	_ =	sdelay $0x2  }
0xb9: {  	s31 =	sshll.u32 s1, $0xD;
	s1 =	sshrl.u32 s1, $0x2  }
0xba: {  	s3 =	sand.u32 $0x4000, s31;
	s1 =	sadd.s32 s1, s30  }
0xbb: {  	s0 =	sor.u32 s3, s0;
	s1 =	sshll.u32 s1, $0x11  }
0xbc: {  	s0 =	sor.u32 s1, s0  }
0xbd: {  	s0 =	sadd.s32 $0x8F2B, s0  }
0xbe: {  	[sflag:s0] =	ssyncadd.remote.s32 $0x1  }
0xbf: {  	_ =	sfence.sel $0xFFFF  }
0xc0: {  	[dreg:$0x0] =	wrdreg $0xFFFFFFFF;
	(pc) =	sbr.abs _section_cstart, $3  }
0xc1: {  	[dreg:$0x1] =	wrdreg $0xFFFFFFFF  }
0xc2: {  	_ =	task.clear_ibuf [dreg:s7], $0x2FFFF;
	_ =	strace $0x9FFFFFFF  }
0xc3: {  	(tm) =	ssettm $0x7FFFFFFF  }
tec
execute0_lowered:
.L_overlay_start_1:
0x0: {  	(tag) =	ssettag $0x1  }
0x1: {  	s0 =	rddreg [dreg:$0x0]  }
0x2: {  	s1 =	rddreg [dreg:$0x1];
	s3 =	srdreg.scid  }
0x3: {  	s8 =	stileid.u32;
	s2 =	rddreg [dreg:$0x2]  }
0x4: {  	s20 =	simm.s32 $0x2800;
	s21 =	simm.s32 $0x3;
	s22 =	simm.s32 $0x1400  }
0x5: {  	s23 =	simm.s32 $0x80;
	s28 =	simm.s32 $0x2700;
	s29 =	simm.s32 $0x2780  }
0x6: {  	s30 =	simm.s32 $0x0;
	s5 =	sand.u32 $0x1, s3;
	s6 =	smul.u32 $0x280, s8  }
0x7: {  	s3 =	simm.s32 $0x0;
	s4 =	sadd.s32 $0xE200, s0;
	s24 =	smul.u32 $0x50000, s8  }
0x8: {  	s13 =	sadd.s32 $0x4200, s0;
	s8 =	sshll.u32 s8, $0x1;
	s7 =	smul.u32 $0x2800, s5  }
0x9: {  	[smem:$0x7FF] =	sst s3;
	s25 =	ssub.s32 $0x2, s5;
	s8 =	sor.u32 s5, s8  }
0xa: {  	_ =	strace $0x80000050;
	s9 =	sshrl.u32 s25, $0x1;
	s10 =	smul.u32 $0x2800, s8  }
0xb: {  	s26 =	sshrl.u32 s24, $0x2;
	s11 =	smul.u32 $0x500, s8;
	s24 =	simm.s32 $0x6800  }
0xc: {  	s6 =	sadd.s32 s6, s7;
	s19 =	ssub.s32 s25, s9;
	s5 =	sadd.s32 s26, s2  }
0xd: {  	s25 =	simm.s32 $0x1;
	s26 =	simm.s32 $0x2;
	s6 =	sshll.u32 s6, $0x4  }
0xe: {  	s7 =	sadd.s32 $0x8000, s5;
	s8 =	sadd.s32 $0xC000, s5;
	s9 =	sadd.s32 $0x10000, s5  }
0xf: {  	s12 =	sshrl.u32 s10, $0x3;
	s31 =	sadd.s32 s1, s11;
	s11 =	sadd.s32 s13, s11  }
0x10: {  	s19 =	smax.u32 s19, $0x1;
	s0 =	sadd.s32 s6, s0;
	s14 =	sadd.s32 $0x280, s12  }
0x11: {  	s6 =	sadd.s32 $0x4000, s5;
	[dreg:$0x4] =	wrdreg s31;
	s12 =	sadd.s32 s1, s14  }
0x12: {  	s13 =	sadd.s32 s13, s14;
	s14 =	sadd.s32 $0x5E200, s0;
	s15 =	sadd.s32 $0x5EA00, s0  }
0x13: {  	v0 =	vimm.f32 $0.0e+00;
	s16 =	sadd.s32 $0x5F200, s0;
	s17 =	sadd.s32 $0x5FA00, s0;
	s18 =	sadd.s32 $0x60200, s0  }
.LBB2_1:
0x14: {  	s0 =	sand.u32 $0xFE00, s3  }
0x15: {  	s1 =	sand.u32 $0x70, s3;
	s0 =	sshrl.u32 s0, $0x2  }
0x16: {  	s31 =	simm.s32 $0x40;
	s0 =	sor.u32 s1, s0;
	s1 =	simm.s32 $0x0  }
.LBB2_2:
0x17: {  	p0 =	sne.s32 s31, $0xFFC0  }
0x18: {  	[tilespmem:s0+$0x2800] =	vst v0;
	s1 =	sadd.s32 $0x10, s1;
	s0 =	smov.u32 s31;
	s31 =	sadd.s32 $0x40, s31  }
.Ltmp0:
0x19: {  	(pc) =	sbr.rel @p0 .LBB2_2-.Ltmp0, $4  }
0x1a: {  	_ = 	snop  }
0x1b: {  	s0 =	sand.u32 $0xFE00, s0  }
0x1c: {  	s10 =	sand.u32 $0x70, s1;
	s0 =	sshrl.u32 s0, $0x2  }
0x1d: {  	s0 =	sor.u32 s10, s0  }
0x1e: {  	[tilespmem:s0+$0x2800] =	vst v0  }
0x1f: {  	[spmem:s5] =	stream.linear.scatter [tilespmem:s20], [sflag:$0x3], $0x4000, $0x38;
	[tilespmem:$0x1E800] =	vst v63  }
0x20: {  	_ =	swait.ge [sflag:s21], $0x4000  }
0x21: {  	[sflag:s21] =	ssyncset.done $0x0  }
0x22: {  	[sflag:s21] =	ssyncadd.s32 $0xFFFFC000  }
0x23: {  	[spmem:s6] =	stream.linear.scatter [tilespmem:s20], [sflag:$0x3], $0x4000, $0x38;
	[tilespmem:$0x1E800] =	vst v63  }
0x24: {  	_ =	swait.ge [sflag:s21], $0x4000  }
0x25: {  	[sflag:s21] =	ssyncset.done $0x0  }
0x26: {  	[sflag:s21] =	ssyncadd.s32 $0xFFFFC000  }
0x27: {  	[spmem:s7] =	stream.linear.scatter [tilespmem:s20], [sflag:$0x3], $0x4000, $0x38;
	[tilespmem:$0x1E800] =	vst v63  }
0x28: {  	_ =	swait.ge [sflag:s21], $0x4000  }
0x29: {  	[sflag:s21] =	ssyncset.done $0x0  }
0x2a: {  	[sflag:s21] =	ssyncadd.s32 $0xFFFFC000  }
0x2b: {  	[spmem:s8] =	stream.linear.scatter [tilespmem:s20], [sflag:$0x3], $0x4000, $0x38;
	[tilespmem:$0x1E800] =	vst v63  }
0x2c: {  	_ =	swait.ge [sflag:s21], $0x4000  }
0x2d: {  	[sflag:s21] =	ssyncset.done $0x0  }
0x2e: {  	[sflag:s21] =	ssyncadd.s32 $0xFFFFC000  }
0x2f: {  	[spmem:s9] =	stream.linear.scatter [tilespmem:s20], [sflag:$0x3], $0x4000, $0x38;
	[tilespmem:$0x1E800] =	vst v63  }
0x30: {  	_ =	swait.ge [sflag:s21], $0x4000  }
0x31: {  	[sflag:s21] =	ssyncset.done $0x0  }
0x32: {  	[sflag:s21] =	ssyncadd.s32 $0xFFFFC000  }
0x33: {  	[bflag:$0x0] =	sbarrier.arrive $0xFFFF  }
0x34: {  	s10 =	simm.s32 $0x0;
	s1 =	rddreg [dreg:$0x4]  }
0x35: {  	[tilespmem:s10], [sflag:$0x3] =	stream.linear.gather [hbm4b:s1+s10], $0x1400, $0x38;
	[tilespmem:$0x1E800] =	vst v63  }
0x36: {  	_ =	swait.ge [sflag:s21], $0x1400  }
0x37: {  	[sflag:s21] =	ssyncset.done $0x0  }
0x38: {  	[sflag:s21] =	ssyncadd.s32 $0xFFFFEC00  }
0x39: {  	[tilespmem:s22], [sflag:$0x3] =	stream.linear.gather [hbm4b:s11+s10], $0x1400, $0x38;
	[tilespmem:$0x1E800] =	vst v63  }
0x3a: {  	_ =	swait.ge [sflag:s21], $0x1400  }
0x3b: {  	[sflag:s21] =	ssyncset.done $0x0  }
0x3c: {  	[sflag:s21] =	ssyncadd.s32 $0xFFFFEC00  }
0x3d: {  	[tilespmem:s20], [sflag:$0x1] =	stream.indirect.gather [hbm4b:s4+s23], $0x80, s10, s23, $0xb8;
	[tilespmem:$0x1E800] =	vst v63  }
0x3e: {  	_ = 	snop  }
0x3f: {  	[tilespmem:s24], [sflag:$0x2] =	stream.indirect.gather [hbm4b:s4+s23], $0x80, s23, s23, $0xb8;
	[tilespmem:$0x1E800] =	vst v63  }
0x40: {  	_ =	swait.ge [sflag:s25], $0x4000  }
0x41: {  	[sflag:s25] =	ssyncset.done $0x0  }
0x42: {  	s10 =	simm.s32 $0x1400;
	[sflag:s25] =	ssyncadd.s32 $0xFFFFC000  }
0x43: {  	[spmem:s2] =	stream.indirect.scatter.add.f32 [tilespmem:s20], [sflag:$0x3], $0x80, s10, s23, $0xb8;
	[tilespmem:$0x1E800] =	vst v63  }
0x44: {  	_ =	swait.ge [sflag:s21], $0x4000  }
0x45: {  	[sflag:s21] =	ssyncset.done $0x0  }
0x46: {  	s1 =	simm.s32 $0x100;
	[sflag:s21] =	ssyncadd.s32 $0xFFFFC000  }
0x47: {  	[tilespmem:s20], [sflag:$0x1] =	stream.indirect.gather [hbm4b:s4+s23], $0x80, s1, s23, $0xb8;
	[tilespmem:$0x1E800] =	vst v63  }
0x48: {  	_ =	swait.ge [sflag:s26], $0x4000  }
0x49: {  	[sflag:s26] =	ssyncset.done $0x0  }
0x4a: {  	s10 =	simm.s32 $0x1480;
	[sflag:s26] =	ssyncadd.s32 $0xFFFFC000  }
0x4b: {  	[spmem:s2] =	stream.indirect.scatter.add.f32 [tilespmem:s24], [sflag:$0x3], $0x80, s10, s23, $0xb8;
	[tilespmem:$0x1E800] =	vst v63  }
0x4c: {  	_ =	swait.ge [sflag:s21], $0x4000  }
0x4d: {  	[sflag:s21] =	ssyncset.done $0x0  }
0x4e: {  	s31 =	simm.s32 $0x400;
	s0 =	simm.s32 $0x180;
	[sflag:s21] =	ssyncadd.s32 $0xFFFFC000  }
.LBB2_4:
0x4f: {  	[tilespmem:s24], [sflag:$0x2] =	stream.indirect.gather [hbm4b:s4+s23], $0x80, s0, s23, $0xb8;
	[tilespmem:$0x1E800] =	vst v63  }
0x50: {  	s0 =	smov.u32 s31  }
0x51: {  	p0 =	sne.s32 s31, $0x4800;
	s31 =	sadd.s32 $0x400, s31;
	_ =	swait.ge [sflag:s25], $0x4000  }
0x52: {  	s0 =	sshra.s32 s0, $0x2;
	[sflag:s25] =	ssyncset.done $0x0  }
0x53: {  	s1 =	sadd.s32 $0x1400, s0;
	[sflag:s25] =	ssyncadd.s32 $0xFFFFC000  }
0x54: {  	[spmem:s2] =	stream.indirect.scatter.add.f32 [tilespmem:s20], [sflag:$0x3], $0x80, s1, s23, $0xb8;
	[tilespmem:$0x1E800] =	vst v63  }
0x55: {  	_ =	swait.ge [sflag:s21], $0x4000  }
0x56: {  	[sflag:s21] =	ssyncset.done $0x0  }
0x57: {  	s1 =	sadd.s32 $0x100, s0;
	[sflag:s21] =	ssyncadd.s32 $0xFFFFC000  }
0x58: {  	[tilespmem:s20], [sflag:$0x1] =	stream.indirect.gather [hbm4b:s4+s23], $0x80, s1, s23, $0xb8;
	[tilespmem:$0x1E800] =	vst v63  }
0x59: {  	_ =	swait.ge [sflag:s26], $0x4000  }
0x5a: {  	[sflag:s26] =	ssyncset.done $0x0  }
.Ltmp1:
0x5b: {  	s1 =	sadd.s32 $0x1480, s0;
	[sflag:s26] =	ssyncadd.s32 $0xFFFFC000;
	(pc) =	sbr.rel @p0 .LBB2_4-.Ltmp1, $4  }
0x5c: {  	[spmem:s2] =	stream.indirect.scatter.add.f32 [tilespmem:s24], [sflag:$0x3], $0x80, s1, s23, $0xb8;
	[tilespmem:$0x1E800] =	vst v63  }
0x5d: {  	_ =	swait.ge [sflag:s21], $0x4000  }
0x5e: {  	[sflag:s21] =	ssyncset.done $0x0  }
0x5f: {  	s0 =	sadd.s32 $0x180, s0;
	[sflag:s21] =	ssyncadd.s32 $0xFFFFC000  }
0x60: {  	[tilespmem:s24], [sflag:$0x2] =	stream.indirect.gather [hbm4b:s4+s23], $0x80, s0, s23, $0xb8;
	[tilespmem:$0x1E800] =	vst v63  }
0x61: {  	_ =	swait.ge [sflag:s25], $0x4000  }
0x62: {  	[sflag:s25] =	ssyncset.done $0x0  }
0x63: {  	[sflag:s25] =	ssyncadd.s32 $0xFFFFC000  }
0x64: {  	[spmem:s2] =	stream.indirect.scatter.add.f32 [tilespmem:s20], [sflag:$0x3], $0x80, s28, s23, $0xb8;
	[tilespmem:$0x1E800] =	vst v63  }
0x65: {  	_ =	swait.ge [sflag:s21], $0x4000  }
0x66: {  	[sflag:s21] =	ssyncset.done $0x0  }
0x67: {  	[sflag:s21] =	ssyncadd.s32 $0xFFFFC000  }
0x68: {  	_ =	swait.ge [sflag:s26], $0x4000  }
0x69: {  	[sflag:s26] =	ssyncset.done $0x0  }
0x6a: {  	[sflag:s26] =	ssyncadd.s32 $0xFFFFC000  }
0x6b: {  	[spmem:s2] =	stream.indirect.scatter.add.f32 [tilespmem:s24], [sflag:$0x3], $0x80, s29, s23, $0xb8;
	[tilespmem:$0x1E800] =	vst v63  }
0x6c: {  	_ =	swait.ge [sflag:s21], $0x4000  }
0x6d: {  	[sflag:s21] =	ssyncset.done $0x0  }
0x6e: {  	s1 =	simm.s32 $0x0;
	[sflag:s21] =	ssyncadd.s32 $0xFFFFC000  }
0x6f: {  	[tilespmem:s1], [sflag:$0x3] =	stream.linear.gather [hbm4b:s12+s1], $0x1400, $0x38;
	[tilespmem:$0x1E800] =	vst v63  }
0x70: {  	_ =	swait.ge [sflag:s21], $0x1400  }
0x71: {  	[sflag:s21] =	ssyncset.done $0x0  }
0x72: {  	[sflag:s21] =	ssyncadd.s32 $0xFFFFEC00  }
0x73: {  	[tilespmem:s22], [sflag:$0x3] =	stream.linear.gather [hbm4b:s13+s1], $0x1400, $0x38;
	[tilespmem:$0x1E800] =	vst v63  }
0x74: {  	_ =	swait.ge [sflag:s21], $0x1400  }
0x75: {  	[sflag:s21] =	ssyncset.done $0x0  }
0x76: {  	[sflag:s21] =	ssyncadd.s32 $0xFFFFEC00  }
0x77: {  	[tilespmem:s20], [sflag:$0x1] =	stream.indirect.gather [hbm4b:s4+s23], $0x80, s1, s23, $0xb8;
	[tilespmem:$0x1E800] =	vst v63  }
0x78: {  	_ = 	snop  }
0x79: {  	[tilespmem:s24], [sflag:$0x2] =	stream.indirect.gather [hbm4b:s4+s23], $0x80, s23, s23, $0xb8;
	[tilespmem:$0x1E800] =	vst v63  }
0x7a: {  	_ =	swait.ge [sflag:s25], $0x4000  }
0x7b: {  	[sflag:s25] =	ssyncset.done $0x0  }
0x7c: {  	s10 =	simm.s32 $0x1400;
	[sflag:s25] =	ssyncadd.s32 $0xFFFFC000  }
0x7d: {  	[spmem:s2] =	stream.indirect.scatter.add.f32 [tilespmem:s20], [sflag:$0x3], $0x80, s10, s23, $0xb8;
	[tilespmem:$0x1E800] =	vst v63  }
0x7e: {  	_ =	swait.ge [sflag:s21], $0x4000  }
0x7f: {  	[sflag:s21] =	ssyncset.done $0x0  }
0x80: {  	s1 =	simm.s32 $0x100;
	[sflag:s21] =	ssyncadd.s32 $0xFFFFC000  }
0x81: {  	[tilespmem:s20], [sflag:$0x1] =	stream.indirect.gather [hbm4b:s4+s23], $0x80, s1, s23, $0xb8;
	[tilespmem:$0x1E800] =	vst v63  }
0x82: {  	_ =	swait.ge [sflag:s26], $0x4000  }
0x83: {  	[sflag:s26] =	ssyncset.done $0x0  }
0x84: {  	s10 =	simm.s32 $0x1480;
	[sflag:s26] =	ssyncadd.s32 $0xFFFFC000  }
0x85: {  	[spmem:s2] =	stream.indirect.scatter.add.f32 [tilespmem:s24], [sflag:$0x3], $0x80, s10, s23, $0xb8;
	[tilespmem:$0x1E800] =	vst v63  }
0x86: {  	_ =	swait.ge [sflag:s21], $0x4000  }
0x87: {  	[sflag:s21] =	ssyncset.done $0x0  }
0x88: {  	s31 =	simm.s32 $0x400;
	s0 =	simm.s32 $0x180;
	[sflag:s21] =	ssyncadd.s32 $0xFFFFC000  }
.LBB2_6:
0x89: {  	[tilespmem:s24], [sflag:$0x2] =	stream.indirect.gather [hbm4b:s4+s23], $0x80, s0, s23, $0xb8;
	[tilespmem:$0x1E800] =	vst v63  }
0x8a: {  	s0 =	smov.u32 s31  }
0x8b: {  	p0 =	sne.s32 s31, $0x4800;
	s31 =	sadd.s32 $0x400, s31;
	_ =	swait.ge [sflag:s25], $0x4000  }
0x8c: {  	s0 =	sshra.s32 s0, $0x2;
	[sflag:s25] =	ssyncset.done $0x0  }
0x8d: {  	s1 =	sadd.s32 $0x1400, s0;
	[sflag:s25] =	ssyncadd.s32 $0xFFFFC000  }
0x8e: {  	[spmem:s2] =	stream.indirect.scatter.add.f32 [tilespmem:s20], [sflag:$0x3], $0x80, s1, s23, $0xb8;
	[tilespmem:$0x1E800] =	vst v63  }
0x8f: {  	_ =	swait.ge [sflag:s21], $0x4000  }
0x90: {  	[sflag:s21] =	ssyncset.done $0x0  }
0x91: {  	s1 =	sadd.s32 $0x100, s0;
	[sflag:s21] =	ssyncadd.s32 $0xFFFFC000  }
0x92: {  	[tilespmem:s20], [sflag:$0x1] =	stream.indirect.gather [hbm4b:s4+s23], $0x80, s1, s23, $0xb8;
	[tilespmem:$0x1E800] =	vst v63  }
0x93: {  	_ =	swait.ge [sflag:s26], $0x4000  }
0x94: {  	[sflag:s26] =	ssyncset.done $0x0  }
.Ltmp2:
0x95: {  	s1 =	sadd.s32 $0x1480, s0;
	[sflag:s26] =	ssyncadd.s32 $0xFFFFC000;
	(pc) =	sbr.rel @p0 .LBB2_6-.Ltmp2, $4  }
0x96: {  	[spmem:s2] =	stream.indirect.scatter.add.f32 [tilespmem:s24], [sflag:$0x3], $0x80, s1, s23, $0xb8;
	[tilespmem:$0x1E800] =	vst v63  }
0x97: {  	_ =	swait.ge [sflag:s21], $0x4000  }
0x98: {  	[sflag:s21] =	ssyncset.done $0x0  }
0x99: {  	s0 =	sadd.s32 $0x180, s0;
	[sflag:s21] =	ssyncadd.s32 $0xFFFFC000  }
0x9a: {  	[tilespmem:s24], [sflag:$0x2] =	stream.indirect.gather [hbm4b:s4+s23], $0x80, s0, s23, $0xb8;
	[tilespmem:$0x1E800] =	vst v63  }
0x9b: {  	_ =	swait.ge [sflag:s25], $0x4000  }
0x9c: {  	[sflag:s25] =	ssyncset.done $0x0  }
0x9d: {  	[sflag:s25] =	ssyncadd.s32 $0xFFFFC000  }
0x9e: {  	[spmem:s2] =	stream.indirect.scatter.add.f32 [tilespmem:s20], [sflag:$0x3], $0x80, s28, s23, $0xb8;
	[tilespmem:$0x1E800] =	vst v63  }
0x9f: {  	_ =	swait.ge [sflag:s21], $0x4000  }
0xa0: {  	[sflag:s21] =	ssyncset.done $0x0  }
0xa1: {  	[sflag:s21] =	ssyncadd.s32 $0xFFFFC000  }
0xa2: {  	_ =	swait.ge [sflag:s26], $0x4000  }
0xa3: {  	[sflag:s26] =	ssyncset.done $0x0  }
0xa4: {  	[sflag:s26] =	ssyncadd.s32 $0xFFFFC000  }
0xa5: {  	[spmem:s2] =	stream.indirect.scatter.add.f32 [tilespmem:s24], [sflag:$0x3], $0x80, s29, s23, $0xb8;
	[tilespmem:$0x1E800] =	vst v63  }
0xa6: {  	_ =	swait.ge [sflag:s21], $0x4000  }
0xa7: {  	[sflag:s21] =	ssyncset.done $0x0  }
0xa8: {  	[sflag:s21] =	ssyncadd.s32 $0xFFFFC000  }
0xa9: {  	[bflag:$0x0] =	sbarrier.arrive $0xFFFF  }
0xaa: {  	[tilespmem:s20], [sflag:$0x3] =	stream.linear.gather [spmem:s5], $0x4000, $0x38;
	[tilespmem:$0x1E800] =	vst v63  }
0xab: {  	_ =	swait.ge [sflag:s21], $0x4000  }
0xac: {  	[sflag:s21] =	ssyncset.done $0x0  }
0xad: {  	[sflag:s21] =	ssyncadd.s32 $0xFFFFC000  }
0xae: {  	[hbm4b:s14+s3] =	stream.linear.scatter [tilespmem:s20], [sflag:$0x3], $0x4000, $0x38;
	[tilespmem:$0x1E800] =	vst v63  }
0xaf: {  	_ =	swait.ge [sflag:s21], $0x4000  }
0xb0: {  	[sflag:s21] =	ssyncset.done $0x0  }
0xb1: {  	[sflag:s21] =	ssyncadd.s32 $0xFFFFC000  }
0xb2: {  	[tilespmem:s20], [sflag:$0x3] =	stream.linear.gather [spmem:s6], $0x4000, $0x38;
	[tilespmem:$0x1E800] =	vst v63  }
0xb3: {  	_ =	swait.ge [sflag:s21], $0x4000  }
0xb4: {  	[sflag:s21] =	ssyncset.done $0x0  }
0xb5: {  	[sflag:s21] =	ssyncadd.s32 $0xFFFFC000  }
0xb6: {  	[hbm4b:s15+s3] =	stream.linear.scatter [tilespmem:s20], [sflag:$0x3], $0x4000, $0x38;
	[tilespmem:$0x1E800] =	vst v63  }
0xb7: {  	_ =	swait.ge [sflag:s21], $0x4000  }
0xb8: {  	[sflag:s21] =	ssyncset.done $0x0  }
0xb9: {  	[sflag:s21] =	ssyncadd.s32 $0xFFFFC000  }
0xba: {  	[tilespmem:s20], [sflag:$0x3] =	stream.linear.gather [spmem:s7], $0x4000, $0x38;
	[tilespmem:$0x1E800] =	vst v63  }
0xbb: {  	_ =	swait.ge [sflag:s21], $0x4000  }
0xbc: {  	[sflag:s21] =	ssyncset.done $0x0  }
0xbd: {  	[sflag:s21] =	ssyncadd.s32 $0xFFFFC000  }
0xbe: {  	[hbm4b:s16+s3] =	stream.linear.scatter [tilespmem:s20], [sflag:$0x3], $0x4000, $0x38;
	[tilespmem:$0x1E800] =	vst v63  }
0xbf: {  	_ =	swait.ge [sflag:s21], $0x4000  }
0xc0: {  	[sflag:s21] =	ssyncset.done $0x0  }
0xc1: {  	[sflag:s21] =	ssyncadd.s32 $0xFFFFC000  }
0xc2: {  	[tilespmem:s20], [sflag:$0x3] =	stream.linear.gather [spmem:s8], $0x4000, $0x38;
	[tilespmem:$0x1E800] =	vst v63  }
0xc3: {  	_ =	swait.ge [sflag:s21], $0x4000  }
0xc4: {  	[sflag:s21] =	ssyncset.done $0x0  }
0xc5: {  	[sflag:s21] =	ssyncadd.s32 $0xFFFFC000  }
0xc6: {  	[hbm4b:s17+s3] =	stream.linear.scatter [tilespmem:s20], [sflag:$0x3], $0x4000, $0x38;
	[tilespmem:$0x1E800] =	vst v63  }
0xc7: {  	_ =	swait.ge [sflag:s21], $0x4000  }
0xc8: {  	[sflag:s21] =	ssyncset.done $0x0  }
0xc9: {  	[sflag:s21] =	ssyncadd.s32 $0xFFFFC000  }
0xca: {  	[tilespmem:s20], [sflag:$0x3] =	stream.linear.gather [spmem:s9], $0x4000, $0x38;
	[tilespmem:$0x1E800] =	vst v63  }
0xcb: {  	s30 =	sadd.s32 $0x1, s30;
	_ =	swait.ge [sflag:s21], $0x4000  }
0xcc: {  	p0 =	sne.s32 s30, s19;
	[sflag:s21] =	ssyncset.done $0x0  }
.Ltmp3:
0xcd: {  	[sflag:s21] =	ssyncadd.s32 $0xFFFFC000;
	(pc) =	sbr.rel @p0 .LBB2_1-.Ltmp3, $4  }
0xce: {  	[hbm4b:s18+s3] =	stream.linear.scatter [tilespmem:s20], [sflag:$0x3], $0x4000, $0x38;
	[tilespmem:$0x1E800] =	vst v63  }
0xcf: {  	_ =	swait.ge [sflag:s21], $0x4000  }
0xd0: {  	[sflag:s21] =	ssyncset.done $0x0  }
0xd1: {  	[sflag:s21] =	ssyncadd.s32 $0xFFFFC000  }
0xd2: {  	_ =	sfence.sel $0x180000  }
0xd3: {  	[bflag:$0x0] =	sbarrier.arrive $0xFFFF  }
0xd4: {  	_ =	strace $0x90000050  }
0xd5: {  	s0 =	stileid.u32;
	[bflag:$0x2] =	sbarrier.arrive $0xFFFF  }
0xd6: {  	p0 =	sne.s32 s0, $0x0;
	s0 =	rddreg [dreg:$0x3]  }
0xd7: {  	s0 =	sadd.s32 @!p0 $0x100000, s0  }
0xd8: {  	[sflag:s0] =	ssyncadd.tile.s32 @!p0 $0x1;
	_ =	shalt  }
.Lfunc_end2:
_tile_overlayer_lowered:
.L_overlay_start_2:
0xd9: {  	(tag) =	ssettag $0x2  }
0xda: {  	s0 =	rddreg [dreg:$0x0];
	s2 =	stileid.u32  }
0xdb: {  	s1 =	rddreg [dreg:$0x1];
	p0 =	sne.s32 s2, $0x0  }
0xdc: {  	s3 =	rddreg [dreg:$0x2];
	[bflag:$0x3] =	sbarrier.arrive $0xFFFF;
	s2 =	simm.s32 @!p0 $0x1C03  }
0xdd: {  	[timem:s3], [sflag:s2] =	dma.local @!p0 [hbm:s0], s1  }
0xde: {  	s0 =	simm.s32 @!p0 $0x3  }
0xdf: {  	_ =	swait.ge @!p0 [sflag:s0], s1  }
0xe0: {  	s1 =	ssub.s32 @!p0 $0x0, s1;
	[sflag:s0] =	ssyncset.done @!p0 $0x0  }
0xe1: {  	[sflag:s0] =	ssyncadd.s32 @!p0 s1  }
0xe2: {  	[bflag:$0x3] =	sbarrier.arrive $0xFFFF  }
0xe3: {  	_ =	shalt  }

</sc_bundles>
